<compile_context>
chip_gen: v7x
topology: tpu7x:2x2x1
jax: 0.10.2.dev20260603
libtpu: 0.0.44.dev20260713+nightly
codegen_flags: <defaults>
</compile_context>

<pallas_src>
import functools

import jax
import jax.numpy as jnp
from jax import lax
from jax.experimental import pallas as pl
from jax.experimental.pallas import tpu as pltpu
from jax.experimental.pallas import tpu_sc as plsc

N_NODES = 10000
N_EDGES = 160000
IN_CH = 256
OUT_CH = 256
HALF = 128
NC = 2
NS = 16

N_PAD = 10240
ROW = N_PAD // NS
A_NCHUNK = 50
A_CHUNK = 100
C_CHUNK = 128
C_INNER = 16
C_SUPER = 5
EDGE_PAD = C_SUPER * C_INNER * C_CHUNK - N_EDGES // NS

_MESH = dict(core_axis_name="c", subcore_axis_name="s")


def _deg_partials(dst3):

    @functools.partial(
        pl.kernel,
        out_type=jax.ShapeDtypeStruct((NC, N_PAD), jnp.float32),
        mesh=plsc.VectorSubcoreMesh(**_MESH),
        scratch_types=[
            pltpu.VMEM((ROW,), jnp.float32),
            pltpu.VMEM((112,), jnp.float32),
            pltpu.VMEM((A_NCHUNK, A_CHUNK), jnp.int32),
            pltpu.VMEM_SHARED((N_PAD,), jnp.float32),
            pltpu.SemaphoreType.DMA,
        ],
    )
    def deg_kernel(dst_hbm, degp_hbm, zbuf, ones, dstv, deg_sp, hsem):
        c = lax.axis_index("c")
        s = lax.axis_index("s")
        w = c * NS + s
        for j in range(ROW // 16):
            zbuf[pl.ds(j * 16, 16)] = jnp.zeros((16,), jnp.float32)
        for j in range(7):
            ones[pl.ds(j * 16, 16)] = jnp.ones((16,), jnp.float32)
        pltpu.sync_copy(zbuf, deg_sp.at[pl.ds(s * ROW, ROW)])
        pltpu.sync_copy(dst_hbm.at[w], dstv)
        plsc.subcore_barrier()

        def chunk(j, carry):
            pltpu.async_copy(ones.at[pl.ds(0, A_CHUNK)], deg_sp.at[dstv.at[j]],
                             hsem, add=True)
            return carry

        lax.fori_loop(0, A_NCHUNK, chunk, 0)

        def drain(j, carry):
            pltpu.make_async_copy(ones.at[pl.ds(0, A_CHUNK)],
                                  deg_sp.at[dstv.at[0]], hsem).wait()
            return carry

        lax.fori_loop(0, A_NCHUNK, drain, 0)
        plsc.subcore_barrier()
        pltpu.sync_copy(deg_sp.at[pl.ds(s * ROW, ROW)],
                        degp_hbm.at[c].at[pl.ds(s * ROW, ROW)])

    return deg_kernel(dst3)


def _matmul_scale(x_pad, W, degp):
    R = 1280

    def body(x_ref, w_ref, degp_ref, y_ref):
        i = pl.program_id(0)
        xw = jnp.dot(x_ref[...], w_ref[...], preferred_element_type=jnp.float32)
        degs = degp_ref[:, pl.ds(i * R, R)]
        deg = degs[0, :] + degs[1, :] + 1.0
        dinv = lax.rsqrt(deg)
        y = xw * dinv[:, None]
        y_ref[0] = y[:, :HALF]
        y_ref[1] = y[:, HALF:]

    return pl.pallas_call(
        body,
        grid=(N_PAD // R,),
        in_specs=[
            pl.BlockSpec((R, IN_CH), lambda i: (i, 0)),
            pl.BlockSpec((IN_CH, OUT_CH), lambda i: (0, 0)),
            pl.BlockSpec((NC, N_PAD), lambda i: (0, 0)),
        ],
        out_specs=pl.BlockSpec((NC, R, HALF), lambda i: (0, i, 0)),
        out_shape=jax.ShapeDtypeStruct((NC, N_PAD, HALF), jnp.float32),
    )(x_pad, W, degp)


def _scatter_accumulate(y3, src4, dst4):

    @functools.partial(
        pl.kernel,
        out_type=jax.ShapeDtypeStruct((NC, N_PAD, HALF), jnp.float32),
        mesh=plsc.VectorSubcoreMesh(**_MESH),
        scratch_types=[
            pltpu.VMEM((2, C_INNER, C_CHUNK), jnp.int32),
            pltpu.VMEM((2, C_INNER, C_CHUNK), jnp.int32),
            pltpu.VMEM((2, C_CHUNK, HALF), jnp.float32),
            pltpu.VMEM_SHARED((N_PAD, HALF), jnp.float32),
            pltpu.SemaphoreType.DMA((2,)),
            pltpu.SemaphoreType.DMA((2,)),
            pltpu.SemaphoreType.DMA((2,)),
            pltpu.SemaphoreType.DMA,
        ],
    )
    def scat_kernel(y_hbm, src_hbm, dst_hbm, acc_hbm, srcr, dstr, rowb, acc_sp,
                    gsem, ssem, rsem, isem):
        c = lax.axis_index("c")
        s = lax.axis_index("s")
        yc = y_hbm.at[c]
        srch = src_hbm.at[s]
        dsth = dst_hbm.at[s]

        def ring_start(b, rb):
            pltpu.async_copy(srch.at[pl.ds(b * C_INNER, C_INNER)], srcr.at[rb],
                             rsem.at[rb])
            pltpu.async_copy(dsth.at[pl.ds(b * C_INNER, C_INNER)], dstr.at[rb],
                             rsem.at[rb])

        def ring_wait(b, rb):
            pltpu.make_async_copy(srch.at[pl.ds(b * C_INNER, C_INNER)],
                                  srcr.at[rb], rsem.at[rb]).wait()
            pltpu.make_async_copy(dsth.at[pl.ds(b * C_INNER, C_INNER)],
                                  dstr.at[rb], rsem.at[rb]).wait()

        def scatter_wait(q):
            pltpu.make_async_copy(rowb.at[q], acc_sp.at[dstr.at[0].at[0]],
                                  ssem.at[q]).wait()

        def gather_start(ring_buf, row, q):
            pltpu.async_copy(yc.at[srcr.at[ring_buf].at[row]], rowb.at[q],
                             gsem.at[q])

        def gather_wait(ring_buf, row, q):
            pltpu.make_async_copy(yc.at[srcr.at[ring_buf].at[row]], rowb.at[q],
                                  gsem.at[q]).wait()

        init = pltpu.async_copy(yc.at[pl.ds(s * ROW, ROW)],
                                acc_sp.at[pl.ds(s * ROW, ROW)], isem)
        ring_start(0, 0)
        ring_wait(0, 0)
        gather_start(0, 0, 0)
        init.wait()
        plsc.subcore_barrier()

        def super_body(b, carry):
            rb = lax.rem(b, 2)
            nrb = lax.rem(b + 1, 2)
            for k in range(C_INNER):
                q = k & 1
                if k >= 1:
                    scatter_wait(1 - q)
                else:
                    @pl.when(b >= 1)
                    def _():
                        scatter_wait(1 - q)
                if k == 2:
                    @pl.when(b + 1 < C_SUPER)
                    def _():
                        ring_start(b + 1, nrb)
                if k < C_INNER - 1:
                    gather_start(rb, k + 1, 1 - q)
                else:
                    @pl.when(b + 1 < C_SUPER)
                    def _():
                        ring_wait(b + 1, nrb)
                        gather_start(nrb, 0, 1 - q)
                gather_wait(rb, k, q)
                pltpu.async_copy(rowb.at[q], acc_sp.at[dstr.at[rb].at[k]],
                                 ssem.at[q], add=True)
            return carry

        lax.fori_loop(0, C_SUPER, super_body, 0)
        scatter_wait(1)
        plsc.subcore_barrier()
        pltpu.sync_copy(acc_sp.at[pl.ds(s * ROW, ROW)],
                        acc_hbm.at[c].at[pl.ds(s * ROW, ROW)])

    return scat_kernel(y3, src4, dst4)


def _finish(acc, degp, b2):
    R = 1280

    def body(acc_ref, degp_ref, b_ref, o_ref):
        i = pl.program_id(0)
        degs = degp_ref[:, pl.ds(i * R, R)]
        deg = degs[0, :] + degs[1, :] + 1.0
        dinv = lax.rsqrt(deg)
        y = jnp.concatenate([acc_ref[0], acc_ref[1]], axis=1)
        o_ref[...] = jnp.maximum(y * dinv[:, None] + b_ref[...], 0.0)

    return pl.pallas_call(
        body,
        grid=(N_PAD // R,),
        in_specs=[
            pl.BlockSpec((NC, R, HALF), lambda i: (0, i, 0)),
            pl.BlockSpec((NC, N_PAD), lambda i: (0, 0)),
            pl.BlockSpec((1, OUT_CH), lambda i: (0, 0)),
        ],
        out_specs=pl.BlockSpec((R, OUT_CH), lambda i: (i, 0)),
        out_shape=jax.ShapeDtypeStruct((N_PAD, OUT_CH), jnp.float32),
    )(acc, degp, b2)


def kernel(features, W, b, sparse_adj):
    src = sparse_adj[0].astype(jnp.int32)
    dst = sparse_adj[1].astype(jnp.int32)
    dst3 = dst.reshape(NC * NS, A_NCHUNK, A_CHUNK)
    pad_s = N_NODES + jnp.arange(EDGE_PAD, dtype=jnp.int32) % (N_PAD - N_NODES)
    pad_d = (jnp.arange(EDGE_PAD, dtype=jnp.int32) * 677) % N_NODES
    ept = N_EDGES // NS
    src4 = jnp.concatenate(
        [src.reshape(NS, ept), jnp.broadcast_to(pad_s, (NS, EDGE_PAD))], axis=1
    ).reshape(NS, C_SUPER * C_INNER, C_CHUNK)
    dst4 = jnp.concatenate(
        [dst.reshape(NS, ept), jnp.broadcast_to(pad_d, (NS, EDGE_PAD))], axis=1
    ).reshape(NS, C_SUPER * C_INNER, C_CHUNK)
    x_pad = jnp.pad(features, ((0, N_PAD - N_NODES), (0, 0)))
    degp = _deg_partials(dst3)
    y3 = _matmul_scale(x_pad, W, degp)
    acc = _scatter_accumulate(y3, src4, dst4)
    out = _finish(acc, degp, b[None, :])
    return out[:N_NODES]

# --- scband reference (transcript-rebuilt; emitter-appended) ---
"""Pipeline reference for scband-vanilla-gcn-30064771072232 (READ-ONLY COPY).

The authoritative reference and input builder live on the scoring server;
editing this copy changes nothing except your own understanding.
"""

import jax, jax.numpy as jnp
import numpy as np

N_NODES = 10000
N_EDGES = 160000
IN_CH = 256
OUT_CH = 256


def setup_inputs(seed: int = 0) -> dict:
    key = jax.random.key(seed)
    k1, k2, k3 = jax.random.split(key, 3)
    features = jax.random.normal(k1, (N_NODES, IN_CH), dtype=jnp.float32)
    sparse_adj = jax.random.randint(k2, (2, N_EDGES), 0, N_NODES, dtype=jnp.int64)
    # GCNConv linear weight (xavier-uniform init), stored as [in, out] so x @ W
    limit = float(np.sqrt(6.0 / (IN_CH + OUT_CH)))
    W = jax.random.uniform(k3, (IN_CH, OUT_CH), dtype=jnp.float32, minval=-limit, maxval=limit)
    b = jnp.zeros((OUT_CH,), dtype=jnp.float32)
    return {"features": features, "W": W, "b": b, "sparse_adj": sparse_adj}


def _gcn_conv(x, edge_index, W, b):
    N = x.shape[0]
    src = edge_index[0]
    dst = edge_index[1]
    # add self-loops (GCNConv default add_self_loops=True)
    loop = jnp.arange(N, dtype=src.dtype)
    src = jnp.concatenate([src, loop])
    dst = jnp.concatenate([dst, loop])
    # linear transform
    xw = x @ W
    # symmetric normalization: deg computed on dst with unit edge weights
    ones = jnp.ones(src.shape[0], dtype=x.dtype)
    deg = jax.ops.segment_sum(ones, dst, num_segments=N)
    deg_inv_sqrt = jnp.where(deg > 0, deg ** -0.5, 0.0)
    norm = deg_inv_sqrt[src] * deg_inv_sqrt[dst]
    # message passing: scatter-add of normalized source features into dst
    msg = xw[src] * norm[:, None]
    out = jax.ops.segment_sum(msg, dst, num_segments=N)
    return out + b


def reference(features, W, b, sparse_adj):
    # baseGNN with num_layers=2: convs[:-1] -> one GCNConv, then relu
    # (dropout inactive in eval mode)
    x = _gcn_conv(features, sparse_adj, W, b)
    x = jax.nn.relu(x)
    # projection_matrix treated as identity (passed as None/identity callable)
    return x

if __name__ == "__main__":
    import jax
    _d = setup_inputs()
    print(jax.jit(kernel)(*tuple(_d.values())))

</pallas_src>

<mosaic_0001>
#map = affine_map<(d0, d1) -> (0, 0, 0)>
#map1 = affine_map<(d0, d1) -> (0, 0)>
module attributes {stable_mosaic.version = 14 : i64} {
  func.func @deg_kernel(%arg0: i32, %arg1: i32, %arg2: memref<32x50x100xi32, #tpu.memory_space<hbm>>, %arg3: memref<2x10240xf32, #tpu.memory_space<hbm>>, %arg4: memref<640xf32, #tpu.memory_space<vmem>>, %arg5: memref<112xf32, #tpu.memory_space<vmem>>, %arg6: memref<50x100xi32, #tpu.memory_space<vmem>>, %arg7: memref<10240xf32, #tpu.memory_space<vmem_shared>>, %arg8: memref<!tpu.dma_semaphore, #tpu.memory_space<semaphore_mem>>) attributes {dimension_semantics = [#tpu.dimension_semantics<core_parallel>, #tpu.dimension_semantics<subcore_parallel>], iteration_bounds = array<i64: 2, 16>, scalar_prefetch = 0 : i64, scratch_operands = 5 : i64, tpu.core_type = #tpu.core_type<sc_vector_subcore>, window_params = [{transform_indices = #map}, {transform_indices = #map1}]} {
    %mul3A = arith.constant 16 : i32
    %mul3A_0 = arith.muli %arg0, %mul3A : i32
    %add3A = arith.addi %mul3A_0, %arg1 : i32
    %broadcast_in_dim3A = arith.constant 0.000000e+00 : f32
    %broadcast_in_dim3A_1 = vector.broadcast %broadcast_in_dim3A : f32 to vector<16xf32>
    %swap3A = arith.constant 0 : index
    %swap3A_2 = tpu.vector_load %arg4[%swap3A] {strides = array<i32>} : memref<640xf32, #tpu.memory_space<vmem>>, vector<16xf32>,
    %swap3A_3 = vector.shape_cast %swap3A_2 : vector<16xf32> to vector<16xf32>
    %swap3A_4 = vector.shape_cast %broadcast_in_dim3A_1 : vector<16xf32> to vector<16xf32>
    tpu.vector_store %arg4[%swap3A], %swap3A_4 {strides = array<i32>} : memref<640xf32, #tpu.memory_space<vmem>>, vector<16xf32>,
    %broadcast_in_dim3A_5 = arith.constant 0.000000e+00 : f32
    %broadcast_in_dim3A_6 = vector.broadcast %broadcast_in_dim3A_5 : f32 to vector<16xf32>
    %swap3A_7 = arith.constant 16 : index
    %swap3A_8 = tpu.vector_load %arg4[%swap3A_7] {strides = array<i32>} : memref<640xf32, #tpu.memory_space<vmem>>, vector<16xf32>,
    %swap3A_9 = vector.shape_cast %swap3A_8 : vector<16xf32> to vector<16xf32>
    %swap3A_10 = vector.shape_cast %broadcast_in_dim3A_6 : vector<16xf32> to vector<16xf32>
    tpu.vector_store %arg4[%swap3A_7], %swap3A_10 {strides = array<i32>} : memref<640xf32, #tpu.memory_space<vmem>>, vector<16xf32>,
    %broadcast_in_dim3A_11 = arith.constant 0.000000e+00 : f32
    %broadcast_in_dim3A_12 = vector.broadcast %broadcast_in_dim3A_11 : f32 to vector<16xf32>
    %swap3A_13 = arith.constant 32 : index
    %swap3A_14 = tpu.vector_load %arg4[%swap3A_13] {strides = array<i32>} : memref<640xf32, #tpu.memory_space<vmem>>, vector<16xf32>,
    %swap3A_15 = vector.shape_cast %swap3A_14 : vector<16xf32> to vector<16xf32>
    %swap3A_16 = vector.shape_cast %broadcast_in_dim3A_12 : vector<16xf32> to vector<16xf32>
    tpu.vector_store %arg4[%swap3A_13], %swap3A_16 {strides = array<i32>} : memref<640xf32, #tpu.memory_space<vmem>>, vector<16xf32>,
    %broadcast_in_dim3A_17 = arith.constant 0.000000e+00 : f32
    %broadcast_in_dim3A_18 = vector.broadcast %broadcast_in_dim3A_17 : f32 to vector<16xf32>
    %swap3A_19 = arith.constant 48 : index
    %swap3A_20 = tpu.vector_load %arg4[%swap3A_19] {strides = array<i32>} : memref<640xf32, #tpu.memory_space<vmem>>, vector<16xf32>,
    %swap3A_21 = vector.shape_cast %swap3A_20 : vector<16xf32> to vector<16xf32>
    %swap3A_22 = vector.shape_cast %broadcast_in_dim3A_18 : vector<16xf32> to vector<16xf32>
    tpu.vector_store %arg4[%swap3A_19], %swap3A_22 {strides = array<i32>} : memref<640xf32, #tpu.memory_space<vmem>>, vector<16xf32>,
    %broadcast_in_dim3A_23 = arith.constant 0.000000e+00 : f32
    %broadcast_in_dim3A_24 = vector.broadcast %broadcast_in_dim3A_23 : f32 to vector<16xf32>
    %swap3A_25 = arith.constant 64 : index
    %swap3A_26 = tpu.vector_load %arg4[%swap3A_25] {strides = array<i32>} : memref<640xf32, #tpu.memory_space<vmem>>, vector<16xf32>,
    %swap3A_27 = vector.shape_cast %swap3A_26 : vector<16xf32> to vector<16xf32>
    %swap3A_28 = vector.shape_cast %broadcast_in_dim3A_24 : vector<16xf32> to vector<16xf32>
    tpu.vector_store %arg4[%swap3A_25], %swap3A_28 {strides = array<i32>} : memref<640xf32, #tpu.memory_space<vmem>>, vector<16xf32>,
    %broadcast_in_dim3A_29 = arith.constant 0.000000e+00 : f32
    %broadcast_in_dim3A_30 = vector.broadcast %broadcast_in_dim3A_29 : f32 to vector<16xf32>
    %swap3A_31 = arith.constant 80 : index
    %swap3A_32 = tpu.vector_load %arg4[%swap3A_31] {strides = array<i32>} : memref<640xf32, #tpu.memory_space<vmem>>, vector<16xf32>,
    %swap3A_33 = vector.shape_cast %swap3A_32 : vector<16xf32> to vector<16xf32>
    %swap3A_34 = vector.shape_cast %broadcast_in_dim3A_30 : vector<16xf32> to vector<16xf32>
    tpu.vector_store %arg4[%swap3A_31], %swap3A_34 {strides = array<i32>} : memref<640xf32, #tpu.memory_space<vmem>>, vector<16xf32>,
    %broadcast_in_dim3A_35 = arith.constant 0.000000e+00 : f32
    %broadcast_in_dim3A_36 = vector.broadcast %broadcast_in_dim3A_35 : f32 to vector<16xf32>
    %swap3A_37 = arith.constant 96 : index
    %swap3A_38 = tpu.vector_load %arg4[%swap3A_37] {strides = array<i32>} : memref<640xf32, #tpu.memory_space<vmem>>, vector<16xf32>,
    %swap3A_39 = vector.shape_cast %swap3A_38 : vector<16xf32> to vector<16xf32>
    %swap3A_40 = vector.shape_cast %broadcast_in_dim3A_36 : vector<16xf32> to vector<16xf32>
    tpu.vector_store %arg4[%swap3A_37], %swap3A_40 {strides = array<i32>} : memref<640xf32, #tpu.memory_space<vmem>>, vector<16xf32>,
    %broadcast_in_dim3A_41 = arith.constant 0.000000e+00 : f32
    %broadcast_in_dim3A_42 = vector.broadcast %broadcast_in_dim3A_41 : f32 to vector<16xf32>
    %swap3A_43 = arith.constant 112 : index
    %swap3A_44 = tpu.vector_load %arg4[%swap3A_43] {strides = array<i32>} : memref<640xf32, #tpu.memory_space<vmem>>, vector<16xf32>,
    %swap3A_45 = vector.shape_cast %swap3A_44 : vector<16xf32> to vector<16xf32>
    %swap3A_46 = vector.shape_cast %broadcast_in_dim3A_42 : vector<16xf32> to vector<16xf32>
    tpu.vector_store %arg4[%swap3A_43], %swap3A_46 {strides = array<i32>} : memref<640xf32, #tpu.memory_space<vmem>>, vector<16xf32>,
    %broadcast_in_dim3A_47 = arith.constant 0.000000e+00 : f32
    %broadcast_in_dim3A_48 = vector.broadcast %broadcast_in_dim3A_47 : f32 to vector<16xf32>
    %swap3A_49 = arith.constant 128 : index
    %swap3A_50 = tpu.vector_load %arg4[%swap3A_49] {strides = array<i32>} : memref<640xf32, #tpu.memory_space<vmem>>, vector<16xf32>,
    %swap3A_51 = vector.shape_cast %swap3A_50 : vector<16xf32> to vector<16xf32>
    %swap3A_52 = vector.shape_cast %broadcast_in_dim3A_48 : vector<16xf32> to vector<16xf32>
    tpu.vector_store %arg4[%swap3A_49], %swap3A_52 {strides = array<i32>} : memref<640xf32, #tpu.memory_space<vmem>>, vector<16xf32>,
    %broadcast_in_dim3A_53 = arith.constant 0.000000e+00 : f32
    %broadcast_in_dim3A_54 = vector.broadcast %broadcast_in_dim3A_53 : f32 to vector<16xf32>
    %swap3A_55 = arith.constant 144 : index
    %swap3A_56 = tpu.vector_load %arg4[%swap3A_55] {strides = array<i32>} : memref<640xf32, #tpu.memory_space<vmem>>, vector<16xf32>,
    %swap3A_57 = vector.shape_cast %swap3A_56 : vector<16xf32> to vector<16xf32>
    %swap3A_58 = vector.shape_cast %broadcast_in_dim3A_54 : vector<16xf32> to vector<16xf32>
    tpu.vector_store %arg4[%swap3A_55], %swap3A_58 {strides = array<i32>} : memref<640xf32, #tpu.memory_space<vmem>>, vector<16xf32>,
    %broadcast_in_dim3A_59 = arith.constant 0.000000e+00 : f32
    %broadcast_in_dim3A_60 = vector.broadcast %broadcast_in_dim3A_59 : f32 to vector<16xf32>
    %swap3A_61 = arith.constant 160 : index
    %swap3A_62 = tpu.vector_load %arg4[%swap3A_61] {strides = array<i32>} : memref<640xf32, #tpu.memory_space<vmem>>, vector<16xf32>,
    %swap3A_63 = vector.shape_cast %swap3A_62 : vector<16xf32> to vector<16xf32>
    %swap3A_64 = vector.shape_cast %broadcast_in_dim3A_60 : vector<16xf32> to vector<16xf32>
    tpu.vector_store %arg4[%swap3A_61], %swap3A_64 {strides = array<i32>} : memref<640xf32, #tpu.memory_space<vmem>>, vector<16xf32>,
    %broadcast_in_dim3A_65 = arith.constant 0.000000e+00 : f32
    %broadcast_in_dim3A_66 = vector.broadcast %broadcast_in_dim3A_65 : f32 to vector<16xf32>
    %swap3A_67 = arith.constant 176 : index
    %swap3A_68 = tpu.vector_load %arg4[%swap3A_67] {strides = array<i32>} : memref<640xf32, #tpu.memory_space<vmem>>, vector<16xf32>,
    %swap3A_69 = vector.shape_cast %swap3A_68 : vector<16xf32> to vector<16xf32>
    %swap3A_70 = vector.shape_cast %broadcast_in_dim3A_66 : vector<16xf32> to vector<16xf32>
    tpu.vector_store %arg4[%swap3A_67], %swap3A_70 {strides = array<i32>} : memref<640xf32, #tpu.memory_space<vmem>>, vector<16xf32>,
    %broadcast_in_dim3A_71 = arith.constant 0.000000e+00 : f32
    %broadcast_in_dim3A_72 = vector.broadcast %broadcast_in_dim3A_71 : f32 to vector<16xf32>
    %swap3A_73 = arith.constant 192 : index
    %swap3A_74 = tpu.vector_load %arg4[%swap3A_73] {strides = array<i32>} : memref<640xf32, #tpu.memory_space<vmem>>, vector<16xf32>,
    %swap3A_75 = vector.shape_cast %swap3A_74 : vector<16xf32> to vector<16xf32>
    %swap3A_76 = vector.shape_cast %broadcast_in_dim3A_72 : vector<16xf32> to vector<16xf32>
    tpu.vector_store %arg4[%swap3A_73], %swap3A_76 {strides = array<i32>} : memref<640xf32, #tpu.memory_space<vmem>>, vector<16xf32>,
    %broadcast_in_dim3A_77 = arith.constant 0.000000e+00 : f32
    %broadcast_in_dim3A_78 = vector.broadcast %broadcast_in_dim3A_77 : f32 to vector<16xf32>
    %swap3A_79 = arith.constant 208 : index
    %swap3A_80 = tpu.vector_load %arg4[%swap3A_79] {strides = array<i32>} : memref<640xf32, #tpu.memory_space<vmem>>, vector<16xf32>,
    %swap3A_81 = vector.shape_cast %swap3A_80 : vector<16xf32> to vector<16xf32>
    %swap3A_82 = vector.shape_cast %broadcast_in_dim3A_78 : vector<16xf32> to vector<16xf32>
    tpu.vector_store %arg4[%swap3A_79], %swap3A_82 {strides = array<i32>} : memref<640xf32, #tpu.memory_space<vmem>>, vector<16xf32>,
    %broadcast_in_dim3A_83 = arith.constant 0.000000e+00 : f32
    %broadcast_in_dim3A_84 = vector.broadcast %broadcast_in_dim3A_83 : f32 to vector<16xf32>
    %swap3A_85 = arith.constant 224 : index
    %swap3A_86 = tpu.vector_load %arg4[%swap3A_85] {strides = array<i32>} : memref<640xf32, #tpu.memory_space<vmem>>, vector<16xf32>,
    %swap3A_87 = vector.shape_cast %swap3A_86 : vector<16xf32> to vector<16xf32>
    %swap3A_88 = vector.shape_cast %broadcast_in_dim3A_84 : vector<16xf32> to vector<16xf32>
    tpu.vector_store %arg4[%swap3A_85], %swap3A_88 {strides = array<i32>} : memref<640xf32, #tpu.memory_space<vmem>>, vector<16xf32>,
    %broadcast_in_dim3A_89 = arith.constant 0.000000e+00 : f32
    %broadcast_in_dim3A_90 = vector.broadcast %broadcast_in_dim3A_89 : f32 to vector<16xf32>
    %swap3A_91 = arith.constant 240 : index
    %swap3A_92 = tpu.vector_load %arg4[%swap3A_91] {strides = array<i32>} : memref<640xf32, #tpu.memory_space<vmem>>, vector<16xf32>,
    %swap3A_93 = vector.shape_cast %swap3A_92 : vector<16xf32> to vector<16xf32>
    %swap3A_94 = vector.shape_cast %broadcast_in_dim3A_90 : vector<16xf32> to vector<16xf32>
    tpu.vector_store %arg4[%swap3A_91], %swap3A_94 {strides = array<i32>} : memref<640xf32, #tpu.memory_space<vmem>>, vector<16xf32>,
    %broadcast_in_dim3A_95 = arith.constant 0.000000e+00 : f32
    %broadcast_in_dim3A_96 = vector.broadcast %broadcast_in_dim3A_95 : f32 to vector<16xf32>
    %swap3A_97 = arith.constant 256 : index
    %swap3A_98 = tpu.vector_load %arg4[%swap3A_97] {strides = array<i32>} : memref<640xf32, #tpu.memory_space<vmem>>, vector<16xf32>,
    %swap3A_99 = vector.shape_cast %swap3A_98 : vector<16xf32> to vector<16xf32>
    %swap3A_100 = vector.shape_cast %broadcast_in_dim3A_96 : vector<16xf32> to vector<16xf32>
    tpu.vector_store %arg4[%swap3A_97], %swap3A_100 {strides = array<i32>} : memref<640xf32, #tpu.memory_space<vmem>>, vector<16xf32>,
    %broadcast_in_dim3A_101 = arith.constant 0.000000e+00 : f32
    %broadcast_in_dim3A_102 = vector.broadcast %broadcast_in_dim3A_101 : f32 to vector<16xf32>
    %swap3A_103 = arith.constant 272 : index
    %swap3A_104 = tpu.vector_load %arg4[%swap3A_103] {strides = array<i32>} : memref<640xf32, #tpu.memory_space<vmem>>, vector<16xf32>,
    %swap3A_105 = vector.shape_cast %swap3A_104 : vector<16xf32> to vector<16xf32>
    %swap3A_106 = vector.shape_cast %broadcast_in_dim3A_102 : vector<16xf32> to vector<16xf32>
    tpu.vector_store %arg4[%swap3A_103], %swap3A_106 {strides = array<i32>} : memref<640xf32, #tpu.memory_space<vmem>>, vector<16xf32>,
    %broadcast_in_dim3A_107 = arith.constant 0.000000e+00 : f32
    %broadcast_in_dim3A_108 = vector.broadcast %broadcast_in_dim3A_107 : f32 to vector<16xf32>
    %swap3A_109 = arith.constant 288 : index
    %swap3A_110 = tpu.vector_load %arg4[%swap3A_109] {strides = array<i32>} : memref<640xf32, #tpu.memory_space<vmem>>, vector<16xf32>,
    %swap3A_111 = vector.shape_cast %swap3A_110 : vector<16xf32> to vector<16xf32>
    %swap3A_112 = vector.shape_cast %broadcast_in_dim3A_108 : vector<16xf32> to vector<16xf32>
    tpu.vector_store %arg4[%swap3A_109], %swap3A_112 {strides = array<i32>} : memref<640xf32, #tpu.memory_space<vmem>>, vector<16xf32>,
    %broadcast_in_dim3A_113 = arith.constant 0.000000e+00 : f32
    %broadcast_in_dim3A_114 = vector.broadcast %broadcast_in_dim3A_113 : f32 to vector<16xf32>
    %swap3A_115 = arith.constant 304 : index
    %swap3A_116 = tpu.vector_load %arg4[%swap3A_115] {strides = array<i32>} : memref<640xf32, #tpu.memory_space<vmem>>, vector<16xf32>,
    %swap3A_117 = vector.shape_cast %swap3A_116 : vector<16xf32> to vector<16xf32>
    %swap3A_118 = vector.shape_cast %broadcast_in_dim3A_114 : vector<16xf32> to vector<16xf32>
    tpu.vector_store %arg4[%swap3A_115], %swap3A_118 {strides = array<i32>} : memref<640xf32, #tpu.memory_space<vmem>>, vector<16xf32>,
    %broadcast_in_dim3A_119 = arith.constant 0.000000e+00 : f32
    %broadcast_in_dim3A_120 = vector.broadcast %broadcast_in_dim3A_119 : f32 to vector<16xf32>
    %swap3A_121 = arith.constant 320 : index
    %swap3A_122 = tpu.vector_load %arg4[%swap3A_121] {strides = array<i32>} : memref<640xf32, #tpu.memory_space<vmem>>, vector<16xf32>,
    %swap3A_123 = vector.shape_cast %swap3A_122 : vector<16xf32> to vector<16xf32>
    %swap3A_124 = vector.shape_cast %broadcast_in_dim3A_120 : vector<16xf32> to vector<16xf32>
    tpu.vector_store %arg4[%swap3A_121], %swap3A_124 {strides = array<i32>} : memref<640xf32, #tpu.memory_space<vmem>>, vector<16xf32>,
    %broadcast_in_dim3A_125 = arith.constant 0.000000e+00 : f32
    %broadcast_in_dim3A_126 = vector.broadcast %broadcast_in_dim3A_125 : f32 to vector<16xf32>
    %swap3A_127 = arith.constant 336 : index
    %swap3A_128 = tpu.vector_load %arg4[%swap3A_127] {strides = array<i32>} : memref<640xf32, #tpu.memory_space<vmem>>, vector<16xf32>,
    %swap3A_129 = vector.shape_cast %swap3A_128 : vector<16xf32> to vector<16xf32>
    %swap3A_130 = vector.shape_cast %broadcast_in_dim3A_126 : vector<16xf32> to vector<16xf32>
    tpu.vector_store %arg4[%swap3A_127], %swap3A_130 {strides = array<i32>} : memref<640xf32, #tpu.memory_space<vmem>>, vector<16xf32>,
    %broadcast_in_dim3A_131 = arith.constant 0.000000e+00 : f32
    %broadcast_in_dim3A_132 = vector.broadcast %broadcast_in_dim3A_131 : f32 to vector<16xf32>
    %swap3A_133 = arith.constant 352 : index
    %swap3A_134 = tpu.vector_load %arg4[%swap3A_133] {strides = array<i32>} : memref<640xf32, #tpu.memory_space<vmem>>, vector<16xf32>,
    %swap3A_135 = vector.shape_cast %swap3A_134 : vector<16xf32> to vector<16xf32>
    %swap3A_136 = vector.shape_cast %broadcast_in_dim3A_132 : vector<16xf32> to vector<16xf32>
    tpu.vector_store %arg4[%swap3A_133], %swap3A_136 {strides = array<i32>} : memref<640xf32, #tpu.memory_space<vmem>>, vector<16xf32>,
    %broadcast_in_dim3A_137 = arith.constant 0.000000e+00 : f32
    %broadcast_in_dim3A_138 = vector.broadcast %broadcast_in_dim3A_137 : f32 to vector<16xf32>
    %swap3A_139 = arith.constant 368 : index
    %swap3A_140 = tpu.vector_load %arg4[%swap3A_139] {strides = array<i32>} : memref<640xf32, #tpu.memory_space<vmem>>, vector<16xf32>,
    %swap3A_141 = vector.shape_cast %swap3A_140 : vector<16xf32> to vector<16xf32>
    %swap3A_142 = vector.shape_cast %broadcast_in_dim3A_138 : vector<16xf32> to vector<16xf32>
    tpu.vector_store %arg4[%swap3A_139], %swap3A_142 {strides = array<i32>} : memref<640xf32, #tpu.memory_space<vmem>>, vector<16xf32>,
    %broadcast_in_dim3A_143 = arith.constant 0.000000e+00 : f32
    %broadcast_in_dim3A_144 = vector.broadcast %broadcast_in_dim3A_143 : f32 to vector<16xf32>
    %swap3A_145 = arith.constant 384 : index
    %swap3A_146 = tpu.vector_load %arg4[%swap3A_145] {strides = array<i32>} : memref<640xf32, #tpu.memory_space<vmem>>, vector<16xf32>,
    %swap3A_147 = vector.shape_cast %swap3A_146 : vector<16xf32> to vector<16xf32>
    %swap3A_148 = vector.shape_cast %broadcast_in_dim3A_144 : vector<16xf32> to vector<16xf32>
    tpu.vector_store %arg4[%swap3A_145], %swap3A_148 {strides = array<i32>} : memref<640xf32, #tpu.memory_space<vmem>>, vector<16xf32>,
    %broadcast_in_dim3A_149 = arith.constant 0.000000e+00 : f32
    %broadcast_in_dim3A_150 = vector.broadcast %broadcast_in_dim3A_149 : f32 to vector<16xf32>
    %swap3A_151 = arith.constant 400 : index
    %swap3A_152 = tpu.vector_load %arg4[%swap3A_151] {strides = array<i32>} : memref<640xf32, #tpu.memory_space<vmem>>, vector<16xf32>,
    %swap3A_153 = vector.shape_cast %swap3A_152 : vector<16xf32> to vector<16xf32>
    %swap3A_154 = vector.shape_cast %broadcast_in_dim3A_150 : vector<16xf32> to vector<16xf32>
    tpu.vector_store %arg4[%swap3A_151], %swap3A_154 {strides = array<i32>} : memref<640xf32, #tpu.memory_space<vmem>>, vector<16xf32>,
    %broadcast_in_dim3A_155 = arith.constant 0.000000e+00 : f32
    %broadcast_in_dim3A_156 = vector.broadcast %broadcast_in_dim3A_155 : f32 to vector<16xf32>
    %swap3A_157 = arith.constant 416 : index
    %swap3A_158 = tpu.vector_load %arg4[%swap3A_157] {strides = array<i32>} : memref<640xf32, #tpu.memory_space<vmem>>, vector<16xf32>,
    %swap3A_159 = vector.shape_cast %swap3A_158 : vector<16xf32> to vector<16xf32>
    %swap3A_160 = vector.shape_cast %broadcast_in_dim3A_156 : vector<16xf32> to vector<16xf32>
    tpu.vector_store %arg4[%swap3A_157], %swap3A_160 {strides = array<i32>} : memref<640xf32, #tpu.memory_space<vmem>>, vector<16xf32>,
    %broadcast_in_dim3A_161 = arith.constant 0.000000e+00 : f32
    %broadcast_in_dim3A_162 = vector.broadcast %broadcast_in_dim3A_161 : f32 to vector<16xf32>
    %swap3A_163 = arith.constant 432 : index
    %swap3A_164 = tpu.vector_load %arg4[%swap3A_163] {strides = array<i32>} : memref<640xf32, #tpu.memory_space<vmem>>, vector<16xf32>,
    %swap3A_165 = vector.shape_cast %swap3A_164 : vector<16xf32> to vector<16xf32>
    %swap3A_166 = vector.shape_cast %broadcast_in_dim3A_162 : vector<16xf32> to vector<16xf32>
    tpu.vector_store %arg4[%swap3A_163], %swap3A_166 {strides = array<i32>} : memref<640xf32, #tpu.memory_space<vmem>>, vector<16xf32>,
    %broadcast_in_dim3A_167 = arith.constant 0.000000e+00 : f32
    %broadcast_in_dim3A_168 = vector.broadcast %broadcast_in_dim3A_167 : f32 to vector<16xf32>
    %swap3A_169 = arith.constant 448 : index
    %swap3A_170 = tpu.vector_load %arg4[%swap3A_169] {strides = array<i32>} : memref<640xf32, #tpu.memory_space<vmem>>, vector<16xf32>,
    %swap3A_171 = vector.shape_cast %swap3A_170 : vector<16xf32> to vector<16xf32>
    %swap3A_172 = vector.shape_cast %broadcast_in_dim3A_168 : vector<16xf32> to vector<16xf32>
    tpu.vector_store %arg4[%swap3A_169], %swap3A_172 {strides = array<i32>} : memref<640xf32, #tpu.memory_space<vmem>>, vector<16xf32>,
    %broadcast_in_dim3A_173 = arith.constant 0.000000e+00 : f32
    %broadcast_in_dim3A_174 = vector.broadcast %broadcast_in_dim3A_173 : f32 to vector<16xf32>
    %swap3A_175 = arith.constant 464 : index
    %swap3A_176 = tpu.vector_load %arg4[%swap3A_175] {strides = array<i32>} : memref<640xf32, #tpu.memory_space<vmem>>, vector<16xf32>,
    %swap3A_177 = vector.shape_cast %swap3A_176 : vector<16xf32> to vector<16xf32>
    %swap3A_178 = vector.shape_cast %broadcast_in_dim3A_174 : vector<16xf32> to vector<16xf32>
    tpu.vector_store %arg4[%swap3A_175], %swap3A_178 {strides = array<i32>} : memref<640xf32, #tpu.memory_space<vmem>>, vector<16xf32>,
    %broadcast_in_dim3A_179 = arith.constant 0.000000e+00 : f32
    %broadcast_in_dim3A_180 = vector.broadcast %broadcast_in_dim3A_179 : f32 to vector<16xf32>
    %swap3A_181 = arith.constant 480 : index
    %swap3A_182 = tpu.vector_load %arg4[%swap3A_181] {strides = array<i32>} : memref<640xf32, #tpu.memory_space<vmem>>, vector<16xf32>,
    %swap3A_183 = vector.shape_cast %swap3A_182 : vector<16xf32> to vector<16xf32>
    %swap3A_184 = vector.shape_cast %broadcast_in_dim3A_180 : vector<16xf32> to vector<16xf32>
    tpu.vector_store %arg4[%swap3A_181], %swap3A_184 {strides = array<i32>} : memref<640xf32, #tpu.memory_space<vmem>>, vector<16xf32>,
    %broadcast_in_dim3A_185 = arith.constant 0.000000e+00 : f32
    %broadcast_in_dim3A_186 = vector.broadcast %broadcast_in_dim3A_185 : f32 to vector<16xf32>
    %swap3A_187 = arith.constant 496 : index
    %swap3A_188 = tpu.vector_load %arg4[%swap3A_187] {strides = array<i32>} : memref<640xf32, #tpu.memory_space<vmem>>, vector<16xf32>,
    %swap3A_189 = vector.shape_cast %swap3A_188 : vector<16xf32> to vector<16xf32>
    %swap3A_190 = vector.shape_cast %broadcast_in_dim3A_186 : vector<16xf32> to vector<16xf32>
    tpu.vector_store %arg4[%swap3A_187], %swap3A_190 {strides = array<i32>} : memref<640xf32, #tpu.memory_space<vmem>>, vector<16xf32>,
    %broadcast_in_dim3A_191 = arith.constant 0.000000e+00 : f32
    %broadcast_in_dim3A_192 = vector.broadcast %broadcast_in_dim3A_191 : f32 to vector<16xf32>
    %swap3A_193 = arith.constant 512 : index
    %swap3A_194 = tpu.vector_load %arg4[%swap3A_193] {strides = array<i32>} : memref<640xf32, #tpu.memory_space<vmem>>, vector<16xf32>,
    %swap3A_195 = vector.shape_cast %swap3A_194 : vector<16xf32> to vector<16xf32>
    %swap3A_196 = vector.shape_cast %broadcast_in_dim3A_192 : vector<16xf32> to vector<16xf32>
    tpu.vector_store %arg4[%swap3A_193], %swap3A_196 {strides = array<i32>} : memref<640xf32, #tpu.memory_space<vmem>>, vector<16xf32>,
    %broadcast_in_dim3A_197 = arith.constant 0.000000e+00 : f32
    %broadcast_in_dim3A_198 = vector.broadcast %broadcast_in_dim3A_197 : f32 to vector<16xf32>
    %swap3A_199 = arith.constant 528 : index
    %swap3A_200 = tpu.vector_load %arg4[%swap3A_199] {strides = array<i32>} : memref<640xf32, #tpu.memory_space<vmem>>, vector<16xf32>,
    %swap3A_201 = vector.shape_cast %swap3A_200 : vector<16xf32> to vector<16xf32>
    %swap3A_202 = vector.shape_cast %broadcast_in_dim3A_198 : vector<16xf32> to vector<16xf32>
    tpu.vector_store %arg4[%swap3A_199], %swap3A_202 {strides = array<i32>} : memref<640xf32, #tpu.memory_space<vmem>>, vector<16xf32>,
    %broadcast_in_dim3A_203 = arith.constant 0.000000e+00 : f32
    %broadcast_in_dim3A_204 = vector.broadcast %broadcast_in_dim3A_203 : f32 to vector<16xf32>
    %swap3A_205 = arith.constant 544 : index
    %swap3A_206 = tpu.vector_load %arg4[%swap3A_205] {strides = array<i32>} : memref<640xf32, #tpu.memory_space<vmem>>, vector<16xf32>,
    %swap3A_207 = vector.shape_cast %swap3A_206 : vector<16xf32> to vector<16xf32>
    %swap3A_208 = vector.shape_cast %broadcast_in_dim3A_204 : vector<16xf32> to vector<16xf32>
    tpu.vector_store %arg4[%swap3A_205], %swap3A_208 {strides = array<i32>} : memref<640xf32, #tpu.memory_space<vmem>>, vector<16xf32>,
    %broadcast_in_dim3A_209 = arith.constant 0.000000e+00 : f32
    %broadcast_in_dim3A_210 = vector.broadcast %broadcast_in_dim3A_209 : f32 to vector<16xf32>
    %swap3A_211 = arith.constant 560 : index
    %swap3A_212 = tpu.vector_load %arg4[%swap3A_211] {strides = array<i32>} : memref<640xf32, #tpu.memory_space<vmem>>, vector<16xf32>,
    %swap3A_213 = vector.shape_cast %swap3A_212 : vector<16xf32> to vector<16xf32>
    %swap3A_214 = vector.shape_cast %broadcast_in_dim3A_210 : vector<16xf32> to vector<16xf32>
    tpu.vector_store %arg4[%swap3A_211], %swap3A_214 {strides = array<i32>} : memref<640xf32, #tpu.memory_space<vmem>>, vector<16xf32>,
    %broadcast_in_dim3A_215 = arith.constant 0.000000e+00 : f32
    %broadcast_in_dim3A_216 = vector.broadcast %broadcast_in_dim3A_215 : f32 to vector<16xf32>
    %swap3A_217 = arith.constant 576 : index
    %swap3A_218 = tpu.vector_load %arg4[%swap3A_217] {strides = array<i32>} : memref<640xf32, #tpu.memory_space<vmem>>, vector<16xf32>,
    %swap3A_219 = vector.shape_cast %swap3A_218 : vector<16xf32> to vector<16xf32>
    %swap3A_220 = vector.shape_cast %broadcast_in_dim3A_216 : vector<16xf32> to vector<16xf32>
    tpu.vector_store %arg4[%swap3A_217], %swap3A_220 {strides = array<i32>} : memref<640xf32, #tpu.memory_space<vmem>>, vector<16xf32>,
    %broadcast_in_dim3A_221 = arith.constant 0.000000e+00 : f32
    %broadcast_in_dim3A_222 = vector.broadcast %broadcast_in_dim3A_221 : f32 to vector<16xf32>
    %swap3A_223 = arith.constant 592 : index
    %swap3A_224 = tpu.vector_load %arg4[%swap3A_223] {strides = array<i32>} : memref<640xf32, #tpu.memory_space<vmem>>, vector<16xf32>,
    %swap3A_225 = vector.shape_cast %swap3A_224 : vector<16xf32> to vector<16xf32>
    %swap3A_226 = vector.shape_cast %broadcast_in_dim3A_222 : vector<16xf32> to vector<16xf32>
    tpu.vector_store %arg4[%swap3A_223], %swap3A_226 {strides = array<i32>} : memref<640xf32, #tpu.memory_space<vmem>>, vector<16xf32>,
    %broadcast_in_dim3A_227 = arith.constant 0.000000e+00 : f32
    %broadcast_in_dim3A_228 = vector.broadcast %broadcast_in_dim3A_227 : f32 to vector<16xf32>
    %swap3A_229 = arith.constant 608 : index
    %swap3A_230 = tpu.vector_load %arg4[%swap3A_229] {strides = array<i32>} : memref<640xf32, #tpu.memory_space<vmem>>, vector<16xf32>,
    %swap3A_231 = vector.shape_cast %swap3A_230 : vector<16xf32> to vector<16xf32>
    %swap3A_232 = vector.shape_cast %broadcast_in_dim3A_228 : vector<16xf32> to vector<16xf32>
    tpu.vector_store %arg4[%swap3A_229], %swap3A_232 {strides = array<i32>} : memref<640xf32, #tpu.memory_space<vmem>>, vector<16xf32>,
    %broadcast_in_dim3A_233 = arith.constant 0.000000e+00 : f32
    %broadcast_in_dim3A_234 = vector.broadcast %broadcast_in_dim3A_233 : f32 to vector<16xf32>
    %swap3A_235 = arith.constant 624 : index
    %swap3A_236 = tpu.vector_load %arg4[%swap3A_235] {strides = array<i32>} : memref<640xf32, #tpu.memory_space<vmem>>, vector<16xf32>,
    %swap3A_237 = vector.shape_cast %swap3A_236 : vector<16xf32> to vector<16xf32>
    %swap3A_238 = vector.shape_cast %broadcast_in_dim3A_234 : vector<16xf32> to vector<16xf32>
    tpu.vector_store %arg4[%swap3A_235], %swap3A_238 {strides = array<i32>} : memref<640xf32, #tpu.memory_space<vmem>>, vector<16xf32>,
    %broadcast_in_dim3A_239 = arith.constant 1.000000e+00 : f32
    %broadcast_in_dim3A_240 = vector.broadcast %broadcast_in_dim3A_239 : f32 to vector<16xf32>
    %swap3A_241 = arith.constant 0 : index
    %swap3A_242 = tpu.vector_load %arg5[%swap3A_241] {strides = array<i32>} : memref<112xf32, #tpu.memory_space<vmem>>, vector<16xf32>,
    %swap3A_243 = vector.shape_cast %swap3A_242 : vector<16xf32> to vector<16xf32>
    %swap3A_244 = vector.shape_cast %broadcast_in_dim3A_240 : vector<16xf32> to vector<16xf32>
    tpu.vector_store %arg5[%swap3A_241], %swap3A_244 {strides = array<i32>} : memref<112xf32, #tpu.memory_space<vmem>>, vector<16xf32>,
    %broadcast_in_dim3A_245 = arith.constant 1.000000e+00 : f32
    %broadcast_in_dim3A_246 = vector.broadcast %broadcast_in_dim3A_245 : f32 to vector<16xf32>
    %swap3A_247 = arith.constant 16 : index
    %swap3A_248 = tpu.vector_load %arg5[%swap3A_247] {strides = array<i32>} : memref<112xf32, #tpu.memory_space<vmem>>, vector<16xf32>,
    %swap3A_249 = vector.shape_cast %swap3A_248 : vector<16xf32> to vector<16xf32>
    %swap3A_250 = vector.shape_cast %broadcast_in_dim3A_246 : vector<16xf32> to vector<16xf32>
    tpu.vector_store %arg5[%swap3A_247], %swap3A_250 {strides = array<i32>} : memref<112xf32, #tpu.memory_space<vmem>>, vector<16xf32>,
    %broadcast_in_dim3A_251 = arith.constant 1.000000e+00 : f32
    %broadcast_in_dim3A_252 = vector.broadcast %broadcast_in_dim3A_251 : f32 to vector<16xf32>
    %swap3A_253 = arith.constant 32 : index
    %swap3A_254 = tpu.vector_load %arg5[%swap3A_253] {strides = array<i32>} : memref<112xf32, #tpu.memory_space<vmem>>, vector<16xf32>,
    %swap3A_255 = vector.shape_cast %swap3A_254 : vector<16xf32> to vector<16xf32>
    %swap3A_256 = vector.shape_cast %broadcast_in_dim3A_252 : vector<16xf32> to vector<16xf32>
    tpu.vector_store %arg5[%swap3A_253], %swap3A_256 {strides = array<i32>} : memref<112xf32, #tpu.memory_space<vmem>>, vector<16xf32>,
    %broadcast_in_dim3A_257 = arith.constant 1.000000e+00 : f32
    %broadcast_in_dim3A_258 = vector.broadcast %broadcast_in_dim3A_257 : f32 to vector<16xf32>
    %swap3A_259 = arith.constant 48 : index
    %swap3A_260 = tpu.vector_load %arg5[%swap3A_259] {strides = array<i32>} : memref<112xf32, #tpu.memory_space<vmem>>, vector<16xf32>,
    %swap3A_261 = vector.shape_cast %swap3A_260 : vector<16xf32> to vector<16xf32>
    %swap3A_262 = vector.shape_cast %broadcast_in_dim3A_258 : vector<16xf32> to vector<16xf32>
    tpu.vector_store %arg5[%swap3A_259], %swap3A_262 {strides = array<i32>} : memref<112xf32, #tpu.memory_space<vmem>>, vector<16xf32>,
    %broadcast_in_dim3A_263 = arith.constant 1.000000e+00 : f32
    %broadcast_in_dim3A_264 = vector.broadcast %broadcast_in_dim3A_263 : f32 to vector<16xf32>
    %swap3A_265 = arith.constant 64 : index
    %swap3A_266 = tpu.vector_load %arg5[%swap3A_265] {strides = array<i32>} : memref<112xf32, #tpu.memory_space<vmem>>, vector<16xf32>,
    %swap3A_267 = vector.shape_cast %swap3A_266 : vector<16xf32> to vector<16xf32>
    %swap3A_268 = vector.shape_cast %broadcast_in_dim3A_264 : vector<16xf32> to vector<16xf32>
    tpu.vector_store %arg5[%swap3A_265], %swap3A_268 {strides = array<i32>} : memref<112xf32, #tpu.memory_space<vmem>>, vector<16xf32>,
    %broadcast_in_dim3A_269 = arith.constant 1.000000e+00 : f32
    %broadcast_in_dim3A_270 = vector.broadcast %broadcast_in_dim3A_269 : f32 to vector<16xf32>
    %swap3A_271 = arith.constant 80 : index
    %swap3A_272 = tpu.vector_load %arg5[%swap3A_271] {strides = array<i32>} : memref<112xf32, #tpu.memory_space<vmem>>, vector<16xf32>,
    %swap3A_273 = vector.shape_cast %swap3A_272 : vector<16xf32> to vector<16xf32>
    %swap3A_274 = vector.shape_cast %broadcast_in_dim3A_270 : vector<16xf32> to vector<16xf32>
    tpu.vector_store %arg5[%swap3A_271], %swap3A_274 {strides = array<i32>} : memref<112xf32, #tpu.memory_space<vmem>>, vector<16xf32>,
    %broadcast_in_dim3A_275 = arith.constant 1.000000e+00 : f32
    %broadcast_in_dim3A_276 = vector.broadcast %broadcast_in_dim3A_275 : f32 to vector<16xf32>
    %swap3A_277 = arith.constant 96 : index
    %swap3A_278 = tpu.vector_load %arg5[%swap3A_277] {strides = array<i32>} : memref<112xf32, #tpu.memory_space<vmem>>, vector<16xf32>,
    %swap3A_279 = vector.shape_cast %swap3A_278 : vector<16xf32> to vector<16xf32>
    %swap3A_280 = vector.shape_cast %broadcast_in_dim3A_276 : vector<16xf32> to vector<16xf32>
    tpu.vector_store %arg5[%swap3A_277], %swap3A_280 {strides = array<i32>} : memref<112xf32, #tpu.memory_space<vmem>>, vector<16xf32>,
    %mul3A_281 = arith.constant 640 : i32
    %mul3A_282 = arith.muli %arg1, %mul3A_281 : i32
    "tpu.region"() ({
      %run_scoped3A = tpu.sem_alloc : memref<!tpu.dma_semaphore, #tpu.memory_space<semaphore_mem>>
      %dma_start3A = tpu.memref_slice %arg7[%mul3A_282] : memref<10240xf32, #tpu.memory_space<vmem_shared>> -> memref<640xf32, #tpu.memory_space<vmem_shared>>
      %dma_start3A_299 = tpu.memref_slice %arg7[%mul3A_282] : memref<10240xf32, #tpu.memory_space<vmem_shared>> -> memref<640xf32, #tpu.memory_space<vmem_shared>>
      tpu.enqueue_dma source(%arg4 : memref<640xf32, #tpu.memory_space<vmem>>) target(%dma_start3A_299 : memref<640xf32, #tpu.memory_space<vmem_shared>>) target_semaphore(%run_scoped3A : memref<!tpu.dma_semaphore, #tpu.memory_space<semaphore_mem>>)
      %dma_wait3A = tpu.memref_slice %arg7[%mul3A_282] : memref<10240xf32, #tpu.memory_space<vmem_shared>> -> memref<640xf32, #tpu.memory_space<vmem_shared>>
      %dma_wait3A_300 = tpu.memref_slice %arg7[%mul3A_282] : memref<10240xf32, #tpu.memory_space<vmem_shared>> -> memref<640xf32, #tpu.memory_space<vmem_shared>>
      tpu.wait_dma2 semaphore(%run_scoped3A : memref<!tpu.dma_semaphore, #tpu.memory_space<semaphore_mem>>) src(%arg4 : memref<640xf32, #tpu.memory_space<vmem>>) dst(%dma_wait3A_300 : memref<640xf32, #tpu.memory_space<vmem_shared>>)
      tpu.yield
    }) : () -> ()
    "tpu.region"() ({
      %run_scoped3A = tpu.sem_alloc : memref<!tpu.dma_semaphore, #tpu.memory_space<semaphore_mem>>
      %dma_start3A = arith.constant 0 : i32
      %dma_start3A_299 = arith.constant 0 : i32
      %dma_start3A_300 = tpu.memref_slice %arg2[%add3A, %dma_start3A, %dma_start3A_299] : memref<32x50x100xi32, #tpu.memory_space<hbm>> -> memref<1x50x100xi32, #tpu.memory_space<hbm>>
      %dma_start3A_301 = tpu.memref_squeeze %dma_start3A_300 : memref<1x50x100xi32, #tpu.memory_space<hbm>> -> memref<50x100xi32, #tpu.memory_space<hbm>>
      %dma_start3A_302 = arith.constant 0 : i32
      %dma_start3A_303 = arith.constant 0 : i32
      %dma_start3A_304 = tpu.memref_slice %arg2[%add3A, %dma_start3A_302, %dma_start3A_303] : memref<32x50x100xi32, #tpu.memory_space<hbm>> -> memref<1x50x100xi32, #tpu.memory_space<hbm>>
      %dma_start3A_305 = tpu.memref_squeeze %dma_start3A_304 : memref<1x50x100xi32, #tpu.memory_space<hbm>> -> memref<50x100xi32, #tpu.memory_space<hbm>>
      tpu.enqueue_dma source(%dma_start3A_305 : memref<50x100xi32, #tpu.memory_space<hbm>>) target(%arg6 : memref<50x100xi32, #tpu.memory_space<vmem>>) target_semaphore(%run_scoped3A : memref<!tpu.dma_semaphore, #tpu.memory_space<semaphore_mem>>)
      %dma_wait3A = arith.constant 0 : i32
      %dma_wait3A_306 = arith.constant 0 : i32
      %dma_wait3A_307 = tpu.memref_slice %arg2[%add3A, %dma_wait3A, %dma_wait3A_306] : memref<32x50x100xi32, #tpu.memory_space<hbm>> -> memref<1x50x100xi32, #tpu.memory_space<hbm>>
      %dma_wait3A_308 = tpu.memref_squeeze %dma_wait3A_307 : memref<1x50x100xi32, #tpu.memory_space<hbm>> -> memref<50x100xi32, #tpu.memory_space<hbm>>
      %dma_wait3A_309 = arith.constant 0 : i32
      %dma_wait3A_310 = arith.constant 0 : i32
      %dma_wait3A_311 = tpu.memref_slice %arg2[%add3A, %dma_wait3A_309, %dma_wait3A_310] : memref<32x50x100xi32, #tpu.memory_space<hbm>> -> memref<1x50x100xi32, #tpu.memory_space<hbm>>
      %dma_wait3A_312 = tpu.memref_squeeze %dma_wait3A_311 : memref<1x50x100xi32, #tpu.memory_space<hbm>> -> memref<50x100xi32, #tpu.memory_space<hbm>>
      tpu.wait_dma2 semaphore(%run_scoped3A : memref<!tpu.dma_semaphore, #tpu.memory_space<semaphore_mem>>) src(%dma_wait3A_312 : memref<50x100xi32, #tpu.memory_space<hbm>>) dst(%arg6 : memref<50x100xi32, #tpu.memory_space<vmem>>)
      tpu.yield
    }) : () -> ()
    %barrier3A = arith.constant 0 : index
    tpu.barrier barrier_id(%barrier3A)
    %scan3A = arith.constant 0 : i32
    %scan3A_283 = arith.constant 0 : i32
    %scan3A_284 = arith.constant 50 : i32
    %scan3A_285 = arith.addi %scan3A_283, %scan3A_284 : i32
    %scan3A_286 = arith.constant 1 : i32
    scf.for %scan3A_299 = %scan3A_283 to %scan3A_285 step %scan3A_286  : i32 {
      %dma_start3A = arith.constant 0 : i32
      %dma_start3A_300 = tpu.memref_slice %arg5[%dma_start3A] : memref<112xf32, #tpu.memory_space<vmem>> -> memref<100xf32, #tpu.memory_space<vmem>>
      %dma_start3A_301 = arith.constant 0 : i32
      %dma_start3A_302 = tpu.memref_slice %arg6[%scan3A_299, %dma_start3A_301] : memref<50x100xi32, #tpu.memory_space<vmem>> -> memref<1x100xi32, #tpu.memory_space<vmem>>
      %dma_start3A_303 = tpu.memref_squeeze %dma_start3A_302 : memref<1x100xi32, #tpu.memory_space<vmem>> -> memref<100xi32, #tpu.memory_space<vmem>>
      %dma_start3A_304 = arith.constant 0 : i32
      %dma_start3A_305 = tpu.memref_slice %arg7[%dma_start3A_304] : memref<10240xf32, #tpu.memory_space<vmem_shared>> -> memref<10240xf32, #tpu.memory_space<vmem_shared>>
      tpu.enqueue_indirect_dma source(%dma_start3A_300 : memref<100xf32, #tpu.memory_space<vmem>>) target(%dma_start3A_305 : memref<10240xf32, #tpu.memory_space<vmem_shared>>) offsets(%dma_start3A_303 : memref<100xi32, #tpu.memory_space<vmem>>) semaphore(%arg8 : memref<!tpu.dma_semaphore, #tpu.memory_space<semaphore_mem>>) {add = true}
    }
    %scan3A_287 = arith.constant 50 : i32
    %scan3A_288 = arith.constant 0 : i32
    %scan3A_289 = arith.constant 0 : i32
    %scan3A_290 = arith.constant 50 : i32
    %scan3A_291 = arith.addi %scan3A_289, %scan3A_290 : i32
    %scan3A_292 = arith.constant 1 : i32
    scf.for %scan3A_299 = %scan3A_289 to %scan3A_291 step %scan3A_292  : i32 {
      %dma_wait3A = arith.constant 0 : i32
      %dma_wait3A_300 = arith.constant 0 : i32
      %dma_wait3A_301 = tpu.memref_slice %arg5[%dma_wait3A_300] : memref<112xf32, #tpu.memory_space<vmem>> -> memref<100xf32, #tpu.memory_space<vmem>>
      %dma_wait3A_302 = arith.constant 0 : i32
      %dma_wait3A_303 = tpu.memref_slice %arg6[%dma_wait3A, %dma_wait3A_302] : memref<50x100xi32, #tpu.memory_space<vmem>> -> memref<1x100xi32, #tpu.memory_space<vmem>>
      %dma_wait3A_304 = tpu.memref_squeeze %dma_wait3A_303 : memref<1x100xi32, #tpu.memory_space<vmem>> -> memref<100xi32, #tpu.memory_space<vmem>>
      %dma_wait3A_305 = arith.constant 0 : i32
      %dma_wait3A_306 = tpu.memref_slice %arg7[%dma_wait3A_305] : memref<10240xf32, #tpu.memory_space<vmem_shared>> -> memref<10240xf32, #tpu.memory_space<vmem_shared>>
      tpu.wait_indirect_dma semaphore(%arg8 : memref<!tpu.dma_semaphore, #tpu.memory_space<semaphore_mem>>) src(%dma_wait3A_301 : memref<100xf32, #tpu.memory_space<vmem>>) dst(%dma_wait3A_306 : memref<10240xf32, #tpu.memory_space<vmem_shared>>)
    }
    %scan3A_293 = arith.constant 50 : i32
    %barrier3A_294 = arith.constant 0 : index
    tpu.barrier barrier_id(%barrier3A_294)
    %mul3A_295 = arith.constant 640 : i32
    %mul3A_296 = arith.muli %arg1, %mul3A_295 : i32
    %mul3A_297 = arith.constant 640 : i32
    %mul3A_298 = arith.muli %arg1, %mul3A_297 : i32
    "tpu.region"() ({
      %run_scoped3A = tpu.sem_alloc : memref<!tpu.dma_semaphore, #tpu.memory_space<semaphore_mem>>
      %dma_start3A = arith.constant 0 : i32
      %dma_start3A_299 = tpu.memref_slice %arg3[%arg0, %dma_start3A] : memref<2x10240xf32, #tpu.memory_space<hbm>> -> memref<1x10240xf32, #tpu.memory_space<hbm>>
      %dma_start3A_300 = tpu.memref_squeeze %dma_start3A_299 : memref<1x10240xf32, #tpu.memory_space<hbm>> -> memref<10240xf32, #tpu.memory_space<hbm>>
      %dma_start3A_301 = tpu.memref_slice %dma_start3A_300[%mul3A_298] : memref<10240xf32, #tpu.memory_space<hbm>> -> memref<640xf32, #tpu.memory_space<hbm>>
      %dma_start3A_302 = tpu.memref_slice %arg7[%mul3A_296] : memref<10240xf32, #tpu.memory_space<vmem_shared>> -> memref<640xf32, #tpu.memory_space<vmem_shared>>
      tpu.enqueue_dma source(%dma_start3A_302 : memref<640xf32, #tpu.memory_space<vmem_shared>>) target(%dma_start3A_301 : memref<640xf32, #tpu.memory_space<hbm>>) target_semaphore(%run_scoped3A : memref<!tpu.dma_semaphore, #tpu.memory_space<semaphore_mem>>)
      %dma_wait3A = arith.constant 0 : i32
      %dma_wait3A_303 = tpu.memref_slice %arg3[%arg0, %dma_wait3A] : memref<2x10240xf32, #tpu.memory_space<hbm>> -> memref<1x10240xf32, #tpu.memory_space<hbm>>
      %dma_wait3A_304 = tpu.memref_squeeze %dma_wait3A_303 : memref<1x10240xf32, #tpu.memory_space<hbm>> -> memref<10240xf32, #tpu.memory_space<hbm>>
      %dma_wait3A_305 = tpu.memref_slice %dma_wait3A_304[%mul3A_298] : memref<10240xf32, #tpu.memory_space<hbm>> -> memref<640xf32, #tpu.memory_space<hbm>>
      %dma_wait3A_306 = tpu.memref_slice %arg7[%mul3A_296] : memref<10240xf32, #tpu.memory_space<vmem_shared>> -> memref<640xf32, #tpu.memory_space<vmem_shared>>
      tpu.wait_dma2 semaphore(%run_scoped3A : memref<!tpu.dma_semaphore, #tpu.memory_space<semaphore_mem>>) src(%dma_wait3A_306 : memref<640xf32, #tpu.memory_space<vmem_shared>>) dst(%dma_wait3A_305 : memref<640xf32, #tpu.memory_space<hbm>>)
      tpu.yield
    }) : () -> ()
    return
  }
}

#map = affine_map<(d0, d1) -> (0, 0, 0)>
module attributes {stable_mosaic.version = 14 : i64} {
  func.func @scat_kernel(%arg0: i32, %arg1: i32, %arg2: memref<2x10240x128xf32, #tpu.memory_space<hbm>>, %arg3: memref<16x80x128xi32, #tpu.memory_space<hbm>>, %arg4: memref<16x80x128xi32, #tpu.memory_space<hbm>>, %arg5: memref<2x10240x128xf32, #tpu.memory_space<hbm>>, %arg6: memref<2x16x128xi32, #tpu.memory_space<vmem>>, %arg7: memref<2x16x128xi32, #tpu.memory_space<vmem>>, %arg8: memref<2x128x128xf32, #tpu.memory_space<vmem>>, %arg9: memref<10240x128xf32, #tpu.memory_space<vmem_shared>>, %arg10: memref<2x!tpu.dma_semaphore, #tpu.memory_space<semaphore_mem>>, %arg11: memref<2x!tpu.dma_semaphore, #tpu.memory_space<semaphore_mem>>, %arg12: memref<2x!tpu.dma_semaphore, #tpu.memory_space<semaphore_mem>>, %arg13: memref<!tpu.dma_semaphore, #tpu.memory_space<semaphore_mem>>) attributes {dimension_semantics = [#tpu.dimension_semantics<core_parallel>, #tpu.dimension_semantics<subcore_parallel>], iteration_bounds = array<i64: 2, 16>, scalar_prefetch = 0 : i64, scratch_operands = 8 : i64, tpu.core_type = #tpu.core_type<sc_vector_subcore>, window_params = [{transform_indices = #map}, {transform_indices = #map}, {transform_indices = #map}, {transform_indices = #map}]} {
    %mul3A = arith.constant 640 : i32
    %mul3A_0 = arith.muli %arg1, %mul3A : i32
    %mul3A_1 = arith.constant 640 : i32
    %mul3A_2 = arith.muli %arg1, %mul3A_1 : i32
    %dma_start3A = arith.constant 0 : i32
    %dma_start3A_3 = tpu.memref_slice %arg9[%mul3A_2, %dma_start3A] : memref<10240x128xf32, #tpu.memory_space<vmem_shared>> -> memref<640x128xf32, #tpu.memory_space<vmem_shared>>
    %dma_start3A_4 = arith.constant 0 : i32
    %dma_start3A_5 = arith.constant 0 : i32
    %dma_start3A_6 = tpu.memref_slice %arg2[%arg0, %dma_start3A_4, %dma_start3A_5] : memref<2x10240x128xf32, #tpu.memory_space<hbm>> -> memref<1x10240x128xf32, #tpu.memory_space<hbm>>
    %dma_start3A_7 = tpu.memref_squeeze %dma_start3A_6 : memref<1x10240x128xf32, #tpu.memory_space<hbm>> -> memref<10240x128xf32, #tpu.memory_space<hbm>>
    %dma_start3A_8 = arith.constant 0 : i32
    %dma_start3A_9 = tpu.memref_slice %dma_start3A_7[%mul3A_0, %dma_start3A_8] : memref<10240x128xf32, #tpu.memory_space<hbm>> -> memref<640x128xf32, #tpu.memory_space<hbm>>
    tpu.enqueue_dma source(%dma_start3A_9 : memref<640x128xf32, #tpu.memory_space<hbm>>) target(%dma_start3A_3 : memref<640x128xf32, #tpu.memory_space<vmem_shared>>) target_semaphore(%arg13 : memref<!tpu.dma_semaphore, #tpu.memory_space<semaphore_mem>>)
    %dma_start3A_10 = arith.constant 0 : i32
    %dma_start3A_11 = arith.constant 0 : i32
    %dma_start3A_12 = arith.constant 0 : i32
    %dma_start3A_13 = arith.constant 0 : i32
    %dma_start3A_14 = tpu.memref_slice %arg6[%dma_start3A_10, %dma_start3A_12, %dma_start3A_13] : memref<2x16x128xi32, #tpu.memory_space<vmem>> -> memref<1x16x128xi32, #tpu.memory_space<vmem>>
    %dma_start3A_15 = tpu.memref_squeeze %dma_start3A_14 : memref<1x16x128xi32, #tpu.memory_space<vmem>> -> memref<16x128xi32, #tpu.memory_space<vmem>>
    %dma_start3A_16 = arith.constant 0 : i32
    %dma_start3A_17 = arith.constant 0 : i32
    %dma_start3A_18 = tpu.memref_slice %arg3[%arg1, %dma_start3A_16, %dma_start3A_17] : memref<16x80x128xi32, #tpu.memory_space<hbm>> -> memref<1x80x128xi32, #tpu.memory_space<hbm>>
    %dma_start3A_19 = tpu.memref_squeeze %dma_start3A_18 : memref<1x80x128xi32, #tpu.memory_space<hbm>> -> memref<80x128xi32, #tpu.memory_space<hbm>>
    %dma_start3A_20 = arith.constant 0 : i32
    %dma_start3A_21 = arith.constant 0 : i32
    %dma_start3A_22 = tpu.memref_slice %dma_start3A_19[%dma_start3A_20, %dma_start3A_21] : memref<80x128xi32, #tpu.memory_space<hbm>> -> memref<16x128xi32, #tpu.memory_space<hbm>>
    %dma_start3A_23 = tpu.memref_slice %arg12[%dma_start3A_11] : memref<2x!tpu.dma_semaphore, #tpu.memory_space<semaphore_mem>> -> memref<1x!tpu.dma_semaphore, #tpu.memory_space<semaphore_mem>>
    %dma_start3A_24 = tpu.memref_squeeze %dma_start3A_23 : memref<1x!tpu.dma_semaphore, #tpu.memory_space<semaphore_mem>> -> memref<!tpu.dma_semaphore, #tpu.memory_space<semaphore_mem>>
    %dma_start3A_25 = arith.constant 0 : i32
    %dma_start3A_26 = arith.constant 0 : i32
    %dma_start3A_27 = tpu.memref_slice %arg6[%dma_start3A_10, %dma_start3A_25, %dma_start3A_26] : memref<2x16x128xi32, #tpu.memory_space<vmem>> -> memref<1x16x128xi32, #tpu.memory_space<vmem>>
    %dma_start3A_28 = tpu.memref_squeeze %dma_start3A_27 : memref<1x16x128xi32, #tpu.memory_space<vmem>> -> memref<16x128xi32, #tpu.memory_space<vmem>>
    %dma_start3A_29 = arith.constant 0 : i32
    %dma_start3A_30 = arith.constant 0 : i32
    %dma_start3A_31 = tpu.memref_slice %arg3[%arg1, %dma_start3A_29, %dma_start3A_30] : memref<16x80x128xi32, #tpu.memory_space<hbm>> -> memref<1x80x128xi32, #tpu.memory_space<hbm>>
    %dma_start3A_32 = tpu.memref_squeeze %dma_start3A_31 : memref<1x80x128xi32, #tpu.memory_space<hbm>> -> memref<80x128xi32, #tpu.memory_space<hbm>>
    %dma_start3A_33 = arith.constant 0 : i32
    %dma_start3A_34 = arith.constant 0 : i32
    %dma_start3A_35 = tpu.memref_slice %dma_start3A_32[%dma_start3A_33, %dma_start3A_34] : memref<80x128xi32, #tpu.memory_space<hbm>> -> memref<16x128xi32, #tpu.memory_space<hbm>>
    tpu.enqueue_dma source(%dma_start3A_35 : memref<16x128xi32, #tpu.memory_space<hbm>>) target(%dma_start3A_28 : memref<16x128xi32, #tpu.memory_space<vmem>>) target_semaphore(%dma_start3A_24 : memref<!tpu.dma_semaphore, #tpu.memory_space<semaphore_mem>>)
    %dma_start3A_36 = arith.constant 0 : i32
    %dma_start3A_37 = arith.constant 0 : i32
    %dma_start3A_38 = arith.constant 0 : i32
    %dma_start3A_39 = arith.constant 0 : i32
    %dma_start3A_40 = tpu.memref_slice %arg7[%dma_start3A_36, %dma_start3A_38, %dma_start3A_39] : memref<2x16x128xi32, #tpu.memory_space<vmem>> -> memref<1x16x128xi32, #tpu.memory_space<vmem>>
    %dma_start3A_41 = tpu.memref_squeeze %dma_start3A_40 : memref<1x16x128xi32, #tpu.memory_space<vmem>> -> memref<16x128xi32, #tpu.memory_space<vmem>>
    %dma_start3A_42 = arith.constant 0 : i32
    %dma_start3A_43 = arith.constant 0 : i32
    %dma_start3A_44 = tpu.memref_slice %arg4[%arg1, %dma_start3A_42, %dma_start3A_43] : memref<16x80x128xi32, #tpu.memory_space<hbm>> -> memref<1x80x128xi32, #tpu.memory_space<hbm>>
    %dma_start3A_45 = tpu.memref_squeeze %dma_start3A_44 : memref<1x80x128xi32, #tpu.memory_space<hbm>> -> memref<80x128xi32, #tpu.memory_space<hbm>>
    %dma_start3A_46 = arith.constant 0 : i32
    %dma_start3A_47 = arith.constant 0 : i32
    %dma_start3A_48 = tpu.memref_slice %dma_start3A_45[%dma_start3A_46, %dma_start3A_47] : memref<80x128xi32, #tpu.memory_space<hbm>> -> memref<16x128xi32, #tpu.memory_space<hbm>>
    %dma_start3A_49 = tpu.memref_slice %arg12[%dma_start3A_37] : memref<2x!tpu.dma_semaphore, #tpu.memory_space<semaphore_mem>> -> memref<1x!tpu.dma_semaphore, #tpu.memory_space<semaphore_mem>>
    %dma_start3A_50 = tpu.memref_squeeze %dma_start3A_49 : memref<1x!tpu.dma_semaphore, #tpu.memory_space<semaphore_mem>> -> memref<!tpu.dma_semaphore, #tpu.memory_space<semaphore_mem>>
    %dma_start3A_51 = arith.constant 0 : i32
    %dma_start3A_52 = arith.constant 0 : i32
    %dma_start3A_53 = tpu.memref_slice %arg7[%dma_start3A_36, %dma_start3A_51, %dma_start3A_52] : memref<2x16x128xi32, #tpu.memory_space<vmem>> -> memref<1x16x128xi32, #tpu.memory_space<vmem>>
    %dma_start3A_54 = tpu.memref_squeeze %dma_start3A_53 : memref<1x16x128xi32, #tpu.memory_space<vmem>> -> memref<16x128xi32, #tpu.memory_space<vmem>>
    %dma_start3A_55 = arith.constant 0 : i32
    %dma_start3A_56 = arith.constant 0 : i32
    %dma_start3A_57 = tpu.memref_slice %arg4[%arg1, %dma_start3A_55, %dma_start3A_56] : memref<16x80x128xi32, #tpu.memory_space<hbm>> -> memref<1x80x128xi32, #tpu.memory_space<hbm>>
    %dma_start3A_58 = tpu.memref_squeeze %dma_start3A_57 : memref<1x80x128xi32, #tpu.memory_space<hbm>> -> memref<80x128xi32, #tpu.memory_space<hbm>>
    %dma_start3A_59 = arith.constant 0 : i32
    %dma_start3A_60 = arith.constant 0 : i32
    %dma_start3A_61 = tpu.memref_slice %dma_start3A_58[%dma_start3A_59, %dma_start3A_60] : memref<80x128xi32, #tpu.memory_space<hbm>> -> memref<16x128xi32, #tpu.memory_space<hbm>>
    tpu.enqueue_dma source(%dma_start3A_61 : memref<16x128xi32, #tpu.memory_space<hbm>>) target(%dma_start3A_54 : memref<16x128xi32, #tpu.memory_space<vmem>>) target_semaphore(%dma_start3A_50 : memref<!tpu.dma_semaphore, #tpu.memory_space<semaphore_mem>>)
    %dma_wait3A = arith.constant 0 : i32
    %dma_wait3A_62 = arith.constant 0 : i32
    %dma_wait3A_63 = arith.constant 0 : i32
    %dma_wait3A_64 = arith.constant 0 : i32
    %dma_wait3A_65 = tpu.memref_slice %arg6[%dma_wait3A, %dma_wait3A_63, %dma_wait3A_64] : memref<2x16x128xi32, #tpu.memory_space<vmem>> -> memref<1x16x128xi32, #tpu.memory_space<vmem>>
    %dma_wait3A_66 = tpu.memref_squeeze %dma_wait3A_65 : memref<1x16x128xi32, #tpu.memory_space<vmem>> -> memref<16x128xi32, #tpu.memory_space<vmem>>
    %dma_wait3A_67 = arith.constant 0 : i32
    %dma_wait3A_68 = arith.constant 0 : i32
    %dma_wait3A_69 = tpu.memref_slice %arg3[%arg1, %dma_wait3A_67, %dma_wait3A_68] : memref<16x80x128xi32, #tpu.memory_space<hbm>> -> memref<1x80x128xi32, #tpu.memory_space<hbm>>
    %dma_wait3A_70 = tpu.memref_squeeze %dma_wait3A_69 : memref<1x80x128xi32, #tpu.memory_space<hbm>> -> memref<80x128xi32, #tpu.memory_space<hbm>>
    %dma_wait3A_71 = arith.constant 0 : i32
    %dma_wait3A_72 = arith.constant 0 : i32
    %dma_wait3A_73 = tpu.memref_slice %dma_wait3A_70[%dma_wait3A_71, %dma_wait3A_72] : memref<80x128xi32, #tpu.memory_space<hbm>> -> memref<16x128xi32, #tpu.memory_space<hbm>>
    %dma_wait3A_74 = tpu.memref_slice %arg12[%dma_wait3A_62] : memref<2x!tpu.dma_semaphore, #tpu.memory_space<semaphore_mem>> -> memref<1x!tpu.dma_semaphore, #tpu.memory_space<semaphore_mem>>
    %dma_wait3A_75 = tpu.memref_squeeze %dma_wait3A_74 : memref<1x!tpu.dma_semaphore, #tpu.memory_space<semaphore_mem>> -> memref<!tpu.dma_semaphore, #tpu.memory_space<semaphore_mem>>
    %dma_wait3A_76 = arith.constant 0 : i32
    %dma_wait3A_77 = arith.constant 0 : i32
    %dma_wait3A_78 = tpu.memref_slice %arg6[%dma_wait3A, %dma_wait3A_76, %dma_wait3A_77] : memref<2x16x128xi32, #tpu.memory_space<vmem>> -> memref<1x16x128xi32, #tpu.memory_space<vmem>>
    %dma_wait3A_79 = tpu.memref_squeeze %dma_wait3A_78 : memref<1x16x128xi32, #tpu.memory_space<vmem>> -> memref<16x128xi32, #tpu.memory_space<vmem>>
    %dma_wait3A_80 = arith.constant 0 : i32
    %dma_wait3A_81 = arith.constant 0 : i32
    %dma_wait3A_82 = tpu.memref_slice %arg3[%arg1, %dma_wait3A_80, %dma_wait3A_81] : memref<16x80x128xi32, #tpu.memory_space<hbm>> -> memref<1x80x128xi32, #tpu.memory_space<hbm>>
    %dma_wait3A_83 = tpu.memref_squeeze %dma_wait3A_82 : memref<1x80x128xi32, #tpu.memory_space<hbm>> -> memref<80x128xi32, #tpu.memory_space<hbm>>
    %dma_wait3A_84 = arith.constant 0 : i32
    %dma_wait3A_85 = arith.constant 0 : i32
    %dma_wait3A_86 = tpu.memref_slice %dma_wait3A_83[%dma_wait3A_84, %dma_wait3A_85] : memref<80x128xi32, #tpu.memory_space<hbm>> -> memref<16x128xi32, #tpu.memory_space<hbm>>
    tpu.wait_dma2 semaphore(%dma_wait3A_75 : memref<!tpu.dma_semaphore, #tpu.memory_space<semaphore_mem>>) src(%dma_wait3A_86 : memref<16x128xi32, #tpu.memory_space<hbm>>) dst(%dma_wait3A_79 : memref<16x128xi32, #tpu.memory_space<vmem>>)
    %dma_wait3A_87 = arith.constant 0 : i32
    %dma_wait3A_88 = arith.constant 0 : i32
    %dma_wait3A_89 = arith.constant 0 : i32
    %dma_wait3A_90 = arith.constant 0 : i32
    %dma_wait3A_91 = tpu.memref_slice %arg7[%dma_wait3A_87, %dma_wait3A_89, %dma_wait3A_90] : memref<2x16x128xi32, #tpu.memory_space<vmem>> -> memref<1x16x128xi32, #tpu.memory_space<vmem>>
    %dma_wait3A_92 = tpu.memref_squeeze %dma_wait3A_91 : memref<1x16x128xi32, #tpu.memory_space<vmem>> -> memref<16x128xi32, #tpu.memory_space<vmem>>
    %dma_wait3A_93 = arith.constant 0 : i32
    %dma_wait3A_94 = arith.constant 0 : i32
    %dma_wait3A_95 = tpu.memref_slice %arg4[%arg1, %dma_wait3A_93, %dma_wait3A_94] : memref<16x80x128xi32, #tpu.memory_space<hbm>> -> memref<1x80x128xi32, #tpu.memory_space<hbm>>
    %dma_wait3A_96 = tpu.memref_squeeze %dma_wait3A_95 : memref<1x80x128xi32, #tpu.memory_space<hbm>> -> memref<80x128xi32, #tpu.memory_space<hbm>>
    %dma_wait3A_97 = arith.constant 0 : i32
    %dma_wait3A_98 = arith.constant 0 : i32
    %dma_wait3A_99 = tpu.memref_slice %dma_wait3A_96[%dma_wait3A_97, %dma_wait3A_98] : memref<80x128xi32, #tpu.memory_space<hbm>> -> memref<16x128xi32, #tpu.memory_space<hbm>>
    %dma_wait3A_100 = tpu.memref_slice %arg12[%dma_wait3A_88] : memref<2x!tpu.dma_semaphore, #tpu.memory_space<semaphore_mem>> -> memref<1x!tpu.dma_semaphore, #tpu.memory_space<semaphore_mem>>
    %dma_wait3A_101 = tpu.memref_squeeze %dma_wait3A_100 : memref<1x!tpu.dma_semaphore, #tpu.memory_space<semaphore_mem>> -> memref<!tpu.dma_semaphore, #tpu.memory_space<semaphore_mem>>
    %dma_wait3A_102 = arith.constant 0 : i32
    %dma_wait3A_103 = arith.constant 0 : i32
    %dma_wait3A_104 = tpu.memref_slice %arg7[%dma_wait3A_87, %dma_wait3A_102, %dma_wait3A_103] : memref<2x16x128xi32, #tpu.memory_space<vmem>> -> memref<1x16x128xi32, #tpu.memory_space<vmem>>
    %dma_wait3A_105 = tpu.memref_squeeze %dma_wait3A_104 : memref<1x16x128xi32, #tpu.memory_space<vmem>> -> memref<16x128xi32, #tpu.memory_space<vmem>>
    %dma_wait3A_106 = arith.constant 0 : i32
    %dma_wait3A_107 = arith.constant 0 : i32
    %dma_wait3A_108 = tpu.memref_slice %arg4[%arg1, %dma_wait3A_106, %dma_wait3A_107] : memref<16x80x128xi32, #tpu.memory_space<hbm>> -> memref<1x80x128xi32, #tpu.memory_space<hbm>>
    %dma_wait3A_109 = tpu.memref_squeeze %dma_wait3A_108 : memref<1x80x128xi32, #tpu.memory_space<hbm>> -> memref<80x128xi32, #tpu.memory_space<hbm>>
    %dma_wait3A_110 = arith.constant 0 : i32
    %dma_wait3A_111 = arith.constant 0 : i32
    %dma_wait3A_112 = tpu.memref_slice %dma_wait3A_109[%dma_wait3A_110, %dma_wait3A_111] : memref<80x128xi32, #tpu.memory_space<hbm>> -> memref<16x128xi32, #tpu.memory_space<hbm>>
    tpu.wait_dma2 semaphore(%dma_wait3A_101 : memref<!tpu.dma_semaphore, #tpu.memory_space<semaphore_mem>>) src(%dma_wait3A_112 : memref<16x128xi32, #tpu.memory_space<hbm>>) dst(%dma_wait3A_105 : memref<16x128xi32, #tpu.memory_space<vmem>>)
    %dma_start3A_113 = arith.constant 0 : i32
    %dma_start3A_114 = arith.constant 0 : i32
    %dma_start3A_115 = arith.constant 0 : i32
    %dma_start3A_116 = arith.constant 0 : i32
    %dma_start3A_117 = arith.constant 0 : i32
    %dma_start3A_118 = arith.constant 0 : i32
    %dma_start3A_119 = tpu.memref_slice %arg8[%dma_start3A_115, %dma_start3A_117, %dma_start3A_118] : memref<2x128x128xf32, #tpu.memory_space<vmem>> -> memref<1x128x128xf32, #tpu.memory_space<vmem>>
    %dma_start3A_120 = tpu.memref_squeeze %dma_start3A_119 : memref<1x128x128xf32, #tpu.memory_space<vmem>> -> memref<128x128xf32, #tpu.memory_space<vmem>>
    %dma_start3A_121 = arith.constant 0 : i32
    %dma_start3A_122 = arith.constant 0 : i32
    %dma_start3A_123 = tpu.memref_slice %arg6[%dma_start3A_113, %dma_start3A_121, %dma_start3A_122] : memref<2x16x128xi32, #tpu.memory_space<vmem>> -> memref<1x16x128xi32, #tpu.memory_space<vmem>>
    %dma_start3A_124 = tpu.memref_squeeze %dma_start3A_123 : memref<1x16x128xi32, #tpu.memory_space<vmem>> -> memref<16x128xi32, #tpu.memory_space<vmem>>
    %dma_start3A_125 = arith.constant 0 : i32
    %dma_start3A_126 = tpu.memref_slice %dma_start3A_124[%dma_start3A_114, %dma_start3A_125] : memref<16x128xi32, #tpu.memory_space<vmem>> -> memref<1x128xi32, #tpu.memory_space<vmem>>
    %dma_start3A_127 = tpu.memref_squeeze %dma_start3A_126 : memref<1x128xi32, #tpu.memory_space<vmem>> -> memref<128xi32, #tpu.memory_space<vmem>>
    %dma_start3A_128 = arith.constant 0 : i32
    %dma_start3A_129 = arith.constant 0 : i32
    %dma_start3A_130 = tpu.memref_slice %arg2[%arg0, %dma_start3A_128, %dma_start3A_129] : memref<2x10240x128xf32, #tpu.memory_space<hbm>> -> memref<1x10240x128xf32, #tpu.memory_space<hbm>>
    %dma_start3A_131 = tpu.memref_squeeze %dma_start3A_130 : memref<1x10240x128xf32, #tpu.memory_space<hbm>> -> memref<10240x128xf32, #tpu.memory_space<hbm>>
    %dma_start3A_132 = arith.constant 0 : i32
    %dma_start3A_133 = arith.constant 0 : i32
    %dma_start3A_134 = tpu.memref_slice %dma_start3A_131[%dma_start3A_132, %dma_start3A_133] : memref<10240x128xf32, #tpu.memory_space<hbm>> -> memref<10240x128xf32, #tpu.memory_space<hbm>>
    %dma_start3A_135 = tpu.memref_slice %arg10[%dma_start3A_116] : memref<2x!tpu.dma_semaphore, #tpu.memory_space<semaphore_mem>> -> memref<1x!tpu.dma_semaphore, #tpu.memory_space<semaphore_mem>>
    %dma_start3A_136 = tpu.memref_squeeze %dma_start3A_135 : memref<1x!tpu.dma_semaphore, #tpu.memory_space<semaphore_mem>> -> memref<!tpu.dma_semaphore, #tpu.memory_space<semaphore_mem>>
    tpu.enqueue_indirect_dma source(%dma_start3A_134 : memref<10240x128xf32, #tpu.memory_space<hbm>>) target(%dma_start3A_120 : memref<128x128xf32, #tpu.memory_space<vmem>>) offsets(%dma_start3A_127 : memref<128xi32, #tpu.memory_space<vmem>>) semaphore(%dma_start3A_136 : memref<!tpu.dma_semaphore, #tpu.memory_space<semaphore_mem>>)
    %dma_wait3A_137 = arith.constant 0 : i32
    %dma_wait3A_138 = tpu.memref_slice %arg9[%mul3A_2, %dma_wait3A_137] : memref<10240x128xf32, #tpu.memory_space<vmem_shared>> -> memref<640x128xf32, #tpu.memory_space<vmem_shared>>
    %dma_wait3A_139 = arith.constant 0 : i32
    %dma_wait3A_140 = arith.constant 0 : i32
    %dma_wait3A_141 = tpu.memref_slice %arg2[%arg0, %dma_wait3A_139, %dma_wait3A_140] : memref<2x10240x128xf32, #tpu.memory_space<hbm>> -> memref<1x10240x128xf32, #tpu.memory_space<hbm>>
    %dma_wait3A_142 = tpu.memref_squeeze %dma_wait3A_141 : memref<1x10240x128xf32, #tpu.memory_space<hbm>> -> memref<10240x128xf32, #tpu.memory_space<hbm>>
    %dma_wait3A_143 = arith.constant 0 : i32
    %dma_wait3A_144 = tpu.memref_slice %dma_wait3A_142[%mul3A_0, %dma_wait3A_143] : memref<10240x128xf32, #tpu.memory_space<hbm>> -> memref<640x128xf32, #tpu.memory_space<hbm>>
    tpu.wait_dma2 semaphore(%arg13 : memref<!tpu.dma_semaphore, #tpu.memory_space<semaphore_mem>>) src(%dma_wait3A_144 : memref<640x128xf32, #tpu.memory_space<hbm>>) dst(%dma_wait3A_138 : memref<640x128xf32, #tpu.memory_space<vmem_shared>>)
    %barrier3A = arith.constant 0 : index
    tpu.barrier barrier_id(%barrier3A)
    %scan3A = arith.constant 0 : i32
    %scan3A_145 = arith.constant 0 : i32
    %scan3A_146 = arith.constant 5 : i32
    %scan3A_147 = arith.addi %scan3A_145, %scan3A_146 : i32
    %scan3A_148 = arith.constant 1 : i32
    scf.for %scan3A_175 = %scan3A_145 to %scan3A_147 step %scan3A_148  : i32 {
      %rem3A = arith.constant 2 : i32
      %rem3A_176 = arith.remsi %scan3A_175, %rem3A : i32
      %add3A = arith.constant 1 : i32
      %add3A_177 = arith.addi %scan3A_175, %add3A : i32
      %rem3A_178 = arith.constant 2 : i32
      %rem3A_179 = arith.remsi %add3A_177, %rem3A_178 : i32
      %ge3A = arith.constant 1 : i32
      %ge3A_180 = arith.cmpi sge, %scan3A_175, %ge3A : i32
      %convert_element_type3A = arith.extui %ge3A_180 : i1 to i32
      %cond3A = arith.constant 0 : i32
      %cond3A_181 = arith.cmpi ne, %convert_element_type3A, %cond3A : i32
      scf.if %cond3A_181 {
        %dma_wait3A_1512 = arith.constant 1 : i32
        %dma_wait3A_1513 = arith.constant 0 : i32
        %dma_wait3A_1514 = arith.constant 0 : i32
        %dma_wait3A_1515 = arith.constant 1 : i32
        %dma_wait3A_1516 = arith.constant 0 : i32
        %dma_wait3A_1517 = arith.constant 0 : i32
        %dma_wait3A_1518 = tpu.memref_slice %arg8[%dma_wait3A_1512, %dma_wait3A_1516, %dma_wait3A_1517] : memref<2x128x128xf32, #tpu.memory_space<vmem>> -> memref<1x128x128xf32, #tpu.memory_space<vmem>>
        %dma_wait3A_1519 = tpu.memref_squeeze %dma_wait3A_1518 : memref<1x128x128xf32, #tpu.memory_space<vmem>> -> memref<128x128xf32, #tpu.memory_space<vmem>>
        %dma_wait3A_1520 = arith.constant 0 : i32
        %dma_wait3A_1521 = arith.constant 0 : i32
        %dma_wait3A_1522 = tpu.memref_slice %arg7[%dma_wait3A_1513, %dma_wait3A_1520, %dma_wait3A_1521] : memref<2x16x128xi32, #tpu.memory_space<vmem>> -> memref<1x16x128xi32, #tpu.memory_space<vmem>>
        %dma_wait3A_1523 = tpu.memref_squeeze %dma_wait3A_1522 : memref<1x16x128xi32, #tpu.memory_space<vmem>> -> memref<16x128xi32, #tpu.memory_space<vmem>>
        %dma_wait3A_1524 = arith.constant 0 : i32
        %dma_wait3A_1525 = tpu.memref_slice %dma_wait3A_1523[%dma_wait3A_1514, %dma_wait3A_1524] : memref<16x128xi32, #tpu.memory_space<vmem>> -> memref<1x128xi32, #tpu.memory_space<vmem>>
        %dma_wait3A_1526 = tpu.memref_squeeze %dma_wait3A_1525 : memref<1x128xi32, #tpu.memory_space<vmem>> -> memref<128xi32, #tpu.memory_space<vmem>>
        %dma_wait3A_1527 = arith.constant 0 : i32
        %dma_wait3A_1528 = arith.constant 0 : i32
        %dma_wait3A_1529 = tpu.memref_slice %arg9[%dma_wait3A_1527, %dma_wait3A_1528] : memref<10240x128xf32, #tpu.memory_space<vmem_shared>> -> memref<10240x128xf32, #tpu.memory_space<vmem_shared>>
        %dma_wait3A_1530 = tpu.memref_slice %arg11[%dma_wait3A_1515] : memref<2x!tpu.dma_semaphore, #tpu.memory_space<semaphore_mem>> -> memref<1x!tpu.dma_semaphore, #tpu.memory_space<semaphore_mem>>
        %dma_wait3A_1531 = tpu.memref_squeeze %dma_wait3A_1530 : memref<1x!tpu.dma_semaphore, #tpu.memory_space<semaphore_mem>> -> memref<!tpu.dma_semaphore, #tpu.memory_space<semaphore_mem>>
        tpu.wait_indirect_dma semaphore(%dma_wait3A_1531 : memref<!tpu.dma_semaphore, #tpu.memory_space<semaphore_mem>>) src(%dma_wait3A_1519 : memref<128x128xf32, #tpu.memory_space<vmem>>) dst(%dma_wait3A_1529 : memref<10240x128xf32, #tpu.memory_space<vmem_shared>>)
      } else {
      }
      %dma_start3A_182 = arith.constant 1 : i32
      %dma_start3A_183 = arith.constant 1 : i32
      %dma_start3A_184 = arith.constant 1 : i32
      %dma_start3A_185 = arith.constant 0 : i32
      %dma_start3A_186 = arith.constant 0 : i32
      %dma_start3A_187 = tpu.memref_slice %arg8[%dma_start3A_183, %dma_start3A_185, %dma_start3A_186] : memref<2x128x128xf32, #tpu.memory_space<vmem>> -> memref<1x128x128xf32, #tpu.memory_space<vmem>>
      %dma_start3A_188 = tpu.memref_squeeze %dma_start3A_187 : memref<1x128x128xf32, #tpu.memory_space<vmem>> -> memref<128x128xf32, #tpu.memory_space<vmem>>
      %dma_start3A_189 = arith.constant 0 : i32
      %dma_start3A_190 = arith.constant 0 : i32
      %dma_start3A_191 = tpu.memref_slice %arg6[%rem3A_176, %dma_start3A_189, %dma_start3A_190] : memref<2x16x128xi32, #tpu.memory_space<vmem>> -> memref<1x16x128xi32, #tpu.memory_space<vmem>>
      %dma_start3A_192 = tpu.memref_squeeze %dma_start3A_191 : memref<1x16x128xi32, #tpu.memory_space<vmem>> -> memref<16x128xi32, #tpu.memory_space<vmem>>
      %dma_start3A_193 = arith.constant 0 : i32
      %dma_start3A_194 = tpu.memref_slice %dma_start3A_192[%dma_start3A_182, %dma_start3A_193] : memref<16x128xi32, #tpu.memory_space<vmem>> -> memref<1x128xi32, #tpu.memory_space<vmem>>
      %dma_start3A_195 = tpu.memref_squeeze %dma_start3A_194 : memref<1x128xi32, #tpu.memory_space<vmem>> -> memref<128xi32, #tpu.memory_space<vmem>>
      %dma_start3A_196 = arith.constant 0 : i32
      %dma_start3A_197 = arith.constant 0 : i32
      %dma_start3A_198 = tpu.memref_slice %arg2[%arg0, %dma_start3A_196, %dma_start3A_197] : memref<2x10240x128xf32, #tpu.memory_space<hbm>> -> memref<1x10240x128xf32, #tpu.memory_space<hbm>>
      %dma_start3A_199 = tpu.memref_squeeze %dma_start3A_198 : memref<1x10240x128xf32, #tpu.memory_space<hbm>> -> memref<10240x128xf32, #tpu.memory_space<hbm>>
      %dma_start3A_200 = arith.constant 0 : i32
      %dma_start3A_201 = arith.constant 0 : i32
      %dma_start3A_202 = tpu.memref_slice %dma_start3A_199[%dma_start3A_200, %dma_start3A_201] : memref<10240x128xf32, #tpu.memory_space<hbm>> -> memref<10240x128xf32, #tpu.memory_space<hbm>>
      %dma_start3A_203 = tpu.memref_slice %arg10[%dma_start3A_184] : memref<2x!tpu.dma_semaphore, #tpu.memory_space<semaphore_mem>> -> memref<1x!tpu.dma_semaphore, #tpu.memory_space<semaphore_mem>>
      %dma_start3A_204 = tpu.memref_squeeze %dma_start3A_203 : memref<1x!tpu.dma_semaphore, #tpu.memory_space<semaphore_mem>> -> memref<!tpu.dma_semaphore, #tpu.memory_space<semaphore_mem>>
      tpu.enqueue_indirect_dma source(%dma_start3A_202 : memref<10240x128xf32, #tpu.memory_space<hbm>>) target(%dma_start3A_188 : memref<128x128xf32, #tpu.memory_space<vmem>>) offsets(%dma_start3A_195 : memref<128xi32, #tpu.memory_space<vmem>>) semaphore(%dma_start3A_204 : memref<!tpu.dma_semaphore, #tpu.memory_space<semaphore_mem>>)
      %dma_wait3A_205 = arith.constant 0 : i32
      %dma_wait3A_206 = arith.constant 0 : i32
      %dma_wait3A_207 = arith.constant 0 : i32
      %dma_wait3A_208 = arith.constant 0 : i32
      %dma_wait3A_209 = arith.constant 0 : i32
      %dma_wait3A_210 = tpu.memref_slice %arg8[%dma_wait3A_206, %dma_wait3A_208, %dma_wait3A_209] : memref<2x128x128xf32, #tpu.memory_space<vmem>> -> memref<1x128x128xf32, #tpu.memory_space<vmem>>
      %dma_wait3A_211 = tpu.memref_squeeze %dma_wait3A_210 : memref<1x128x128xf32, #tpu.memory_space<vmem>> -> memref<128x128xf32, #tpu.memory_space<vmem>>
      %dma_wait3A_212 = arith.constant 0 : i32
      %dma_wait3A_213 = arith.constant 0 : i32
      %dma_wait3A_214 = tpu.memref_slice %arg6[%rem3A_176, %dma_wait3A_212, %dma_wait3A_213] : memref<2x16x128xi32, #tpu.memory_space<vmem>> -> memref<1x16x128xi32, #tpu.memory_space<vmem>>
      %dma_wait3A_215 = tpu.memref_squeeze %dma_wait3A_214 : memref<1x16x128xi32, #tpu.memory_space<vmem>> -> memref<16x128xi32, #tpu.memory_space<vmem>>
      %dma_wait3A_216 = arith.constant 0 : i32
      %dma_wait3A_217 = tpu.memref_slice %dma_wait3A_215[%dma_wait3A_205, %dma_wait3A_216] : memref<16x128xi32, #tpu.memory_space<vmem>> -> memref<1x128xi32, #tpu.memory_space<vmem>>
      %dma_wait3A_218 = tpu.memref_squeeze %dma_wait3A_217 : memref<1x128xi32, #tpu.memory_space<vmem>> -> memref<128xi32, #tpu.memory_space<vmem>>
      %dma_wait3A_219 = arith.constant 0 : i32
      %dma_wait3A_220 = arith.constant 0 : i32
      %dma_wait3A_221 = tpu.memref_slice %arg2[%arg0, %dma_wait3A_219, %dma_wait3A_220] : memref<2x10240x128xf32, #tpu.memory_space<hbm>> -> memref<1x10240x128xf32, #tpu.memory_space<hbm>>
      %dma_wait3A_222 = tpu.memref_squeeze %dma_wait3A_221 : memref<1x10240x128xf32, #tpu.memory_space<hbm>> -> memref<10240x128xf32, #tpu.memory_space<hbm>>
      %dma_wait3A_223 = arith.constant 0 : i32
      %dma_wait3A_224 = arith.constant 0 : i32
      %dma_wait3A_225 = tpu.memref_slice %dma_wait3A_222[%dma_wait3A_223, %dma_wait3A_224] : memref<10240x128xf32, #tpu.memory_space<hbm>> -> memref<10240x128xf32, #tpu.memory_space<hbm>>
      %dma_wait3A_226 = tpu.memref_slice %arg10[%dma_wait3A_207] : memref<2x!tpu.dma_semaphore, #tpu.memory_space<semaphore_mem>> -> memref<1x!tpu.dma_semaphore, #tpu.memory_space<semaphore_mem>>
      %dma_wait3A_227 = tpu.memref_squeeze %dma_wait3A_226 : memref<1x!tpu.dma_semaphore, #tpu.memory_space<semaphore_mem>> -> memref<!tpu.dma_semaphore, #tpu.memory_space<semaphore_mem>>
      tpu.wait_indirect_dma semaphore(%dma_wait3A_227 : memref<!tpu.dma_semaphore, #tpu.memory_space<semaphore_mem>>) src(%dma_wait3A_225 : memref<10240x128xf32, #tpu.memory_space<hbm>>) dst(%dma_wait3A_211 : memref<128x128xf32, #tpu.memory_space<vmem>>)
      %dma_start3A_228 = arith.constant 0 : i32
      %dma_start3A_229 = arith.constant 0 : i32
      %dma_start3A_230 = arith.constant 0 : i32
      %dma_start3A_231 = arith.constant 0 : i32
      %dma_start3A_232 = arith.constant 0 : i32
      %dma_start3A_233 = tpu.memref_slice %arg8[%dma_start3A_228, %dma_start3A_231, %dma_start3A_232] : memref<2x128x128xf32, #tpu.memory_space<vmem>> -> memref<1x128x128xf32, #tpu.memory_space<vmem>>
      %dma_start3A_234 = tpu.memref_squeeze %dma_start3A_233 : memref<1x128x128xf32, #tpu.memory_space<vmem>> -> memref<128x128xf32, #tpu.memory_space<vmem>>
      %dma_start3A_235 = arith.constant 0 : i32
      %dma_start3A_236 = arith.constant 0 : i32
      %dma_start3A_237 = tpu.memref_slice %arg7[%rem3A_176, %dma_start3A_235, %dma_start3A_236] : memref<2x16x128xi32, #tpu.memory_space<vmem>> -> memref<1x16x128xi32, #tpu.memory_space<vmem>>
      %dma_start3A_238 = tpu.memref_squeeze %dma_start3A_237 : memref<1x16x128xi32, #tpu.memory_space<vmem>> -> memref<16x128xi32, #tpu.memory_space<vmem>>
      %dma_start3A_239 = arith.constant 0 : i32
      %dma_start3A_240 = tpu.memref_slice %dma_start3A_238[%dma_start3A_229, %dma_start3A_239] : memref<16x128xi32, #tpu.memory_space<vmem>> -> memref<1x128xi32, #tpu.memory_space<vmem>>
      %dma_start3A_241 = tpu.memref_squeeze %dma_start3A_240 : memref<1x128xi32, #tpu.memory_space<vmem>> -> memref<128xi32, #tpu.memory_space<vmem>>
      %dma_start3A_242 = arith.constant 0 : i32
      %dma_start3A_243 = arith.constant 0 : i32
      %dma_start3A_244 = tpu.memref_slice %arg9[%dma_start3A_242, %dma_start3A_243] : memref<10240x128xf32, #tpu.memory_space<vmem_shared>> -> memref<10240x128xf32, #tpu.memory_space<vmem_shared>>
      %dma_start3A_245 = tpu.memref_slice %arg11[%dma_start3A_230] : memref<2x!tpu.dma_semaphore, #tpu.memory_space<semaphore_mem>> -> memref<1x!tpu.dma_semaphore, #tpu.memory_space<semaphore_mem>>
      %dma_start3A_246 = tpu.memref_squeeze %dma_start3A_245 : memref<1x!tpu.dma_semaphore, #tpu.memory_space<semaphore_mem>> -> memref<!tpu.dma_semaphore, #tpu.memory_space<semaphore_mem>>
      tpu.enqueue_indirect_dma source(%dma_start3A_234 : memref<128x128xf32, #tpu.memory_space<vmem>>) target(%dma_start3A_244 : memref<10240x128xf32, #tpu.memory_space<vmem_shared>>) offsets(%dma_start3A_241 : memref<128xi32, #tpu.memory_space<vmem>>) semaphore(%dma_start3A_246 : memref<!tpu.dma_semaphore, #tpu.memory_space<semaphore_mem>>) {add = true}
      %dma_wait3A_247 = arith.constant 0 : i32
      %dma_wait3A_248 = arith.constant 0 : i32
      %dma_wait3A_249 = arith.constant 0 : i32
      %dma_wait3A_250 = arith.constant 0 : i32
      %dma_wait3A_251 = arith.constant 0 : i32
      %dma_wait3A_252 = arith.constant 0 : i32
      %dma_wait3A_253 = tpu.memref_slice %arg8[%dma_wait3A_247, %dma_wait3A_251, %dma_wait3A_252] : memref<2x128x128xf32, #tpu.memory_space<vmem>> -> memref<1x128x128xf32, #tpu.memory_space<vmem>>
      %dma_wait3A_254 = tpu.memref_squeeze %dma_wait3A_253 : memref<1x128x128xf32, #tpu.memory_space<vmem>> -> memref<128x128xf32, #tpu.memory_space<vmem>>
      %dma_wait3A_255 = arith.constant 0 : i32
      %dma_wait3A_256 = arith.constant 0 : i32
      %dma_wait3A_257 = tpu.memref_slice %arg7[%dma_wait3A_248, %dma_wait3A_255, %dma_wait3A_256] : memref<2x16x128xi32, #tpu.memory_space<vmem>> -> memref<1x16x128xi32, #tpu.memory_space<vmem>>
      %dma_wait3A_258 = tpu.memref_squeeze %dma_wait3A_257 : memref<1x16x128xi32, #tpu.memory_space<vmem>> -> memref<16x128xi32, #tpu.memory_space<vmem>>
      %dma_wait3A_259 = arith.constant 0 : i32
      %dma_wait3A_260 = tpu.memref_slice %dma_wait3A_258[%dma_wait3A_249, %dma_wait3A_259] : memref<16x128xi32, #tpu.memory_space<vmem>> -> memref<1x128xi32, #tpu.memory_space<vmem>>
      %dma_wait3A_261 = tpu.memref_squeeze %dma_wait3A_260 : memref<1x128xi32, #tpu.memory_space<vmem>> -> memref<128xi32, #tpu.memory_space<vmem>>
      %dma_wait3A_262 = arith.constant 0 : i32
      %dma_wait3A_263 = arith.constant 0 : i32
      %dma_wait3A_264 = tpu.memref_slice %arg9[%dma_wait3A_262, %dma_wait3A_263] : memref<10240x128xf32, #tpu.memory_space<vmem_shared>> -> memref<10240x128xf32, #tpu.memory_space<vmem_shared>>
      %dma_wait3A_265 = tpu.memref_slice %arg11[%dma_wait3A_250] : memref<2x!tpu.dma_semaphore, #tpu.memory_space<semaphore_mem>> -> memref<1x!tpu.dma_semaphore, #tpu.memory_space<semaphore_mem>>
      %dma_wait3A_266 = tpu.memref_squeeze %dma_wait3A_265 : memref<1x!tpu.dma_semaphore, #tpu.memory_space<semaphore_mem>> -> memref<!tpu.dma_semaphore, #tpu.memory_space<semaphore_mem>>
      tpu.wait_indirect_dma semaphore(%dma_wait3A_266 : memref<!tpu.dma_semaphore, #tpu.memory_space<semaphore_mem>>) src(%dma_wait3A_254 : memref<128x128xf32, #tpu.memory_space<vmem>>) dst(%dma_wait3A_264 : memref<10240x128xf32, #tpu.memory_space<vmem_shared>>)
      %dma_start3A_267 = arith.constant 2 : i32
      %dma_start3A_268 = arith.constant 0 : i32
      %dma_start3A_269 = arith.constant 0 : i32
      %dma_start3A_270 = arith.constant 0 : i32
      %dma_start3A_271 = arith.constant 0 : i32
      %dma_start3A_272 = tpu.memref_slice %arg8[%dma_start3A_268, %dma_start3A_270, %dma_start3A_271] : memref<2x128x128xf32, #tpu.memory_space<vmem>> -> memref<1x128x128xf32, #tpu.memory_space<vmem>>
      %dma_start3A_273 = tpu.memref_squeeze %dma_start3A_272 : memref<1x128x128xf32, #tpu.memory_space<vmem>> -> memref<128x128xf32, #tpu.memory_space<vmem>>
      %dma_start3A_274 = arith.constant 0 : i32
      %dma_start3A_275 = arith.constant 0 : i32
      %dma_start3A_276 = tpu.memref_slice %arg6[%rem3A_176, %dma_start3A_274, %dma_start3A_275] : memref<2x16x128xi32, #tpu.memory_space<vmem>> -> memref<1x16x128xi32, #tpu.memory_space<vmem>>
      %dma_start3A_277 = tpu.memref_squeeze %dma_start3A_276 : memref<1x16x128xi32, #tpu.memory_space<vmem>> -> memref<16x128xi32, #tpu.memory_space<vmem>>
      %dma_start3A_278 = arith.constant 0 : i32
      %dma_start3A_279 = tpu.memref_slice %dma_start3A_277[%dma_start3A_267, %dma_start3A_278] : memref<16x128xi32, #tpu.memory_space<vmem>> -> memref<1x128xi32, #tpu.memory_space<vmem>>
      %dma_start3A_280 = tpu.memref_squeeze %dma_start3A_279 : memref<1x128xi32, #tpu.memory_space<vmem>> -> memref<128xi32, #tpu.memory_space<vmem>>
      %dma_start3A_281 = arith.constant 0 : i32
      %dma_start3A_282 = arith.constant 0 : i32
      %dma_start3A_283 = tpu.memref_slice %arg2[%arg0, %dma_start3A_281, %dma_start3A_282] : memref<2x10240x128xf32, #tpu.memory_space<hbm>> -> memref<1x10240x128xf32, #tpu.memory_space<hbm>>
      %dma_start3A_284 = tpu.memref_squeeze %dma_start3A_283 : memref<1x10240x128xf32, #tpu.memory_space<hbm>> -> memref<10240x128xf32, #tpu.memory_space<hbm>>
      %dma_start3A_285 = arith.constant 0 : i32
      %dma_start3A_286 = arith.constant 0 : i32
      %dma_start3A_287 = tpu.memref_slice %dma_start3A_284[%dma_start3A_285, %dma_start3A_286] : memref<10240x128xf32, #tpu.memory_space<hbm>> -> memref<10240x128xf32, #tpu.memory_space<hbm>>
      %dma_start3A_288 = tpu.memref_slice %arg10[%dma_start3A_269] : memref<2x!tpu.dma_semaphore, #tpu.memory_space<semaphore_mem>> -> memref<1x!tpu.dma_semaphore, #tpu.memory_space<semaphore_mem>>
      %dma_start3A_289 = tpu.memref_squeeze %dma_start3A_288 : memref<1x!tpu.dma_semaphore, #tpu.memory_space<semaphore_mem>> -> memref<!tpu.dma_semaphore, #tpu.memory_space<semaphore_mem>>
      tpu.enqueue_indirect_dma source(%dma_start3A_287 : memref<10240x128xf32, #tpu.memory_space<hbm>>) target(%dma_start3A_273 : memref<128x128xf32, #tpu.memory_space<vmem>>) offsets(%dma_start3A_280 : memref<128xi32, #tpu.memory_space<vmem>>) semaphore(%dma_start3A_289 : memref<!tpu.dma_semaphore, #tpu.memory_space<semaphore_mem>>)
      %dma_wait3A_290 = arith.constant 1 : i32
      %dma_wait3A_291 = arith.constant 1 : i32
      %dma_wait3A_292 = arith.constant 1 : i32
      %dma_wait3A_293 = arith.constant 0 : i32
      %dma_wait3A_294 = arith.constant 0 : i32
      %dma_wait3A_295 = tpu.memref_slice %arg8[%dma_wait3A_291, %dma_wait3A_293, %dma_wait3A_294] : memref<2x128x128xf32, #tpu.memory_space<vmem>> -> memref<1x128x128xf32, #tpu.memory_space<vmem>>
      %dma_wait3A_296 = tpu.memref_squeeze %dma_wait3A_295 : memref<1x128x128xf32, #tpu.memory_space<vmem>> -> memref<128x128xf32, #tpu.memory_space<vmem>>
      %dma_wait3A_297 = arith.constant 0 : i32
      %dma_wait3A_298 = arith.constant 0 : i32
      %dma_wait3A_299 = tpu.memref_slice %arg6[%rem3A_176, %dma_wait3A_297, %dma_wait3A_298] : memref<2x16x128xi32, #tpu.memory_space<vmem>> -> memref<1x16x128xi32, #tpu.memory_space<vmem>>
      %dma_wait3A_300 = tpu.memref_squeeze %dma_wait3A_299 : memref<1x16x128xi32, #tpu.memory_space<vmem>> -> memref<16x128xi32, #tpu.memory_space<vmem>>
      %dma_wait3A_301 = arith.constant 0 : i32
      %dma_wait3A_302 = tpu.memref_slice %dma_wait3A_300[%dma_wait3A_290, %dma_wait3A_301] : memref<16x128xi32, #tpu.memory_space<vmem>> -> memref<1x128xi32, #tpu.memory_space<vmem>>
      %dma_wait3A_303 = tpu.memref_squeeze %dma_wait3A_302 : memref<1x128xi32, #tpu.memory_space<vmem>> -> memref<128xi32, #tpu.memory_space<vmem>>
      %dma_wait3A_304 = arith.constant 0 : i32
      %dma_wait3A_305 = arith.constant 0 : i32
      %dma_wait3A_306 = tpu.memref_slice %arg2[%arg0, %dma_wait3A_304, %dma_wait3A_305] : memref<2x10240x128xf32, #tpu.memory_space<hbm>> -> memref<1x10240x128xf32, #tpu.memory_space<hbm>>
      %dma_wait3A_307 = tpu.memref_squeeze %dma_wait3A_306 : memref<1x10240x128xf32, #tpu.memory_space<hbm>> -> memref<10240x128xf32, #tpu.memory_space<hbm>>
      %dma_wait3A_308 = arith.constant 0 : i32
      %dma_wait3A_309 = arith.constant 0 : i32
      %dma_wait3A_310 = tpu.memref_slice %dma_wait3A_307[%dma_wait3A_308, %dma_wait3A_309] : memref<10240x128xf32, #tpu.memory_space<hbm>> -> memref<10240x128xf32, #tpu.memory_space<hbm>>
      %dma_wait3A_311 = tpu.memref_slice %arg10[%dma_wait3A_292] : memref<2x!tpu.dma_semaphore, #tpu.memory_space<semaphore_mem>> -> memref<1x!tpu.dma_semaphore, #tpu.memory_space<semaphore_mem>>
      %dma_wait3A_312 = tpu.memref_squeeze %dma_wait3A_311 : memref<1x!tpu.dma_semaphore, #tpu.memory_space<semaphore_mem>> -> memref<!tpu.dma_semaphore, #tpu.memory_space<semaphore_mem>>
      tpu.wait_indirect_dma semaphore(%dma_wait3A_312 : memref<!tpu.dma_semaphore, #tpu.memory_space<semaphore_mem>>) src(%dma_wait3A_310 : memref<10240x128xf32, #tpu.memory_space<hbm>>) dst(%dma_wait3A_296 : memref<128x128xf32, #tpu.memory_space<vmem>>)
      %dma_start3A_313 = arith.constant 1 : i32
      %dma_start3A_314 = arith.constant 1 : i32
      %dma_start3A_315 = arith.constant 1 : i32
      %dma_start3A_316 = arith.constant 0 : i32
      %dma_start3A_317 = arith.constant 0 : i32
      %dma_start3A_318 = tpu.memref_slice %arg8[%dma_start3A_313, %dma_start3A_316, %dma_start3A_317] : memref<2x128x128xf32, #tpu.memory_space<vmem>> -> memref<1x128x128xf32, #tpu.memory_space<vmem>>
      %dma_start3A_319 = tpu.memref_squeeze %dma_start3A_318 : memref<1x128x128xf32, #tpu.memory_space<vmem>> -> memref<128x128xf32, #tpu.memory_space<vmem>>
      %dma_start3A_320 = arith.constant 0 : i32
      %dma_start3A_321 = arith.constant 0 : i32
      %dma_start3A_322 = tpu.memref_slice %arg7[%rem3A_176, %dma_start3A_320, %dma_start3A_321] : memref<2x16x128xi32, #tpu.memory_space<vmem>> -> memref<1x16x128xi32, #tpu.memory_space<vmem>>
      %dma_start3A_323 = tpu.memref_squeeze %dma_start3A_322 : memref<1x16x128xi32, #tpu.memory_space<vmem>> -> memref<16x128xi32, #tpu.memory_space<vmem>>
      %dma_start3A_324 = arith.constant 0 : i32
      %dma_start3A_325 = tpu.memref_slice %dma_start3A_323[%dma_start3A_314, %dma_start3A_324] : memref<16x128xi32, #tpu.memory_space<vmem>> -> memref<1x128xi32, #tpu.memory_space<vmem>>
      %dma_start3A_326 = tpu.memref_squeeze %dma_start3A_325 : memref<1x128xi32, #tpu.memory_space<vmem>> -> memref<128xi32, #tpu.memory_space<vmem>>
      %dma_start3A_327 = arith.constant 0 : i32
      %dma_start3A_328 = arith.constant 0 : i32
      %dma_start3A_329 = tpu.memref_slice %arg9[%dma_start3A_327, %dma_start3A_328] : memref<10240x128xf32, #tpu.memory_space<vmem_shared>> -> memref<10240x128xf32, #tpu.memory_space<vmem_shared>>
      %dma_start3A_330 = tpu.memref_slice %arg11[%dma_start3A_315] : memref<2x!tpu.dma_semaphore, #tpu.memory_space<semaphore_mem>> -> memref<1x!tpu.dma_semaphore, #tpu.memory_space<semaphore_mem>>
      %dma_start3A_331 = tpu.memref_squeeze %dma_start3A_330 : memref<1x!tpu.dma_semaphore, #tpu.memory_space<semaphore_mem>> -> memref<!tpu.dma_semaphore, #tpu.memory_space<semaphore_mem>>
      tpu.enqueue_indirect_dma source(%dma_start3A_319 : memref<128x128xf32, #tpu.memory_space<vmem>>) target(%dma_start3A_329 : memref<10240x128xf32, #tpu.memory_space<vmem_shared>>) offsets(%dma_start3A_326 : memref<128xi32, #tpu.memory_space<vmem>>) semaphore(%dma_start3A_331 : memref<!tpu.dma_semaphore, #tpu.memory_space<semaphore_mem>>) {add = true}
      %dma_wait3A_332 = arith.constant 1 : i32
      %dma_wait3A_333 = arith.constant 0 : i32
      %dma_wait3A_334 = arith.constant 0 : i32
      %dma_wait3A_335 = arith.constant 1 : i32
      %dma_wait3A_336 = arith.constant 0 : i32
      %dma_wait3A_337 = arith.constant 0 : i32
      %dma_wait3A_338 = tpu.memref_slice %arg8[%dma_wait3A_332, %dma_wait3A_336, %dma_wait3A_337] : memref<2x128x128xf32, #tpu.memory_space<vmem>> -> memref<1x128x128xf32, #tpu.memory_space<vmem>>
      %dma_wait3A_339 = tpu.memref_squeeze %dma_wait3A_338 : memref<1x128x128xf32, #tpu.memory_space<vmem>> -> memref<128x128xf32, #tpu.memory_space<vmem>>
      %dma_wait3A_340 = arith.constant 0 : i32
      %dma_wait3A_341 = arith.constant 0 : i32
      %dma_wait3A_342 = tpu.memref_slice %arg7[%dma_wait3A_333, %dma_wait3A_340, %dma_wait3A_341] : memref<2x16x128xi32, #tpu.memory_space<vmem>> -> memref<1x16x128xi32, #tpu.memory_space<vmem>>
      %dma_wait3A_343 = tpu.memref_squeeze %dma_wait3A_342 : memref<1x16x128xi32, #tpu.memory_space<vmem>> -> memref<16x128xi32, #tpu.memory_space<vmem>>
      %dma_wait3A_344 = arith.constant 0 : i32
      %dma_wait3A_345 = tpu.memref_slice %dma_wait3A_343[%dma_wait3A_334, %dma_wait3A_344] : memref<16x128xi32, #tpu.memory_space<vmem>> -> memref<1x128xi32, #tpu.memory_space<vmem>>
      %dma_wait3A_346 = tpu.memref_squeeze %dma_wait3A_345 : memref<1x128xi32, #tpu.memory_space<vmem>> -> memref<128xi32, #tpu.memory_space<vmem>>
      %dma_wait3A_347 = arith.constant 0 : i32
      %dma_wait3A_348 = arith.constant 0 : i32
      %dma_wait3A_349 = tpu.memref_slice %arg9[%dma_wait3A_347, %dma_wait3A_348] : memref<10240x128xf32, #tpu.memory_space<vmem_shared>> -> memref<10240x128xf32, #tpu.memory_space<vmem_shared>>
      %dma_wait3A_350 = tpu.memref_slice %arg11[%dma_wait3A_335] : memref<2x!tpu.dma_semaphore, #tpu.memory_space<semaphore_mem>> -> memref<1x!tpu.dma_semaphore, #tpu.memory_space<semaphore_mem>>
      %dma_wait3A_351 = tpu.memref_squeeze %dma_wait3A_350 : memref<1x!tpu.dma_semaphore, #tpu.memory_space<semaphore_mem>> -> memref<!tpu.dma_semaphore, #tpu.memory_space<semaphore_mem>>
      tpu.wait_indirect_dma semaphore(%dma_wait3A_351 : memref<!tpu.dma_semaphore, #tpu.memory_space<semaphore_mem>>) src(%dma_wait3A_339 : memref<128x128xf32, #tpu.memory_space<vmem>>) dst(%dma_wait3A_349 : memref<10240x128xf32, #tpu.memory_space<vmem_shared>>)
      %add3A_352 = arith.constant 1 : i32
      %add3A_353 = arith.addi %scan3A_175, %add3A_352 : i32
      %lt3A = arith.constant 5 : i32
      %lt3A_354 = arith.cmpi slt, %add3A_353, %lt3A : i32
      %convert_element_type3A_355 = arith.extui %lt3A_354 : i1 to i32
      %cond3A_356 = arith.constant 0 : i32
      %cond3A_357 = arith.cmpi ne, %convert_element_type3A_355, %cond3A_356 : i32
      scf.if %cond3A_357 {
        %add3A_1512 = arith.constant 1 : i32
        %add3A_1513 = arith.addi %scan3A_175, %add3A_1512 : i32
        %mul3A_1514 = arith.constant 16 : i32
        %mul3A_1515 = arith.muli %add3A_1513, %mul3A_1514 : i32
        %dma_start3A_1516 = arith.constant 0 : i32
        %dma_start3A_1517 = arith.constant 0 : i32
        %dma_start3A_1518 = tpu.memref_slice %arg6[%rem3A_179, %dma_start3A_1516, %dma_start3A_1517] : memref<2x16x128xi32, #tpu.memory_space<vmem>> -> memref<1x16x128xi32, #tpu.memory_space<vmem>>
        %dma_start3A_1519 = tpu.memref_squeeze %dma_start3A_1518 : memref<1x16x128xi32, #tpu.memory_space<vmem>> -> memref<16x128xi32, #tpu.memory_space<vmem>>
        %dma_start3A_1520 = arith.constant 0 : i32
        %dma_start3A_1521 = arith.constant 0 : i32
        %dma_start3A_1522 = tpu.memref_slice %arg3[%arg1, %dma_start3A_1520, %dma_start3A_1521] : memref<16x80x128xi32, #tpu.memory_space<hbm>> -> memref<1x80x128xi32, #tpu.memory_space<hbm>>
        %dma_start3A_1523 = tpu.memref_squeeze %dma_start3A_1522 : memref<1x80x128xi32, #tpu.memory_space<hbm>> -> memref<80x128xi32, #tpu.memory_space<hbm>>
        %dma_start3A_1524 = arith.constant 0 : i32
        %dma_start3A_1525 = tpu.memref_slice %dma_start3A_1523[%mul3A_1515, %dma_start3A_1524] : memref<80x128xi32, #tpu.memory_space<hbm>> -> memref<16x128xi32, #tpu.memory_space<hbm>>
        %dma_start3A_1526 = tpu.memref_slice %arg12[%rem3A_179] : memref<2x!tpu.dma_semaphore, #tpu.memory_space<semaphore_mem>> -> memref<1x!tpu.dma_semaphore, #tpu.memory_space<semaphore_mem>>
        %dma_start3A_1527 = tpu.memref_squeeze %dma_start3A_1526 : memref<1x!tpu.dma_semaphore, #tpu.memory_space<semaphore_mem>> -> memref<!tpu.dma_semaphore, #tpu.memory_space<semaphore_mem>>
        %dma_start3A_1528 = arith.constant 0 : i32
        %dma_start3A_1529 = arith.constant 0 : i32
        %dma_start3A_1530 = tpu.memref_slice %arg6[%rem3A_179, %dma_start3A_1528, %dma_start3A_1529] : memref<2x16x128xi32, #tpu.memory_space<vmem>> -> memref<1x16x128xi32, #tpu.memory_space<vmem>>
        %dma_start3A_1531 = tpu.memref_squeeze %dma_start3A_1530 : memref<1x16x128xi32, #tpu.memory_space<vmem>> -> memref<16x128xi32, #tpu.memory_space<vmem>>
        %dma_start3A_1532 = arith.constant 0 : i32
        %dma_start3A_1533 = arith.constant 0 : i32
        %dma_start3A_1534 = tpu.memref_slice %arg3[%arg1, %dma_start3A_1532, %dma_start3A_1533] : memref<16x80x128xi32, #tpu.memory_space<hbm>> -> memref<1x80x128xi32, #tpu.memory_space<hbm>>
        %dma_start3A_1535 = tpu.memref_squeeze %dma_start3A_1534 : memref<1x80x128xi32, #tpu.memory_space<hbm>> -> memref<80x128xi32, #tpu.memory_space<hbm>>
        %dma_start3A_1536 = arith.constant 0 : i32
        %dma_start3A_1537 = tpu.memref_slice %dma_start3A_1535[%mul3A_1515, %dma_start3A_1536] : memref<80x128xi32, #tpu.memory_space<hbm>> -> memref<16x128xi32, #tpu.memory_space<hbm>>
        tpu.enqueue_dma source(%dma_start3A_1537 : memref<16x128xi32, #tpu.memory_space<hbm>>) target(%dma_start3A_1531 : memref<16x128xi32, #tpu.memory_space<vmem>>) target_semaphore(%dma_start3A_1527 : memref<!tpu.dma_semaphore, #tpu.memory_space<semaphore_mem>>)
        %mul3A_1538 = arith.constant 16 : i32
        %mul3A_1539 = arith.muli %add3A_1513, %mul3A_1538 : i32
        %dma_start3A_1540 = arith.constant 0 : i32
        %dma_start3A_1541 = arith.constant 0 : i32
        %dma_start3A_1542 = tpu.memref_slice %arg7[%rem3A_179, %dma_start3A_1540, %dma_start3A_1541] : memref<2x16x128xi32, #tpu.memory_space<vmem>> -> memref<1x16x128xi32, #tpu.memory_space<vmem>>
        %dma_start3A_1543 = tpu.memref_squeeze %dma_start3A_1542 : memref<1x16x128xi32, #tpu.memory_space<vmem>> -> memref<16x128xi32, #tpu.memory_space<vmem>>
        %dma_start3A_1544 = arith.constant 0 : i32
        %dma_start3A_1545 = arith.constant 0 : i32
        %dma_start3A_1546 = tpu.memref_slice %arg4[%arg1, %dma_start3A_1544, %dma_start3A_1545] : memref<16x80x128xi32, #tpu.memory_space<hbm>> -> memref<1x80x128xi32, #tpu.memory_space<hbm>>
        %dma_start3A_1547 = tpu.memref_squeeze %dma_start3A_1546 : memref<1x80x128xi32, #tpu.memory_space<hbm>> -> memref<80x128xi32, #tpu.memory_space<hbm>>
        %dma_start3A_1548 = arith.constant 0 : i32
        %dma_start3A_1549 = tpu.memref_slice %dma_start3A_1547[%mul3A_1539, %dma_start3A_1548] : memref<80x128xi32, #tpu.memory_space<hbm>> -> memref<16x128xi32, #tpu.memory_space<hbm>>
        %dma_start3A_1550 = tpu.memref_slice %arg12[%rem3A_179] : memref<2x!tpu.dma_semaphore, #tpu.memory_space<semaphore_mem>> -> memref<1x!tpu.dma_semaphore, #tpu.memory_space<semaphore_mem>>
        %dma_start3A_1551 = tpu.memref_squeeze %dma_start3A_1550 : memref<1x!tpu.dma_semaphore, #tpu.memory_space<semaphore_mem>> -> memref<!tpu.dma_semaphore, #tpu.memory_space<semaphore_mem>>
        %dma_start3A_1552 = arith.constant 0 : i32
        %dma_start3A_1553 = arith.constant 0 : i32
        %dma_start3A_1554 = tpu.memref_slice %arg7[%rem3A_179, %dma_start3A_1552, %dma_start3A_1553] : memref<2x16x128xi32, #tpu.memory_space<vmem>> -> memref<1x16x128xi32, #tpu.memory_space<vmem>>
        %dma_start3A_1555 = tpu.memref_squeeze %dma_start3A_1554 : memref<1x16x128xi32, #tpu.memory_space<vmem>> -> memref<16x128xi32, #tpu.memory_space<vmem>>
        %dma_start3A_1556 = arith.constant 0 : i32
        %dma_start3A_1557 = arith.constant 0 : i32
        %dma_start3A_1558 = tpu.memref_slice %arg4[%arg1, %dma_start3A_1556, %dma_start3A_1557] : memref<16x80x128xi32, #tpu.memory_space<hbm>> -> memref<1x80x128xi32, #tpu.memory_space<hbm>>
        %dma_start3A_1559 = tpu.memref_squeeze %dma_start3A_1558 : memref<1x80x128xi32, #tpu.memory_space<hbm>> -> memref<80x128xi32, #tpu.memory_space<hbm>>
        %dma_start3A_1560 = arith.constant 0 : i32
        %dma_start3A_1561 = tpu.memref_slice %dma_start3A_1559[%mul3A_1539, %dma_start3A_1560] : memref<80x128xi32, #tpu.memory_space<hbm>> -> memref<16x128xi32, #tpu.memory_space<hbm>>
        tpu.enqueue_dma source(%dma_start3A_1561 : memref<16x128xi32, #tpu.memory_space<hbm>>) target(%dma_start3A_1555 : memref<16x128xi32, #tpu.memory_space<vmem>>) target_semaphore(%dma_start3A_1551 : memref<!tpu.dma_semaphore, #tpu.memory_space<semaphore_mem>>)
      } else {
      }
      %dma_start3A_358 = arith.constant 3 : i32
      %dma_start3A_359 = arith.constant 1 : i32
      %dma_start3A_360 = arith.constant 1 : i32
      %dma_start3A_361 = arith.constant 0 : i32
      %dma_start3A_362 = arith.constant 0 : i32
      %dma_start3A_363 = tpu.memref_slice %arg8[%dma_start3A_359, %dma_start3A_361, %dma_start3A_362] : memref<2x128x128xf32, #tpu.memory_space<vmem>> -> memref<1x128x128xf32, #tpu.memory_space<vmem>>
      %dma_start3A_364 = tpu.memref_squeeze %dma_start3A_363 : memref<1x128x128xf32, #tpu.memory_space<vmem>> -> memref<128x128xf32, #tpu.memory_space<vmem>>
      %dma_start3A_365 = arith.constant 0 : i32
      %dma_start3A_366 = arith.constant 0 : i32
      %dma_start3A_367 = tpu.memref_slice %arg6[%rem3A_176, %dma_start3A_365, %dma_start3A_366] : memref<2x16x128xi32, #tpu.memory_space<vmem>> -> memref<1x16x128xi32, #tpu.memory_space<vmem>>
      %dma_start3A_368 = tpu.memref_squeeze %dma_start3A_367 : memref<1x16x128xi32, #tpu.memory_space<vmem>> -> memref<16x128xi32, #tpu.memory_space<vmem>>
      %dma_start3A_369 = arith.constant 0 : i32
      %dma_start3A_370 = tpu.memref_slice %dma_start3A_368[%dma_start3A_358, %dma_start3A_369] : memref<16x128xi32, #tpu.memory_space<vmem>> -> memref<1x128xi32, #tpu.memory_space<vmem>>
      %dma_start3A_371 = tpu.memref_squeeze %dma_start3A_370 : memref<1x128xi32, #tpu.memory_space<vmem>> -> memref<128xi32, #tpu.memory_space<vmem>>
      %dma_start3A_372 = arith.constant 0 : i32
      %dma_start3A_373 = arith.constant 0 : i32
      %dma_start3A_374 = tpu.memref_slice %arg2[%arg0, %dma_start3A_372, %dma_start3A_373] : memref<2x10240x128xf32, #tpu.memory_space<hbm>> -> memref<1x10240x128xf32, #tpu.memory_space<hbm>>
      %dma_start3A_375 = tpu.memref_squeeze %dma_start3A_374 : memref<1x10240x128xf32, #tpu.memory_space<hbm>> -> memref<10240x128xf32, #tpu.memory_space<hbm>>
      %dma_start3A_376 = arith.constant 0 : i32
      %dma_start3A_377 = arith.constant 0 : i32
      %dma_start3A_378 = tpu.memref_slice %dma_start3A_375[%dma_start3A_376, %dma_start3A_377] : memref<10240x128xf32, #tpu.memory_space<hbm>> -> memref<10240x128xf32, #tpu.memory_space<hbm>>
      %dma_start3A_379 = tpu.memref_slice %arg10[%dma_start3A_360] : memref<2x!tpu.dma_semaphore, #tpu.memory_space<semaphore_mem>> -> memref<1x!tpu.dma_semaphore, #tpu.memory_space<semaphore_mem>>
      %dma_start3A_380 = tpu.memref_squeeze %dma_start3A_379 : memref<1x!tpu.dma_semaphore, #tpu.memory_space<semaphore_mem>> -> memref<!tpu.dma_semaphore, #tpu.memory_space<semaphore_mem>>
      tpu.enqueue_indirect_dma source(%dma_start3A_378 : memref<10240x128xf32, #tpu.memory_space<hbm>>) target(%dma_start3A_364 : memref<128x128xf32, #tpu.memory_space<vmem>>) offsets(%dma_start3A_371 : memref<128xi32, #tpu.memory_space<vmem>>) semaphore(%dma_start3A_380 : memref<!tpu.dma_semaphore, #tpu.memory_space<semaphore_mem>>)
      %dma_wait3A_381 = arith.constant 2 : i32
      %dma_wait3A_382 = arith.constant 0 : i32
      %dma_wait3A_383 = arith.constant 0 : i32
      %dma_wait3A_384 = arith.constant 0 : i32
      %dma_wait3A_385 = arith.constant 0 : i32
      %dma_wait3A_386 = tpu.memref_slice %arg8[%dma_wait3A_382, %dma_wait3A_384, %dma_wait3A_385] : memref<2x128x128xf32, #tpu.memory_space<vmem>> -> memref<1x128x128xf32, #tpu.memory_space<vmem>>
      %dma_wait3A_387 = tpu.memref_squeeze %dma_wait3A_386 : memref<1x128x128xf32, #tpu.memory_space<vmem>> -> memref<128x128xf32, #tpu.memory_space<vmem>>
      %dma_wait3A_388 = arith.constant 0 : i32
      %dma_wait3A_389 = arith.constant 0 : i32
      %dma_wait3A_390 = tpu.memref_slice %arg6[%rem3A_176, %dma_wait3A_388, %dma_wait3A_389] : memref<2x16x128xi32, #tpu.memory_space<vmem>> -> memref<1x16x128xi32, #tpu.memory_space<vmem>>
      %dma_wait3A_391 = tpu.memref_squeeze %dma_wait3A_390 : memref<1x16x128xi32, #tpu.memory_space<vmem>> -> memref<16x128xi32, #tpu.memory_space<vmem>>
      %dma_wait3A_392 = arith.constant 0 : i32
      %dma_wait3A_393 = tpu.memref_slice %dma_wait3A_391[%dma_wait3A_381, %dma_wait3A_392] : memref<16x128xi32, #tpu.memory_space<vmem>> -> memref<1x128xi32, #tpu.memory_space<vmem>>
      %dma_wait3A_394 = tpu.memref_squeeze %dma_wait3A_393 : memref<1x128xi32, #tpu.memory_space<vmem>> -> memref<128xi32, #tpu.memory_space<vmem>>
      %dma_wait3A_395 = arith.constant 0 : i32
      %dma_wait3A_396 = arith.constant 0 : i32
      %dma_wait3A_397 = tpu.memref_slice %arg2[%arg0, %dma_wait3A_395, %dma_wait3A_396] : memref<2x10240x128xf32, #tpu.memory_space<hbm>> -> memref<1x10240x128xf32, #tpu.memory_space<hbm>>
      %dma_wait3A_398 = tpu.memref_squeeze %dma_wait3A_397 : memref<1x10240x128xf32, #tpu.memory_space<hbm>> -> memref<10240x128xf32, #tpu.memory_space<hbm>>
      %dma_wait3A_399 = arith.constant 0 : i32
      %dma_wait3A_400 = arith.constant 0 : i32
      %dma_wait3A_401 = tpu.memref_slice %dma_wait3A_398[%dma_wait3A_399, %dma_wait3A_400] : memref<10240x128xf32, #tpu.memory_space<hbm>> -> memref<10240x128xf32, #tpu.memory_space<hbm>>
      %dma_wait3A_402 = tpu.memref_slice %arg10[%dma_wait3A_383] : memref<2x!tpu.dma_semaphore, #tpu.memory_space<semaphore_mem>> -> memref<1x!tpu.dma_semaphore, #tpu.memory_space<semaphore_mem>>
      %dma_wait3A_403 = tpu.memref_squeeze %dma_wait3A_402 : memref<1x!tpu.dma_semaphore, #tpu.memory_space<semaphore_mem>> -> memref<!tpu.dma_semaphore, #tpu.memory_space<semaphore_mem>>
      tpu.wait_indirect_dma semaphore(%dma_wait3A_403 : memref<!tpu.dma_semaphore, #tpu.memory_space<semaphore_mem>>) src(%dma_wait3A_401 : memref<10240x128xf32, #tpu.memory_space<hbm>>) dst(%dma_wait3A_387 : memref<128x128xf32, #tpu.memory_space<vmem>>)
      %dma_start3A_404 = arith.constant 0 : i32
      %dma_start3A_405 = arith.constant 2 : i32
      %dma_start3A_406 = arith.constant 0 : i32
      %dma_start3A_407 = arith.constant 0 : i32
      %dma_start3A_408 = arith.constant 0 : i32
      %dma_start3A_409 = tpu.memref_slice %arg8[%dma_start3A_404, %dma_start3A_407, %dma_start3A_408] : memref<2x128x128xf32, #tpu.memory_space<vmem>> -> memref<1x128x128xf32, #tpu.memory_space<vmem>>
      %dma_start3A_410 = tpu.memref_squeeze %dma_start3A_409 : memref<1x128x128xf32, #tpu.memory_space<vmem>> -> memref<128x128xf32, #tpu.memory_space<vmem>>
      %dma_start3A_411 = arith.constant 0 : i32
      %dma_start3A_412 = arith.constant 0 : i32
      %dma_start3A_413 = tpu.memref_slice %arg7[%rem3A_176, %dma_start3A_411, %dma_start3A_412] : memref<2x16x128xi32, #tpu.memory_space<vmem>> -> memref<1x16x128xi32, #tpu.memory_space<vmem>>
      %dma_start3A_414 = tpu.memref_squeeze %dma_start3A_413 : memref<1x16x128xi32, #tpu.memory_space<vmem>> -> memref<16x128xi32, #tpu.memory_space<vmem>>
      %dma_start3A_415 = arith.constant 0 : i32
      %dma_start3A_416 = tpu.memref_slice %dma_start3A_414[%dma_start3A_405, %dma_start3A_415] : memref<16x128xi32, #tpu.memory_space<vmem>> -> memref<1x128xi32, #tpu.memory_space<vmem>>
      %dma_start3A_417 = tpu.memref_squeeze %dma_start3A_416 : memref<1x128xi32, #tpu.memory_space<vmem>> -> memref<128xi32, #tpu.memory_space<vmem>>
      %dma_start3A_418 = arith.constant 0 : i32
      %dma_start3A_419 = arith.constant 0 : i32
      %dma_start3A_420 = tpu.memref_slice %arg9[%dma_start3A_418, %dma_start3A_419] : memref<10240x128xf32, #tpu.memory_space<vmem_shared>> -> memref<10240x128xf32, #tpu.memory_space<vmem_shared>>
      %dma_start3A_421 = tpu.memref_slice %arg11[%dma_start3A_406] : memref<2x!tpu.dma_semaphore, #tpu.memory_space<semaphore_mem>> -> memref<1x!tpu.dma_semaphore, #tpu.memory_space<semaphore_mem>>
      %dma_start3A_422 = tpu.memref_squeeze %dma_start3A_421 : memref<1x!tpu.dma_semaphore, #tpu.memory_space<semaphore_mem>> -> memref<!tpu.dma_semaphore, #tpu.memory_space<semaphore_mem>>
      tpu.enqueue_indirect_dma source(%dma_start3A_410 : memref<128x128xf32, #tpu.memory_space<vmem>>) target(%dma_start3A_420 : memref<10240x128xf32, #tpu.memory_space<vmem_shared>>) offsets(%dma_start3A_417 : memref<128xi32, #tpu.memory_space<vmem>>) semaphore(%dma_start3A_422 : memref<!tpu.dma_semaphore, #tpu.memory_space<semaphore_mem>>) {add = true}
      %dma_wait3A_423 = arith.constant 0 : i32
      %dma_wait3A_424 = arith.constant 0 : i32
      %dma_wait3A_425 = arith.constant 0 : i32
      %dma_wait3A_426 = arith.constant 0 : i32
      %dma_wait3A_427 = arith.constant 0 : i32
      %dma_wait3A_428 = arith.constant 0 : i32
      %dma_wait3A_429 = tpu.memref_slice %arg8[%dma_wait3A_423, %dma_wait3A_427, %dma_wait3A_428] : memref<2x128x128xf32, #tpu.memory_space<vmem>> -> memref<1x128x128xf32, #tpu.memory_space<vmem>>
      %dma_wait3A_430 = tpu.memref_squeeze %dma_wait3A_429 : memref<1x128x128xf32, #tpu.memory_space<vmem>> -> memref<128x128xf32, #tpu.memory_space<vmem>>
      %dma_wait3A_431 = arith.constant 0 : i32
      %dma_wait3A_432 = arith.constant 0 : i32
      %dma_wait3A_433 = tpu.memref_slice %arg7[%dma_wait3A_424, %dma_wait3A_431, %dma_wait3A_432] : memref<2x16x128xi32, #tpu.memory_space<vmem>> -> memref<1x16x128xi32, #tpu.memory_space<vmem>>
      %dma_wait3A_434 = tpu.memref_squeeze %dma_wait3A_433 : memref<1x16x128xi32, #tpu.memory_space<vmem>> -> memref<16x128xi32, #tpu.memory_space<vmem>>
      %dma_wait3A_435 = arith.constant 0 : i32
      %dma_wait3A_436 = tpu.memref_slice %dma_wait3A_434[%dma_wait3A_425, %dma_wait3A_435] : memref<16x128xi32, #tpu.memory_space<vmem>> -> memref<1x128xi32, #tpu.memory_space<vmem>>
      %dma_wait3A_437 = tpu.memref_squeeze %dma_wait3A_436 : memref<1x128xi32, #tpu.memory_space<vmem>> -> memref<128xi32, #tpu.memory_space<vmem>>
      %dma_wait3A_438 = arith.constant 0 : i32
      %dma_wait3A_439 = arith.constant 0 : i32
      %dma_wait3A_440 = tpu.memref_slice %arg9[%dma_wait3A_438, %dma_wait3A_439] : memref<10240x128xf32, #tpu.memory_space<vmem_shared>> -> memref<10240x128xf32, #tpu.memory_space<vmem_shared>>
      %dma_wait3A_441 = tpu.memref_slice %arg11[%dma_wait3A_426] : memref<2x!tpu.dma_semaphore, #tpu.memory_space<semaphore_mem>> -> memref<1x!tpu.dma_semaphore, #tpu.memory_space<semaphore_mem>>
      %dma_wait3A_442 = tpu.memref_squeeze %dma_wait3A_441 : memref<1x!tpu.dma_semaphore, #tpu.memory_space<semaphore_mem>> -> memref<!tpu.dma_semaphore, #tpu.memory_space<semaphore_mem>>
      tpu.wait_indirect_dma semaphore(%dma_wait3A_442 : memref<!tpu.dma_semaphore, #tpu.memory_space<semaphore_mem>>) src(%dma_wait3A_430 : memref<128x128xf32, #tpu.memory_space<vmem>>) dst(%dma_wait3A_440 : memref<10240x128xf32, #tpu.memory_space<vmem_shared>>)
      %dma_start3A_443 = arith.constant 4 : i32
      %dma_start3A_444 = arith.constant 0 : i32
      %dma_start3A_445 = arith.constant 0 : i32
      %dma_start3A_446 = arith.constant 0 : i32
      %dma_start3A_447 = arith.constant 0 : i32
      %dma_start3A_448 = tpu.memref_slice %arg8[%dma_start3A_444, %dma_start3A_446, %dma_start3A_447] : memref<2x128x128xf32, #tpu.memory_space<vmem>> -> memref<1x128x128xf32, #tpu.memory_space<vmem>>
      %dma_start3A_449 = tpu.memref_squeeze %dma_start3A_448 : memref<1x128x128xf32, #tpu.memory_space<vmem>> -> memref<128x128xf32, #tpu.memory_space<vmem>>
      %dma_start3A_450 = arith.constant 0 : i32
      %dma_start3A_451 = arith.constant 0 : i32
      %dma_start3A_452 = tpu.memref_slice %arg6[%rem3A_176, %dma_start3A_450, %dma_start3A_451] : memref<2x16x128xi32, #tpu.memory_space<vmem>> -> memref<1x16x128xi32, #tpu.memory_space<vmem>>
      %dma_start3A_453 = tpu.memref_squeeze %dma_start3A_452 : memref<1x16x128xi32, #tpu.memory_space<vmem>> -> memref<16x128xi32, #tpu.memory_space<vmem>>
      %dma_start3A_454 = arith.constant 0 : i32
      %dma_start3A_455 = tpu.memref_slice %dma_start3A_453[%dma_start3A_443, %dma_start3A_454] : memref<16x128xi32, #tpu.memory_space<vmem>> -> memref<1x128xi32, #tpu.memory_space<vmem>>
      %dma_start3A_456 = tpu.memref_squeeze %dma_start3A_455 : memref<1x128xi32, #tpu.memory_space<vmem>> -> memref<128xi32, #tpu.memory_space<vmem>>
      %dma_start3A_457 = arith.constant 0 : i32
      %dma_start3A_458 = arith.constant 0 : i32
      %dma_start3A_459 = tpu.memref_slice %arg2[%arg0, %dma_start3A_457, %dma_start3A_458] : memref<2x10240x128xf32, #tpu.memory_space<hbm>> -> memref<1x10240x128xf32, #tpu.memory_space<hbm>>
      %dma_start3A_460 = tpu.memref_squeeze %dma_start3A_459 : memref<1x10240x128xf32, #tpu.memory_space<hbm>> -> memref<10240x128xf32, #tpu.memory_space<hbm>>
      %dma_start3A_461 = arith.constant 0 : i32
      %dma_start3A_462 = arith.constant 0 : i32
      %dma_start3A_463 = tpu.memref_slice %dma_start3A_460[%dma_start3A_461, %dma_start3A_462] : memref<10240x128xf32, #tpu.memory_space<hbm>> -> memref<10240x128xf32, #tpu.memory_space<hbm>>
      %dma_start3A_464 = tpu.memref_slice %arg10[%dma_start3A_445] : memref<2x!tpu.dma_semaphore, #tpu.memory_space<semaphore_mem>> -> memref<1x!tpu.dma_semaphore, #tpu.memory_space<semaphore_mem>>
      %dma_start3A_465 = tpu.memref_squeeze %dma_start3A_464 : memref<1x!tpu.dma_semaphore, #tpu.memory_space<semaphore_mem>> -> memref<!tpu.dma_semaphore, #tpu.memory_space<semaphore_mem>>
      tpu.enqueue_indirect_dma source(%dma_start3A_463 : memref<10240x128xf32, #tpu.memory_space<hbm>>) target(%dma_start3A_449 : memref<128x128xf32, #tpu.memory_space<vmem>>) offsets(%dma_start3A_456 : memref<128xi32, #tpu.memory_space<vmem>>) semaphore(%dma_start3A_465 : memref<!tpu.dma_semaphore, #tpu.memory_space<semaphore_mem>>)
      %dma_wait3A_466 = arith.constant 3 : i32
      %dma_wait3A_467 = arith.constant 1 : i32
      %dma_wait3A_468 = arith.constant 1 : i32
      %dma_wait3A_469 = arith.constant 0 : i32
      %dma_wait3A_470 = arith.constant 0 : i32
      %dma_wait3A_471 = tpu.memref_slice %arg8[%dma_wait3A_467, %dma_wait3A_469, %dma_wait3A_470] : memref<2x128x128xf32, #tpu.memory_space<vmem>> -> memref<1x128x128xf32, #tpu.memory_space<vmem>>
      %dma_wait3A_472 = tpu.memref_squeeze %dma_wait3A_471 : memref<1x128x128xf32, #tpu.memory_space<vmem>> -> memref<128x128xf32, #tpu.memory_space<vmem>>
      %dma_wait3A_473 = arith.constant 0 : i32
      %dma_wait3A_474 = arith.constant 0 : i32
      %dma_wait3A_475 = tpu.memref_slice %arg6[%rem3A_176, %dma_wait3A_473, %dma_wait3A_474] : memref<2x16x128xi32, #tpu.memory_space<vmem>> -> memref<1x16x128xi32, #tpu.memory_space<vmem>>
      %dma_wait3A_476 = tpu.memref_squeeze %dma_wait3A_475 : memref<1x16x128xi32, #tpu.memory_space<vmem>> -> memref<16x128xi32, #tpu.memory_space<vmem>>
      %dma_wait3A_477 = arith.constant 0 : i32
      %dma_wait3A_478 = tpu.memref_slice %dma_wait3A_476[%dma_wait3A_466, %dma_wait3A_477] : memref<16x128xi32, #tpu.memory_space<vmem>> -> memref<1x128xi32, #tpu.memory_space<vmem>>
      %dma_wait3A_479 = tpu.memref_squeeze %dma_wait3A_478 : memref<1x128xi32, #tpu.memory_space<vmem>> -> memref<128xi32, #tpu.memory_space<vmem>>
      %dma_wait3A_480 = arith.constant 0 : i32
      %dma_wait3A_481 = arith.constant 0 : i32
      %dma_wait3A_482 = tpu.memref_slice %arg2[%arg0, %dma_wait3A_480, %dma_wait3A_481] : memref<2x10240x128xf32, #tpu.memory_space<hbm>> -> memref<1x10240x128xf32, #tpu.memory_space<hbm>>
      %dma_wait3A_483 = tpu.memref_squeeze %dma_wait3A_482 : memref<1x10240x128xf32, #tpu.memory_space<hbm>> -> memref<10240x128xf32, #tpu.memory_space<hbm>>
      %dma_wait3A_484 = arith.constant 0 : i32
      %dma_wait3A_485 = arith.constant 0 : i32
      %dma_wait3A_486 = tpu.memref_slice %dma_wait3A_483[%dma_wait3A_484, %dma_wait3A_485] : memref<10240x128xf32, #tpu.memory_space<hbm>> -> memref<10240x128xf32, #tpu.memory_space<hbm>>
      %dma_wait3A_487 = tpu.memref_slice %arg10[%dma_wait3A_468] : memref<2x!tpu.dma_semaphore, #tpu.memory_space<semaphore_mem>> -> memref<1x!tpu.dma_semaphore, #tpu.memory_space<semaphore_mem>>
      %dma_wait3A_488 = tpu.memref_squeeze %dma_wait3A_487 : memref<1x!tpu.dma_semaphore, #tpu.memory_space<semaphore_mem>> -> memref<!tpu.dma_semaphore, #tpu.memory_space<semaphore_mem>>
      tpu.wait_indirect_dma semaphore(%dma_wait3A_488 : memref<!tpu.dma_semaphore, #tpu.memory_space<semaphore_mem>>) src(%dma_wait3A_486 : memref<10240x128xf32, #tpu.memory_space<hbm>>) dst(%dma_wait3A_472 : memref<128x128xf32, #tpu.memory_space<vmem>>)
      %dma_start3A_489 = arith.constant 1 : i32
      %dma_start3A_490 = arith.constant 3 : i32
      %dma_start3A_491 = arith.constant 1 : i32
      %dma_start3A_492 = arith.constant 0 : i32
      %dma_start3A_493 = arith.constant 0 : i32
      %dma_start3A_494 = tpu.memref_slice %arg8[%dma_start3A_489, %dma_start3A_492, %dma_start3A_493] : memref<2x128x128xf32, #tpu.memory_space<vmem>> -> memref<1x128x128xf32, #tpu.memory_space<vmem>>
      %dma_start3A_495 = tpu.memref_squeeze %dma_start3A_494 : memref<1x128x128xf32, #tpu.memory_space<vmem>> -> memref<128x128xf32, #tpu.memory_space<vmem>>
      %dma_start3A_496 = arith.constant 0 : i32
      %dma_start3A_497 = arith.constant 0 : i32
      %dma_start3A_498 = tpu.memref_slice %arg7[%rem3A_176, %dma_start3A_496, %dma_start3A_497] : memref<2x16x128xi32, #tpu.memory_space<vmem>> -> memref<1x16x128xi32, #tpu.memory_space<vmem>>
      %dma_start3A_499 = tpu.memref_squeeze %dma_start3A_498 : memref<1x16x128xi32, #tpu.memory_space<vmem>> -> memref<16x128xi32, #tpu.memory_space<vmem>>
      %dma_start3A_500 = arith.constant 0 : i32
      %dma_start3A_501 = tpu.memref_slice %dma_start3A_499[%dma_start3A_490, %dma_start3A_500] : memref<16x128xi32, #tpu.memory_space<vmem>> -> memref<1x128xi32, #tpu.memory_space<vmem>>
      %dma_start3A_502 = tpu.memref_squeeze %dma_start3A_501 : memref<1x128xi32, #tpu.memory_space<vmem>> -> memref<128xi32, #tpu.memory_space<vmem>>
      %dma_start3A_503 = arith.constant 0 : i32
      %dma_start3A_504 = arith.constant 0 : i32
      %dma_start3A_505 = tpu.memref_slice %arg9[%dma_start3A_503, %dma_start3A_504] : memref<10240x128xf32, #tpu.memory_space<vmem_shared>> -> memref<10240x128xf32, #tpu.memory_space<vmem_shared>>
      %dma_start3A_506 = tpu.memref_slice %arg11[%dma_start3A_491] : memref<2x!tpu.dma_semaphore, #tpu.memory_space<semaphore_mem>> -> memref<1x!tpu.dma_semaphore, #tpu.memory_space<semaphore_mem>>
      %dma_start3A_507 = tpu.memref_squeeze %dma_start3A_506 : memref<1x!tpu.dma_semaphore, #tpu.memory_space<semaphore_mem>> -> memref<!tpu.dma_semaphore, #tpu.memory_space<semaphore_mem>>
      tpu.enqueue_indirect_dma source(%dma_start3A_495 : memref<128x128xf32, #tpu.memory_space<vmem>>) target(%dma_start3A_505 : memref<10240x128xf32, #tpu.memory_space<vmem_shared>>) offsets(%dma_start3A_502 : memref<128xi32, #tpu.memory_space<vmem>>) semaphore(%dma_start3A_507 : memref<!tpu.dma_semaphore, #tpu.memory_space<semaphore_mem>>) {add = true}
      %dma_wait3A_508 = arith.constant 1 : i32
      %dma_wait3A_509 = arith.constant 0 : i32
      %dma_wait3A_510 = arith.constant 0 : i32
      %dma_wait3A_511 = arith.constant 1 : i32
      %dma_wait3A_512 = arith.constant 0 : i32
      %dma_wait3A_513 = arith.constant 0 : i32
      %dma_wait3A_514 = tpu.memref_slice %arg8[%dma_wait3A_508, %dma_wait3A_512, %dma_wait3A_513] : memref<2x128x128xf32, #tpu.memory_space<vmem>> -> memref<1x128x128xf32, #tpu.memory_space<vmem>>
      %dma_wait3A_515 = tpu.memref_squeeze %dma_wait3A_514 : memref<1x128x128xf32, #tpu.memory_space<vmem>> -> memref<128x128xf32, #tpu.memory_space<vmem>>
      %dma_wait3A_516 = arith.constant 0 : i32
      %dma_wait3A_517 = arith.constant 0 : i32
      %dma_wait3A_518 = tpu.memref_slice %arg7[%dma_wait3A_509, %dma_wait3A_516, %dma_wait3A_517] : memref<2x16x128xi32, #tpu.memory_space<vmem>> -> memref<1x16x128xi32, #tpu.memory_space<vmem>>
      %dma_wait3A_519 = tpu.memref_squeeze %dma_wait3A_518 : memref<1x16x128xi32, #tpu.memory_space<vmem>> -> memref<16x128xi32, #tpu.memory_space<vmem>>
      %dma_wait3A_520 = arith.constant 0 : i32
      %dma_wait3A_521 = tpu.memref_slice %dma_wait3A_519[%dma_wait3A_510, %dma_wait3A_520] : memref<16x128xi32, #tpu.memory_space<vmem>> -> memref<1x128xi32, #tpu.memory_space<vmem>>
      %dma_wait3A_522 = tpu.memref_squeeze %dma_wait3A_521 : memref<1x128xi32, #tpu.memory_space<vmem>> -> memref<128xi32, #tpu.memory_space<vmem>>
      %dma_wait3A_523 = arith.constant 0 : i32
      %dma_wait3A_524 = arith.constant 0 : i32
      %dma_wait3A_525 = tpu.memref_slice %arg9[%dma_wait3A_523, %dma_wait3A_524] : memref<10240x128xf32, #tpu.memory_space<vmem_shared>> -> memref<10240x128xf32, #tpu.memory_space<vmem_shared>>
      %dma_wait3A_526 = tpu.memref_slice %arg11[%dma_wait3A_511] : memref<2x!tpu.dma_semaphore, #tpu.memory_space<semaphore_mem>> -> memref<1x!tpu.dma_semaphore, #tpu.memory_space<semaphore_mem>>
      %dma_wait3A_527 = tpu.memref_squeeze %dma_wait3A_526 : memref<1x!tpu.dma_semaphore, #tpu.memory_space<semaphore_mem>> -> memref<!tpu.dma_semaphore, #tpu.memory_space<semaphore_mem>>
      tpu.wait_indirect_dma semaphore(%dma_wait3A_527 : memref<!tpu.dma_semaphore, #tpu.memory_space<semaphore_mem>>) src(%dma_wait3A_515 : memref<128x128xf32, #tpu.memory_space<vmem>>) dst(%dma_wait3A_525 : memref<10240x128xf32, #tpu.memory_space<vmem_shared>>)
      %dma_start3A_528 = arith.constant 5 : i32
      %dma_start3A_529 = arith.constant 1 : i32
      %dma_start3A_530 = arith.constant 1 : i32
      %dma_start3A_531 = arith.constant 0 : i32
      %dma_start3A_532 = arith.constant 0 : i32
      %dma_start3A_533 = tpu.memref_slice %arg8[%dma_start3A_529, %dma_start3A_531, %dma_start3A_532] : memref<2x128x128xf32, #tpu.memory_space<vmem>> -> memref<1x128x128xf32, #tpu.memory_space<vmem>>
      %dma_start3A_534 = tpu.memref_squeeze %dma_start3A_533 : memref<1x128x128xf32, #tpu.memory_space<vmem>> -> memref<128x128xf32, #tpu.memory_space<vmem>>
      %dma_start3A_535 = arith.constant 0 : i32
      %dma_start3A_536 = arith.constant 0 : i32
      %dma_start3A_537 = tpu.memref_slice %arg6[%rem3A_176, %dma_start3A_535, %dma_start3A_536] : memref<2x16x128xi32, #tpu.memory_space<vmem>> -> memref<1x16x128xi32, #tpu.memory_space<vmem>>
      %dma_start3A_538 = tpu.memref_squeeze %dma_start3A_537 : memref<1x16x128xi32, #tpu.memory_space<vmem>> -> memref<16x128xi32, #tpu.memory_space<vmem>>
      %dma_start3A_539 = arith.constant 0 : i32
      %dma_start3A_540 = tpu.memref_slice %dma_start3A_538[%dma_start3A_528, %dma_start3A_539] : memref<16x128xi32, #tpu.memory_space<vmem>> -> memref<1x128xi32, #tpu.memory_space<vmem>>
      %dma_start3A_541 = tpu.memref_squeeze %dma_start3A_540 : memref<1x128xi32, #tpu.memory_space<vmem>> -> memref<128xi32, #tpu.memory_space<vmem>>
      %dma_start3A_542 = arith.constant 0 : i32
      %dma_start3A_543 = arith.constant 0 : i32
      %dma_start3A_544 = tpu.memref_slice %arg2[%arg0, %dma_start3A_542, %dma_start3A_543] : memref<2x10240x128xf32, #tpu.memory_space<hbm>> -> memref<1x10240x128xf32, #tpu.memory_space<hbm>>
      %dma_start3A_545 = tpu.memref_squeeze %dma_start3A_544 : memref<1x10240x128xf32, #tpu.memory_space<hbm>> -> memref<10240x128xf32, #tpu.memory_space<hbm>>
      %dma_start3A_546 = arith.constant 0 : i32
      %dma_start3A_547 = arith.constant 0 : i32
      %dma_start3A_548 = tpu.memref_slice %dma_start3A_545[%dma_start3A_546, %dma_start3A_547] : memref<10240x128xf32, #tpu.memory_space<hbm>> -> memref<10240x128xf32, #tpu.memory_space<hbm>>
      %dma_start3A_549 = tpu.memref_slice %arg10[%dma_start3A_530] : memref<2x!tpu.dma_semaphore, #tpu.memory_space<semaphore_mem>> -> memref<1x!tpu.dma_semaphore, #tpu.memory_space<semaphore_mem>>
      %dma_start3A_550 = tpu.memref_squeeze %dma_start3A_549 : memref<1x!tpu.dma_semaphore, #tpu.memory_space<semaphore_mem>> -> memref<!tpu.dma_semaphore, #tpu.memory_space<semaphore_mem>>
      tpu.enqueue_indirect_dma source(%dma_start3A_548 : memref<10240x128xf32, #tpu.memory_space<hbm>>) target(%dma_start3A_534 : memref<128x128xf32, #tpu.memory_space<vmem>>) offsets(%dma_start3A_541 : memref<128xi32, #tpu.memory_space<vmem>>) semaphore(%dma_start3A_550 : memref<!tpu.dma_semaphore, #tpu.memory_space<semaphore_mem>>)
      %dma_wait3A_551 = arith.constant 4 : i32
      %dma_wait3A_552 = arith.constant 0 : i32
      %dma_wait3A_553 = arith.constant 0 : i32
      %dma_wait3A_554 = arith.constant 0 : i32
      %dma_wait3A_555 = arith.constant 0 : i32
      %dma_wait3A_556 = tpu.memref_slice %arg8[%dma_wait3A_552, %dma_wait3A_554, %dma_wait3A_555] : memref<2x128x128xf32, #tpu.memory_space<vmem>> -> memref<1x128x128xf32, #tpu.memory_space<vmem>>
      %dma_wait3A_557 = tpu.memref_squeeze %dma_wait3A_556 : memref<1x128x128xf32, #tpu.memory_space<vmem>> -> memref<128x128xf32, #tpu.memory_space<vmem>>
      %dma_wait3A_558 = arith.constant 0 : i32
      %dma_wait3A_559 = arith.constant 0 : i32
      %dma_wait3A_560 = tpu.memref_slice %arg6[%rem3A_176, %dma_wait3A_558, %dma_wait3A_559] : memref<2x16x128xi32, #tpu.memory_space<vmem>> -> memref<1x16x128xi32, #tpu.memory_space<vmem>>
      %dma_wait3A_561 = tpu.memref_squeeze %dma_wait3A_560 : memref<1x16x128xi32, #tpu.memory_space<vmem>> -> memref<16x128xi32, #tpu.memory_space<vmem>>
      %dma_wait3A_562 = arith.constant 0 : i32
      %dma_wait3A_563 = tpu.memref_slice %dma_wait3A_561[%dma_wait3A_551, %dma_wait3A_562] : memref<16x128xi32, #tpu.memory_space<vmem>> -> memref<1x128xi32, #tpu.memory_space<vmem>>
      %dma_wait3A_564 = tpu.memref_squeeze %dma_wait3A_563 : memref<1x128xi32, #tpu.memory_space<vmem>> -> memref<128xi32, #tpu.memory_space<vmem>>
      %dma_wait3A_565 = arith.constant 0 : i32
      %dma_wait3A_566 = arith.constant 0 : i32
      %dma_wait3A_567 = tpu.memref_slice %arg2[%arg0, %dma_wait3A_565, %dma_wait3A_566] : memref<2x10240x128xf32, #tpu.memory_space<hbm>> -> memref<1x10240x128xf32, #tpu.memory_space<hbm>>
      %dma_wait3A_568 = tpu.memref_squeeze %dma_wait3A_567 : memref<1x10240x128xf32, #tpu.memory_space<hbm>> -> memref<10240x128xf32, #tpu.memory_space<hbm>>
      %dma_wait3A_569 = arith.constant 0 : i32
      %dma_wait3A_570 = arith.constant 0 : i32
      %dma_wait3A_571 = tpu.memref_slice %dma_wait3A_568[%dma_wait3A_569, %dma_wait3A_570] : memref<10240x128xf32, #tpu.memory_space<hbm>> -> memref<10240x128xf32, #tpu.memory_space<hbm>>
      %dma_wait3A_572 = tpu.memref_slice %arg10[%dma_wait3A_553] : memref<2x!tpu.dma_semaphore, #tpu.memory_space<semaphore_mem>> -> memref<1x!tpu.dma_semaphore, #tpu.memory_space<semaphore_mem>>
      %dma_wait3A_573 = tpu.memref_squeeze %dma_wait3A_572 : memref<1x!tpu.dma_semaphore, #tpu.memory_space<semaphore_mem>> -> memref<!tpu.dma_semaphore, #tpu.memory_space<semaphore_mem>>
      tpu.wait_indirect_dma semaphore(%dma_wait3A_573 : memref<!tpu.dma_semaphore, #tpu.memory_space<semaphore_mem>>) src(%dma_wait3A_571 : memref<10240x128xf32, #tpu.memory_space<hbm>>) dst(%dma_wait3A_557 : memref<128x128xf32, #tpu.memory_space<vmem>>)
      %dma_start3A_574 = arith.constant 0 : i32
      %dma_start3A_575 = arith.constant 4 : i32
      %dma_start3A_576 = arith.constant 0 : i32
      %dma_start3A_577 = arith.constant 0 : i32
      %dma_start3A_578 = arith.constant 0 : i32
      %dma_start3A_579 = tpu.memref_slice %arg8[%dma_start3A_574, %dma_start3A_577, %dma_start3A_578] : memref<2x128x128xf32, #tpu.memory_space<vmem>> -> memref<1x128x128xf32, #tpu.memory_space<vmem>>
      %dma_start3A_580 = tpu.memref_squeeze %dma_start3A_579 : memref<1x128x128xf32, #tpu.memory_space<vmem>> -> memref<128x128xf32, #tpu.memory_space<vmem>>
      %dma_start3A_581 = arith.constant 0 : i32
      %dma_start3A_582 = arith.constant 0 : i32
      %dma_start3A_583 = tpu.memref_slice %arg7[%rem3A_176, %dma_start3A_581, %dma_start3A_582] : memref<2x16x128xi32, #tpu.memory_space<vmem>> -> memref<1x16x128xi32, #tpu.memory_space<vmem>>
      %dma_start3A_584 = tpu.memref_squeeze %dma_start3A_583 : memref<1x16x128xi32, #tpu.memory_space<vmem>> -> memref<16x128xi32, #tpu.memory_space<vmem>>
      %dma_start3A_585 = arith.constant 0 : i32
      %dma_start3A_586 = tpu.memref_slice %dma_start3A_584[%dma_start3A_575, %dma_start3A_585] : memref<16x128xi32, #tpu.memory_space<vmem>> -> memref<1x128xi32, #tpu.memory_space<vmem>>
      %dma_start3A_587 = tpu.memref_squeeze %dma_start3A_586 : memref<1x128xi32, #tpu.memory_space<vmem>> -> memref<128xi32, #tpu.memory_space<vmem>>
      %dma_start3A_588 = arith.constant 0 : i32
      %dma_start3A_589 = arith.constant 0 : i32
      %dma_start3A_590 = tpu.memref_slice %arg9[%dma_start3A_588, %dma_start3A_589] : memref<10240x128xf32, #tpu.memory_space<vmem_shared>> -> memref<10240x128xf32, #tpu.memory_space<vmem_shared>>
      %dma_start3A_591 = tpu.memref_slice %arg11[%dma_start3A_576] : memref<2x!tpu.dma_semaphore, #tpu.memory_space<semaphore_mem>> -> memref<1x!tpu.dma_semaphore, #tpu.memory_space<semaphore_mem>>
      %dma_start3A_592 = tpu.memref_squeeze %dma_start3A_591 : memref<1x!tpu.dma_semaphore, #tpu.memory_space<semaphore_mem>> -> memref<!tpu.dma_semaphore, #tpu.memory_space<semaphore_mem>>
      tpu.enqueue_indirect_dma source(%dma_start3A_580 : memref<128x128xf32, #tpu.memory_space<vmem>>) target(%dma_start3A_590 : memref<10240x128xf32, #tpu.memory_space<vmem_shared>>) offsets(%dma_start3A_587 : memref<128xi32, #tpu.memory_space<vmem>>) semaphore(%dma_start3A_592 : memref<!tpu.dma_semaphore, #tpu.memory_space<semaphore_mem>>) {add = true}
      %dma_wait3A_593 = arith.constant 0 : i32
      %dma_wait3A_594 = arith.constant 0 : i32
      %dma_wait3A_595 = arith.constant 0 : i32
      %dma_wait3A_596 = arith.constant 0 : i32
      %dma_wait3A_597 = arith.constant 0 : i32
      %dma_wait3A_598 = arith.constant 0 : i32
      %dma_wait3A_599 = tpu.memref_slice %arg8[%dma_wait3A_593, %dma_wait3A_597, %dma_wait3A_598] : memref<2x128x128xf32, #tpu.memory_space<vmem>> -> memref<1x128x128xf32, #tpu.memory_space<vmem>>
      %dma_wait3A_600 = tpu.memref_squeeze %dma_wait3A_599 : memref<1x128x128xf32, #tpu.memory_space<vmem>> -> memref<128x128xf32, #tpu.memory_space<vmem>>
      %dma_wait3A_601 = arith.constant 0 : i32
      %dma_wait3A_602 = arith.constant 0 : i32
      %dma_wait3A_603 = tpu.memref_slice %arg7[%dma_wait3A_594, %dma_wait3A_601, %dma_wait3A_602] : memref<2x16x128xi32, #tpu.memory_space<vmem>> -> memref<1x16x128xi32, #tpu.memory_space<vmem>>
      %dma_wait3A_604 = tpu.memref_squeeze %dma_wait3A_603 : memref<1x16x128xi32, #tpu.memory_space<vmem>> -> memref<16x128xi32, #tpu.memory_space<vmem>>
      %dma_wait3A_605 = arith.constant 0 : i32
      %dma_wait3A_606 = tpu.memref_slice %dma_wait3A_604[%dma_wait3A_595, %dma_wait3A_605] : memref<16x128xi32, #tpu.memory_space<vmem>> -> memref<1x128xi32, #tpu.memory_space<vmem>>
      %dma_wait3A_607 = tpu.memref_squeeze %dma_wait3A_606 : memref<1x128xi32, #tpu.memory_space<vmem>> -> memref<128xi32, #tpu.memory_space<vmem>>
      %dma_wait3A_608 = arith.constant 0 : i32
      %dma_wait3A_609 = arith.constant 0 : i32
      %dma_wait3A_610 = tpu.memref_slice %arg9[%dma_wait3A_608, %dma_wait3A_609] : memref<10240x128xf32, #tpu.memory_space<vmem_shared>> -> memref<10240x128xf32, #tpu.memory_space<vmem_shared>>
      %dma_wait3A_611 = tpu.memref_slice %arg11[%dma_wait3A_596] : memref<2x!tpu.dma_semaphore, #tpu.memory_space<semaphore_mem>> -> memref<1x!tpu.dma_semaphore, #tpu.memory_space<semaphore_mem>>
      %dma_wait3A_612 = tpu.memref_squeeze %dma_wait3A_611 : memref<1x!tpu.dma_semaphore, #tpu.memory_space<semaphore_mem>> -> memref<!tpu.dma_semaphore, #tpu.memory_space<semaphore_mem>>
      tpu.wait_indirect_dma semaphore(%dma_wait3A_612 : memref<!tpu.dma_semaphore, #tpu.memory_space<semaphore_mem>>) src(%dma_wait3A_600 : memref<128x128xf32, #tpu.memory_space<vmem>>) dst(%dma_wait3A_610 : memref<10240x128xf32, #tpu.memory_space<vmem_shared>>)
      %dma_start3A_613 = arith.constant 6 : i32
      %dma_start3A_614 = arith.constant 0 : i32
      %dma_start3A_615 = arith.constant 0 : i32
      %dma_start3A_616 = arith.constant 0 : i32
      %dma_start3A_617 = arith.constant 0 : i32
      %dma_start3A_618 = tpu.memref_slice %arg8[%dma_start3A_614, %dma_start3A_616, %dma_start3A_617] : memref<2x128x128xf32, #tpu.memory_space<vmem>> -> memref<1x128x128xf32, #tpu.memory_space<vmem>>
      %dma_start3A_619 = tpu.memref_squeeze %dma_start3A_618 : memref<1x128x128xf32, #tpu.memory_space<vmem>> -> memref<128x128xf32, #tpu.memory_space<vmem>>
      %dma_start3A_620 = arith.constant 0 : i32
      %dma_start3A_621 = arith.constant 0 : i32
      %dma_start3A_622 = tpu.memref_slice %arg6[%rem3A_176, %dma_start3A_620, %dma_start3A_621] : memref<2x16x128xi32, #tpu.memory_space<vmem>> -> memref<1x16x128xi32, #tpu.memory_space<vmem>>
      %dma_start3A_623 = tpu.memref_squeeze %dma_start3A_622 : memref<1x16x128xi32, #tpu.memory_space<vmem>> -> memref<16x128xi32, #tpu.memory_space<vmem>>
      %dma_start3A_624 = arith.constant 0 : i32
      %dma_start3A_625 = tpu.memref_slice %dma_start3A_623[%dma_start3A_613, %dma_start3A_624] : memref<16x128xi32, #tpu.memory_space<vmem>> -> memref<1x128xi32, #tpu.memory_space<vmem>>
      %dma_start3A_626 = tpu.memref_squeeze %dma_start3A_625 : memref<1x128xi32, #tpu.memory_space<vmem>> -> memref<128xi32, #tpu.memory_space<vmem>>
      %dma_start3A_627 = arith.constant 0 : i32
      %dma_start3A_628 = arith.constant 0 : i32
      %dma_start3A_629 = tpu.memref_slice %arg2[%arg0, %dma_start3A_627, %dma_start3A_628] : memref<2x10240x128xf32, #tpu.memory_space<hbm>> -> memref<1x10240x128xf32, #tpu.memory_space<hbm>>
      %dma_start3A_630 = tpu.memref_squeeze %dma_start3A_629 : memref<1x10240x128xf32, #tpu.memory_space<hbm>> -> memref<10240x128xf32, #tpu.memory_space<hbm>>
      %dma_start3A_631 = arith.constant 0 : i32
      %dma_start3A_632 = arith.constant 0 : i32
      %dma_start3A_633 = tpu.memref_slice %dma_start3A_630[%dma_start3A_631, %dma_start3A_632] : memref<10240x128xf32, #tpu.memory_space<hbm>> -> memref<10240x128xf32, #tpu.memory_space<hbm>>
      %dma_start3A_634 = tpu.memref_slice %arg10[%dma_start3A_615] : memref<2x!tpu.dma_semaphore, #tpu.memory_space<semaphore_mem>> -> memref<1x!tpu.dma_semaphore, #tpu.memory_space<semaphore_mem>>
      %dma_start3A_635 = tpu.memref_squeeze %dma_start3A_634 : memref<1x!tpu.dma_semaphore, #tpu.memory_space<semaphore_mem>> -> memref<!tpu.dma_semaphore, #tpu.memory_space<semaphore_mem>>
      tpu.enqueue_indirect_dma source(%dma_start3A_633 : memref<10240x128xf32, #tpu.memory_space<hbm>>) target(%dma_start3A_619 : memref<128x128xf32, #tpu.memory_space<vmem>>) offsets(%dma_start3A_626 : memref<128xi32, #tpu.memory_space<vmem>>) semaphore(%dma_start3A_635 : memref<!tpu.dma_semaphore, #tpu.memory_space<semaphore_mem>>)
      %dma_wait3A_636 = arith.constant 5 : i32
      %dma_wait3A_637 = arith.constant 1 : i32
      %dma_wait3A_638 = arith.constant 1 : i32
      %dma_wait3A_639 = arith.constant 0 : i32
      %dma_wait3A_640 = arith.constant 0 : i32
      %dma_wait3A_641 = tpu.memref_slice %arg8[%dma_wait3A_637, %dma_wait3A_639, %dma_wait3A_640] : memref<2x128x128xf32, #tpu.memory_space<vmem>> -> memref<1x128x128xf32, #tpu.memory_space<vmem>>
      %dma_wait3A_642 = tpu.memref_squeeze %dma_wait3A_641 : memref<1x128x128xf32, #tpu.memory_space<vmem>> -> memref<128x128xf32, #tpu.memory_space<vmem>>
      %dma_wait3A_643 = arith.constant 0 : i32
      %dma_wait3A_644 = arith.constant 0 : i32
      %dma_wait3A_645 = tpu.memref_slice %arg6[%rem3A_176, %dma_wait3A_643, %dma_wait3A_644] : memref<2x16x128xi32, #tpu.memory_space<vmem>> -> memref<1x16x128xi32, #tpu.memory_space<vmem>>
      %dma_wait3A_646 = tpu.memref_squeeze %dma_wait3A_645 : memref<1x16x128xi32, #tpu.memory_space<vmem>> -> memref<16x128xi32, #tpu.memory_space<vmem>>
      %dma_wait3A_647 = arith.constant 0 : i32
      %dma_wait3A_648 = tpu.memref_slice %dma_wait3A_646[%dma_wait3A_636, %dma_wait3A_647] : memref<16x128xi32, #tpu.memory_space<vmem>> -> memref<1x128xi32, #tpu.memory_space<vmem>>
      %dma_wait3A_649 = tpu.memref_squeeze %dma_wait3A_648 : memref<1x128xi32, #tpu.memory_space<vmem>> -> memref<128xi32, #tpu.memory_space<vmem>>
      %dma_wait3A_650 = arith.constant 0 : i32
      %dma_wait3A_651 = arith.constant 0 : i32
      %dma_wait3A_652 = tpu.memref_slice %arg2[%arg0, %dma_wait3A_650, %dma_wait3A_651] : memref<2x10240x128xf32, #tpu.memory_space<hbm>> -> memref<1x10240x128xf32, #tpu.memory_space<hbm>>
      %dma_wait3A_653 = tpu.memref_squeeze %dma_wait3A_652 : memref<1x10240x128xf32, #tpu.memory_space<hbm>> -> memref<10240x128xf32, #tpu.memory_space<hbm>>
      %dma_wait3A_654 = arith.constant 0 : i32
      %dma_wait3A_655 = arith.constant 0 : i32
      %dma_wait3A_656 = tpu.memref_slice %dma_wait3A_653[%dma_wait3A_654, %dma_wait3A_655] : memref<10240x128xf32, #tpu.memory_space<hbm>> -> memref<10240x128xf32, #tpu.memory_space<hbm>>
      %dma_wait3A_657 = tpu.memref_slice %arg10[%dma_wait3A_638] : memref<2x!tpu.dma_semaphore, #tpu.memory_space<semaphore_mem>> -> memref<1x!tpu.dma_semaphore, #tpu.memory_space<semaphore_mem>>
      %dma_wait3A_658 = tpu.memref_squeeze %dma_wait3A_657 : memref<1x!tpu.dma_semaphore, #tpu.memory_space<semaphore_mem>> -> memref<!tpu.dma_semaphore, #tpu.memory_space<semaphore_mem>>
      tpu.wait_indirect_dma semaphore(%dma_wait3A_658 : memref<!tpu.dma_semaphore, #tpu.memory_space<semaphore_mem>>) src(%dma_wait3A_656 : memref<10240x128xf32, #tpu.memory_space<hbm>>) dst(%dma_wait3A_642 : memref<128x128xf32, #tpu.memory_space<vmem>>)
      %dma_start3A_659 = arith.constant 1 : i32
      %dma_start3A_660 = arith.constant 5 : i32
      %dma_start3A_661 = arith.constant 1 : i32
      %dma_start3A_662 = arith.constant 0 : i32
      %dma_start3A_663 = arith.constant 0 : i32
      %dma_start3A_664 = tpu.memref_slice %arg8[%dma_start3A_659, %dma_start3A_662, %dma_start3A_663] : memref<2x128x128xf32, #tpu.memory_space<vmem>> -> memref<1x128x128xf32, #tpu.memory_space<vmem>>
      %dma_start3A_665 = tpu.memref_squeeze %dma_start3A_664 : memref<1x128x128xf32, #tpu.memory_space<vmem>> -> memref<128x128xf32, #tpu.memory_space<vmem>>
      %dma_start3A_666 = arith.constant 0 : i32
      %dma_start3A_667 = arith.constant 0 : i32
      %dma_start3A_668 = tpu.memref_slice %arg7[%rem3A_176, %dma_start3A_666, %dma_start3A_667] : memref<2x16x128xi32, #tpu.memory_space<vmem>> -> memref<1x16x128xi32, #tpu.memory_space<vmem>>
      %dma_start3A_669 = tpu.memref_squeeze %dma_start3A_668 : memref<1x16x128xi32, #tpu.memory_space<vmem>> -> memref<16x128xi32, #tpu.memory_space<vmem>>
      %dma_start3A_670 = arith.constant 0 : i32
      %dma_start3A_671 = tpu.memref_slice %dma_start3A_669[%dma_start3A_660, %dma_start3A_670] : memref<16x128xi32, #tpu.memory_space<vmem>> -> memref<1x128xi32, #tpu.memory_space<vmem>>
      %dma_start3A_672 = tpu.memref_squeeze %dma_start3A_671 : memref<1x128xi32, #tpu.memory_space<vmem>> -> memref<128xi32, #tpu.memory_space<vmem>>
      %dma_start3A_673 = arith.constant 0 : i32
      %dma_start3A_674 = arith.constant 0 : i32
      %dma_start3A_675 = tpu.memref_slice %arg9[%dma_start3A_673, %dma_start3A_674] : memref<10240x128xf32, #tpu.memory_space<vmem_shared>> -> memref<10240x128xf32, #tpu.memory_space<vmem_shared>>
      %dma_start3A_676 = tpu.memref_slice %arg11[%dma_start3A_661] : memref<2x!tpu.dma_semaphore, #tpu.memory_space<semaphore_mem>> -> memref<1x!tpu.dma_semaphore, #tpu.memory_space<semaphore_mem>>
      %dma_start3A_677 = tpu.memref_squeeze %dma_start3A_676 : memref<1x!tpu.dma_semaphore, #tpu.memory_space<semaphore_mem>> -> memref<!tpu.dma_semaphore, #tpu.memory_space<semaphore_mem>>
      tpu.enqueue_indirect_dma source(%dma_start3A_665 : memref<128x128xf32, #tpu.memory_space<vmem>>) target(%dma_start3A_675 : memref<10240x128xf32, #tpu.memory_space<vmem_shared>>) offsets(%dma_start3A_672 : memref<128xi32, #tpu.memory_space<vmem>>) semaphore(%dma_start3A_677 : memref<!tpu.dma_semaphore, #tpu.memory_space<semaphore_mem>>) {add = true}
      %dma_wait3A_678 = arith.constant 1 : i32
      %dma_wait3A_679 = arith.constant 0 : i32
      %dma_wait3A_680 = arith.constant 0 : i32
      %dma_wait3A_681 = arith.constant 1 : i32
      %dma_wait3A_682 = arith.constant 0 : i32
      %dma_wait3A_683 = arith.constant 0 : i32
      %dma_wait3A_684 = tpu.memref_slice %arg8[%dma_wait3A_678, %dma_wait3A_682, %dma_wait3A_683] : memref<2x128x128xf32, #tpu.memory_space<vmem>> -> memref<1x128x128xf32, #tpu.memory_space<vmem>>
      %dma_wait3A_685 = tpu.memref_squeeze %dma_wait3A_684 : memref<1x128x128xf32, #tpu.memory_space<vmem>> -> memref<128x128xf32, #tpu.memory_space<vmem>>
      %dma_wait3A_686 = arith.constant 0 : i32
      %dma_wait3A_687 = arith.constant 0 : i32
      %dma_wait3A_688 = tpu.memref_slice %arg7[%dma_wait3A_679, %dma_wait3A_686, %dma_wait3A_687] : memref<2x16x128xi32, #tpu.memory_space<vmem>> -> memref<1x16x128xi32, #tpu.memory_space<vmem>>
      %dma_wait3A_689 = tpu.memref_squeeze %dma_wait3A_688 : memref<1x16x128xi32, #tpu.memory_space<vmem>> -> memref<16x128xi32, #tpu.memory_space<vmem>>
      %dma_wait3A_690 = arith.constant 0 : i32
      %dma_wait3A_691 = tpu.memref_slice %dma_wait3A_689[%dma_wait3A_680, %dma_wait3A_690] : memref<16x128xi32, #tpu.memory_space<vmem>> -> memref<1x128xi32, #tpu.memory_space<vmem>>
      %dma_wait3A_692 = tpu.memref_squeeze %dma_wait3A_691 : memref<1x128xi32, #tpu.memory_space<vmem>> -> memref<128xi32, #tpu.memory_space<vmem>>
      %dma_wait3A_693 = arith.constant 0 : i32
      %dma_wait3A_694 = arith.constant 0 : i32
      %dma_wait3A_695 = tpu.memref_slice %arg9[%dma_wait3A_693, %dma_wait3A_694] : memref<10240x128xf32, #tpu.memory_space<vmem_shared>> -> memref<10240x128xf32, #tpu.memory_space<vmem_shared>>
      %dma_wait3A_696 = tpu.memref_slice %arg11[%dma_wait3A_681] : memref<2x!tpu.dma_semaphore, #tpu.memory_space<semaphore_mem>> -> memref<1x!tpu.dma_semaphore, #tpu.memory_space<semaphore_mem>>
      %dma_wait3A_697 = tpu.memref_squeeze %dma_wait3A_696 : memref<1x!tpu.dma_semaphore, #tpu.memory_space<semaphore_mem>> -> memref<!tpu.dma_semaphore, #tpu.memory_space<semaphore_mem>>
      tpu.wait_indirect_dma semaphore(%dma_wait3A_697 : memref<!tpu.dma_semaphore, #tpu.memory_space<semaphore_mem>>) src(%dma_wait3A_685 : memref<128x128xf32, #tpu.memory_space<vmem>>) dst(%dma_wait3A_695 : memref<10240x128xf32, #tpu.memory_space<vmem_shared>>)
      %dma_start3A_698 = arith.constant 7 : i32
      %dma_start3A_699 = arith.constant 1 : i32
      %dma_start3A_700 = arith.constant 1 : i32
      %dma_start3A_701 = arith.constant 0 : i32
      %dma_start3A_702 = arith.constant 0 : i32
      %dma_start3A_703 = tpu.memref_slice %arg8[%dma_start3A_699, %dma_start3A_701, %dma_start3A_702] : memref<2x128x128xf32, #tpu.memory_space<vmem>> -> memref<1x128x128xf32, #tpu.memory_space<vmem>>
      %dma_start3A_704 = tpu.memref_squeeze %dma_start3A_703 : memref<1x128x128xf32, #tpu.memory_space<vmem>> -> memref<128x128xf32, #tpu.memory_space<vmem>>
      %dma_start3A_705 = arith.constant 0 : i32
      %dma_start3A_706 = arith.constant 0 : i32
      %dma_start3A_707 = tpu.memref_slice %arg6[%rem3A_176, %dma_start3A_705, %dma_start3A_706] : memref<2x16x128xi32, #tpu.memory_space<vmem>> -> memref<1x16x128xi32, #tpu.memory_space<vmem>>
      %dma_start3A_708 = tpu.memref_squeeze %dma_start3A_707 : memref<1x16x128xi32, #tpu.memory_space<vmem>> -> memref<16x128xi32, #tpu.memory_space<vmem>>
      %dma_start3A_709 = arith.constant 0 : i32
      %dma_start3A_710 = tpu.memref_slice %dma_start3A_708[%dma_start3A_698, %dma_start3A_709] : memref<16x128xi32, #tpu.memory_space<vmem>> -> memref<1x128xi32, #tpu.memory_space<vmem>>
      %dma_start3A_711 = tpu.memref_squeeze %dma_start3A_710 : memref<1x128xi32, #tpu.memory_space<vmem>> -> memref<128xi32, #tpu.memory_space<vmem>>
      %dma_start3A_712 = arith.constant 0 : i32
      %dma_start3A_713 = arith.constant 0 : i32
      %dma_start3A_714 = tpu.memref_slice %arg2[%arg0, %dma_start3A_712, %dma_start3A_713] : memref<2x10240x128xf32, #tpu.memory_space<hbm>> -> memref<1x10240x128xf32, #tpu.memory_space<hbm>>
      %dma_start3A_715 = tpu.memref_squeeze %dma_start3A_714 : memref<1x10240x128xf32, #tpu.memory_space<hbm>> -> memref<10240x128xf32, #tpu.memory_space<hbm>>
      %dma_start3A_716 = arith.constant 0 : i32
      %dma_start3A_717 = arith.constant 0 : i32
      %dma_start3A_718 = tpu.memref_slice %dma_start3A_715[%dma_start3A_716, %dma_start3A_717] : memref<10240x128xf32, #tpu.memory_space<hbm>> -> memref<10240x128xf32, #tpu.memory_space<hbm>>
      %dma_start3A_719 = tpu.memref_slice %arg10[%dma_start3A_700] : memref<2x!tpu.dma_semaphore, #tpu.memory_space<semaphore_mem>> -> memref<1x!tpu.dma_semaphore, #tpu.memory_space<semaphore_mem>>
      %dma_start3A_720 = tpu.memref_squeeze %dma_start3A_719 : memref<1x!tpu.dma_semaphore, #tpu.memory_space<semaphore_mem>> -> memref<!tpu.dma_semaphore, #tpu.memory_space<semaphore_mem>>
      tpu.enqueue_indirect_dma source(%dma_start3A_718 : memref<10240x128xf32, #tpu.memory_space<hbm>>) target(%dma_start3A_704 : memref<128x128xf32, #tpu.memory_space<vmem>>) offsets(%dma_start3A_711 : memref<128xi32, #tpu.memory_space<vmem>>) semaphore(%dma_start3A_720 : memref<!tpu.dma_semaphore, #tpu.memory_space<semaphore_mem>>)
      %dma_wait3A_721 = arith.constant 6 : i32
      %dma_wait3A_722 = arith.constant 0 : i32
      %dma_wait3A_723 = arith.constant 0 : i32
      %dma_wait3A_724 = arith.constant 0 : i32
      %dma_wait3A_725 = arith.constant 0 : i32
      %dma_wait3A_726 = tpu.memref_slice %arg8[%dma_wait3A_722, %dma_wait3A_724, %dma_wait3A_725] : memref<2x128x128xf32, #tpu.memory_space<vmem>> -> memref<1x128x128xf32, #tpu.memory_space<vmem>>
      %dma_wait3A_727 = tpu.memref_squeeze %dma_wait3A_726 : memref<1x128x128xf32, #tpu.memory_space<vmem>> -> memref<128x128xf32, #tpu.memory_space<vmem>>
      %dma_wait3A_728 = arith.constant 0 : i32
      %dma_wait3A_729 = arith.constant 0 : i32
      %dma_wait3A_730 = tpu.memref_slice %arg6[%rem3A_176, %dma_wait3A_728, %dma_wait3A_729] : memref<2x16x128xi32, #tpu.memory_space<vmem>> -> memref<1x16x128xi32, #tpu.memory_space<vmem>>
      %dma_wait3A_731 = tpu.memref_squeeze %dma_wait3A_730 : memref<1x16x128xi32, #tpu.memory_space<vmem>> -> memref<16x128xi32, #tpu.memory_space<vmem>>
      %dma_wait3A_732 = arith.constant 0 : i32
      %dma_wait3A_733 = tpu.memref_slice %dma_wait3A_731[%dma_wait3A_721, %dma_wait3A_732] : memref<16x128xi32, #tpu.memory_space<vmem>> -> memref<1x128xi32, #tpu.memory_space<vmem>>
      %dma_wait3A_734 = tpu.memref_squeeze %dma_wait3A_733 : memref<1x128xi32, #tpu.memory_space<vmem>> -> memref<128xi32, #tpu.memory_space<vmem>>
      %dma_wait3A_735 = arith.constant 0 : i32
      %dma_wait3A_736 = arith.constant 0 : i32
      %dma_wait3A_737 = tpu.memref_slice %arg2[%arg0, %dma_wait3A_735, %dma_wait3A_736] : memref<2x10240x128xf32, #tpu.memory_space<hbm>> -> memref<1x10240x128xf32, #tpu.memory_space<hbm>>
      %dma_wait3A_738 = tpu.memref_squeeze %dma_wait3A_737 : memref<1x10240x128xf32, #tpu.memory_space<hbm>> -> memref<10240x128xf32, #tpu.memory_space<hbm>>
      %dma_wait3A_739 = arith.constant 0 : i32
      %dma_wait3A_740 = arith.constant 0 : i32
      %dma_wait3A_741 = tpu.memref_slice %dma_wait3A_738[%dma_wait3A_739, %dma_wait3A_740] : memref<10240x128xf32, #tpu.memory_space<hbm>> -> memref<10240x128xf32, #tpu.memory_space<hbm>>
      %dma_wait3A_742 = tpu.memref_slice %arg10[%dma_wait3A_723] : memref<2x!tpu.dma_semaphore, #tpu.memory_space<semaphore_mem>> -> memref<1x!tpu.dma_semaphore, #tpu.memory_space<semaphore_mem>>
      %dma_wait3A_743 = tpu.memref_squeeze %dma_wait3A_742 : memref<1x!tpu.dma_semaphore, #tpu.memory_space<semaphore_mem>> -> memref<!tpu.dma_semaphore, #tpu.memory_space<semaphore_mem>>
      tpu.wait_indirect_dma semaphore(%dma_wait3A_743 : memref<!tpu.dma_semaphore, #tpu.memory_space<semaphore_mem>>) src(%dma_wait3A_741 : memref<10240x128xf32, #tpu.memory_space<hbm>>) dst(%dma_wait3A_727 : memref<128x128xf32, #tpu.memory_space<vmem>>)
      %dma_start3A_744 = arith.constant 0 : i32
      %dma_start3A_745 = arith.constant 6 : i32
      %dma_start3A_746 = arith.constant 0 : i32
      %dma_start3A_747 = arith.constant 0 : i32
      %dma_start3A_748 = arith.constant 0 : i32
      %dma_start3A_749 = tpu.memref_slice %arg8[%dma_start3A_744, %dma_start3A_747, %dma_start3A_748] : memref<2x128x128xf32, #tpu.memory_space<vmem>> -> memref<1x128x128xf32, #tpu.memory_space<vmem>>
      %dma_start3A_750 = tpu.memref_squeeze %dma_start3A_749 : memref<1x128x128xf32, #tpu.memory_space<vmem>> -> memref<128x128xf32, #tpu.memory_space<vmem>>
      %dma_start3A_751 = arith.constant 0 : i32
      %dma_start3A_752 = arith.constant 0 : i32
      %dma_start3A_753 = tpu.memref_slice %arg7[%rem3A_176, %dma_start3A_751, %dma_start3A_752] : memref<2x16x128xi32, #tpu.memory_space<vmem>> -> memref<1x16x128xi32, #tpu.memory_space<vmem>>
      %dma_start3A_754 = tpu.memref_squeeze %dma_start3A_753 : memref<1x16x128xi32, #tpu.memory_space<vmem>> -> memref<16x128xi32, #tpu.memory_space<vmem>>
      %dma_start3A_755 = arith.constant 0 : i32
      %dma_start3A_756 = tpu.memref_slice %dma_start3A_754[%dma_start3A_745, %dma_start3A_755] : memref<16x128xi32, #tpu.memory_space<vmem>> -> memref<1x128xi32, #tpu.memory_space<vmem>>
      %dma_start3A_757 = tpu.memref_squeeze %dma_start3A_756 : memref<1x128xi32, #tpu.memory_space<vmem>> -> memref<128xi32, #tpu.memory_space<vmem>>
      %dma_start3A_758 = arith.constant 0 : i32
      %dma_start3A_759 = arith.constant 0 : i32
      %dma_start3A_760 = tpu.memref_slice %arg9[%dma_start3A_758, %dma_start3A_759] : memref<10240x128xf32, #tpu.memory_space<vmem_shared>> -> memref<10240x128xf32, #tpu.memory_space<vmem_shared>>
      %dma_start3A_761 = tpu.memref_slice %arg11[%dma_start3A_746] : memref<2x!tpu.dma_semaphore, #tpu.memory_space<semaphore_mem>> -> memref<1x!tpu.dma_semaphore, #tpu.memory_space<semaphore_mem>>
      %dma_start3A_762 = tpu.memref_squeeze %dma_start3A_761 : memref<1x!tpu.dma_semaphore, #tpu.memory_space<semaphore_mem>> -> memref<!tpu.dma_semaphore, #tpu.memory_space<semaphore_mem>>
      tpu.enqueue_indirect_dma source(%dma_start3A_750 : memref<128x128xf32, #tpu.memory_space<vmem>>) target(%dma_start3A_760 : memref<10240x128xf32, #tpu.memory_space<vmem_shared>>) offsets(%dma_start3A_757 : memref<128xi32, #tpu.memory_space<vmem>>) semaphore(%dma_start3A_762 : memref<!tpu.dma_semaphore, #tpu.memory_space<semaphore_mem>>) {add = true}
      %dma_wait3A_763 = arith.constant 0 : i32
      %dma_wait3A_764 = arith.constant 0 : i32
      %dma_wait3A_765 = arith.constant 0 : i32
      %dma_wait3A_766 = arith.constant 0 : i32
      %dma_wait3A_767 = arith.constant 0 : i32
      %dma_wait3A_768 = arith.constant 0 : i32
      %dma_wait3A_769 = tpu.memref_slice %arg8[%dma_wait3A_763, %dma_wait3A_767, %dma_wait3A_768] : memref<2x128x128xf32, #tpu.memory_space<vmem>> -> memref<1x128x128xf32, #tpu.memory_space<vmem>>
      %dma_wait3A_770 = tpu.memref_squeeze %dma_wait3A_769 : memref<1x128x128xf32, #tpu.memory_space<vmem>> -> memref<128x128xf32, #tpu.memory_space<vmem>>
      %dma_wait3A_771 = arith.constant 0 : i32
      %dma_wait3A_772 = arith.constant 0 : i32
      %dma_wait3A_773 = tpu.memref_slice %arg7[%dma_wait3A_764, %dma_wait3A_771, %dma_wait3A_772] : memref<2x16x128xi32, #tpu.memory_space<vmem>> -> memref<1x16x128xi32, #tpu.memory_space<vmem>>
      %dma_wait3A_774 = tpu.memref_squeeze %dma_wait3A_773 : memref<1x16x128xi32, #tpu.memory_space<vmem>> -> memref<16x128xi32, #tpu.memory_space<vmem>>
      %dma_wait3A_775 = arith.constant 0 : i32
      %dma_wait3A_776 = tpu.memref_slice %dma_wait3A_774[%dma_wait3A_765, %dma_wait3A_775] : memref<16x128xi32, #tpu.memory_space<vmem>> -> memref<1x128xi32, #tpu.memory_space<vmem>>
      %dma_wait3A_777 = tpu.memref_squeeze %dma_wait3A_776 : memref<1x128xi32, #tpu.memory_space<vmem>> -> memref<128xi32, #tpu.memory_space<vmem>>
      %dma_wait3A_778 = arith.constant 0 : i32
      %dma_wait3A_779 = arith.constant 0 : i32
      %dma_wait3A_780 = tpu.memref_slice %arg9[%dma_wait3A_778, %dma_wait3A_779] : memref<10240x128xf32, #tpu.memory_space<vmem_shared>> -> memref<10240x128xf32, #tpu.memory_space<vmem_shared>>
      %dma_wait3A_781 = tpu.memref_slice %arg11[%dma_wait3A_766] : memref<2x!tpu.dma_semaphore, #tpu.memory_space<semaphore_mem>> -> memref<1x!tpu.dma_semaphore, #tpu.memory_space<semaphore_mem>>
      %dma_wait3A_782 = tpu.memref_squeeze %dma_wait3A_781 : memref<1x!tpu.dma_semaphore, #tpu.memory_space<semaphore_mem>> -> memref<!tpu.dma_semaphore, #tpu.memory_space<semaphore_mem>>
      tpu.wait_indirect_dma semaphore(%dma_wait3A_782 : memref<!tpu.dma_semaphore, #tpu.memory_space<semaphore_mem>>) src(%dma_wait3A_770 : memref<128x128xf32, #tpu.memory_space<vmem>>) dst(%dma_wait3A_780 : memref<10240x128xf32, #tpu.memory_space<vmem_shared>>)
      %dma_start3A_783 = arith.constant 8 : i32
      %dma_start3A_784 = arith.constant 0 : i32
      %dma_start3A_785 = arith.constant 0 : i32
      %dma_start3A_786 = arith.constant 0 : i32
      %dma_start3A_787 = arith.constant 0 : i32
      %dma_start3A_788 = tpu.memref_slice %arg8[%dma_start3A_784, %dma_start3A_786, %dma_start3A_787] : memref<2x128x128xf32, #tpu.memory_space<vmem>> -> memref<1x128x128xf32, #tpu.memory_space<vmem>>
      %dma_start3A_789 = tpu.memref_squeeze %dma_start3A_788 : memref<1x128x128xf32, #tpu.memory_space<vmem>> -> memref<128x128xf32, #tpu.memory_space<vmem>>
      %dma_start3A_790 = arith.constant 0 : i32
      %dma_start3A_791 = arith.constant 0 : i32
      %dma_start3A_792 = tpu.memref_slice %arg6[%rem3A_176, %dma_start3A_790, %dma_start3A_791] : memref<2x16x128xi32, #tpu.memory_space<vmem>> -> memref<1x16x128xi32, #tpu.memory_space<vmem>>
      %dma_start3A_793 = tpu.memref_squeeze %dma_start3A_792 : memref<1x16x128xi32, #tpu.memory_space<vmem>> -> memref<16x128xi32, #tpu.memory_space<vmem>>
      %dma_start3A_794 = arith.constant 0 : i32
      %dma_start3A_795 = tpu.memref_slice %dma_start3A_793[%dma_start3A_783, %dma_start3A_794] : memref<16x128xi32, #tpu.memory_space<vmem>> -> memref<1x128xi32, #tpu.memory_space<vmem>>
      %dma_start3A_796 = tpu.memref_squeeze %dma_start3A_795 : memref<1x128xi32, #tpu.memory_space<vmem>> -> memref<128xi32, #tpu.memory_space<vmem>>
      %dma_start3A_797 = arith.constant 0 : i32
      %dma_start3A_798 = arith.constant 0 : i32
      %dma_start3A_799 = tpu.memref_slice %arg2[%arg0, %dma_start3A_797, %dma_start3A_798] : memref<2x10240x128xf32, #tpu.memory_space<hbm>> -> memref<1x10240x128xf32, #tpu.memory_space<hbm>>
      %dma_start3A_800 = tpu.memref_squeeze %dma_start3A_799 : memref<1x10240x128xf32, #tpu.memory_space<hbm>> -> memref<10240x128xf32, #tpu.memory_space<hbm>>
      %dma_start3A_801 = arith.constant 0 : i32
      %dma_start3A_802 = arith.constant 0 : i32
      %dma_start3A_803 = tpu.memref_slice %dma_start3A_800[%dma_start3A_801, %dma_start3A_802] : memref<10240x128xf32, #tpu.memory_space<hbm>> -> memref<10240x128xf32, #tpu.memory_space<hbm>>
      %dma_start3A_804 = tpu.memref_slice %arg10[%dma_start3A_785] : memref<2x!tpu.dma_semaphore, #tpu.memory_space<semaphore_mem>> -> memref<1x!tpu.dma_semaphore, #tpu.memory_space<semaphore_mem>>
      %dma_start3A_805 = tpu.memref_squeeze %dma_start3A_804 : memref<1x!tpu.dma_semaphore, #tpu.memory_space<semaphore_mem>> -> memref<!tpu.dma_semaphore, #tpu.memory_space<semaphore_mem>>
      tpu.enqueue_indirect_dma source(%dma_start3A_803 : memref<10240x128xf32, #tpu.memory_space<hbm>>) target(%dma_start3A_789 : memref<128x128xf32, #tpu.memory_space<vmem>>) offsets(%dma_start3A_796 : memref<128xi32, #tpu.memory_space<vmem>>) semaphore(%dma_start3A_805 : memref<!tpu.dma_semaphore, #tpu.memory_space<semaphore_mem>>)
      %dma_wait3A_806 = arith.constant 7 : i32
      %dma_wait3A_807 = arith.constant 1 : i32
      %dma_wait3A_808 = arith.constant 1 : i32
      %dma_wait3A_809 = arith.constant 0 : i32
      %dma_wait3A_810 = arith.constant 0 : i32
      %dma_wait3A_811 = tpu.memref_slice %arg8[%dma_wait3A_807, %dma_wait3A_809, %dma_wait3A_810] : memref<2x128x128xf32, #tpu.memory_space<vmem>> -> memref<1x128x128xf32, #tpu.memory_space<vmem>>
      %dma_wait3A_812 = tpu.memref_squeeze %dma_wait3A_811 : memref<1x128x128xf32, #tpu.memory_space<vmem>> -> memref<128x128xf32, #tpu.memory_space<vmem>>
      %dma_wait3A_813 = arith.constant 0 : i32
      %dma_wait3A_814 = arith.constant 0 : i32
      %dma_wait3A_815 = tpu.memref_slice %arg6[%rem3A_176, %dma_wait3A_813, %dma_wait3A_814] : memref<2x16x128xi32, #tpu.memory_space<vmem>> -> memref<1x16x128xi32, #tpu.memory_space<vmem>>
      %dma_wait3A_816 = tpu.memref_squeeze %dma_wait3A_815 : memref<1x16x128xi32, #tpu.memory_space<vmem>> -> memref<16x128xi32, #tpu.memory_space<vmem>>
      %dma_wait3A_817 = arith.constant 0 : i32
      %dma_wait3A_818 = tpu.memref_slice %dma_wait3A_816[%dma_wait3A_806, %dma_wait3A_817] : memref<16x128xi32, #tpu.memory_space<vmem>> -> memref<1x128xi32, #tpu.memory_space<vmem>>
      %dma_wait3A_819 = tpu.memref_squeeze %dma_wait3A_818 : memref<1x128xi32, #tpu.memory_space<vmem>> -> memref<128xi32, #tpu.memory_space<vmem>>
      %dma_wait3A_820 = arith.constant 0 : i32
      %dma_wait3A_821 = arith.constant 0 : i32
      %dma_wait3A_822 = tpu.memref_slice %arg2[%arg0, %dma_wait3A_820, %dma_wait3A_821] : memref<2x10240x128xf32, #tpu.memory_space<hbm>> -> memref<1x10240x128xf32, #tpu.memory_space<hbm>>
      %dma_wait3A_823 = tpu.memref_squeeze %dma_wait3A_822 : memref<1x10240x128xf32, #tpu.memory_space<hbm>> -> memref<10240x128xf32, #tpu.memory_space<hbm>>
      %dma_wait3A_824 = arith.constant 0 : i32
      %dma_wait3A_825 = arith.constant 0 : i32
      %dma_wait3A_826 = tpu.memref_slice %dma_wait3A_823[%dma_wait3A_824, %dma_wait3A_825] : memref<10240x128xf32, #tpu.memory_space<hbm>> -> memref<10240x128xf32, #tpu.memory_space<hbm>>
      %dma_wait3A_827 = tpu.memref_slice %arg10[%dma_wait3A_808] : memref<2x!tpu.dma_semaphore, #tpu.memory_space<semaphore_mem>> -> memref<1x!tpu.dma_semaphore, #tpu.memory_space<semaphore_mem>>
      %dma_wait3A_828 = tpu.memref_squeeze %dma_wait3A_827 : memref<1x!tpu.dma_semaphore, #tpu.memory_space<semaphore_mem>> -> memref<!tpu.dma_semaphore, #tpu.memory_space<semaphore_mem>>
      tpu.wait_indirect_dma semaphore(%dma_wait3A_828 : memref<!tpu.dma_semaphore, #tpu.memory_space<semaphore_mem>>) src(%dma_wait3A_826 : memref<10240x128xf32, #tpu.memory_space<hbm>>) dst(%dma_wait3A_812 : memref<128x128xf32, #tpu.memory_space<vmem>>)
      %dma_start3A_829 = arith.constant 1 : i32
      %dma_start3A_830 = arith.constant 7 : i32
      %dma_start3A_831 = arith.constant 1 : i32
      %dma_start3A_832 = arith.constant 0 : i32
      %dma_start3A_833 = arith.constant 0 : i32
      %dma_start3A_834 = tpu.memref_slice %arg8[%dma_start3A_829, %dma_start3A_832, %dma_start3A_833] : memref<2x128x128xf32, #tpu.memory_space<vmem>> -> memref<1x128x128xf32, #tpu.memory_space<vmem>>
      %dma_start3A_835 = tpu.memref_squeeze %dma_start3A_834 : memref<1x128x128xf32, #tpu.memory_space<vmem>> -> memref<128x128xf32, #tpu.memory_space<vmem>>
      %dma_start3A_836 = arith.constant 0 : i32
      %dma_start3A_837 = arith.constant 0 : i32
      %dma_start3A_838 = tpu.memref_slice %arg7[%rem3A_176, %dma_start3A_836, %dma_start3A_837] : memref<2x16x128xi32, #tpu.memory_space<vmem>> -> memref<1x16x128xi32, #tpu.memory_space<vmem>>
      %dma_start3A_839 = tpu.memref_squeeze %dma_start3A_838 : memref<1x16x128xi32, #tpu.memory_space<vmem>> -> memref<16x128xi32, #tpu.memory_space<vmem>>
      %dma_start3A_840 = arith.constant 0 : i32
      %dma_start3A_841 = tpu.memref_slice %dma_start3A_839[%dma_start3A_830, %dma_start3A_840] : memref<16x128xi32, #tpu.memory_space<vmem>> -> memref<1x128xi32, #tpu.memory_space<vmem>>
      %dma_start3A_842 = tpu.memref_squeeze %dma_start3A_841 : memref<1x128xi32, #tpu.memory_space<vmem>> -> memref<128xi32, #tpu.memory_space<vmem>>
      %dma_start3A_843 = arith.constant 0 : i32
      %dma_start3A_844 = arith.constant 0 : i32
      %dma_start3A_845 = tpu.memref_slice %arg9[%dma_start3A_843, %dma_start3A_844] : memref<10240x128xf32, #tpu.memory_space<vmem_shared>> -> memref<10240x128xf32, #tpu.memory_space<vmem_shared>>
      %dma_start3A_846 = tpu.memref_slice %arg11[%dma_start3A_831] : memref<2x!tpu.dma_semaphore, #tpu.memory_space<semaphore_mem>> -> memref<1x!tpu.dma_semaphore, #tpu.memory_space<semaphore_mem>>
      %dma_start3A_847 = tpu.memref_squeeze %dma_start3A_846 : memref<1x!tpu.dma_semaphore, #tpu.memory_space<semaphore_mem>> -> memref<!tpu.dma_semaphore, #tpu.memory_space<semaphore_mem>>
      tpu.enqueue_indirect_dma source(%dma_start3A_835 : memref<128x128xf32, #tpu.memory_space<vmem>>) target(%dma_start3A_845 : memref<10240x128xf32, #tpu.memory_space<vmem_shared>>) offsets(%dma_start3A_842 : memref<128xi32, #tpu.memory_space<vmem>>) semaphore(%dma_start3A_847 : memref<!tpu.dma_semaphore, #tpu.memory_space<semaphore_mem>>) {add = true}
      %dma_wait3A_848 = arith.constant 1 : i32
      %dma_wait3A_849 = arith.constant 0 : i32
      %dma_wait3A_850 = arith.constant 0 : i32
      %dma_wait3A_851 = arith.constant 1 : i32
      %dma_wait3A_852 = arith.constant 0 : i32
      %dma_wait3A_853 = arith.constant 0 : i32
      %dma_wait3A_854 = tpu.memref_slice %arg8[%dma_wait3A_848, %dma_wait3A_852, %dma_wait3A_853] : memref<2x128x128xf32, #tpu.memory_space<vmem>> -> memref<1x128x128xf32, #tpu.memory_space<vmem>>
      %dma_wait3A_855 = tpu.memref_squeeze %dma_wait3A_854 : memref<1x128x128xf32, #tpu.memory_space<vmem>> -> memref<128x128xf32, #tpu.memory_space<vmem>>
      %dma_wait3A_856 = arith.constant 0 : i32
      %dma_wait3A_857 = arith.constant 0 : i32
      %dma_wait3A_858 = tpu.memref_slice %arg7[%dma_wait3A_849, %dma_wait3A_856, %dma_wait3A_857] : memref<2x16x128xi32, #tpu.memory_space<vmem>> -> memref<1x16x128xi32, #tpu.memory_space<vmem>>
      %dma_wait3A_859 = tpu.memref_squeeze %dma_wait3A_858 : memref<1x16x128xi32, #tpu.memory_space<vmem>> -> memref<16x128xi32, #tpu.memory_space<vmem>>
      %dma_wait3A_860 = arith.constant 0 : i32
      %dma_wait3A_861 = tpu.memref_slice %dma_wait3A_859[%dma_wait3A_850, %dma_wait3A_860] : memref<16x128xi32, #tpu.memory_space<vmem>> -> memref<1x128xi32, #tpu.memory_space<vmem>>
      %dma_wait3A_862 = tpu.memref_squeeze %dma_wait3A_861 : memref<1x128xi32, #tpu.memory_space<vmem>> -> memref<128xi32, #tpu.memory_space<vmem>>
      %dma_wait3A_863 = arith.constant 0 : i32
      %dma_wait3A_864 = arith.constant 0 : i32
      %dma_wait3A_865 = tpu.memref_slice %arg9[%dma_wait3A_863, %dma_wait3A_864] : memref<10240x128xf32, #tpu.memory_space<vmem_shared>> -> memref<10240x128xf32, #tpu.memory_space<vmem_shared>>
      %dma_wait3A_866 = tpu.memref_slice %arg11[%dma_wait3A_851] : memref<2x!tpu.dma_semaphore, #tpu.memory_space<semaphore_mem>> -> memref<1x!tpu.dma_semaphore, #tpu.memory_space<semaphore_mem>>
      %dma_wait3A_867 = tpu.memref_squeeze %dma_wait3A_866 : memref<1x!tpu.dma_semaphore, #tpu.memory_space<semaphore_mem>> -> memref<!tpu.dma_semaphore, #tpu.memory_space<semaphore_mem>>
      tpu.wait_indirect_dma semaphore(%dma_wait3A_867 : memref<!tpu.dma_semaphore, #tpu.memory_space<semaphore_mem>>) src(%dma_wait3A_855 : memref<128x128xf32, #tpu.memory_space<vmem>>) dst(%dma_wait3A_865 : memref<10240x128xf32, #tpu.memory_space<vmem_shared>>)
      %dma_start3A_868 = arith.constant 9 : i32
      %dma_start3A_869 = arith.constant 1 : i32
      %dma_start3A_870 = arith.constant 1 : i32
      %dma_start3A_871 = arith.constant 0 : i32
      %dma_start3A_872 = arith.constant 0 : i32
      %dma_start3A_873 = tpu.memref_slice %arg8[%dma_start3A_869, %dma_start3A_871, %dma_start3A_872] : memref<2x128x128xf32, #tpu.memory_space<vmem>> -> memref<1x128x128xf32, #tpu.memory_space<vmem>>
      %dma_start3A_874 = tpu.memref_squeeze %dma_start3A_873 : memref<1x128x128xf32, #tpu.memory_space<vmem>> -> memref<128x128xf32, #tpu.memory_space<vmem>>
      %dma_start3A_875 = arith.constant 0 : i32
      %dma_start3A_876 = arith.constant 0 : i32
      %dma_start3A_877 = tpu.memref_slice %arg6[%rem3A_176, %dma_start3A_875, %dma_start3A_876] : memref<2x16x128xi32, #tpu.memory_space<vmem>> -> memref<1x16x128xi32, #tpu.memory_space<vmem>>
      %dma_start3A_878 = tpu.memref_squeeze %dma_start3A_877 : memref<1x16x128xi32, #tpu.memory_space<vmem>> -> memref<16x128xi32, #tpu.memory_space<vmem>>
      %dma_start3A_879 = arith.constant 0 : i32
      %dma_start3A_880 = tpu.memref_slice %dma_start3A_878[%dma_start3A_868, %dma_start3A_879] : memref<16x128xi32, #tpu.memory_space<vmem>> -> memref<1x128xi32, #tpu.memory_space<vmem>>
      %dma_start3A_881 = tpu.memref_squeeze %dma_start3A_880 : memref<1x128xi32, #tpu.memory_space<vmem>> -> memref<128xi32, #tpu.memory_space<vmem>>
      %dma_start3A_882 = arith.constant 0 : i32
      %dma_start3A_883 = arith.constant 0 : i32
      %dma_start3A_884 = tpu.memref_slice %arg2[%arg0, %dma_start3A_882, %dma_start3A_883] : memref<2x10240x128xf32, #tpu.memory_space<hbm>> -> memref<1x10240x128xf32, #tpu.memory_space<hbm>>
      %dma_start3A_885 = tpu.memref_squeeze %dma_start3A_884 : memref<1x10240x128xf32, #tpu.memory_space<hbm>> -> memref<10240x128xf32, #tpu.memory_space<hbm>>
      %dma_start3A_886 = arith.constant 0 : i32
      %dma_start3A_887 = arith.constant 0 : i32
      %dma_start3A_888 = tpu.memref_slice %dma_start3A_885[%dma_start3A_886, %dma_start3A_887] : memref<10240x128xf32, #tpu.memory_space<hbm>> -> memref<10240x128xf32, #tpu.memory_space<hbm>>
      %dma_start3A_889 = tpu.memref_slice %arg10[%dma_start3A_870] : memref<2x!tpu.dma_semaphore, #tpu.memory_space<semaphore_mem>> -> memref<1x!tpu.dma_semaphore, #tpu.memory_space<semaphore_mem>>
      %dma_start3A_890 = tpu.memref_squeeze %dma_start3A_889 : memref<1x!tpu.dma_semaphore, #tpu.memory_space<semaphore_mem>> -> memref<!tpu.dma_semaphore, #tpu.memory_space<semaphore_mem>>
      tpu.enqueue_indirect_dma source(%dma_start3A_888 : memref<10240x128xf32, #tpu.memory_space<hbm>>) target(%dma_start3A_874 : memref<128x128xf32, #tpu.memory_space<vmem>>) offsets(%dma_start3A_881 : memref<128xi32, #tpu.memory_space<vmem>>) semaphore(%dma_start3A_890 : memref<!tpu.dma_semaphore, #tpu.memory_space<semaphore_mem>>)
      %dma_wait3A_891 = arith.constant 8 : i32
      %dma_wait3A_892 = arith.constant 0 : i32
      %dma_wait3A_893 = arith.constant 0 : i32
      %dma_wait3A_894 = arith.constant 0 : i32
      %dma_wait3A_895 = arith.constant 0 : i32
      %dma_wait3A_896 = tpu.memref_slice %arg8[%dma_wait3A_892, %dma_wait3A_894, %dma_wait3A_895] : memref<2x128x128xf32, #tpu.memory_space<vmem>> -> memref<1x128x128xf32, #tpu.memory_space<vmem>>
      %dma_wait3A_897 = tpu.memref_squeeze %dma_wait3A_896 : memref<1x128x128xf32, #tpu.memory_space<vmem>> -> memref<128x128xf32, #tpu.memory_space<vmem>>
      %dma_wait3A_898 = arith.constant 0 : i32
      %dma_wait3A_899 = arith.constant 0 : i32
      %dma_wait3A_900 = tpu.memref_slice %arg6[%rem3A_176, %dma_wait3A_898, %dma_wait3A_899] : memref<2x16x128xi32, #tpu.memory_space<vmem>> -> memref<1x16x128xi32, #tpu.memory_space<vmem>>
      %dma_wait3A_901 = tpu.memref_squeeze %dma_wait3A_900 : memref<1x16x128xi32, #tpu.memory_space<vmem>> -> memref<16x128xi32, #tpu.memory_space<vmem>>
      %dma_wait3A_902 = arith.constant 0 : i32
      %dma_wait3A_903 = tpu.memref_slice %dma_wait3A_901[%dma_wait3A_891, %dma_wait3A_902] : memref<16x128xi32, #tpu.memory_space<vmem>> -> memref<1x128xi32, #tpu.memory_space<vmem>>
      %dma_wait3A_904 = tpu.memref_squeeze %dma_wait3A_903 : memref<1x128xi32, #tpu.memory_space<vmem>> -> memref<128xi32, #tpu.memory_space<vmem>>
      %dma_wait3A_905 = arith.constant 0 : i32
      %dma_wait3A_906 = arith.constant 0 : i32
      %dma_wait3A_907 = tpu.memref_slice %arg2[%arg0, %dma_wait3A_905, %dma_wait3A_906] : memref<2x10240x128xf32, #tpu.memory_space<hbm>> -> memref<1x10240x128xf32, #tpu.memory_space<hbm>>
      %dma_wait3A_908 = tpu.memref_squeeze %dma_wait3A_907 : memref<1x10240x128xf32, #tpu.memory_space<hbm>> -> memref<10240x128xf32, #tpu.memory_space<hbm>>
      %dma_wait3A_909 = arith.constant 0 : i32
      %dma_wait3A_910 = arith.constant 0 : i32
      %dma_wait3A_911 = tpu.memref_slice %dma_wait3A_908[%dma_wait3A_909, %dma_wait3A_910] : memref<10240x128xf32, #tpu.memory_space<hbm>> -> memref<10240x128xf32, #tpu.memory_space<hbm>>
      %dma_wait3A_912 = tpu.memref_slice %arg10[%dma_wait3A_893] : memref<2x!tpu.dma_semaphore, #tpu.memory_space<semaphore_mem>> -> memref<1x!tpu.dma_semaphore, #tpu.memory_space<semaphore_mem>>
      %dma_wait3A_913 = tpu.memref_squeeze %dma_wait3A_912 : memref<1x!tpu.dma_semaphore, #tpu.memory_space<semaphore_mem>> -> memref<!tpu.dma_semaphore, #tpu.memory_space<semaphore_mem>>
      tpu.wait_indirect_dma semaphore(%dma_wait3A_913 : memref<!tpu.dma_semaphore, #tpu.memory_space<semaphore_mem>>) src(%dma_wait3A_911 : memref<10240x128xf32, #tpu.memory_space<hbm>>) dst(%dma_wait3A_897 : memref<128x128xf32, #tpu.memory_space<vmem>>)
      %dma_start3A_914 = arith.constant 0 : i32
      %dma_start3A_915 = arith.constant 8 : i32
      %dma_start3A_916 = arith.constant 0 : i32
      %dma_start3A_917 = arith.constant 0 : i32
      %dma_start3A_918 = arith.constant 0 : i32
      %dma_start3A_919 = tpu.memref_slice %arg8[%dma_start3A_914, %dma_start3A_917, %dma_start3A_918] : memref<2x128x128xf32, #tpu.memory_space<vmem>> -> memref<1x128x128xf32, #tpu.memory_space<vmem>>
      %dma_start3A_920 = tpu.memref_squeeze %dma_start3A_919 : memref<1x128x128xf32, #tpu.memory_space<vmem>> -> memref<128x128xf32, #tpu.memory_space<vmem>>
      %dma_start3A_921 = arith.constant 0 : i32
      %dma_start3A_922 = arith.constant 0 : i32
      %dma_start3A_923 = tpu.memref_slice %arg7[%rem3A_176, %dma_start3A_921, %dma_start3A_922] : memref<2x16x128xi32, #tpu.memory_space<vmem>> -> memref<1x16x128xi32, #tpu.memory_space<vmem>>
      %dma_start3A_924 = tpu.memref_squeeze %dma_start3A_923 : memref<1x16x128xi32, #tpu.memory_space<vmem>> -> memref<16x128xi32, #tpu.memory_space<vmem>>
      %dma_start3A_925 = arith.constant 0 : i32
      %dma_start3A_926 = tpu.memref_slice %dma_start3A_924[%dma_start3A_915, %dma_start3A_925] : memref<16x128xi32, #tpu.memory_space<vmem>> -> memref<1x128xi32, #tpu.memory_space<vmem>>
      %dma_start3A_927 = tpu.memref_squeeze %dma_start3A_926 : memref<1x128xi32, #tpu.memory_space<vmem>> -> memref<128xi32, #tpu.memory_space<vmem>>
      %dma_start3A_928 = arith.constant 0 : i32
      %dma_start3A_929 = arith.constant 0 : i32
      %dma_start3A_930 = tpu.memref_slice %arg9[%dma_start3A_928, %dma_start3A_929] : memref<10240x128xf32, #tpu.memory_space<vmem_shared>> -> memref<10240x128xf32, #tpu.memory_space<vmem_shared>>
      %dma_start3A_931 = tpu.memref_slice %arg11[%dma_start3A_916] : memref<2x!tpu.dma_semaphore, #tpu.memory_space<semaphore_mem>> -> memref<1x!tpu.dma_semaphore, #tpu.memory_space<semaphore_mem>>
      %dma_start3A_932 = tpu.memref_squeeze %dma_start3A_931 : memref<1x!tpu.dma_semaphore, #tpu.memory_space<semaphore_mem>> -> memref<!tpu.dma_semaphore, #tpu.memory_space<semaphore_mem>>
      tpu.enqueue_indirect_dma source(%dma_start3A_920 : memref<128x128xf32, #tpu.memory_space<vmem>>) target(%dma_start3A_930 : memref<10240x128xf32, #tpu.memory_space<vmem_shared>>) offsets(%dma_start3A_927 : memref<128xi32, #tpu.memory_space<vmem>>) semaphore(%dma_start3A_932 : memref<!tpu.dma_semaphore, #tpu.memory_space<semaphore_mem>>) {add = true}
      %dma_wait3A_933 = arith.constant 0 : i32
      %dma_wait3A_934 = arith.constant 0 : i32
      %dma_wait3A_935 = arith.constant 0 : i32
      %dma_wait3A_936 = arith.constant 0 : i32
      %dma_wait3A_937 = arith.constant 0 : i32
      %dma_wait3A_938 = arith.constant 0 : i32
      %dma_wait3A_939 = tpu.memref_slice %arg8[%dma_wait3A_933, %dma_wait3A_937, %dma_wait3A_938] : memref<2x128x128xf32, #tpu.memory_space<vmem>> -> memref<1x128x128xf32, #tpu.memory_space<vmem>>
      %dma_wait3A_940 = tpu.memref_squeeze %dma_wait3A_939 : memref<1x128x128xf32, #tpu.memory_space<vmem>> -> memref<128x128xf32, #tpu.memory_space<vmem>>
      %dma_wait3A_941 = arith.constant 0 : i32
      %dma_wait3A_942 = arith.constant 0 : i32
      %dma_wait3A_943 = tpu.memref_slice %arg7[%dma_wait3A_934, %dma_wait3A_941, %dma_wait3A_942] : memref<2x16x128xi32, #tpu.memory_space<vmem>> -> memref<1x16x128xi32, #tpu.memory_space<vmem>>
      %dma_wait3A_944 = tpu.memref_squeeze %dma_wait3A_943 : memref<1x16x128xi32, #tpu.memory_space<vmem>> -> memref<16x128xi32, #tpu.memory_space<vmem>>
      %dma_wait3A_945 = arith.constant 0 : i32
      %dma_wait3A_946 = tpu.memref_slice %dma_wait3A_944[%dma_wait3A_935, %dma_wait3A_945] : memref<16x128xi32, #tpu.memory_space<vmem>> -> memref<1x128xi32, #tpu.memory_space<vmem>>
      %dma_wait3A_947 = tpu.memref_squeeze %dma_wait3A_946 : memref<1x128xi32, #tpu.memory_space<vmem>> -> memref<128xi32, #tpu.memory_space<vmem>>
      %dma_wait3A_948 = arith.constant 0 : i32
      %dma_wait3A_949 = arith.constant 0 : i32
      %dma_wait3A_950 = tpu.memref_slice %arg9[%dma_wait3A_948, %dma_wait3A_949] : memref<10240x128xf32, #tpu.memory_space<vmem_shared>> -> memref<10240x128xf32, #tpu.memory_space<vmem_shared>>
      %dma_wait3A_951 = tpu.memref_slice %arg11[%dma_wait3A_936] : memref<2x!tpu.dma_semaphore, #tpu.memory_space<semaphore_mem>> -> memref<1x!tpu.dma_semaphore, #tpu.memory_space<semaphore_mem>>
      %dma_wait3A_952 = tpu.memref_squeeze %dma_wait3A_951 : memref<1x!tpu.dma_semaphore, #tpu.memory_space<semaphore_mem>> -> memref<!tpu.dma_semaphore, #tpu.memory_space<semaphore_mem>>
      tpu.wait_indirect_dma semaphore(%dma_wait3A_952 : memref<!tpu.dma_semaphore, #tpu.memory_space<semaphore_mem>>) src(%dma_wait3A_940 : memref<128x128xf32, #tpu.memory_space<vmem>>) dst(%dma_wait3A_950 : memref<10240x128xf32, #tpu.memory_space<vmem_shared>>)
      %dma_start3A_953 = arith.constant 10 : i32
      %dma_start3A_954 = arith.constant 0 : i32
      %dma_start3A_955 = arith.constant 0 : i32
      %dma_start3A_956 = arith.constant 0 : i32
      %dma_start3A_957 = arith.constant 0 : i32
      %dma_start3A_958 = tpu.memref_slice %arg8[%dma_start3A_954, %dma_start3A_956, %dma_start3A_957] : memref<2x128x128xf32, #tpu.memory_space<vmem>> -> memref<1x128x128xf32, #tpu.memory_space<vmem>>
      %dma_start3A_959 = tpu.memref_squeeze %dma_start3A_958 : memref<1x128x128xf32, #tpu.memory_space<vmem>> -> memref<128x128xf32, #tpu.memory_space<vmem>>
      %dma_start3A_960 = arith.constant 0 : i32
      %dma_start3A_961 = arith.constant 0 : i32
      %dma_start3A_962 = tpu.memref_slice %arg6[%rem3A_176, %dma_start3A_960, %dma_start3A_961] : memref<2x16x128xi32, #tpu.memory_space<vmem>> -> memref<1x16x128xi32, #tpu.memory_space<vmem>>
      %dma_start3A_963 = tpu.memref_squeeze %dma_start3A_962 : memref<1x16x128xi32, #tpu.memory_space<vmem>> -> memref<16x128xi32, #tpu.memory_space<vmem>>
      %dma_start3A_964 = arith.constant 0 : i32
      %dma_start3A_965 = tpu.memref_slice %dma_start3A_963[%dma_start3A_953, %dma_start3A_964] : memref<16x128xi32, #tpu.memory_space<vmem>> -> memref<1x128xi32, #tpu.memory_space<vmem>>
      %dma_start3A_966 = tpu.memref_squeeze %dma_start3A_965 : memref<1x128xi32, #tpu.memory_space<vmem>> -> memref<128xi32, #tpu.memory_space<vmem>>
      %dma_start3A_967 = arith.constant 0 : i32
      %dma_start3A_968 = arith.constant 0 : i32
      %dma_start3A_969 = tpu.memref_slice %arg2[%arg0, %dma_start3A_967, %dma_start3A_968] : memref<2x10240x128xf32, #tpu.memory_space<hbm>> -> memref<1x10240x128xf32, #tpu.memory_space<hbm>>
      %dma_start3A_970 = tpu.memref_squeeze %dma_start3A_969 : memref<1x10240x128xf32, #tpu.memory_space<hbm>> -> memref<10240x128xf32, #tpu.memory_space<hbm>>
      %dma_start3A_971 = arith.constant 0 : i32
      %dma_start3A_972 = arith.constant 0 : i32
      %dma_start3A_973 = tpu.memref_slice %dma_start3A_970[%dma_start3A_971, %dma_start3A_972] : memref<10240x128xf32, #tpu.memory_space<hbm>> -> memref<10240x128xf32, #tpu.memory_space<hbm>>
      %dma_start3A_974 = tpu.memref_slice %arg10[%dma_start3A_955] : memref<2x!tpu.dma_semaphore, #tpu.memory_space<semaphore_mem>> -> memref<1x!tpu.dma_semaphore, #tpu.memory_space<semaphore_mem>>
      %dma_start3A_975 = tpu.memref_squeeze %dma_start3A_974 : memref<1x!tpu.dma_semaphore, #tpu.memory_space<semaphore_mem>> -> memref<!tpu.dma_semaphore, #tpu.memory_space<semaphore_mem>>
      tpu.enqueue_indirect_dma source(%dma_start3A_973 : memref<10240x128xf32, #tpu.memory_space<hbm>>) target(%dma_start3A_959 : memref<128x128xf32, #tpu.memory_space<vmem>>) offsets(%dma_start3A_966 : memref<128xi32, #tpu.memory_space<vmem>>) semaphore(%dma_start3A_975 : memref<!tpu.dma_semaphore, #tpu.memory_space<semaphore_mem>>)
      %dma_wait3A_976 = arith.constant 9 : i32
      %dma_wait3A_977 = arith.constant 1 : i32
      %dma_wait3A_978 = arith.constant 1 : i32
      %dma_wait3A_979 = arith.constant 0 : i32
      %dma_wait3A_980 = arith.constant 0 : i32
      %dma_wait3A_981 = tpu.memref_slice %arg8[%dma_wait3A_977, %dma_wait3A_979, %dma_wait3A_980] : memref<2x128x128xf32, #tpu.memory_space<vmem>> -> memref<1x128x128xf32, #tpu.memory_space<vmem>>
      %dma_wait3A_982 = tpu.memref_squeeze %dma_wait3A_981 : memref<1x128x128xf32, #tpu.memory_space<vmem>> -> memref<128x128xf32, #tpu.memory_space<vmem>>
      %dma_wait3A_983 = arith.constant 0 : i32
      %dma_wait3A_984 = arith.constant 0 : i32
      %dma_wait3A_985 = tpu.memref_slice %arg6[%rem3A_176, %dma_wait3A_983, %dma_wait3A_984] : memref<2x16x128xi32, #tpu.memory_space<vmem>> -> memref<1x16x128xi32, #tpu.memory_space<vmem>>
      %dma_wait3A_986 = tpu.memref_squeeze %dma_wait3A_985 : memref<1x16x128xi32, #tpu.memory_space<vmem>> -> memref<16x128xi32, #tpu.memory_space<vmem>>
      %dma_wait3A_987 = arith.constant 0 : i32
      %dma_wait3A_988 = tpu.memref_slice %dma_wait3A_986[%dma_wait3A_976, %dma_wait3A_987] : memref<16x128xi32, #tpu.memory_space<vmem>> -> memref<1x128xi32, #tpu.memory_space<vmem>>
      %dma_wait3A_989 = tpu.memref_squeeze %dma_wait3A_988 : memref<1x128xi32, #tpu.memory_space<vmem>> -> memref<128xi32, #tpu.memory_space<vmem>>
      %dma_wait3A_990 = arith.constant 0 : i32
      %dma_wait3A_991 = arith.constant 0 : i32
      %dma_wait3A_992 = tpu.memref_slice %arg2[%arg0, %dma_wait3A_990, %dma_wait3A_991] : memref<2x10240x128xf32, #tpu.memory_space<hbm>> -> memref<1x10240x128xf32, #tpu.memory_space<hbm>>
      %dma_wait3A_993 = tpu.memref_squeeze %dma_wait3A_992 : memref<1x10240x128xf32, #tpu.memory_space<hbm>> -> memref<10240x128xf32, #tpu.memory_space<hbm>>
      %dma_wait3A_994 = arith.constant 0 : i32
      %dma_wait3A_995 = arith.constant 0 : i32
      %dma_wait3A_996 = tpu.memref_slice %dma_wait3A_993[%dma_wait3A_994, %dma_wait3A_995] : memref<10240x128xf32, #tpu.memory_space<hbm>> -> memref<10240x128xf32, #tpu.memory_space<hbm>>
      %dma_wait3A_997 = tpu.memref_slice %arg10[%dma_wait3A_978] : memref<2x!tpu.dma_semaphore, #tpu.memory_space<semaphore_mem>> -> memref<1x!tpu.dma_semaphore, #tpu.memory_space<semaphore_mem>>
      %dma_wait3A_998 = tpu.memref_squeeze %dma_wait3A_997 : memref<1x!tpu.dma_semaphore, #tpu.memory_space<semaphore_mem>> -> memref<!tpu.dma_semaphore, #tpu.memory_space<semaphore_mem>>
      tpu.wait_indirect_dma semaphore(%dma_wait3A_998 : memref<!tpu.dma_semaphore, #tpu.memory_space<semaphore_mem>>) src(%dma_wait3A_996 : memref<10240x128xf32, #tpu.memory_space<hbm>>) dst(%dma_wait3A_982 : memref<128x128xf32, #tpu.memory_space<vmem>>)
      %dma_start3A_999 = arith.constant 1 : i32
      %dma_start3A_1000 = arith.constant 9 : i32
      %dma_start3A_1001 = arith.constant 1 : i32
      %dma_start3A_1002 = arith.constant 0 : i32
      %dma_start3A_1003 = arith.constant 0 : i32
      %dma_start3A_1004 = tpu.memref_slice %arg8[%dma_start3A_999, %dma_start3A_1002, %dma_start3A_1003] : memref<2x128x128xf32, #tpu.memory_space<vmem>> -> memref<1x128x128xf32, #tpu.memory_space<vmem>>
      %dma_start3A_1005 = tpu.memref_squeeze %dma_start3A_1004 : memref<1x128x128xf32, #tpu.memory_space<vmem>> -> memref<128x128xf32, #tpu.memory_space<vmem>>
      %dma_start3A_1006 = arith.constant 0 : i32
      %dma_start3A_1007 = arith.constant 0 : i32
      %dma_start3A_1008 = tpu.memref_slice %arg7[%rem3A_176, %dma_start3A_1006, %dma_start3A_1007] : memref<2x16x128xi32, #tpu.memory_space<vmem>> -> memref<1x16x128xi32, #tpu.memory_space<vmem>>
      %dma_start3A_1009 = tpu.memref_squeeze %dma_start3A_1008 : memref<1x16x128xi32, #tpu.memory_space<vmem>> -> memref<16x128xi32, #tpu.memory_space<vmem>>
      %dma_start3A_1010 = arith.constant 0 : i32
      %dma_start3A_1011 = tpu.memref_slice %dma_start3A_1009[%dma_start3A_1000, %dma_start3A_1010] : memref<16x128xi32, #tpu.memory_space<vmem>> -> memref<1x128xi32, #tpu.memory_space<vmem>>
      %dma_start3A_1012 = tpu.memref_squeeze %dma_start3A_1011 : memref<1x128xi32, #tpu.memory_space<vmem>> -> memref<128xi32, #tpu.memory_space<vmem>>
      %dma_start3A_1013 = arith.constant 0 : i32
      %dma_start3A_1014 = arith.constant 0 : i32
      %dma_start3A_1015 = tpu.memref_slice %arg9[%dma_start3A_1013, %dma_start3A_1014] : memref<10240x128xf32, #tpu.memory_space<vmem_shared>> -> memref<10240x128xf32, #tpu.memory_space<vmem_shared>>
      %dma_start3A_1016 = tpu.memref_slice %arg11[%dma_start3A_1001] : memref<2x!tpu.dma_semaphore, #tpu.memory_space<semaphore_mem>> -> memref<1x!tpu.dma_semaphore, #tpu.memory_space<semaphore_mem>>
      %dma_start3A_1017 = tpu.memref_squeeze %dma_start3A_1016 : memref<1x!tpu.dma_semaphore, #tpu.memory_space<semaphore_mem>> -> memref<!tpu.dma_semaphore, #tpu.memory_space<semaphore_mem>>
      tpu.enqueue_indirect_dma source(%dma_start3A_1005 : memref<128x128xf32, #tpu.memory_space<vmem>>) target(%dma_start3A_1015 : memref<10240x128xf32, #tpu.memory_space<vmem_shared>>) offsets(%dma_start3A_1012 : memref<128xi32, #tpu.memory_space<vmem>>) semaphore(%dma_start3A_1017 : memref<!tpu.dma_semaphore, #tpu.memory_space<semaphore_mem>>) {add = true}
      %dma_wait3A_1018 = arith.constant 1 : i32
      %dma_wait3A_1019 = arith.constant 0 : i32
      %dma_wait3A_1020 = arith.constant 0 : i32
      %dma_wait3A_1021 = arith.constant 1 : i32
      %dma_wait3A_1022 = arith.constant 0 : i32
      %dma_wait3A_1023 = arith.constant 0 : i32
      %dma_wait3A_1024 = tpu.memref_slice %arg8[%dma_wait3A_1018, %dma_wait3A_1022, %dma_wait3A_1023] : memref<2x128x128xf32, #tpu.memory_space<vmem>> -> memref<1x128x128xf32, #tpu.memory_space<vmem>>
      %dma_wait3A_1025 = tpu.memref_squeeze %dma_wait3A_1024 : memref<1x128x128xf32, #tpu.memory_space<vmem>> -> memref<128x128xf32, #tpu.memory_space<vmem>>
      %dma_wait3A_1026 = arith.constant 0 : i32
      %dma_wait3A_1027 = arith.constant 0 : i32
      %dma_wait3A_1028 = tpu.memref_slice %arg7[%dma_wait3A_1019, %dma_wait3A_1026, %dma_wait3A_1027] : memref<2x16x128xi32, #tpu.memory_space<vmem>> -> memref<1x16x128xi32, #tpu.memory_space<vmem>>
      %dma_wait3A_1029 = tpu.memref_squeeze %dma_wait3A_1028 : memref<1x16x128xi32, #tpu.memory_space<vmem>> -> memref<16x128xi32, #tpu.memory_space<vmem>>
      %dma_wait3A_1030 = arith.constant 0 : i32
      %dma_wait3A_1031 = tpu.memref_slice %dma_wait3A_1029[%dma_wait3A_1020, %dma_wait3A_1030] : memref<16x128xi32, #tpu.memory_space<vmem>> -> memref<1x128xi32, #tpu.memory_space<vmem>>
      %dma_wait3A_1032 = tpu.memref_squeeze %dma_wait3A_1031 : memref<1x128xi32, #tpu.memory_space<vmem>> -> memref<128xi32, #tpu.memory_space<vmem>>
      %dma_wait3A_1033 = arith.constant 0 : i32
      %dma_wait3A_1034 = arith.constant 0 : i32
      %dma_wait3A_1035 = tpu.memref_slice %arg9[%dma_wait3A_1033, %dma_wait3A_1034] : memref<10240x128xf32, #tpu.memory_space<vmem_shared>> -> memref<10240x128xf32, #tpu.memory_space<vmem_shared>>
      %dma_wait3A_1036 = tpu.memref_slice %arg11[%dma_wait3A_1021] : memref<2x!tpu.dma_semaphore, #tpu.memory_space<semaphore_mem>> -> memref<1x!tpu.dma_semaphore, #tpu.memory_space<semaphore_mem>>
      %dma_wait3A_1037 = tpu.memref_squeeze %dma_wait3A_1036 : memref<1x!tpu.dma_semaphore, #tpu.memory_space<semaphore_mem>> -> memref<!tpu.dma_semaphore, #tpu.memory_space<semaphore_mem>>
      tpu.wait_indirect_dma semaphore(%dma_wait3A_1037 : memref<!tpu.dma_semaphore, #tpu.memory_space<semaphore_mem>>) src(%dma_wait3A_1025 : memref<128x128xf32, #tpu.memory_space<vmem>>) dst(%dma_wait3A_1035 : memref<10240x128xf32, #tpu.memory_space<vmem_shared>>)
      %dma_start3A_1038 = arith.constant 11 : i32
      %dma_start3A_1039 = arith.constant 1 : i32
      %dma_start3A_1040 = arith.constant 1 : i32
      %dma_start3A_1041 = arith.constant 0 : i32
      %dma_start3A_1042 = arith.constant 0 : i32
      %dma_start3A_1043 = tpu.memref_slice %arg8[%dma_start3A_1039, %dma_start3A_1041, %dma_start3A_1042] : memref<2x128x128xf32, #tpu.memory_space<vmem>> -> memref<1x128x128xf32, #tpu.memory_space<vmem>>
      %dma_start3A_1044 = tpu.memref_squeeze %dma_start3A_1043 : memref<1x128x128xf32, #tpu.memory_space<vmem>> -> memref<128x128xf32, #tpu.memory_space<vmem>>
      %dma_start3A_1045 = arith.constant 0 : i32
      %dma_start3A_1046 = arith.constant 0 : i32
      %dma_start3A_1047 = tpu.memref_slice %arg6[%rem3A_176, %dma_start3A_1045, %dma_start3A_1046] : memref<2x16x128xi32, #tpu.memory_space<vmem>> -> memref<1x16x128xi32, #tpu.memory_space<vmem>>
      %dma_start3A_1048 = tpu.memref_squeeze %dma_start3A_1047 : memref<1x16x128xi32, #tpu.memory_space<vmem>> -> memref<16x128xi32, #tpu.memory_space<vmem>>
      %dma_start3A_1049 = arith.constant 0 : i32
      %dma_start3A_1050 = tpu.memref_slice %dma_start3A_1048[%dma_start3A_1038, %dma_start3A_1049] : memref<16x128xi32, #tpu.memory_space<vmem>> -> memref<1x128xi32, #tpu.memory_space<vmem>>
      %dma_start3A_1051 = tpu.memref_squeeze %dma_start3A_1050 : memref<1x128xi32, #tpu.memory_space<vmem>> -> memref<128xi32, #tpu.memory_space<vmem>>
      %dma_start3A_1052 = arith.constant 0 : i32
      %dma_start3A_1053 = arith.constant 0 : i32
      %dma_start3A_1054 = tpu.memref_slice %arg2[%arg0, %dma_start3A_1052, %dma_start3A_1053] : memref<2x10240x128xf32, #tpu.memory_space<hbm>> -> memref<1x10240x128xf32, #tpu.memory_space<hbm>>
      %dma_start3A_1055 = tpu.memref_squeeze %dma_start3A_1054 : memref<1x10240x128xf32, #tpu.memory_space<hbm>> -> memref<10240x128xf32, #tpu.memory_space<hbm>>
      %dma_start3A_1056 = arith.constant 0 : i32
      %dma_start3A_1057 = arith.constant 0 : i32
      %dma_start3A_1058 = tpu.memref_slice %dma_start3A_1055[%dma_start3A_1056, %dma_start3A_1057] : memref<10240x128xf32, #tpu.memory_space<hbm>> -> memref<10240x128xf32, #tpu.memory_space<hbm>>
      %dma_start3A_1059 = tpu.memref_slice %arg10[%dma_start3A_1040] : memref<2x!tpu.dma_semaphore, #tpu.memory_space<semaphore_mem>> -> memref<1x!tpu.dma_semaphore, #tpu.memory_space<semaphore_mem>>
      %dma_start3A_1060 = tpu.memref_squeeze %dma_start3A_1059 : memref<1x!tpu.dma_semaphore, #tpu.memory_space<semaphore_mem>> -> memref<!tpu.dma_semaphore, #tpu.memory_space<semaphore_mem>>
      tpu.enqueue_indirect_dma source(%dma_start3A_1058 : memref<10240x128xf32, #tpu.memory_space<hbm>>) target(%dma_start3A_1044 : memref<128x128xf32, #tpu.memory_space<vmem>>) offsets(%dma_start3A_1051 : memref<128xi32, #tpu.memory_space<vmem>>) semaphore(%dma_start3A_1060 : memref<!tpu.dma_semaphore, #tpu.memory_space<semaphore_mem>>)
      %dma_wait3A_1061 = arith.constant 10 : i32
      %dma_wait3A_1062 = arith.constant 0 : i32
      %dma_wait3A_1063 = arith.constant 0 : i32
      %dma_wait3A_1064 = arith.constant 0 : i32
      %dma_wait3A_1065 = arith.constant 0 : i32
      %dma_wait3A_1066 = tpu.memref_slice %arg8[%dma_wait3A_1062, %dma_wait3A_1064, %dma_wait3A_1065] : memref<2x128x128xf32, #tpu.memory_space<vmem>> -> memref<1x128x128xf32, #tpu.memory_space<vmem>>
      %dma_wait3A_1067 = tpu.memref_squeeze %dma_wait3A_1066 : memref<1x128x128xf32, #tpu.memory_space<vmem>> -> memref<128x128xf32, #tpu.memory_space<vmem>>
      %dma_wait3A_1068 = arith.constant 0 : i32
      %dma_wait3A_1069 = arith.constant 0 : i32
      %dma_wait3A_1070 = tpu.memref_slice %arg6[%rem3A_176, %dma_wait3A_1068, %dma_wait3A_1069] : memref<2x16x128xi32, #tpu.memory_space<vmem>> -> memref<1x16x128xi32, #tpu.memory_space<vmem>>
      %dma_wait3A_1071 = tpu.memref_squeeze %dma_wait3A_1070 : memref<1x16x128xi32, #tpu.memory_space<vmem>> -> memref<16x128xi32, #tpu.memory_space<vmem>>
      %dma_wait3A_1072 = arith.constant 0 : i32
      %dma_wait3A_1073 = tpu.memref_slice %dma_wait3A_1071[%dma_wait3A_1061, %dma_wait3A_1072] : memref<16x128xi32, #tpu.memory_space<vmem>> -> memref<1x128xi32, #tpu.memory_space<vmem>>
      %dma_wait3A_1074 = tpu.memref_squeeze %dma_wait3A_1073 : memref<1x128xi32, #tpu.memory_space<vmem>> -> memref<128xi32, #tpu.memory_space<vmem>>
      %dma_wait3A_1075 = arith.constant 0 : i32
      %dma_wait3A_1076 = arith.constant 0 : i32
      %dma_wait3A_1077 = tpu.memref_slice %arg2[%arg0, %dma_wait3A_1075, %dma_wait3A_1076] : memref<2x10240x128xf32, #tpu.memory_space<hbm>> -> memref<1x10240x128xf32, #tpu.memory_space<hbm>>
      %dma_wait3A_1078 = tpu.memref_squeeze %dma_wait3A_1077 : memref<1x10240x128xf32, #tpu.memory_space<hbm>> -> memref<10240x128xf32, #tpu.memory_space<hbm>>
      %dma_wait3A_1079 = arith.constant 0 : i32
      %dma_wait3A_1080 = arith.constant 0 : i32
      %dma_wait3A_1081 = tpu.memref_slice %dma_wait3A_1078[%dma_wait3A_1079, %dma_wait3A_1080] : memref<10240x128xf32, #tpu.memory_space<hbm>> -> memref<10240x128xf32, #tpu.memory_space<hbm>>
      %dma_wait3A_1082 = tpu.memref_slice %arg10[%dma_wait3A_1063] : memref<2x!tpu.dma_semaphore, #tpu.memory_space<semaphore_mem>> -> memref<1x!tpu.dma_semaphore, #tpu.memory_space<semaphore_mem>>
      %dma_wait3A_1083 = tpu.memref_squeeze %dma_wait3A_1082 : memref<1x!tpu.dma_semaphore, #tpu.memory_space<semaphore_mem>> -> memref<!tpu.dma_semaphore, #tpu.memory_space<semaphore_mem>>
      tpu.wait_indirect_dma semaphore(%dma_wait3A_1083 : memref<!tpu.dma_semaphore, #tpu.memory_space<semaphore_mem>>) src(%dma_wait3A_1081 : memref<10240x128xf32, #tpu.memory_space<hbm>>) dst(%dma_wait3A_1067 : memref<128x128xf32, #tpu.memory_space<vmem>>)
      %dma_start3A_1084 = arith.constant 0 : i32
      %dma_start3A_1085 = arith.constant 10 : i32
      %dma_start3A_1086 = arith.constant 0 : i32
      %dma_start3A_1087 = arith.constant 0 : i32
      %dma_start3A_1088 = arith.constant 0 : i32
      %dma_start3A_1089 = tpu.memref_slice %arg8[%dma_start3A_1084, %dma_start3A_1087, %dma_start3A_1088] : memref<2x128x128xf32, #tpu.memory_space<vmem>> -> memref<1x128x128xf32, #tpu.memory_space<vmem>>
      %dma_start3A_1090 = tpu.memref_squeeze %dma_start3A_1089 : memref<1x128x128xf32, #tpu.memory_space<vmem>> -> memref<128x128xf32, #tpu.memory_space<vmem>>
      %dma_start3A_1091 = arith.constant 0 : i32
      %dma_start3A_1092 = arith.constant 0 : i32
      %dma_start3A_1093 = tpu.memref_slice %arg7[%rem3A_176, %dma_start3A_1091, %dma_start3A_1092] : memref<2x16x128xi32, #tpu.memory_space<vmem>> -> memref<1x16x128xi32, #tpu.memory_space<vmem>>
      %dma_start3A_1094 = tpu.memref_squeeze %dma_start3A_1093 : memref<1x16x128xi32, #tpu.memory_space<vmem>> -> memref<16x128xi32, #tpu.memory_space<vmem>>
      %dma_start3A_1095 = arith.constant 0 : i32
      %dma_start3A_1096 = tpu.memref_slice %dma_start3A_1094[%dma_start3A_1085, %dma_start3A_1095] : memref<16x128xi32, #tpu.memory_space<vmem>> -> memref<1x128xi32, #tpu.memory_space<vmem>>
      %dma_start3A_1097 = tpu.memref_squeeze %dma_start3A_1096 : memref<1x128xi32, #tpu.memory_space<vmem>> -> memref<128xi32, #tpu.memory_space<vmem>>
      %dma_start3A_1098 = arith.constant 0 : i32
      %dma_start3A_1099 = arith.constant 0 : i32
      %dma_start3A_1100 = tpu.memref_slice %arg9[%dma_start3A_1098, %dma_start3A_1099] : memref<10240x128xf32, #tpu.memory_space<vmem_shared>> -> memref<10240x128xf32, #tpu.memory_space<vmem_shared>>
      %dma_start3A_1101 = tpu.memref_slice %arg11[%dma_start3A_1086] : memref<2x!tpu.dma_semaphore, #tpu.memory_space<semaphore_mem>> -> memref<1x!tpu.dma_semaphore, #tpu.memory_space<semaphore_mem>>
      %dma_start3A_1102 = tpu.memref_squeeze %dma_start3A_1101 : memref<1x!tpu.dma_semaphore, #tpu.memory_space<semaphore_mem>> -> memref<!tpu.dma_semaphore, #tpu.memory_space<semaphore_mem>>
      tpu.enqueue_indirect_dma source(%dma_start3A_1090 : memref<128x128xf32, #tpu.memory_space<vmem>>) target(%dma_start3A_1100 : memref<10240x128xf32, #tpu.memory_space<vmem_shared>>) offsets(%dma_start3A_1097 : memref<128xi32, #tpu.memory_space<vmem>>) semaphore(%dma_start3A_1102 : memref<!tpu.dma_semaphore, #tpu.memory_space<semaphore_mem>>) {add = true}
      %dma_wait3A_1103 = arith.constant 0 : i32
      %dma_wait3A_1104 = arith.constant 0 : i32
      %dma_wait3A_1105 = arith.constant 0 : i32
      %dma_wait3A_1106 = arith.constant 0 : i32
      %dma_wait3A_1107 = arith.constant 0 : i32
      %dma_wait3A_1108 = arith.constant 0 : i32
      %dma_wait3A_1109 = tpu.memref_slice %arg8[%dma_wait3A_1103, %dma_wait3A_1107, %dma_wait3A_1108] : memref<2x128x128xf32, #tpu.memory_space<vmem>> -> memref<1x128x128xf32, #tpu.memory_space<vmem>>
      %dma_wait3A_1110 = tpu.memref_squeeze %dma_wait3A_1109 : memref<1x128x128xf32, #tpu.memory_space<vmem>> -> memref<128x128xf32, #tpu.memory_space<vmem>>
      %dma_wait3A_1111 = arith.constant 0 : i32
      %dma_wait3A_1112 = arith.constant 0 : i32
      %dma_wait3A_1113 = tpu.memref_slice %arg7[%dma_wait3A_1104, %dma_wait3A_1111, %dma_wait3A_1112] : memref<2x16x128xi32, #tpu.memory_space<vmem>> -> memref<1x16x128xi32, #tpu.memory_space<vmem>>
      %dma_wait3A_1114 = tpu.memref_squeeze %dma_wait3A_1113 : memref<1x16x128xi32, #tpu.memory_space<vmem>> -> memref<16x128xi32, #tpu.memory_space<vmem>>
      %dma_wait3A_1115 = arith.constant 0 : i32
      %dma_wait3A_1116 = tpu.memref_slice %dma_wait3A_1114[%dma_wait3A_1105, %dma_wait3A_1115] : memref<16x128xi32, #tpu.memory_space<vmem>> -> memref<1x128xi32, #tpu.memory_space<vmem>>
      %dma_wait3A_1117 = tpu.memref_squeeze %dma_wait3A_1116 : memref<1x128xi32, #tpu.memory_space<vmem>> -> memref<128xi32, #tpu.memory_space<vmem>>
      %dma_wait3A_1118 = arith.constant 0 : i32
      %dma_wait3A_1119 = arith.constant 0 : i32
      %dma_wait3A_1120 = tpu.memref_slice %arg9[%dma_wait3A_1118, %dma_wait3A_1119] : memref<10240x128xf32, #tpu.memory_space<vmem_shared>> -> memref<10240x128xf32, #tpu.memory_space<vmem_shared>>
      %dma_wait3A_1121 = tpu.memref_slice %arg11[%dma_wait3A_1106] : memref<2x!tpu.dma_semaphore, #tpu.memory_space<semaphore_mem>> -> memref<1x!tpu.dma_semaphore, #tpu.memory_space<semaphore_mem>>
      %dma_wait3A_1122 = tpu.memref_squeeze %dma_wait3A_1121 : memref<1x!tpu.dma_semaphore, #tpu.memory_space<semaphore_mem>> -> memref<!tpu.dma_semaphore, #tpu.memory_space<semaphore_mem>>
      tpu.wait_indirect_dma semaphore(%dma_wait3A_1122 : memref<!tpu.dma_semaphore, #tpu.memory_space<semaphore_mem>>) src(%dma_wait3A_1110 : memref<128x128xf32, #tpu.memory_space<vmem>>) dst(%dma_wait3A_1120 : memref<10240x128xf32, #tpu.memory_space<vmem_shared>>)
      %dma_start3A_1123 = arith.constant 12 : i32
      %dma_start3A_1124 = arith.constant 0 : i32
      %dma_start3A_1125 = arith.constant 0 : i32
      %dma_start3A_1126 = arith.constant 0 : i32
      %dma_start3A_1127 = arith.constant 0 : i32
      %dma_start3A_1128 = tpu.memref_slice %arg8[%dma_start3A_1124, %dma_start3A_1126, %dma_start3A_1127] : memref<2x128x128xf32, #tpu.memory_space<vmem>> -> memref<1x128x128xf32, #tpu.memory_space<vmem>>
      %dma_start3A_1129 = tpu.memref_squeeze %dma_start3A_1128 : memref<1x128x128xf32, #tpu.memory_space<vmem>> -> memref<128x128xf32, #tpu.memory_space<vmem>>
      %dma_start3A_1130 = arith.constant 0 : i32
      %dma_start3A_1131 = arith.constant 0 : i32
      %dma_start3A_1132 = tpu.memref_slice %arg6[%rem3A_176, %dma_start3A_1130, %dma_start3A_1131] : memref<2x16x128xi32, #tpu.memory_space<vmem>> -> memref<1x16x128xi32, #tpu.memory_space<vmem>>
      %dma_start3A_1133 = tpu.memref_squeeze %dma_start3A_1132 : memref<1x16x128xi32, #tpu.memory_space<vmem>> -> memref<16x128xi32, #tpu.memory_space<vmem>>
      %dma_start3A_1134 = arith.constant 0 : i32
      %dma_start3A_1135 = tpu.memref_slice %dma_start3A_1133[%dma_start3A_1123, %dma_start3A_1134] : memref<16x128xi32, #tpu.memory_space<vmem>> -> memref<1x128xi32, #tpu.memory_space<vmem>>
      %dma_start3A_1136 = tpu.memref_squeeze %dma_start3A_1135 : memref<1x128xi32, #tpu.memory_space<vmem>> -> memref<128xi32, #tpu.memory_space<vmem>>
      %dma_start3A_1137 = arith.constant 0 : i32
      %dma_start3A_1138 = arith.constant 0 : i32
      %dma_start3A_1139 = tpu.memref_slice %arg2[%arg0, %dma_start3A_1137, %dma_start3A_1138] : memref<2x10240x128xf32, #tpu.memory_space<hbm>> -> memref<1x10240x128xf32, #tpu.memory_space<hbm>>
      %dma_start3A_1140 = tpu.memref_squeeze %dma_start3A_1139 : memref<1x10240x128xf32, #tpu.memory_space<hbm>> -> memref<10240x128xf32, #tpu.memory_space<hbm>>
      %dma_start3A_1141 = arith.constant 0 : i32
      %dma_start3A_1142 = arith.constant 0 : i32
      %dma_start3A_1143 = tpu.memref_slice %dma_start3A_1140[%dma_start3A_1141, %dma_start3A_1142] : memref<10240x128xf32, #tpu.memory_space<hbm>> -> memref<10240x128xf32, #tpu.memory_space<hbm>>
      %dma_start3A_1144 = tpu.memref_slice %arg10[%dma_start3A_1125] : memref<2x!tpu.dma_semaphore, #tpu.memory_space<semaphore_mem>> -> memref<1x!tpu.dma_semaphore, #tpu.memory_space<semaphore_mem>>
      %dma_start3A_1145 = tpu.memref_squeeze %dma_start3A_1144 : memref<1x!tpu.dma_semaphore, #tpu.memory_space<semaphore_mem>> -> memref<!tpu.dma_semaphore, #tpu.memory_space<semaphore_mem>>
      tpu.enqueue_indirect_dma source(%dma_start3A_1143 : memref<10240x128xf32, #tpu.memory_space<hbm>>) target(%dma_start3A_1129 : memref<128x128xf32, #tpu.memory_space<vmem>>) offsets(%dma_start3A_1136 : memref<128xi32, #tpu.memory_space<vmem>>) semaphore(%dma_start3A_1145 : memref<!tpu.dma_semaphore, #tpu.memory_space<semaphore_mem>>)
      %dma_wait3A_1146 = arith.constant 11 : i32
      %dma_wait3A_1147 = arith.constant 1 : i32
      %dma_wait3A_1148 = arith.constant 1 : i32
      %dma_wait3A_1149 = arith.constant 0 : i32
      %dma_wait3A_1150 = arith.constant 0 : i32
      %dma_wait3A_1151 = tpu.memref_slice %arg8[%dma_wait3A_1147, %dma_wait3A_1149, %dma_wait3A_1150] : memref<2x128x128xf32, #tpu.memory_space<vmem>> -> memref<1x128x128xf32, #tpu.memory_space<vmem>>
      %dma_wait3A_1152 = tpu.memref_squeeze %dma_wait3A_1151 : memref<1x128x128xf32, #tpu.memory_space<vmem>> -> memref<128x128xf32, #tpu.memory_space<vmem>>
      %dma_wait3A_1153 = arith.constant 0 : i32
      %dma_wait3A_1154 = arith.constant 0 : i32
      %dma_wait3A_1155 = tpu.memref_slice %arg6[%rem3A_176, %dma_wait3A_1153, %dma_wait3A_1154] : memref<2x16x128xi32, #tpu.memory_space<vmem>> -> memref<1x16x128xi32, #tpu.memory_space<vmem>>
      %dma_wait3A_1156 = tpu.memref_squeeze %dma_wait3A_1155 : memref<1x16x128xi32, #tpu.memory_space<vmem>> -> memref<16x128xi32, #tpu.memory_space<vmem>>
      %dma_wait3A_1157 = arith.constant 0 : i32
      %dma_wait3A_1158 = tpu.memref_slice %dma_wait3A_1156[%dma_wait3A_1146, %dma_wait3A_1157] : memref<16x128xi32, #tpu.memory_space<vmem>> -> memref<1x128xi32, #tpu.memory_space<vmem>>
      %dma_wait3A_1159 = tpu.memref_squeeze %dma_wait3A_1158 : memref<1x128xi32, #tpu.memory_space<vmem>> -> memref<128xi32, #tpu.memory_space<vmem>>
      %dma_wait3A_1160 = arith.constant 0 : i32
      %dma_wait3A_1161 = arith.constant 0 : i32
      %dma_wait3A_1162 = tpu.memref_slice %arg2[%arg0, %dma_wait3A_1160, %dma_wait3A_1161] : memref<2x10240x128xf32, #tpu.memory_space<hbm>> -> memref<1x10240x128xf32, #tpu.memory_space<hbm>>
      %dma_wait3A_1163 = tpu.memref_squeeze %dma_wait3A_1162 : memref<1x10240x128xf32, #tpu.memory_space<hbm>> -> memref<10240x128xf32, #tpu.memory_space<hbm>>
      %dma_wait3A_1164 = arith.constant 0 : i32
      %dma_wait3A_1165 = arith.constant 0 : i32
      %dma_wait3A_1166 = tpu.memref_slice %dma_wait3A_1163[%dma_wait3A_1164, %dma_wait3A_1165] : memref<10240x128xf32, #tpu.memory_space<hbm>> -> memref<10240x128xf32, #tpu.memory_space<hbm>>
      %dma_wait3A_1167 = tpu.memref_slice %arg10[%dma_wait3A_1148] : memref<2x!tpu.dma_semaphore, #tpu.memory_space<semaphore_mem>> -> memref<1x!tpu.dma_semaphore, #tpu.memory_space<semaphore_mem>>
      %dma_wait3A_1168 = tpu.memref_squeeze %dma_wait3A_1167 : memref<1x!tpu.dma_semaphore, #tpu.memory_space<semaphore_mem>> -> memref<!tpu.dma_semaphore, #tpu.memory_space<semaphore_mem>>
      tpu.wait_indirect_dma semaphore(%dma_wait3A_1168 : memref<!tpu.dma_semaphore, #tpu.memory_space<semaphore_mem>>) src(%dma_wait3A_1166 : memref<10240x128xf32, #tpu.memory_space<hbm>>) dst(%dma_wait3A_1152 : memref<128x128xf32, #tpu.memory_space<vmem>>)
      %dma_start3A_1169 = arith.constant 1 : i32
      %dma_start3A_1170 = arith.constant 11 : i32
      %dma_start3A_1171 = arith.constant 1 : i32
      %dma_start3A_1172 = arith.constant 0 : i32
      %dma_start3A_1173 = arith.constant 0 : i32
      %dma_start3A_1174 = tpu.memref_slice %arg8[%dma_start3A_1169, %dma_start3A_1172, %dma_start3A_1173] : memref<2x128x128xf32, #tpu.memory_space<vmem>> -> memref<1x128x128xf32, #tpu.memory_space<vmem>>
      %dma_start3A_1175 = tpu.memref_squeeze %dma_start3A_1174 : memref<1x128x128xf32, #tpu.memory_space<vmem>> -> memref<128x128xf32, #tpu.memory_space<vmem>>
      %dma_start3A_1176 = arith.constant 0 : i32
      %dma_start3A_1177 = arith.constant 0 : i32
      %dma_start3A_1178 = tpu.memref_slice %arg7[%rem3A_176, %dma_start3A_1176, %dma_start3A_1177] : memref<2x16x128xi32, #tpu.memory_space<vmem>> -> memref<1x16x128xi32, #tpu.memory_space<vmem>>
      %dma_start3A_1179 = tpu.memref_squeeze %dma_start3A_1178 : memref<1x16x128xi32, #tpu.memory_space<vmem>> -> memref<16x128xi32, #tpu.memory_space<vmem>>
      %dma_start3A_1180 = arith.constant 0 : i32
      %dma_start3A_1181 = tpu.memref_slice %dma_start3A_1179[%dma_start3A_1170, %dma_start3A_1180] : memref<16x128xi32, #tpu.memory_space<vmem>> -> memref<1x128xi32, #tpu.memory_space<vmem>>
      %dma_start3A_1182 = tpu.memref_squeeze %dma_start3A_1181 : memref<1x128xi32, #tpu.memory_space<vmem>> -> memref<128xi32, #tpu.memory_space<vmem>>
      %dma_start3A_1183 = arith.constant 0 : i32
      %dma_start3A_1184 = arith.constant 0 : i32
      %dma_start3A_1185 = tpu.memref_slice %arg9[%dma_start3A_1183, %dma_start3A_1184] : memref<10240x128xf32, #tpu.memory_space<vmem_shared>> -> memref<10240x128xf32, #tpu.memory_space<vmem_shared>>
      %dma_start3A_1186 = tpu.memref_slice %arg11[%dma_start3A_1171] : memref<2x!tpu.dma_semaphore, #tpu.memory_space<semaphore_mem>> -> memref<1x!tpu.dma_semaphore, #tpu.memory_space<semaphore_mem>>
      %dma_start3A_1187 = tpu.memref_squeeze %dma_start3A_1186 : memref<1x!tpu.dma_semaphore, #tpu.memory_space<semaphore_mem>> -> memref<!tpu.dma_semaphore, #tpu.memory_space<semaphore_mem>>
      tpu.enqueue_indirect_dma source(%dma_start3A_1175 : memref<128x128xf32, #tpu.memory_space<vmem>>) target(%dma_start3A_1185 : memref<10240x128xf32, #tpu.memory_space<vmem_shared>>) offsets(%dma_start3A_1182 : memref<128xi32, #tpu.memory_space<vmem>>) semaphore(%dma_start3A_1187 : memref<!tpu.dma_semaphore, #tpu.memory_space<semaphore_mem>>) {add = true}
      %dma_wait3A_1188 = arith.constant 1 : i32
      %dma_wait3A_1189 = arith.constant 0 : i32
      %dma_wait3A_1190 = arith.constant 0 : i32
      %dma_wait3A_1191 = arith.constant 1 : i32
      %dma_wait3A_1192 = arith.constant 0 : i32
      %dma_wait3A_1193 = arith.constant 0 : i32
      %dma_wait3A_1194 = tpu.memref_slice %arg8[%dma_wait3A_1188, %dma_wait3A_1192, %dma_wait3A_1193] : memref<2x128x128xf32, #tpu.memory_space<vmem>> -> memref<1x128x128xf32, #tpu.memory_space<vmem>>
      %dma_wait3A_1195 = tpu.memref_squeeze %dma_wait3A_1194 : memref<1x128x128xf32, #tpu.memory_space<vmem>> -> memref<128x128xf32, #tpu.memory_space<vmem>>
      %dma_wait3A_1196 = arith.constant 0 : i32
      %dma_wait3A_1197 = arith.constant 0 : i32
      %dma_wait3A_1198 = tpu.memref_slice %arg7[%dma_wait3A_1189, %dma_wait3A_1196, %dma_wait3A_1197] : memref<2x16x128xi32, #tpu.memory_space<vmem>> -> memref<1x16x128xi32, #tpu.memory_space<vmem>>
      %dma_wait3A_1199 = tpu.memref_squeeze %dma_wait3A_1198 : memref<1x16x128xi32, #tpu.memory_space<vmem>> -> memref<16x128xi32, #tpu.memory_space<vmem>>
      %dma_wait3A_1200 = arith.constant 0 : i32
      %dma_wait3A_1201 = tpu.memref_slice %dma_wait3A_1199[%dma_wait3A_1190, %dma_wait3A_1200] : memref<16x128xi32, #tpu.memory_space<vmem>> -> memref<1x128xi32, #tpu.memory_space<vmem>>
      %dma_wait3A_1202 = tpu.memref_squeeze %dma_wait3A_1201 : memref<1x128xi32, #tpu.memory_space<vmem>> -> memref<128xi32, #tpu.memory_space<vmem>>
      %dma_wait3A_1203 = arith.constant 0 : i32
      %dma_wait3A_1204 = arith.constant 0 : i32
      %dma_wait3A_1205 = tpu.memref_slice %arg9[%dma_wait3A_1203, %dma_wait3A_1204] : memref<10240x128xf32, #tpu.memory_space<vmem_shared>> -> memref<10240x128xf32, #tpu.memory_space<vmem_shared>>
      %dma_wait3A_1206 = tpu.memref_slice %arg11[%dma_wait3A_1191] : memref<2x!tpu.dma_semaphore, #tpu.memory_space<semaphore_mem>> -> memref<1x!tpu.dma_semaphore, #tpu.memory_space<semaphore_mem>>
      %dma_wait3A_1207 = tpu.memref_squeeze %dma_wait3A_1206 : memref<1x!tpu.dma_semaphore, #tpu.memory_space<semaphore_mem>> -> memref<!tpu.dma_semaphore, #tpu.memory_space<semaphore_mem>>
      tpu.wait_indirect_dma semaphore(%dma_wait3A_1207 : memref<!tpu.dma_semaphore, #tpu.memory_space<semaphore_mem>>) src(%dma_wait3A_1195 : memref<128x128xf32, #tpu.memory_space<vmem>>) dst(%dma_wait3A_1205 : memref<10240x128xf32, #tpu.memory_space<vmem_shared>>)
      %dma_start3A_1208 = arith.constant 13 : i32
      %dma_start3A_1209 = arith.constant 1 : i32
      %dma_start3A_1210 = arith.constant 1 : i32
      %dma_start3A_1211 = arith.constant 0 : i32
      %dma_start3A_1212 = arith.constant 0 : i32
      %dma_start3A_1213 = tpu.memref_slice %arg8[%dma_start3A_1209, %dma_start3A_1211, %dma_start3A_1212] : memref<2x128x128xf32, #tpu.memory_space<vmem>> -> memref<1x128x128xf32, #tpu.memory_space<vmem>>
      %dma_start3A_1214 = tpu.memref_squeeze %dma_start3A_1213 : memref<1x128x128xf32, #tpu.memory_space<vmem>> -> memref<128x128xf32, #tpu.memory_space<vmem>>
      %dma_start3A_1215 = arith.constant 0 : i32
      %dma_start3A_1216 = arith.constant 0 : i32
      %dma_start3A_1217 = tpu.memref_slice %arg6[%rem3A_176, %dma_start3A_1215, %dma_start3A_1216] : memref<2x16x128xi32, #tpu.memory_space<vmem>> -> memref<1x16x128xi32, #tpu.memory_space<vmem>>
      %dma_start3A_1218 = tpu.memref_squeeze %dma_start3A_1217 : memref<1x16x128xi32, #tpu.memory_space<vmem>> -> memref<16x128xi32, #tpu.memory_space<vmem>>
      %dma_start3A_1219 = arith.constant 0 : i32
      %dma_start3A_1220 = tpu.memref_slice %dma_start3A_1218[%dma_start3A_1208, %dma_start3A_1219] : memref<16x128xi32, #tpu.memory_space<vmem>> -> memref<1x128xi32, #tpu.memory_space<vmem>>
      %dma_start3A_1221 = tpu.memref_squeeze %dma_start3A_1220 : memref<1x128xi32, #tpu.memory_space<vmem>> -> memref<128xi32, #tpu.memory_space<vmem>>
      %dma_start3A_1222 = arith.constant 0 : i32
      %dma_start3A_1223 = arith.constant 0 : i32
      %dma_start3A_1224 = tpu.memref_slice %arg2[%arg0, %dma_start3A_1222, %dma_start3A_1223] : memref<2x10240x128xf32, #tpu.memory_space<hbm>> -> memref<1x10240x128xf32, #tpu.memory_space<hbm>>
      %dma_start3A_1225 = tpu.memref_squeeze %dma_start3A_1224 : memref<1x10240x128xf32, #tpu.memory_space<hbm>> -> memref<10240x128xf32, #tpu.memory_space<hbm>>
      %dma_start3A_1226 = arith.constant 0 : i32
      %dma_start3A_1227 = arith.constant 0 : i32
      %dma_start3A_1228 = tpu.memref_slice %dma_start3A_1225[%dma_start3A_1226, %dma_start3A_1227] : memref<10240x128xf32, #tpu.memory_space<hbm>> -> memref<10240x128xf32, #tpu.memory_space<hbm>>
      %dma_start3A_1229 = tpu.memref_slice %arg10[%dma_start3A_1210] : memref<2x!tpu.dma_semaphore, #tpu.memory_space<semaphore_mem>> -> memref<1x!tpu.dma_semaphore, #tpu.memory_space<semaphore_mem>>
      %dma_start3A_1230 = tpu.memref_squeeze %dma_start3A_1229 : memref<1x!tpu.dma_semaphore, #tpu.memory_space<semaphore_mem>> -> memref<!tpu.dma_semaphore, #tpu.memory_space<semaphore_mem>>
      tpu.enqueue_indirect_dma source(%dma_start3A_1228 : memref<10240x128xf32, #tpu.memory_space<hbm>>) target(%dma_start3A_1214 : memref<128x128xf32, #tpu.memory_space<vmem>>) offsets(%dma_start3A_1221 : memref<128xi32, #tpu.memory_space<vmem>>) semaphore(%dma_start3A_1230 : memref<!tpu.dma_semaphore, #tpu.memory_space<semaphore_mem>>)
      %dma_wait3A_1231 = arith.constant 12 : i32
      %dma_wait3A_1232 = arith.constant 0 : i32
      %dma_wait3A_1233 = arith.constant 0 : i32
      %dma_wait3A_1234 = arith.constant 0 : i32
      %dma_wait3A_1235 = arith.constant 0 : i32
      %dma_wait3A_1236 = tpu.memref_slice %arg8[%dma_wait3A_1232, %dma_wait3A_1234, %dma_wait3A_1235] : memref<2x128x128xf32, #tpu.memory_space<vmem>> -> memref<1x128x128xf32, #tpu.memory_space<vmem>>
      %dma_wait3A_1237 = tpu.memref_squeeze %dma_wait3A_1236 : memref<1x128x128xf32, #tpu.memory_space<vmem>> -> memref<128x128xf32, #tpu.memory_space<vmem>>
      %dma_wait3A_1238 = arith.constant 0 : i32
      %dma_wait3A_1239 = arith.constant 0 : i32
      %dma_wait3A_1240 = tpu.memref_slice %arg6[%rem3A_176, %dma_wait3A_1238, %dma_wait3A_1239] : memref<2x16x128xi32, #tpu.memory_space<vmem>> -> memref<1x16x128xi32, #tpu.memory_space<vmem>>
      %dma_wait3A_1241 = tpu.memref_squeeze %dma_wait3A_1240 : memref<1x16x128xi32, #tpu.memory_space<vmem>> -> memref<16x128xi32, #tpu.memory_space<vmem>>
      %dma_wait3A_1242 = arith.constant 0 : i32
      %dma_wait3A_1243 = tpu.memref_slice %dma_wait3A_1241[%dma_wait3A_1231, %dma_wait3A_1242] : memref<16x128xi32, #tpu.memory_space<vmem>> -> memref<1x128xi32, #tpu.memory_space<vmem>>
      %dma_wait3A_1244 = tpu.memref_squeeze %dma_wait3A_1243 : memref<1x128xi32, #tpu.memory_space<vmem>> -> memref<128xi32, #tpu.memory_space<vmem>>
      %dma_wait3A_1245 = arith.constant 0 : i32
      %dma_wait3A_1246 = arith.constant 0 : i32
      %dma_wait3A_1247 = tpu.memref_slice %arg2[%arg0, %dma_wait3A_1245, %dma_wait3A_1246] : memref<2x10240x128xf32, #tpu.memory_space<hbm>> -> memref<1x10240x128xf32, #tpu.memory_space<hbm>>
      %dma_wait3A_1248 = tpu.memref_squeeze %dma_wait3A_1247 : memref<1x10240x128xf32, #tpu.memory_space<hbm>> -> memref<10240x128xf32, #tpu.memory_space<hbm>>
      %dma_wait3A_1249 = arith.constant 0 : i32
      %dma_wait3A_1250 = arith.constant 0 : i32
      %dma_wait3A_1251 = tpu.memref_slice %dma_wait3A_1248[%dma_wait3A_1249, %dma_wait3A_1250] : memref<10240x128xf32, #tpu.memory_space<hbm>> -> memref<10240x128xf32, #tpu.memory_space<hbm>>
      %dma_wait3A_1252 = tpu.memref_slice %arg10[%dma_wait3A_1233] : memref<2x!tpu.dma_semaphore, #tpu.memory_space<semaphore_mem>> -> memref<1x!tpu.dma_semaphore, #tpu.memory_space<semaphore_mem>>
      %dma_wait3A_1253 = tpu.memref_squeeze %dma_wait3A_1252 : memref<1x!tpu.dma_semaphore, #tpu.memory_space<semaphore_mem>> -> memref<!tpu.dma_semaphore, #tpu.memory_space<semaphore_mem>>
      tpu.wait_indirect_dma semaphore(%dma_wait3A_1253 : memref<!tpu.dma_semaphore, #tpu.memory_space<semaphore_mem>>) src(%dma_wait3A_1251 : memref<10240x128xf32, #tpu.memory_space<hbm>>) dst(%dma_wait3A_1237 : memref<128x128xf32, #tpu.memory_space<vmem>>)
      %dma_start3A_1254 = arith.constant 0 : i32
      %dma_start3A_1255 = arith.constant 12 : i32
      %dma_start3A_1256 = arith.constant 0 : i32
      %dma_start3A_1257 = arith.constant 0 : i32
      %dma_start3A_1258 = arith.constant 0 : i32
      %dma_start3A_1259 = tpu.memref_slice %arg8[%dma_start3A_1254, %dma_start3A_1257, %dma_start3A_1258] : memref<2x128x128xf32, #tpu.memory_space<vmem>> -> memref<1x128x128xf32, #tpu.memory_space<vmem>>
      %dma_start3A_1260 = tpu.memref_squeeze %dma_start3A_1259 : memref<1x128x128xf32, #tpu.memory_space<vmem>> -> memref<128x128xf32, #tpu.memory_space<vmem>>
      %dma_start3A_1261 = arith.constant 0 : i32
      %dma_start3A_1262 = arith.constant 0 : i32
      %dma_start3A_1263 = tpu.memref_slice %arg7[%rem3A_176, %dma_start3A_1261, %dma_start3A_1262] : memref<2x16x128xi32, #tpu.memory_space<vmem>> -> memref<1x16x128xi32, #tpu.memory_space<vmem>>
      %dma_start3A_1264 = tpu.memref_squeeze %dma_start3A_1263 : memref<1x16x128xi32, #tpu.memory_space<vmem>> -> memref<16x128xi32, #tpu.memory_space<vmem>>
      %dma_start3A_1265 = arith.constant 0 : i32
      %dma_start3A_1266 = tpu.memref_slice %dma_start3A_1264[%dma_start3A_1255, %dma_start3A_1265] : memref<16x128xi32, #tpu.memory_space<vmem>> -> memref<1x128xi32, #tpu.memory_space<vmem>>
      %dma_start3A_1267 = tpu.memref_squeeze %dma_start3A_1266 : memref<1x128xi32, #tpu.memory_space<vmem>> -> memref<128xi32, #tpu.memory_space<vmem>>
      %dma_start3A_1268 = arith.constant 0 : i32
      %dma_start3A_1269 = arith.constant 0 : i32
      %dma_start3A_1270 = tpu.memref_slice %arg9[%dma_start3A_1268, %dma_start3A_1269] : memref<10240x128xf32, #tpu.memory_space<vmem_shared>> -> memref<10240x128xf32, #tpu.memory_space<vmem_shared>>
      %dma_start3A_1271 = tpu.memref_slice %arg11[%dma_start3A_1256] : memref<2x!tpu.dma_semaphore, #tpu.memory_space<semaphore_mem>> -> memref<1x!tpu.dma_semaphore, #tpu.memory_space<semaphore_mem>>
      %dma_start3A_1272 = tpu.memref_squeeze %dma_start3A_1271 : memref<1x!tpu.dma_semaphore, #tpu.memory_space<semaphore_mem>> -> memref<!tpu.dma_semaphore, #tpu.memory_space<semaphore_mem>>
      tpu.enqueue_indirect_dma source(%dma_start3A_1260 : memref<128x128xf32, #tpu.memory_space<vmem>>) target(%dma_start3A_1270 : memref<10240x128xf32, #tpu.memory_space<vmem_shared>>) offsets(%dma_start3A_1267 : memref<128xi32, #tpu.memory_space<vmem>>) semaphore(%dma_start3A_1272 : memref<!tpu.dma_semaphore, #tpu.memory_space<semaphore_mem>>) {add = true}
      %dma_wait3A_1273 = arith.constant 0 : i32
      %dma_wait3A_1274 = arith.constant 0 : i32
      %dma_wait3A_1275 = arith.constant 0 : i32
      %dma_wait3A_1276 = arith.constant 0 : i32
      %dma_wait3A_1277 = arith.constant 0 : i32
      %dma_wait3A_1278 = arith.constant 0 : i32
      %dma_wait3A_1279 = tpu.memref_slice %arg8[%dma_wait3A_1273, %dma_wait3A_1277, %dma_wait3A_1278] : memref<2x128x128xf32, #tpu.memory_space<vmem>> -> memref<1x128x128xf32, #tpu.memory_space<vmem>>
      %dma_wait3A_1280 = tpu.memref_squeeze %dma_wait3A_1279 : memref<1x128x128xf32, #tpu.memory_space<vmem>> -> memref<128x128xf32, #tpu.memory_space<vmem>>
      %dma_wait3A_1281 = arith.constant 0 : i32
      %dma_wait3A_1282 = arith.constant 0 : i32
      %dma_wait3A_1283 = tpu.memref_slice %arg7[%dma_wait3A_1274, %dma_wait3A_1281, %dma_wait3A_1282] : memref<2x16x128xi32, #tpu.memory_space<vmem>> -> memref<1x16x128xi32, #tpu.memory_space<vmem>>
      %dma_wait3A_1284 = tpu.memref_squeeze %dma_wait3A_1283 : memref<1x16x128xi32, #tpu.memory_space<vmem>> -> memref<16x128xi32, #tpu.memory_space<vmem>>
      %dma_wait3A_1285 = arith.constant 0 : i32
      %dma_wait3A_1286 = tpu.memref_slice %dma_wait3A_1284[%dma_wait3A_1275, %dma_wait3A_1285] : memref<16x128xi32, #tpu.memory_space<vmem>> -> memref<1x128xi32, #tpu.memory_space<vmem>>
      %dma_wait3A_1287 = tpu.memref_squeeze %dma_wait3A_1286 : memref<1x128xi32, #tpu.memory_space<vmem>> -> memref<128xi32, #tpu.memory_space<vmem>>
      %dma_wait3A_1288 = arith.constant 0 : i32
      %dma_wait3A_1289 = arith.constant 0 : i32
      %dma_wait3A_1290 = tpu.memref_slice %arg9[%dma_wait3A_1288, %dma_wait3A_1289] : memref<10240x128xf32, #tpu.memory_space<vmem_shared>> -> memref<10240x128xf32, #tpu.memory_space<vmem_shared>>
      %dma_wait3A_1291 = tpu.memref_slice %arg11[%dma_wait3A_1276] : memref<2x!tpu.dma_semaphore, #tpu.memory_space<semaphore_mem>> -> memref<1x!tpu.dma_semaphore, #tpu.memory_space<semaphore_mem>>
      %dma_wait3A_1292 = tpu.memref_squeeze %dma_wait3A_1291 : memref<1x!tpu.dma_semaphore, #tpu.memory_space<semaphore_mem>> -> memref<!tpu.dma_semaphore, #tpu.memory_space<semaphore_mem>>
      tpu.wait_indirect_dma semaphore(%dma_wait3A_1292 : memref<!tpu.dma_semaphore, #tpu.memory_space<semaphore_mem>>) src(%dma_wait3A_1280 : memref<128x128xf32, #tpu.memory_space<vmem>>) dst(%dma_wait3A_1290 : memref<10240x128xf32, #tpu.memory_space<vmem_shared>>)
      %dma_start3A_1293 = arith.constant 14 : i32
      %dma_start3A_1294 = arith.constant 0 : i32
      %dma_start3A_1295 = arith.constant 0 : i32
      %dma_start3A_1296 = arith.constant 0 : i32
      %dma_start3A_1297 = arith.constant 0 : i32
      %dma_start3A_1298 = tpu.memref_slice %arg8[%dma_start3A_1294, %dma_start3A_1296, %dma_start3A_1297] : memref<2x128x128xf32, #tpu.memory_space<vmem>> -> memref<1x128x128xf32, #tpu.memory_space<vmem>>
      %dma_start3A_1299 = tpu.memref_squeeze %dma_start3A_1298 : memref<1x128x128xf32, #tpu.memory_space<vmem>> -> memref<128x128xf32, #tpu.memory_space<vmem>>
      %dma_start3A_1300 = arith.constant 0 : i32
      %dma_start3A_1301 = arith.constant 0 : i32
      %dma_start3A_1302 = tpu.memref_slice %arg6[%rem3A_176, %dma_start3A_1300, %dma_start3A_1301] : memref<2x16x128xi32, #tpu.memory_space<vmem>> -> memref<1x16x128xi32, #tpu.memory_space<vmem>>
      %dma_start3A_1303 = tpu.memref_squeeze %dma_start3A_1302 : memref<1x16x128xi32, #tpu.memory_space<vmem>> -> memref<16x128xi32, #tpu.memory_space<vmem>>
      %dma_start3A_1304 = arith.constant 0 : i32
      %dma_start3A_1305 = tpu.memref_slice %dma_start3A_1303[%dma_start3A_1293, %dma_start3A_1304] : memref<16x128xi32, #tpu.memory_space<vmem>> -> memref<1x128xi32, #tpu.memory_space<vmem>>
      %dma_start3A_1306 = tpu.memref_squeeze %dma_start3A_1305 : memref<1x128xi32, #tpu.memory_space<vmem>> -> memref<128xi32, #tpu.memory_space<vmem>>
      %dma_start3A_1307 = arith.constant 0 : i32
      %dma_start3A_1308 = arith.constant 0 : i32
      %dma_start3A_1309 = tpu.memref_slice %arg2[%arg0, %dma_start3A_1307, %dma_start3A_1308] : memref<2x10240x128xf32, #tpu.memory_space<hbm>> -> memref<1x10240x128xf32, #tpu.memory_space<hbm>>
      %dma_start3A_1310 = tpu.memref_squeeze %dma_start3A_1309 : memref<1x10240x128xf32, #tpu.memory_space<hbm>> -> memref<10240x128xf32, #tpu.memory_space<hbm>>
      %dma_start3A_1311 = arith.constant 0 : i32
      %dma_start3A_1312 = arith.constant 0 : i32
      %dma_start3A_1313 = tpu.memref_slice %dma_start3A_1310[%dma_start3A_1311, %dma_start3A_1312] : memref<10240x128xf32, #tpu.memory_space<hbm>> -> memref<10240x128xf32, #tpu.memory_space<hbm>>
      %dma_start3A_1314 = tpu.memref_slice %arg10[%dma_start3A_1295] : memref<2x!tpu.dma_semaphore, #tpu.memory_space<semaphore_mem>> -> memref<1x!tpu.dma_semaphore, #tpu.memory_space<semaphore_mem>>
      %dma_start3A_1315 = tpu.memref_squeeze %dma_start3A_1314 : memref<1x!tpu.dma_semaphore, #tpu.memory_space<semaphore_mem>> -> memref<!tpu.dma_semaphore, #tpu.memory_space<semaphore_mem>>
      tpu.enqueue_indirect_dma source(%dma_start3A_1313 : memref<10240x128xf32, #tpu.memory_space<hbm>>) target(%dma_start3A_1299 : memref<128x128xf32, #tpu.memory_space<vmem>>) offsets(%dma_start3A_1306 : memref<128xi32, #tpu.memory_space<vmem>>) semaphore(%dma_start3A_1315 : memref<!tpu.dma_semaphore, #tpu.memory_space<semaphore_mem>>)
      %dma_wait3A_1316 = arith.constant 13 : i32
      %dma_wait3A_1317 = arith.constant 1 : i32
      %dma_wait3A_1318 = arith.constant 1 : i32
      %dma_wait3A_1319 = arith.constant 0 : i32
      %dma_wait3A_1320 = arith.constant 0 : i32
      %dma_wait3A_1321 = tpu.memref_slice %arg8[%dma_wait3A_1317, %dma_wait3A_1319, %dma_wait3A_1320] : memref<2x128x128xf32, #tpu.memory_space<vmem>> -> memref<1x128x128xf32, #tpu.memory_space<vmem>>
      %dma_wait3A_1322 = tpu.memref_squeeze %dma_wait3A_1321 : memref<1x128x128xf32, #tpu.memory_space<vmem>> -> memref<128x128xf32, #tpu.memory_space<vmem>>
      %dma_wait3A_1323 = arith.constant 0 : i32
      %dma_wait3A_1324 = arith.constant 0 : i32
      %dma_wait3A_1325 = tpu.memref_slice %arg6[%rem3A_176, %dma_wait3A_1323, %dma_wait3A_1324] : memref<2x16x128xi32, #tpu.memory_space<vmem>> -> memref<1x16x128xi32, #tpu.memory_space<vmem>>
      %dma_wait3A_1326 = tpu.memref_squeeze %dma_wait3A_1325 : memref<1x16x128xi32, #tpu.memory_space<vmem>> -> memref<16x128xi32, #tpu.memory_space<vmem>>
      %dma_wait3A_1327 = arith.constant 0 : i32
      %dma_wait3A_1328 = tpu.memref_slice %dma_wait3A_1326[%dma_wait3A_1316, %dma_wait3A_1327] : memref<16x128xi32, #tpu.memory_space<vmem>> -> memref<1x128xi32, #tpu.memory_space<vmem>>
      %dma_wait3A_1329 = tpu.memref_squeeze %dma_wait3A_1328 : memref<1x128xi32, #tpu.memory_space<vmem>> -> memref<128xi32, #tpu.memory_space<vmem>>
      %dma_wait3A_1330 = arith.constant 0 : i32
      %dma_wait3A_1331 = arith.constant 0 : i32
      %dma_wait3A_1332 = tpu.memref_slice %arg2[%arg0, %dma_wait3A_1330, %dma_wait3A_1331] : memref<2x10240x128xf32, #tpu.memory_space<hbm>> -> memref<1x10240x128xf32, #tpu.memory_space<hbm>>
      %dma_wait3A_1333 = tpu.memref_squeeze %dma_wait3A_1332 : memref<1x10240x128xf32, #tpu.memory_space<hbm>> -> memref<10240x128xf32, #tpu.memory_space<hbm>>
      %dma_wait3A_1334 = arith.constant 0 : i32
      %dma_wait3A_1335 = arith.constant 0 : i32
      %dma_wait3A_1336 = tpu.memref_slice %dma_wait3A_1333[%dma_wait3A_1334, %dma_wait3A_1335] : memref<10240x128xf32, #tpu.memory_space<hbm>> -> memref<10240x128xf32, #tpu.memory_space<hbm>>
      %dma_wait3A_1337 = tpu.memref_slice %arg10[%dma_wait3A_1318] : memref<2x!tpu.dma_semaphore, #tpu.memory_space<semaphore_mem>> -> memref<1x!tpu.dma_semaphore, #tpu.memory_space<semaphore_mem>>
      %dma_wait3A_1338 = tpu.memref_squeeze %dma_wait3A_1337 : memref<1x!tpu.dma_semaphore, #tpu.memory_space<semaphore_mem>> -> memref<!tpu.dma_semaphore, #tpu.memory_space<semaphore_mem>>
      tpu.wait_indirect_dma semaphore(%dma_wait3A_1338 : memref<!tpu.dma_semaphore, #tpu.memory_space<semaphore_mem>>) src(%dma_wait3A_1336 : memref<10240x128xf32, #tpu.memory_space<hbm>>) dst(%dma_wait3A_1322 : memref<128x128xf32, #tpu.memory_space<vmem>>)
      %dma_start3A_1339 = arith.constant 1 : i32
      %dma_start3A_1340 = arith.constant 13 : i32
      %dma_start3A_1341 = arith.constant 1 : i32
      %dma_start3A_1342 = arith.constant 0 : i32
      %dma_start3A_1343 = arith.constant 0 : i32
      %dma_start3A_1344 = tpu.memref_slice %arg8[%dma_start3A_1339, %dma_start3A_1342, %dma_start3A_1343] : memref<2x128x128xf32, #tpu.memory_space<vmem>> -> memref<1x128x128xf32, #tpu.memory_space<vmem>>
      %dma_start3A_1345 = tpu.memref_squeeze %dma_start3A_1344 : memref<1x128x128xf32, #tpu.memory_space<vmem>> -> memref<128x128xf32, #tpu.memory_space<vmem>>
      %dma_start3A_1346 = arith.constant 0 : i32
      %dma_start3A_1347 = arith.constant 0 : i32
      %dma_start3A_1348 = tpu.memref_slice %arg7[%rem3A_176, %dma_start3A_1346, %dma_start3A_1347] : memref<2x16x128xi32, #tpu.memory_space<vmem>> -> memref<1x16x128xi32, #tpu.memory_space<vmem>>
      %dma_start3A_1349 = tpu.memref_squeeze %dma_start3A_1348 : memref<1x16x128xi32, #tpu.memory_space<vmem>> -> memref<16x128xi32, #tpu.memory_space<vmem>>
      %dma_start3A_1350 = arith.constant 0 : i32
      %dma_start3A_1351 = tpu.memref_slice %dma_start3A_1349[%dma_start3A_1340, %dma_start3A_1350] : memref<16x128xi32, #tpu.memory_space<vmem>> -> memref<1x128xi32, #tpu.memory_space<vmem>>
      %dma_start3A_1352 = tpu.memref_squeeze %dma_start3A_1351 : memref<1x128xi32, #tpu.memory_space<vmem>> -> memref<128xi32, #tpu.memory_space<vmem>>
      %dma_start3A_1353 = arith.constant 0 : i32
      %dma_start3A_1354 = arith.constant 0 : i32
      %dma_start3A_1355 = tpu.memref_slice %arg9[%dma_start3A_1353, %dma_start3A_1354] : memref<10240x128xf32, #tpu.memory_space<vmem_shared>> -> memref<10240x128xf32, #tpu.memory_space<vmem_shared>>
      %dma_start3A_1356 = tpu.memref_slice %arg11[%dma_start3A_1341] : memref<2x!tpu.dma_semaphore, #tpu.memory_space<semaphore_mem>> -> memref<1x!tpu.dma_semaphore, #tpu.memory_space<semaphore_mem>>
      %dma_start3A_1357 = tpu.memref_squeeze %dma_start3A_1356 : memref<1x!tpu.dma_semaphore, #tpu.memory_space<semaphore_mem>> -> memref<!tpu.dma_semaphore, #tpu.memory_space<semaphore_mem>>
      tpu.enqueue_indirect_dma source(%dma_start3A_1345 : memref<128x128xf32, #tpu.memory_space<vmem>>) target(%dma_start3A_1355 : memref<10240x128xf32, #tpu.memory_space<vmem_shared>>) offsets(%dma_start3A_1352 : memref<128xi32, #tpu.memory_space<vmem>>) semaphore(%dma_start3A_1357 : memref<!tpu.dma_semaphore, #tpu.memory_space<semaphore_mem>>) {add = true}
      %dma_wait3A_1358 = arith.constant 1 : i32
      %dma_wait3A_1359 = arith.constant 0 : i32
      %dma_wait3A_1360 = arith.constant 0 : i32
      %dma_wait3A_1361 = arith.constant 1 : i32
      %dma_wait3A_1362 = arith.constant 0 : i32
      %dma_wait3A_1363 = arith.constant 0 : i32
      %dma_wait3A_1364 = tpu.memref_slice %arg8[%dma_wait3A_1358, %dma_wait3A_1362, %dma_wait3A_1363] : memref<2x128x128xf32, #tpu.memory_space<vmem>> -> memref<1x128x128xf32, #tpu.memory_space<vmem>>
      %dma_wait3A_1365 = tpu.memref_squeeze %dma_wait3A_1364 : memref<1x128x128xf32, #tpu.memory_space<vmem>> -> memref<128x128xf32, #tpu.memory_space<vmem>>
      %dma_wait3A_1366 = arith.constant 0 : i32
      %dma_wait3A_1367 = arith.constant 0 : i32
      %dma_wait3A_1368 = tpu.memref_slice %arg7[%dma_wait3A_1359, %dma_wait3A_1366, %dma_wait3A_1367] : memref<2x16x128xi32, #tpu.memory_space<vmem>> -> memref<1x16x128xi32, #tpu.memory_space<vmem>>
      %dma_wait3A_1369 = tpu.memref_squeeze %dma_wait3A_1368 : memref<1x16x128xi32, #tpu.memory_space<vmem>> -> memref<16x128xi32, #tpu.memory_space<vmem>>
      %dma_wait3A_1370 = arith.constant 0 : i32
      %dma_wait3A_1371 = tpu.memref_slice %dma_wait3A_1369[%dma_wait3A_1360, %dma_wait3A_1370] : memref<16x128xi32, #tpu.memory_space<vmem>> -> memref<1x128xi32, #tpu.memory_space<vmem>>
      %dma_wait3A_1372 = tpu.memref_squeeze %dma_wait3A_1371 : memref<1x128xi32, #tpu.memory_space<vmem>> -> memref<128xi32, #tpu.memory_space<vmem>>
      %dma_wait3A_1373 = arith.constant 0 : i32
      %dma_wait3A_1374 = arith.constant 0 : i32
      %dma_wait3A_1375 = tpu.memref_slice %arg9[%dma_wait3A_1373, %dma_wait3A_1374] : memref<10240x128xf32, #tpu.memory_space<vmem_shared>> -> memref<10240x128xf32, #tpu.memory_space<vmem_shared>>
      %dma_wait3A_1376 = tpu.memref_slice %arg11[%dma_wait3A_1361] : memref<2x!tpu.dma_semaphore, #tpu.memory_space<semaphore_mem>> -> memref<1x!tpu.dma_semaphore, #tpu.memory_space<semaphore_mem>>
      %dma_wait3A_1377 = tpu.memref_squeeze %dma_wait3A_1376 : memref<1x!tpu.dma_semaphore, #tpu.memory_space<semaphore_mem>> -> memref<!tpu.dma_semaphore, #tpu.memory_space<semaphore_mem>>
      tpu.wait_indirect_dma semaphore(%dma_wait3A_1377 : memref<!tpu.dma_semaphore, #tpu.memory_space<semaphore_mem>>) src(%dma_wait3A_1365 : memref<128x128xf32, #tpu.memory_space<vmem>>) dst(%dma_wait3A_1375 : memref<10240x128xf32, #tpu.memory_space<vmem_shared>>)
      %dma_start3A_1378 = arith.constant 15 : i32
      %dma_start3A_1379 = arith.constant 1 : i32
      %dma_start3A_1380 = arith.constant 1 : i32
      %dma_start3A_1381 = arith.constant 0 : i32
      %dma_start3A_1382 = arith.constant 0 : i32
      %dma_start3A_1383 = tpu.memref_slice %arg8[%dma_start3A_1379, %dma_start3A_1381, %dma_start3A_1382] : memref<2x128x128xf32, #tpu.memory_space<vmem>> -> memref<1x128x128xf32, #tpu.memory_space<vmem>>
      %dma_start3A_1384 = tpu.memref_squeeze %dma_start3A_1383 : memref<1x128x128xf32, #tpu.memory_space<vmem>> -> memref<128x128xf32, #tpu.memory_space<vmem>>
      %dma_start3A_1385 = arith.constant 0 : i32
      %dma_start3A_1386 = arith.constant 0 : i32
      %dma_start3A_1387 = tpu.memref_slice %arg6[%rem3A_176, %dma_start3A_1385, %dma_start3A_1386] : memref<2x16x128xi32, #tpu.memory_space<vmem>> -> memref<1x16x128xi32, #tpu.memory_space<vmem>>
      %dma_start3A_1388 = tpu.memref_squeeze %dma_start3A_1387 : memref<1x16x128xi32, #tpu.memory_space<vmem>> -> memref<16x128xi32, #tpu.memory_space<vmem>>
      %dma_start3A_1389 = arith.constant 0 : i32
      %dma_start3A_1390 = tpu.memref_slice %dma_start3A_1388[%dma_start3A_1378, %dma_start3A_1389] : memref<16x128xi32, #tpu.memory_space<vmem>> -> memref<1x128xi32, #tpu.memory_space<vmem>>
      %dma_start3A_1391 = tpu.memref_squeeze %dma_start3A_1390 : memref<1x128xi32, #tpu.memory_space<vmem>> -> memref<128xi32, #tpu.memory_space<vmem>>
      %dma_start3A_1392 = arith.constant 0 : i32
      %dma_start3A_1393 = arith.constant 0 : i32
      %dma_start3A_1394 = tpu.memref_slice %arg2[%arg0, %dma_start3A_1392, %dma_start3A_1393] : memref<2x10240x128xf32, #tpu.memory_space<hbm>> -> memref<1x10240x128xf32, #tpu.memory_space<hbm>>
      %dma_start3A_1395 = tpu.memref_squeeze %dma_start3A_1394 : memref<1x10240x128xf32, #tpu.memory_space<hbm>> -> memref<10240x128xf32, #tpu.memory_space<hbm>>
      %dma_start3A_1396 = arith.constant 0 : i32
      %dma_start3A_1397 = arith.constant 0 : i32
      %dma_start3A_1398 = tpu.memref_slice %dma_start3A_1395[%dma_start3A_1396, %dma_start3A_1397] : memref<10240x128xf32, #tpu.memory_space<hbm>> -> memref<10240x128xf32, #tpu.memory_space<hbm>>
      %dma_start3A_1399 = tpu.memref_slice %arg10[%dma_start3A_1380] : memref<2x!tpu.dma_semaphore, #tpu.memory_space<semaphore_mem>> -> memref<1x!tpu.dma_semaphore, #tpu.memory_space<semaphore_mem>>
      %dma_start3A_1400 = tpu.memref_squeeze %dma_start3A_1399 : memref<1x!tpu.dma_semaphore, #tpu.memory_space<semaphore_mem>> -> memref<!tpu.dma_semaphore, #tpu.memory_space<semaphore_mem>>
      tpu.enqueue_indirect_dma source(%dma_start3A_1398 : memref<10240x128xf32, #tpu.memory_space<hbm>>) target(%dma_start3A_1384 : memref<128x128xf32, #tpu.memory_space<vmem>>) offsets(%dma_start3A_1391 : memref<128xi32, #tpu.memory_space<vmem>>) semaphore(%dma_start3A_1400 : memref<!tpu.dma_semaphore, #tpu.memory_space<semaphore_mem>>)
      %dma_wait3A_1401 = arith.constant 14 : i32
      %dma_wait3A_1402 = arith.constant 0 : i32
      %dma_wait3A_1403 = arith.constant 0 : i32
      %dma_wait3A_1404 = arith.constant 0 : i32
      %dma_wait3A_1405 = arith.constant 0 : i32
      %dma_wait3A_1406 = tpu.memref_slice %arg8[%dma_wait3A_1402, %dma_wait3A_1404, %dma_wait3A_1405] : memref<2x128x128xf32, #tpu.memory_space<vmem>> -> memref<1x128x128xf32, #tpu.memory_space<vmem>>
      %dma_wait3A_1407 = tpu.memref_squeeze %dma_wait3A_1406 : memref<1x128x128xf32, #tpu.memory_space<vmem>> -> memref<128x128xf32, #tpu.memory_space<vmem>>
      %dma_wait3A_1408 = arith.constant 0 : i32
      %dma_wait3A_1409 = arith.constant 0 : i32
      %dma_wait3A_1410 = tpu.memref_slice %arg6[%rem3A_176, %dma_wait3A_1408, %dma_wait3A_1409] : memref<2x16x128xi32, #tpu.memory_space<vmem>> -> memref<1x16x128xi32, #tpu.memory_space<vmem>>
      %dma_wait3A_1411 = tpu.memref_squeeze %dma_wait3A_1410 : memref<1x16x128xi32, #tpu.memory_space<vmem>> -> memref<16x128xi32, #tpu.memory_space<vmem>>
      %dma_wait3A_1412 = arith.constant 0 : i32
      %dma_wait3A_1413 = tpu.memref_slice %dma_wait3A_1411[%dma_wait3A_1401, %dma_wait3A_1412] : memref<16x128xi32, #tpu.memory_space<vmem>> -> memref<1x128xi32, #tpu.memory_space<vmem>>
      %dma_wait3A_1414 = tpu.memref_squeeze %dma_wait3A_1413 : memref<1x128xi32, #tpu.memory_space<vmem>> -> memref<128xi32, #tpu.memory_space<vmem>>
      %dma_wait3A_1415 = arith.constant 0 : i32
      %dma_wait3A_1416 = arith.constant 0 : i32
      %dma_wait3A_1417 = tpu.memref_slice %arg2[%arg0, %dma_wait3A_1415, %dma_wait3A_1416] : memref<2x10240x128xf32, #tpu.memory_space<hbm>> -> memref<1x10240x128xf32, #tpu.memory_space<hbm>>
      %dma_wait3A_1418 = tpu.memref_squeeze %dma_wait3A_1417 : memref<1x10240x128xf32, #tpu.memory_space<hbm>> -> memref<10240x128xf32, #tpu.memory_space<hbm>>
      %dma_wait3A_1419 = arith.constant 0 : i32
      %dma_wait3A_1420 = arith.constant 0 : i32
      %dma_wait3A_1421 = tpu.memref_slice %dma_wait3A_1418[%dma_wait3A_1419, %dma_wait3A_1420] : memref<10240x128xf32, #tpu.memory_space<hbm>> -> memref<10240x128xf32, #tpu.memory_space<hbm>>
      %dma_wait3A_1422 = tpu.memref_slice %arg10[%dma_wait3A_1403] : memref<2x!tpu.dma_semaphore, #tpu.memory_space<semaphore_mem>> -> memref<1x!tpu.dma_semaphore, #tpu.memory_space<semaphore_mem>>
      %dma_wait3A_1423 = tpu.memref_squeeze %dma_wait3A_1422 : memref<1x!tpu.dma_semaphore, #tpu.memory_space<semaphore_mem>> -> memref<!tpu.dma_semaphore, #tpu.memory_space<semaphore_mem>>
      tpu.wait_indirect_dma semaphore(%dma_wait3A_1423 : memref<!tpu.dma_semaphore, #tpu.memory_space<semaphore_mem>>) src(%dma_wait3A_1421 : memref<10240x128xf32, #tpu.memory_space<hbm>>) dst(%dma_wait3A_1407 : memref<128x128xf32, #tpu.memory_space<vmem>>)
      %dma_start3A_1424 = arith.constant 0 : i32
      %dma_start3A_1425 = arith.constant 14 : i32
      %dma_start3A_1426 = arith.constant 0 : i32
      %dma_start3A_1427 = arith.constant 0 : i32
      %dma_start3A_1428 = arith.constant 0 : i32
      %dma_start3A_1429 = tpu.memref_slice %arg8[%dma_start3A_1424, %dma_start3A_1427, %dma_start3A_1428] : memref<2x128x128xf32, #tpu.memory_space<vmem>> -> memref<1x128x128xf32, #tpu.memory_space<vmem>>
      %dma_start3A_1430 = tpu.memref_squeeze %dma_start3A_1429 : memref<1x128x128xf32, #tpu.memory_space<vmem>> -> memref<128x128xf32, #tpu.memory_space<vmem>>
      %dma_start3A_1431 = arith.constant 0 : i32
      %dma_start3A_1432 = arith.constant 0 : i32
      %dma_start3A_1433 = tpu.memref_slice %arg7[%rem3A_176, %dma_start3A_1431, %dma_start3A_1432] : memref<2x16x128xi32, #tpu.memory_space<vmem>> -> memref<1x16x128xi32, #tpu.memory_space<vmem>>
      %dma_start3A_1434 = tpu.memref_squeeze %dma_start3A_1433 : memref<1x16x128xi32, #tpu.memory_space<vmem>> -> memref<16x128xi32, #tpu.memory_space<vmem>>
      %dma_start3A_1435 = arith.constant 0 : i32
      %dma_start3A_1436 = tpu.memref_slice %dma_start3A_1434[%dma_start3A_1425, %dma_start3A_1435] : memref<16x128xi32, #tpu.memory_space<vmem>> -> memref<1x128xi32, #tpu.memory_space<vmem>>
      %dma_start3A_1437 = tpu.memref_squeeze %dma_start3A_1436 : memref<1x128xi32, #tpu.memory_space<vmem>> -> memref<128xi32, #tpu.memory_space<vmem>>
      %dma_start3A_1438 = arith.constant 0 : i32
      %dma_start3A_1439 = arith.constant 0 : i32
      %dma_start3A_1440 = tpu.memref_slice %arg9[%dma_start3A_1438, %dma_start3A_1439] : memref<10240x128xf32, #tpu.memory_space<vmem_shared>> -> memref<10240x128xf32, #tpu.memory_space<vmem_shared>>
      %dma_start3A_1441 = tpu.memref_slice %arg11[%dma_start3A_1426] : memref<2x!tpu.dma_semaphore, #tpu.memory_space<semaphore_mem>> -> memref<1x!tpu.dma_semaphore, #tpu.memory_space<semaphore_mem>>
      %dma_start3A_1442 = tpu.memref_squeeze %dma_start3A_1441 : memref<1x!tpu.dma_semaphore, #tpu.memory_space<semaphore_mem>> -> memref<!tpu.dma_semaphore, #tpu.memory_space<semaphore_mem>>
      tpu.enqueue_indirect_dma source(%dma_start3A_1430 : memref<128x128xf32, #tpu.memory_space<vmem>>) target(%dma_start3A_1440 : memref<10240x128xf32, #tpu.memory_space<vmem_shared>>) offsets(%dma_start3A_1437 : memref<128xi32, #tpu.memory_space<vmem>>) semaphore(%dma_start3A_1442 : memref<!tpu.dma_semaphore, #tpu.memory_space<semaphore_mem>>) {add = true}
      %dma_wait3A_1443 = arith.constant 0 : i32
      %dma_wait3A_1444 = arith.constant 0 : i32
      %dma_wait3A_1445 = arith.constant 0 : i32
      %dma_wait3A_1446 = arith.constant 0 : i32
      %dma_wait3A_1447 = arith.constant 0 : i32
      %dma_wait3A_1448 = arith.constant 0 : i32
      %dma_wait3A_1449 = tpu.memref_slice %arg8[%dma_wait3A_1443, %dma_wait3A_1447, %dma_wait3A_1448] : memref<2x128x128xf32, #tpu.memory_space<vmem>> -> memref<1x128x128xf32, #tpu.memory_space<vmem>>
      %dma_wait3A_1450 = tpu.memref_squeeze %dma_wait3A_1449 : memref<1x128x128xf32, #tpu.memory_space<vmem>> -> memref<128x128xf32, #tpu.memory_space<vmem>>
      %dma_wait3A_1451 = arith.constant 0 : i32
      %dma_wait3A_1452 = arith.constant 0 : i32
      %dma_wait3A_1453 = tpu.memref_slice %arg7[%dma_wait3A_1444, %dma_wait3A_1451, %dma_wait3A_1452] : memref<2x16x128xi32, #tpu.memory_space<vmem>> -> memref<1x16x128xi32, #tpu.memory_space<vmem>>
      %dma_wait3A_1454 = tpu.memref_squeeze %dma_wait3A_1453 : memref<1x16x128xi32, #tpu.memory_space<vmem>> -> memref<16x128xi32, #tpu.memory_space<vmem>>
      %dma_wait3A_1455 = arith.constant 0 : i32
      %dma_wait3A_1456 = tpu.memref_slice %dma_wait3A_1454[%dma_wait3A_1445, %dma_wait3A_1455] : memref<16x128xi32, #tpu.memory_space<vmem>> -> memref<1x128xi32, #tpu.memory_space<vmem>>
      %dma_wait3A_1457 = tpu.memref_squeeze %dma_wait3A_1456 : memref<1x128xi32, #tpu.memory_space<vmem>> -> memref<128xi32, #tpu.memory_space<vmem>>
      %dma_wait3A_1458 = arith.constant 0 : i32
      %dma_wait3A_1459 = arith.constant 0 : i32
      %dma_wait3A_1460 = tpu.memref_slice %arg9[%dma_wait3A_1458, %dma_wait3A_1459] : memref<10240x128xf32, #tpu.memory_space<vmem_shared>> -> memref<10240x128xf32, #tpu.memory_space<vmem_shared>>
      %dma_wait3A_1461 = tpu.memref_slice %arg11[%dma_wait3A_1446] : memref<2x!tpu.dma_semaphore, #tpu.memory_space<semaphore_mem>> -> memref<1x!tpu.dma_semaphore, #tpu.memory_space<semaphore_mem>>
      %dma_wait3A_1462 = tpu.memref_squeeze %dma_wait3A_1461 : memref<1x!tpu.dma_semaphore, #tpu.memory_space<semaphore_mem>> -> memref<!tpu.dma_semaphore, #tpu.memory_space<semaphore_mem>>
      tpu.wait_indirect_dma semaphore(%dma_wait3A_1462 : memref<!tpu.dma_semaphore, #tpu.memory_space<semaphore_mem>>) src(%dma_wait3A_1450 : memref<128x128xf32, #tpu.memory_space<vmem>>) dst(%dma_wait3A_1460 : memref<10240x128xf32, #tpu.memory_space<vmem_shared>>)
      %add3A_1463 = arith.constant 1 : i32
      %add3A_1464 = arith.addi %scan3A_175, %add3A_1463 : i32
      %lt3A_1465 = arith.constant 5 : i32
      %lt3A_1466 = arith.cmpi slt, %add3A_1464, %lt3A_1465 : i32
      %convert_element_type3A_1467 = arith.extui %lt3A_1466 : i1 to i32
      %cond3A_1468 = arith.constant 0 : i32
      %cond3A_1469 = arith.cmpi ne, %convert_element_type3A_1467, %cond3A_1468 : i32
      scf.if %cond3A_1469 {
        %add3A_1512 = arith.constant 1 : i32
        %add3A_1513 = arith.addi %scan3A_175, %add3A_1512 : i32
        %mul3A_1514 = arith.constant 16 : i32
        %mul3A_1515 = arith.muli %add3A_1513, %mul3A_1514 : i32
        %dma_wait3A_1516 = arith.constant 0 : i32
        %dma_wait3A_1517 = arith.constant 0 : i32
        %dma_wait3A_1518 = tpu.memref_slice %arg6[%rem3A_179, %dma_wait3A_1516, %dma_wait3A_1517] : memref<2x16x128xi32, #tpu.memory_space<vmem>> -> memref<1x16x128xi32, #tpu.memory_space<vmem>>
        %dma_wait3A_1519 = tpu.memref_squeeze %dma_wait3A_1518 : memref<1x16x128xi32, #tpu.memory_space<vmem>> -> memref<16x128xi32, #tpu.memory_space<vmem>>
        %dma_wait3A_1520 = arith.constant 0 : i32
        %dma_wait3A_1521 = arith.constant 0 : i32
        %dma_wait3A_1522 = tpu.memref_slice %arg3[%arg1, %dma_wait3A_1520, %dma_wait3A_1521] : memref<16x80x128xi32, #tpu.memory_space<hbm>> -> memref<1x80x128xi32, #tpu.memory_space<hbm>>
        %dma_wait3A_1523 = tpu.memref_squeeze %dma_wait3A_1522 : memref<1x80x128xi32, #tpu.memory_space<hbm>> -> memref<80x128xi32, #tpu.memory_space<hbm>>
        %dma_wait3A_1524 = arith.constant 0 : i32
        %dma_wait3A_1525 = tpu.memref_slice %dma_wait3A_1523[%mul3A_1515, %dma_wait3A_1524] : memref<80x128xi32, #tpu.memory_space<hbm>> -> memref<16x128xi32, #tpu.memory_space<hbm>>
        %dma_wait3A_1526 = tpu.memref_slice %arg12[%rem3A_179] : memref<2x!tpu.dma_semaphore, #tpu.memory_space<semaphore_mem>> -> memref<1x!tpu.dma_semaphore, #tpu.memory_space<semaphore_mem>>
        %dma_wait3A_1527 = tpu.memref_squeeze %dma_wait3A_1526 : memref<1x!tpu.dma_semaphore, #tpu.memory_space<semaphore_mem>> -> memref<!tpu.dma_semaphore, #tpu.memory_space<semaphore_mem>>
        %dma_wait3A_1528 = arith.constant 0 : i32
        %dma_wait3A_1529 = arith.constant 0 : i32
        %dma_wait3A_1530 = tpu.memref_slice %arg6[%rem3A_179, %dma_wait3A_1528, %dma_wait3A_1529] : memref<2x16x128xi32, #tpu.memory_space<vmem>> -> memref<1x16x128xi32, #tpu.memory_space<vmem>>
        %dma_wait3A_1531 = tpu.memref_squeeze %dma_wait3A_1530 : memref<1x16x128xi32, #tpu.memory_space<vmem>> -> memref<16x128xi32, #tpu.memory_space<vmem>>
        %dma_wait3A_1532 = arith.constant 0 : i32
        %dma_wait3A_1533 = arith.constant 0 : i32
        %dma_wait3A_1534 = tpu.memref_slice %arg3[%arg1, %dma_wait3A_1532, %dma_wait3A_1533] : memref<16x80x128xi32, #tpu.memory_space<hbm>> -> memref<1x80x128xi32, #tpu.memory_space<hbm>>
        %dma_wait3A_1535 = tpu.memref_squeeze %dma_wait3A_1534 : memref<1x80x128xi32, #tpu.memory_space<hbm>> -> memref<80x128xi32, #tpu.memory_space<hbm>>
        %dma_wait3A_1536 = arith.constant 0 : i32
        %dma_wait3A_1537 = tpu.memref_slice %dma_wait3A_1535[%mul3A_1515, %dma_wait3A_1536] : memref<80x128xi32, #tpu.memory_space<hbm>> -> memref<16x128xi32, #tpu.memory_space<hbm>>
        tpu.wait_dma2 semaphore(%dma_wait3A_1527 : memref<!tpu.dma_semaphore, #tpu.memory_space<semaphore_mem>>) src(%dma_wait3A_1537 : memref<16x128xi32, #tpu.memory_space<hbm>>) dst(%dma_wait3A_1531 : memref<16x128xi32, #tpu.memory_space<vmem>>)
        %mul3A_1538 = arith.constant 16 : i32
        %mul3A_1539 = arith.muli %add3A_1513, %mul3A_1538 : i32
        %dma_wait3A_1540 = arith.constant 0 : i32
        %dma_wait3A_1541 = arith.constant 0 : i32
        %dma_wait3A_1542 = tpu.memref_slice %arg7[%rem3A_179, %dma_wait3A_1540, %dma_wait3A_1541] : memref<2x16x128xi32, #tpu.memory_space<vmem>> -> memref<1x16x128xi32, #tpu.memory_space<vmem>>
        %dma_wait3A_1543 = tpu.memref_squeeze %dma_wait3A_1542 : memref<1x16x128xi32, #tpu.memory_space<vmem>> -> memref<16x128xi32, #tpu.memory_space<vmem>>
        %dma_wait3A_1544 = arith.constant 0 : i32
        %dma_wait3A_1545 = arith.constant 0 : i32
        %dma_wait3A_1546 = tpu.memref_slice %arg4[%arg1, %dma_wait3A_1544, %dma_wait3A_1545] : memref<16x80x128xi32, #tpu.memory_space<hbm>> -> memref<1x80x128xi32, #tpu.memory_space<hbm>>
        %dma_wait3A_1547 = tpu.memref_squeeze %dma_wait3A_1546 : memref<1x80x128xi32, #tpu.memory_space<hbm>> -> memref<80x128xi32, #tpu.memory_space<hbm>>
        %dma_wait3A_1548 = arith.constant 0 : i32
        %dma_wait3A_1549 = tpu.memref_slice %dma_wait3A_1547[%mul3A_1539, %dma_wait3A_1548] : memref<80x128xi32, #tpu.memory_space<hbm>> -> memref<16x128xi32, #tpu.memory_space<hbm>>
        %dma_wait3A_1550 = tpu.memref_slice %arg12[%rem3A_179] : memref<2x!tpu.dma_semaphore, #tpu.memory_space<semaphore_mem>> -> memref<1x!tpu.dma_semaphore, #tpu.memory_space<semaphore_mem>>
        %dma_wait3A_1551 = tpu.memref_squeeze %dma_wait3A_1550 : memref<1x!tpu.dma_semaphore, #tpu.memory_space<semaphore_mem>> -> memref<!tpu.dma_semaphore, #tpu.memory_space<semaphore_mem>>
        %dma_wait3A_1552 = arith.constant 0 : i32
        %dma_wait3A_1553 = arith.constant 0 : i32
        %dma_wait3A_1554 = tpu.memref_slice %arg7[%rem3A_179, %dma_wait3A_1552, %dma_wait3A_1553] : memref<2x16x128xi32, #tpu.memory_space<vmem>> -> memref<1x16x128xi32, #tpu.memory_space<vmem>>
        %dma_wait3A_1555 = tpu.memref_squeeze %dma_wait3A_1554 : memref<1x16x128xi32, #tpu.memory_space<vmem>> -> memref<16x128xi32, #tpu.memory_space<vmem>>
        %dma_wait3A_1556 = arith.constant 0 : i32
        %dma_wait3A_1557 = arith.constant 0 : i32
        %dma_wait3A_1558 = tpu.memref_slice %arg4[%arg1, %dma_wait3A_1556, %dma_wait3A_1557] : memref<16x80x128xi32, #tpu.memory_space<hbm>> -> memref<1x80x128xi32, #tpu.memory_space<hbm>>
        %dma_wait3A_1559 = tpu.memref_squeeze %dma_wait3A_1558 : memref<1x80x128xi32, #tpu.memory_space<hbm>> -> memref<80x128xi32, #tpu.memory_space<hbm>>
        %dma_wait3A_1560 = arith.constant 0 : i32
        %dma_wait3A_1561 = tpu.memref_slice %dma_wait3A_1559[%mul3A_1539, %dma_wait3A_1560] : memref<80x128xi32, #tpu.memory_space<hbm>> -> memref<16x128xi32, #tpu.memory_space<hbm>>
        tpu.wait_dma2 semaphore(%dma_wait3A_1551 : memref<!tpu.dma_semaphore, #tpu.memory_space<semaphore_mem>>) src(%dma_wait3A_1561 : memref<16x128xi32, #tpu.memory_space<hbm>>) dst(%dma_wait3A_1555 : memref<16x128xi32, #tpu.memory_space<vmem>>)
        %dma_start3A_1562 = arith.constant 0 : i32
        %dma_start3A_1563 = arith.constant 0 : i32
        %dma_start3A_1564 = arith.constant 0 : i32
        %dma_start3A_1565 = arith.constant 0 : i32
        %dma_start3A_1566 = arith.constant 0 : i32
        %dma_start3A_1567 = tpu.memref_slice %arg8[%dma_start3A_1563, %dma_start3A_1565, %dma_start3A_1566] : memref<2x128x128xf32, #tpu.memory_space<vmem>> -> memref<1x128x128xf32, #tpu.memory_space<vmem>>
        %dma_start3A_1568 = tpu.memref_squeeze %dma_start3A_1567 : memref<1x128x128xf32, #tpu.memory_space<vmem>> -> memref<128x128xf32, #tpu.memory_space<vmem>>
        %dma_start3A_1569 = arith.constant 0 : i32
        %dma_start3A_1570 = arith.constant 0 : i32
        %dma_start3A_1571 = tpu.memref_slice %arg6[%rem3A_179, %dma_start3A_1569, %dma_start3A_1570] : memref<2x16x128xi32, #tpu.memory_space<vmem>> -> memref<1x16x128xi32, #tpu.memory_space<vmem>>
        %dma_start3A_1572 = tpu.memref_squeeze %dma_start3A_1571 : memref<1x16x128xi32, #tpu.memory_space<vmem>> -> memref<16x128xi32, #tpu.memory_space<vmem>>
        %dma_start3A_1573 = arith.constant 0 : i32
        %dma_start3A_1574 = tpu.memref_slice %dma_start3A_1572[%dma_start3A_1562, %dma_start3A_1573] : memref<16x128xi32, #tpu.memory_space<vmem>> -> memref<1x128xi32, #tpu.memory_space<vmem>>
        %dma_start3A_1575 = tpu.memref_squeeze %dma_start3A_1574 : memref<1x128xi32, #tpu.memory_space<vmem>> -> memref<128xi32, #tpu.memory_space<vmem>>
        %dma_start3A_1576 = arith.constant 0 : i32
        %dma_start3A_1577 = arith.constant 0 : i32
        %dma_start3A_1578 = tpu.memref_slice %arg2[%arg0, %dma_start3A_1576, %dma_start3A_1577] : memref<2x10240x128xf32, #tpu.memory_space<hbm>> -> memref<1x10240x128xf32, #tpu.memory_space<hbm>>
        %dma_start3A_1579 = tpu.memref_squeeze %dma_start3A_1578 : memref<1x10240x128xf32, #tpu.memory_space<hbm>> -> memref<10240x128xf32, #tpu.memory_space<hbm>>
        %dma_start3A_1580 = arith.constant 0 : i32
        %dma_start3A_1581 = arith.constant 0 : i32
        %dma_start3A_1582 = tpu.memref_slice %dma_start3A_1579[%dma_start3A_1580, %dma_start3A_1581] : memref<10240x128xf32, #tpu.memory_space<hbm>> -> memref<10240x128xf32, #tpu.memory_space<hbm>>
        %dma_start3A_1583 = tpu.memref_slice %arg10[%dma_start3A_1564] : memref<2x!tpu.dma_semaphore, #tpu.memory_space<semaphore_mem>> -> memref<1x!tpu.dma_semaphore, #tpu.memory_space<semaphore_mem>>
        %dma_start3A_1584 = tpu.memref_squeeze %dma_start3A_1583 : memref<1x!tpu.dma_semaphore, #tpu.memory_space<semaphore_mem>> -> memref<!tpu.dma_semaphore, #tpu.memory_space<semaphore_mem>>
        tpu.enqueue_indirect_dma source(%dma_start3A_1582 : memref<10240x128xf32, #tpu.memory_space<hbm>>) target(%dma_start3A_1568 : memref<128x128xf32, #tpu.memory_space<vmem>>) offsets(%dma_start3A_1575 : memref<128xi32, #tpu.memory_space<vmem>>) semaphore(%dma_start3A_1584 : memref<!tpu.dma_semaphore, #tpu.memory_space<semaphore_mem>>)
      } else {
      }
      %dma_wait3A_1470 = arith.constant 15 : i32
      %dma_wait3A_1471 = arith.constant 1 : i32
      %dma_wait3A_1472 = arith.constant 1 : i32
      %dma_wait3A_1473 = arith.constant 0 : i32
      %dma_wait3A_1474 = arith.constant 0 : i32
      %dma_wait3A_1475 = tpu.memref_slice %arg8[%dma_wait3A_1471, %dma_wait3A_1473, %dma_wait3A_1474] : memref<2x128x128xf32, #tpu.memory_space<vmem>> -> memref<1x128x128xf32, #tpu.memory_space<vmem>>
      %dma_wait3A_1476 = tpu.memref_squeeze %dma_wait3A_1475 : memref<1x128x128xf32, #tpu.memory_space<vmem>> -> memref<128x128xf32, #tpu.memory_space<vmem>>
      %dma_wait3A_1477 = arith.constant 0 : i32
      %dma_wait3A_1478 = arith.constant 0 : i32
      %dma_wait3A_1479 = tpu.memref_slice %arg6[%rem3A_176, %dma_wait3A_1477, %dma_wait3A_1478] : memref<2x16x128xi32, #tpu.memory_space<vmem>> -> memref<1x16x128xi32, #tpu.memory_space<vmem>>
      %dma_wait3A_1480 = tpu.memref_squeeze %dma_wait3A_1479 : memref<1x16x128xi32, #tpu.memory_space<vmem>> -> memref<16x128xi32, #tpu.memory_space<vmem>>
      %dma_wait3A_1481 = arith.constant 0 : i32
      %dma_wait3A_1482 = tpu.memref_slice %dma_wait3A_1480[%dma_wait3A_1470, %dma_wait3A_1481] : memref<16x128xi32, #tpu.memory_space<vmem>> -> memref<1x128xi32, #tpu.memory_space<vmem>>
      %dma_wait3A_1483 = tpu.memref_squeeze %dma_wait3A_1482 : memref<1x128xi32, #tpu.memory_space<vmem>> -> memref<128xi32, #tpu.memory_space<vmem>>
      %dma_wait3A_1484 = arith.constant 0 : i32
      %dma_wait3A_1485 = arith.constant 0 : i32
      %dma_wait3A_1486 = tpu.memref_slice %arg2[%arg0, %dma_wait3A_1484, %dma_wait3A_1485] : memref<2x10240x128xf32, #tpu.memory_space<hbm>> -> memref<1x10240x128xf32, #tpu.memory_space<hbm>>
      %dma_wait3A_1487 = tpu.memref_squeeze %dma_wait3A_1486 : memref<1x10240x128xf32, #tpu.memory_space<hbm>> -> memref<10240x128xf32, #tpu.memory_space<hbm>>
      %dma_wait3A_1488 = arith.constant 0 : i32
      %dma_wait3A_1489 = arith.constant 0 : i32
      %dma_wait3A_1490 = tpu.memref_slice %dma_wait3A_1487[%dma_wait3A_1488, %dma_wait3A_1489] : memref<10240x128xf32, #tpu.memory_space<hbm>> -> memref<10240x128xf32, #tpu.memory_space<hbm>>
      %dma_wait3A_1491 = tpu.memref_slice %arg10[%dma_wait3A_1472] : memref<2x!tpu.dma_semaphore, #tpu.memory_space<semaphore_mem>> -> memref<1x!tpu.dma_semaphore, #tpu.memory_space<semaphore_mem>>
      %dma_wait3A_1492 = tpu.memref_squeeze %dma_wait3A_1491 : memref<1x!tpu.dma_semaphore, #tpu.memory_space<semaphore_mem>> -> memref<!tpu.dma_semaphore, #tpu.memory_space<semaphore_mem>>
      tpu.wait_indirect_dma semaphore(%dma_wait3A_1492 : memref<!tpu.dma_semaphore, #tpu.memory_space<semaphore_mem>>) src(%dma_wait3A_1490 : memref<10240x128xf32, #tpu.memory_space<hbm>>) dst(%dma_wait3A_1476 : memref<128x128xf32, #tpu.memory_space<vmem>>)
      %dma_start3A_1493 = arith.constant 1 : i32
      %dma_start3A_1494 = arith.constant 15 : i32
      %dma_start3A_1495 = arith.constant 1 : i32
      %dma_start3A_1496 = arith.constant 0 : i32
      %dma_start3A_1497 = arith.constant 0 : i32
      %dma_start3A_1498 = tpu.memref_slice %arg8[%dma_start3A_1493, %dma_start3A_1496, %dma_start3A_1497] : memref<2x128x128xf32, #tpu.memory_space<vmem>> -> memref<1x128x128xf32, #tpu.memory_space<vmem>>
      %dma_start3A_1499 = tpu.memref_squeeze %dma_start3A_1498 : memref<1x128x128xf32, #tpu.memory_space<vmem>> -> memref<128x128xf32, #tpu.memory_space<vmem>>
      %dma_start3A_1500 = arith.constant 0 : i32
      %dma_start3A_1501 = arith.constant 0 : i32
      %dma_start3A_1502 = tpu.memref_slice %arg7[%rem3A_176, %dma_start3A_1500, %dma_start3A_1501] : memref<2x16x128xi32, #tpu.memory_space<vmem>> -> memref<1x16x128xi32, #tpu.memory_space<vmem>>
      %dma_start3A_1503 = tpu.memref_squeeze %dma_start3A_1502 : memref<1x16x128xi32, #tpu.memory_space<vmem>> -> memref<16x128xi32, #tpu.memory_space<vmem>>
      %dma_start3A_1504 = arith.constant 0 : i32
      %dma_start3A_1505 = tpu.memref_slice %dma_start3A_1503[%dma_start3A_1494, %dma_start3A_1504] : memref<16x128xi32, #tpu.memory_space<vmem>> -> memref<1x128xi32, #tpu.memory_space<vmem>>
      %dma_start3A_1506 = tpu.memref_squeeze %dma_start3A_1505 : memref<1x128xi32, #tpu.memory_space<vmem>> -> memref<128xi32, #tpu.memory_space<vmem>>
      %dma_start3A_1507 = arith.constant 0 : i32
      %dma_start3A_1508 = arith.constant 0 : i32
      %dma_start3A_1509 = tpu.memref_slice %arg9[%dma_start3A_1507, %dma_start3A_1508] : memref<10240x128xf32, #tpu.memory_space<vmem_shared>> -> memref<10240x128xf32, #tpu.memory_space<vmem_shared>>
      %dma_start3A_1510 = tpu.memref_slice %arg11[%dma_start3A_1495] : memref<2x!tpu.dma_semaphore, #tpu.memory_space<semaphore_mem>> -> memref<1x!tpu.dma_semaphore, #tpu.memory_space<semaphore_mem>>
      %dma_start3A_1511 = tpu.memref_squeeze %dma_start3A_1510 : memref<1x!tpu.dma_semaphore, #tpu.memory_space<semaphore_mem>> -> memref<!tpu.dma_semaphore, #tpu.memory_space<semaphore_mem>>
      tpu.enqueue_indirect_dma source(%dma_start3A_1499 : memref<128x128xf32, #tpu.memory_space<vmem>>) target(%dma_start3A_1509 : memref<10240x128xf32, #tpu.memory_space<vmem_shared>>) offsets(%dma_start3A_1506 : memref<128xi32, #tpu.memory_space<vmem>>) semaphore(%dma_start3A_1511 : memref<!tpu.dma_semaphore, #tpu.memory_space<semaphore_mem>>) {add = true}
    }
    %scan3A_149 = arith.constant 5 : i32
    %dma_wait3A_150 = arith.constant 1 : i32
    %dma_wait3A_151 = arith.constant 0 : i32
    %dma_wait3A_152 = arith.constant 0 : i32
    %dma_wait3A_153 = arith.constant 1 : i32
    %dma_wait3A_154 = arith.constant 0 : i32
    %dma_wait3A_155 = arith.constant 0 : i32
    %dma_wait3A_156 = tpu.memref_slice %arg8[%dma_wait3A_150, %dma_wait3A_154, %dma_wait3A_155] : memref<2x128x128xf32, #tpu.memory_space<vmem>> -> memref<1x128x128xf32, #tpu.memory_space<vmem>>
    %dma_wait3A_157 = tpu.memref_squeeze %dma_wait3A_156 : memref<1x128x128xf32, #tpu.memory_space<vmem>> -> memref<128x128xf32, #tpu.memory_space<vmem>>
    %dma_wait3A_158 = arith.constant 0 : i32
    %dma_wait3A_159 = arith.constant 0 : i32
    %dma_wait3A_160 = tpu.memref_slice %arg7[%dma_wait3A_151, %dma_wait3A_158, %dma_wait3A_159] : memref<2x16x128xi32, #tpu.memory_space<vmem>> -> memref<1x16x128xi32, #tpu.memory_space<vmem>>
    %dma_wait3A_161 = tpu.memref_squeeze %dma_wait3A_160 : memref<1x16x128xi32, #tpu.memory_space<vmem>> -> memref<16x128xi32, #tpu.memory_space<vmem>>
    %dma_wait3A_162 = arith.constant 0 : i32
    %dma_wait3A_163 = tpu.memref_slice %dma_wait3A_161[%dma_wait3A_152, %dma_wait3A_162] : memref<16x128xi32, #tpu.memory_space<vmem>> -> memref<1x128xi32, #tpu.memory_space<vmem>>
    %dma_wait3A_164 = tpu.memref_squeeze %dma_wait3A_163 : memref<1x128xi32, #tpu.memory_space<vmem>> -> memref<128xi32, #tpu.memory_space<vmem>>
    %dma_wait3A_165 = arith.constant 0 : i32
    %dma_wait3A_166 = arith.constant 0 : i32
    %dma_wait3A_167 = tpu.memref_slice %arg9[%dma_wait3A_165, %dma_wait3A_166] : memref<10240x128xf32, #tpu.memory_space<vmem_shared>> -> memref<10240x128xf32, #tpu.memory_space<vmem_shared>>
    %dma_wait3A_168 = tpu.memref_slice %arg11[%dma_wait3A_153] : memref<2x!tpu.dma_semaphore, #tpu.memory_space<semaphore_mem>> -> memref<1x!tpu.dma_semaphore, #tpu.memory_space<semaphore_mem>>
    %dma_wait3A_169 = tpu.memref_squeeze %dma_wait3A_168 : memref<1x!tpu.dma_semaphore, #tpu.memory_space<semaphore_mem>> -> memref<!tpu.dma_semaphore, #tpu.memory_space<semaphore_mem>>
    tpu.wait_indirect_dma semaphore(%dma_wait3A_169 : memref<!tpu.dma_semaphore, #tpu.memory_space<semaphore_mem>>) src(%dma_wait3A_157 : memref<128x128xf32, #tpu.memory_space<vmem>>) dst(%dma_wait3A_167 : memref<10240x128xf32, #tpu.memory_space<vmem_shared>>)
    %barrier3A_170 = arith.constant 0 : index
    tpu.barrier barrier_id(%barrier3A_170)
    %mul3A_171 = arith.constant 640 : i32
    %mul3A_172 = arith.muli %arg1, %mul3A_171 : i32
    %mul3A_173 = arith.constant 640 : i32
    %mul3A_174 = arith.muli %arg1, %mul3A_173 : i32
    "tpu.region"() ({
      %run_scoped3A = tpu.sem_alloc : memref<!tpu.dma_semaphore, #tpu.memory_space<semaphore_mem>>
      %dma_start3A_175 = arith.constant 0 : i32
      %dma_start3A_176 = arith.constant 0 : i32
      %dma_start3A_177 = tpu.memref_slice %arg5[%arg0, %dma_start3A_175, %dma_start3A_176] : memref<2x10240x128xf32, #tpu.memory_space<hbm>> -> memref<1x10240x128xf32, #tpu.memory_space<hbm>>
      %dma_start3A_178 = tpu.memref_squeeze %dma_start3A_177 : memref<1x10240x128xf32, #tpu.memory_space<hbm>> -> memref<10240x128xf32, #tpu.memory_space<hbm>>
      %dma_start3A_179 = arith.constant 0 : i32
      %dma_start3A_180 = tpu.memref_slice %dma_start3A_178[%mul3A_174, %dma_start3A_179] : memref<10240x128xf32, #tpu.memory_space<hbm>> -> memref<640x128xf32, #tpu.memory_space<hbm>>
      %dma_start3A_181 = arith.constant 0 : i32
      %dma_start3A_182 = tpu.memref_slice %arg9[%mul3A_172, %dma_start3A_181] : memref<10240x128xf32, #tpu.memory_space<vmem_shared>> -> memref<640x128xf32, #tpu.memory_space<vmem_shared>>
      tpu.enqueue_dma source(%dma_start3A_182 : memref<640x128xf32, #tpu.memory_space<vmem_shared>>) target(%dma_start3A_180 : memref<640x128xf32, #tpu.memory_space<hbm>>) target_semaphore(%run_scoped3A : memref<!tpu.dma_semaphore, #tpu.memory_space<semaphore_mem>>)
      %dma_wait3A_183 = arith.constant 0 : i32
      %dma_wait3A_184 = arith.constant 0 : i32
      %dma_wait3A_185 = tpu.memref_slice %arg5[%arg0, %dma_wait3A_183, %dma_wait3A_184] : memref<2x10240x128xf32, #tpu.memory_space<hbm>> -> memref<1x10240x128xf32, #tpu.memory_space<hbm>>
      %dma_wait3A_186 = tpu.memref_squeeze %dma_wait3A_185 : memref<1x10240x128xf32, #tpu.memory_space<hbm>> -> memref<10240x128xf32, #tpu.memory_space<hbm>>
      %dma_wait3A_187 = arith.constant 0 : i32
      %dma_wait3A_188 = tpu.memref_slice %dma_wait3A_186[%mul3A_174, %dma_wait3A_187] : memref<10240x128xf32, #tpu.memory_space<hbm>> -> memref<640x128xf32, #tpu.memory_space<hbm>>
      %dma_wait3A_189 = arith.constant 0 : i32
      %dma_wait3A_190 = tpu.memref_slice %arg9[%mul3A_172, %dma_wait3A_189] : memref<10240x128xf32, #tpu.memory_space<vmem_shared>> -> memref<640x128xf32, #tpu.memory_space<vmem_shared>>
      tpu.wait_dma2 semaphore(%run_scoped3A : memref<!tpu.dma_semaphore, #tpu.memory_space<semaphore_mem>>) src(%dma_wait3A_190 : memref<640x128xf32, #tpu.memory_space<vmem_shared>>) dst(%dma_wait3A_188 : memref<640x128xf32, #tpu.memory_space<hbm>>)
      tpu.yield
    }) : () -> ()
    return
  }
}

module attributes {stable_mosaic.version = 14 : i64} {
  func.func @body(%arg0: i32, %arg1: memref<1280x256xf32, #tpu.memory_space<vmem>>, %arg2: memref<256x256xf32, #tpu.memory_space<vmem>>, %arg3: memref<2x10240xf32, #tpu.memory_space<vmem>>, %arg4: memref<2x1280x128xf32, #tpu.memory_space<vmem>>) attributes {dimension_semantics = [#tpu.dimension_semantics<arbitrary>], iteration_bounds = array<i64: 8>, scalar_prefetch = 0 : i64, scratch_operands = 0 : i64, tpu.core_type = #tpu.core_type<tc>, window_params = [{transform_indices = @transform_0, window_bounds = array<i64: 1280, 256>}, {pipeline_mode = #tpu.pipeline_mode<synchronous>, transform_indices = @transform_1, window_bounds = array<i64: 256, 256>}, {pipeline_mode = #tpu.pipeline_mode<synchronous>, transform_indices = @transform_2, window_bounds = array<i64: 2, 10240>}, {transform_indices = @transform_3, window_bounds = array<i64: 2, 1280, 128>}]} {
    %get3A = arith.constant 0 : index
    %get3A_0 = arith.constant 0 : index
    %get3A_1 = vector.load %arg1[%get3A, %get3A_0] : memref<1280x256xf32, #tpu.memory_space<vmem>>, vector<1280x256xf32>
    %get3A_2 = arith.constant 0 : index
    %get3A_3 = arith.constant 0 : index
    %get3A_4 = vector.load %arg2[%get3A_2, %get3A_3] : memref<256x256xf32, #tpu.memory_space<vmem>>, vector<256x256xf32>
    %dot_general3A = arith.constant dense<0.000000e+00> : vector<1280x256xf32>
    %dot_general3A_5 = tpu.matmul %get3A_1, %get3A_4, %dot_general3A {dimension_numbers = #tpu.dot_dimension_numbers<[1], [0], [0], [1], [0, 0, 1, 1], [], []>, transpose_lhs_hint = false} : vector<1280x256xf32>, vector<256x256xf32>, vector<1280x256xf32> -> vector<1280x256xf32>
    %mul3A = arith.constant 1280 : i32
    %mul3A_6 = arith.muli %arg0, %mul3A : i32
    %get3A_7 = arith.constant 0 : index
    %get3A_8 = arith.index_cast %mul3A_6 : i32 to index
    %get3A_9 = vector.load %arg3[%get3A_7, %get3A_8] : memref<2x10240xf32, #tpu.memory_space<vmem>>, vector<2x1280xf32>
    %slice3A = vector.extract_strided_slice %get3A_9 {offsets = [0, 0], sizes = [1, 1280], strides = [1, 1]} : vector<2x1280xf32> to vector<1x1280xf32>
    %squeeze3A = vector.shape_cast %slice3A : vector<1x1280xf32> to vector<1280xf32>
    %slice3A_10 = vector.extract_strided_slice %get3A_9 {offsets = [1, 0], sizes = [1, 1280], strides = [1, 1]} : vector<2x1280xf32> to vector<1x1280xf32>
    %squeeze3A_11 = vector.shape_cast %slice3A_10 : vector<1x1280xf32> to vector<1280xf32>
    %add3A = arith.addf %squeeze3A, %squeeze3A_11 : vector<1280xf32>
    %add3A_12 = arith.constant 1.000000e+00 : f32
    %add3A_13 = vector.broadcast %add3A_12 : f32 to vector<1280xf32>
    %add3A_14 = arith.addf %add3A, %add3A_13 : vector<1280xf32>
    %rsqrt3A = math.rsqrt %add3A_14 : vector<1280xf32>
    %broadcast_in_dim3A = vector.shape_cast %rsqrt3A : vector<1280xf32> to vector<1280x1xf32>
    %mul3A_15 = vector.broadcast %broadcast_in_dim3A : vector<1280x1xf32> to vector<1280x256xf32>
    %mul3A_16 = arith.mulf %dot_general3A_5, %mul3A_15 : vector<1280x256xf32>
    %slice3A_17 = vector.extract_strided_slice %mul3A_16 {offsets = [0, 0], sizes = [1280, 128], strides = [1, 1]} : vector<1280x256xf32> to vector<1280x128xf32>
    %swap3A = arith.constant 0 : index
    %swap3A_18 = arith.constant 0 : index
    %swap3A_19 = arith.constant 0 : index
    %swap3A_20 = vector.load %arg4[%swap3A, %swap3A_18, %swap3A_19] : memref<2x1280x128xf32, #tpu.memory_space<vmem>>, vector<1x1280x128xf32>
    %swap3A_21 = vector.shape_cast %swap3A_20 : vector<1x1280x128xf32> to vector<1280x128xf32>
    %swap3A_22 = vector.shape_cast %slice3A_17 : vector<1280x128xf32> to vector<1x1280x128xf32>
    tpu.vector_store %arg4[%swap3A, %swap3A_18, %swap3A_19], %swap3A_22 {strides = array<i32>} : memref<2x1280x128xf32, #tpu.memory_space<vmem>>, vector<1x1280x128xf32>,
    %slice3A_23 = vector.extract_strided_slice %mul3A_16 {offsets = [0, 128], sizes = [1280, 128], strides = [1, 1]} : vector<1280x256xf32> to vector<1280x128xf32>
    %swap3A_24 = arith.constant 1 : index
    %swap3A_25 = arith.constant 0 : index
    %swap3A_26 = arith.constant 0 : index
    %swap3A_27 = vector.load %arg4[%swap3A_24, %swap3A_25, %swap3A_26] : memref<2x1280x128xf32, #tpu.memory_space<vmem>>, vector<1x1280x128xf32>
    %swap3A_28 = vector.shape_cast %swap3A_27 : vector<1x1280x128xf32> to vector<1280x128xf32>
    %swap3A_29 = vector.shape_cast %slice3A_23 : vector<1280x128xf32> to vector<1x1280x128xf32>
    tpu.vector_store %arg4[%swap3A_24, %swap3A_25, %swap3A_26], %swap3A_29 {strides = array<i32>} : memref<2x1280x128xf32, #tpu.memory_space<vmem>>, vector<1x1280x128xf32>,
    return
  }
  func.func @transform_0(%arg0: i32) -> (i32, i32) {
    %c0_i32 = arith.constant 0 : i32
    %c0_i32_0 = arith.constant 0 : i32
    return %arg0, %c0_i32 : i32, i32
  }
  func.func @transform_1(%arg0: i32) -> (i32, i32) {
    %c0_i32 = arith.constant 0 : i32
    %c0_i32_0 = arith.constant 0 : i32
    %c0_i32_1 = arith.constant 0 : i32
    return %c0_i32, %c0_i32_0 : i32, i32
  }
  func.func @transform_2(%arg0: i32) -> (i32, i32) {
    %c0_i32 = arith.constant 0 : i32
    %c0_i32_0 = arith.constant 0 : i32
    %c0_i32_1 = arith.constant 0 : i32
    return %c0_i32, %c0_i32_0 : i32, i32
  }
  func.func @transform_3(%arg0: i32) -> (i32, i32, i32) {
    %c0_i32 = arith.constant 0 : i32
    %c0_i32_0 = arith.constant 0 : i32
    %c0_i32_1 = arith.constant 0 : i32
    return %c0_i32, %arg0, %c0_i32_0 : i32, i32, i32
  }
}

module attributes {stable_mosaic.version = 14 : i64} {
  func.func @body(%arg0: i32, %arg1: memref<2x1280x128xf32, #tpu.memory_space<vmem>>, %arg2: memref<2x10240xf32, #tpu.memory_space<vmem>>, %arg3: memref<1x256xf32, #tpu.memory_space<vmem>>, %arg4: memref<1280x256xf32, #tpu.memory_space<vmem>>) attributes {dimension_semantics = [#tpu.dimension_semantics<arbitrary>], iteration_bounds = array<i64: 8>, scalar_prefetch = 0 : i64, scratch_operands = 0 : i64, tpu.core_type = #tpu.core_type<tc>, window_params = [{transform_indices = @transform_0, window_bounds = array<i64: 2, 1280, 128>}, {pipeline_mode = #tpu.pipeline_mode<synchronous>, transform_indices = @transform_1, window_bounds = array<i64: 2, 10240>}, {pipeline_mode = #tpu.pipeline_mode<synchronous>, transform_indices = @transform_2, window_bounds = array<i64: 1, 256>}, {transform_indices = @transform_3, window_bounds = array<i64: 1280, 256>}]} {
    %mul3A = arith.constant 1280 : i32
    %mul3A_0 = arith.muli %arg0, %mul3A : i32
    %get3A = arith.constant 0 : index
    %get3A_1 = arith.index_cast %mul3A_0 : i32 to index
    %get3A_2 = vector.load %arg2[%get3A, %get3A_1] : memref<2x10240xf32, #tpu.memory_space<vmem>>, vector<2x1280xf32>
    %slice3A = vector.extract_strided_slice %get3A_2 {offsets = [0, 0], sizes = [1, 1280], strides = [1, 1]} : vector<2x1280xf32> to vector<1x1280xf32>
    %squeeze3A = vector.shape_cast %slice3A : vector<1x1280xf32> to vector<1280xf32>
    %slice3A_3 = vector.extract_strided_slice %get3A_2 {offsets = [1, 0], sizes = [1, 1280], strides = [1, 1]} : vector<2x1280xf32> to vector<1x1280xf32>
    %squeeze3A_4 = vector.shape_cast %slice3A_3 : vector<1x1280xf32> to vector<1280xf32>
    %add3A = arith.addf %squeeze3A, %squeeze3A_4 : vector<1280xf32>
    %add3A_5 = arith.constant 1.000000e+00 : f32
    %add3A_6 = vector.broadcast %add3A_5 : f32 to vector<1280xf32>
    %add3A_7 = arith.addf %add3A, %add3A_6 : vector<1280xf32>
    %rsqrt3A = math.rsqrt %add3A_7 : vector<1280xf32>
    %get3A_8 = arith.constant 0 : index
    %get3A_9 = arith.constant 0 : index
    %get3A_10 = arith.constant 0 : index
    %get3A_11 = vector.load %arg1[%get3A_8, %get3A_9, %get3A_10] : memref<2x1280x128xf32, #tpu.memory_space<vmem>>, vector<1x1280x128xf32>
    %get3A_12 = vector.shape_cast %get3A_11 : vector<1x1280x128xf32> to vector<1280x128xf32>
    %get3A_13 = arith.constant 1 : index
    %get3A_14 = arith.constant 0 : index
    %get3A_15 = arith.constant 0 : index
    %get3A_16 = vector.load %arg1[%get3A_13, %get3A_14, %get3A_15] : memref<2x1280x128xf32, #tpu.memory_space<vmem>>, vector<1x1280x128xf32>
    %get3A_17 = vector.shape_cast %get3A_16 : vector<1x1280x128xf32> to vector<1280x128xf32>
    %concatenate3A = tpu.concatenate %get3A_12, %get3A_17 in 1 : vector<1280x128xf32>, vector<1280x128xf32> -> vector<1280x256xf32>
    %broadcast_in_dim3A = vector.shape_cast %rsqrt3A : vector<1280xf32> to vector<1280x1xf32>
    %mul3A_18 = vector.broadcast %broadcast_in_dim3A : vector<1280x1xf32> to vector<1280x256xf32>
    %mul3A_19 = arith.mulf %concatenate3A, %mul3A_18 : vector<1280x256xf32>
    %get3A_20 = arith.constant 0 : index
    %get3A_21 = arith.constant 0 : index
    %get3A_22 = vector.load %arg3[%get3A_20, %get3A_21] : memref<1x256xf32, #tpu.memory_space<vmem>>, vector<1x256xf32>
    %add3A_23 = vector.broadcast %get3A_22 : vector<1x256xf32> to vector<1280x256xf32>
    %add3A_24 = arith.addf %mul3A_19, %add3A_23 : vector<1280x256xf32>
    %max3A = arith.constant 0.000000e+00 : f32
    %max3A_25 = vector.broadcast %max3A : f32 to vector<1280x256xf32>
    %max3A_26 = arith.maximumf %add3A_24, %max3A_25 : vector<1280x256xf32>
    %swap3A = arith.constant 0 : index
    %swap3A_27 = arith.constant 0 : index
    %swap3A_28 = vector.load %arg4[%swap3A, %swap3A_27] : memref<1280x256xf32, #tpu.memory_space<vmem>>, vector<1280x256xf32>
    tpu.vector_store %arg4[%swap3A, %swap3A_27], %max3A_26 {strides = array<i32>} : memref<1280x256xf32, #tpu.memory_space<vmem>>, vector<1280x256xf32>,
    return
  }
  func.func @transform_0(%arg0: i32) -> (i32, i32, i32) {
    %c0_i32 = arith.constant 0 : i32
    %c0_i32_0 = arith.constant 0 : i32
    %c0_i32_1 = arith.constant 0 : i32
    return %c0_i32, %arg0, %c0_i32_0 : i32, i32, i32
  }
  func.func @transform_1(%arg0: i32) -> (i32, i32) {
    %c0_i32 = arith.constant 0 : i32
    %c0_i32_0 = arith.constant 0 : i32
    %c0_i32_1 = arith.constant 0 : i32
    return %c0_i32, %c0_i32_0 : i32, i32
  }
  func.func @transform_2(%arg0: i32) -> (i32, i32) {
    %c0_i32 = arith.constant 0 : i32
    %c0_i32_0 = arith.constant 0 : i32
    %c0_i32_1 = arith.constant 0 : i32
    return %c0_i32, %c0_i32_0 : i32, i32
  }
  func.func @transform_3(%arg0: i32) -> (i32, i32) {
    %c0_i32 = arith.constant 0 : i32
    %c0_i32_0 = arith.constant 0 : i32
    return %arg0, %c0_i32 : i32, i32
  }
}

</mosaic_0001>

<sc_bundles>
// kernel: kernel.6.cloned.1.call-start
scs
__scs_entry_jumppad:
0x0: {  	(pc) =	sbr.rel $0x88, $3  }
0x1: {  	(tag) =	ssettag $0x0;
	lr =	simm.s32 $0x1  }
0x2: {  	[smem:$0x3F9D] =	sst lr;
	_ =	strace $0xD0000000  }
0x3: {  	_ = 	snop  }
0x4: {  	_ = 	snop  }
0x5: {  	_ = 	snop  }
0x6: {  	_ = 	snop  }
0x7: {  	_ = 	snop  }
__scs_overlays_trampoline_lowered:
0x8: {  	[smem:$0x3FAC] =	sst s0  }
0x9: {  	[smem:$0x3FAD] =	sst s1  }
0xa: {  	[smem:$0x3FAE] =	sst s2  }
0xb: {  	[smem:$0x3FAF] =	sst s3  }
0xc: {  	[smem:$0x3FB0] =	sst s4  }
0xd: {  	[smem:$0x3FB1] =	sst s5  }
0xe: {  	[smem:$0x3FB2] =	sst s6  }
0xf: {  	[smem:$0x3FB3] =	sst s7  }
0x10: {  	[smem:$0x3FB4] =	sst s8  }
0x11: {  	[smem:$0x3FB5] =	sst s9;
	s0 =	simm.s32 @!p0 $0x0  }
0x12: {  	s1 =	sld [smem:$0x3F9B];
	s0 =	simm.s32 @p0 $0x1  }
0x13: {  	[smem:$0x3FB6] =	sst s0;
	s0 =	simm.s32 @!p1 $0x0  }
0x14: {  	s2 =	sld [smem:$0x3F9A];
	s0 =	simm.s32 @p1 $0x1  }
0x15: {  	[smem:$0x3FB7] =	sst s0;
	s0 =	simm.s32 @!p2 $0x0  }
0x16: {  	s3 =	sld [smem:$0x3FDB];
	s0 =	simm.s32 @p2 $0x1  }
0x17: {  	s4 =	simm.s32 $0x1BF5;
	[smem:$0x3FB9] =	sst s0  }
0x18: {  	s0 =	sld [smem:$0x3F9C];
	_ =	swait.ge [sflag:s4], $0x0  }
0x19: {  	s7 =	sld [smem:$0x3F9D]  }
0x1a: {  	s8 =	sadd.s32 $0xFFFFE003, lr  }
0x1b: {  	s9 =	sadd.s32 $0xFFFFFEF7, lr;
	s5 =	simm.s32 $0xFFFFFFFF;
	p2 =	slt.u32 s8, $0xFFFFF086  }
0x1c: {  	p1 =	slt.u32 s9, $0xF7A;
	s5 =	simm.s32 @!p2 $0x0  }
0x1d: {  	s5 =	simm.s32 @p1 $0x1;
	p0 =	seq.s32 s7, s2  }
0x1e: {  	s7 =	smul.u32 @!p0 $0xF7A, s2;
	p2 =	seq.s32 @!p0 s5, $0x0  }
0x1f: {  	s9 =	smul.u32 $0xF7A, s1;
	s8 =	simm.s32 @!p0 $0x1BF5;
	p2 =	por !p2, p0  }
0x20: {  	[sflag:s8] =	ssyncset.s32 @!p0 $0xFFFFF086;
	s6 =	sadd.s32 @!p0 s3, s7;
	s7 =	simm.s32 @!p0 $0x108  }
0x21: {  	s3 =	sadd.s32 s3, s9;
	s6 =	sadd.s32 @!p0 $0x88, s6;
	s7 =	simm.s32 @p2 $0x1082  }
0x22: {  	[simem:s7], [sflag:s8] =	dma.local @!p0 [hbm:s6], $0xF7A  }
0x23: {  	s9 =	sor.u32 $0xD0000000, s2;
	s6 =	simm.s32 $0x108;
	_ =	swait.ge @!p0 [sflag:s8], $0x0  }
0x24: {  	s3 =	sadd.s32 $0x88, s3;
	s6 =	simm.s32 @!p1 $0x1082;
	[sflag:s4] =	ssyncset.s32 $0xFFFFF086  }
0x25: {  	[simem:s6], [sflag:s4] =	dma.local [hbm:s3], $0xF7A  }
0x26: {  	[smem:$0x3F9D] =	sst s1;
	(tag) =	ssettag s2;
	_ =	strace s9  }
0x27: {  	s1 =	sld [smem:$0x3FAD]  }
0x28: {  	s2 =	sld [smem:$0x3FAE]  }
0x29: {  	s4 =	sld [smem:$0x3FB0]  }
0x2a: {  	p0 =	seq.s32 s5, $0x0;
	s5 =	sld [smem:$0x3FB1]  }
0x2b: {  	s6 =	sld [smem:$0x3FB2]  }
0x2c: {  	s7 =	sld [smem:$0x3FB3]  }
0x2d: {  	s3 =	simm.s32 $0x108;
	s8 =	sld [smem:$0x3FB4]  }
0x2e: {  	s3 =	simm.s32 @!p0 $0x1082;
	s9 =	sld [smem:$0x3FB5]  }
0x2f: {  	lr =	sadd.s32 s0, s3;
	s0 =	sld [smem:$0x3FAC]  }
0x30: {  	s3 =	sld [smem:$0x3FAF]  }
0x31: {  	[smem:$0x3FB8] =	sst s10  }
0x32: {  	s10 =	sld [smem:$0x3FB6];
	_ =	sdelay $0x3  }
0x33: {  	p0 =	seq.s32 s10, $0x1;
	s10 =	sld [smem:$0x3FB8];
	_ =	sdelay $0x3  }
0x34: {  	[smem:$0x3FB8] =	sst s10  }
0x35: {  	s10 =	sld [smem:$0x3FB7];
	_ =	sdelay $0x3  }
0x36: {  	p1 =	seq.s32 s10, $0x1;
	s10 =	sld [smem:$0x3FB8];
	_ =	sdelay $0x3  }
0x37: {  	[smem:$0x3FB8] =	sst s10  }
0x38: {  	s10 =	sld [smem:$0x3FB9]  }
0x39: {  	_ = 	snop;
	(pc) =	sbr.ind lr, $3  }
0x3a: {  	_ = 	snop  }
0x3b: {  	_ = 	snop  }
0x3c: {  	p2 =	seq.s32 s10, $0x1;
	s10 =	sld [smem:$0x3FB8]  }
0x3d: {  	_ =	shalt  }
0x3e: {  	_ =	shalt  }
0x3f: {  	_ =	shalt  }
0x40: {  	_ =	shalt  }
0x41: {  	_ =	shalt  }
0x42: {  	_ =	shalt  }
0x43: {  	_ =	shalt  }
0x44: {  	_ =	shalt  }
0x45: {  	_ =	shalt  }
0x46: {  	_ =	shalt  }
0x47: {  	_ =	shalt  }
0x48: {  	_ =	shalt  }
0x49: {  	_ =	shalt  }
0x4a: {  	_ =	shalt  }
0x4b: {  	_ =	shalt  }
0x4c: {  	_ =	shalt  }
0x4d: {  	_ =	shalt  }
0x4e: {  	_ =	shalt  }
0x4f: {  	_ =	shalt  }
0x50: {  	_ =	shalt  }
0x51: {  	_ =	shalt  }
0x52: {  	_ =	shalt  }
0x53: {  	_ =	shalt  }
0x54: {  	_ =	shalt  }
0x55: {  	_ =	shalt  }
0x56: {  	_ =	shalt  }
0x57: {  	_ =	shalt  }
0x58: {  	_ =	shalt  }
0x59: {  	_ =	shalt  }
0x5a: {  	_ =	shalt  }
0x5b: {  	_ =	shalt  }
0x5c: {  	_ =	shalt  }
0x5d: {  	_ =	shalt  }
0x5e: {  	_ =	shalt  }
0x5f: {  	_ =	shalt  }
0x60: {  	_ =	shalt  }
0x61: {  	_ =	shalt  }
0x62: {  	_ =	shalt  }
0x63: {  	_ =	shalt  }
0x64: {  	_ =	shalt  }
0x65: {  	_ =	shalt  }
0x66: {  	_ =	shalt  }
0x67: {  	_ =	shalt  }
0x68: {  	_ =	shalt  }
0x69: {  	_ =	shalt  }
0x6a: {  	_ =	shalt  }
0x6b: {  	_ =	shalt  }
0x6c: {  	_ =	shalt  }
0x6d: {  	_ =	shalt  }
0x6e: {  	_ =	shalt  }
0x6f: {  	_ =	shalt  }
0x70: {  	_ =	shalt  }
0x71: {  	_ =	shalt  }
0x72: {  	_ =	shalt  }
0x73: {  	_ =	shalt  }
0x74: {  	_ =	shalt  }
0x75: {  	_ =	shalt  }
0x76: {  	_ =	shalt  }
0x77: {  	_ =	shalt  }
0x78: {  	_ =	shalt  }
0x79: {  	_ =	shalt  }
0x7a: {  	_ =	shalt  }
0x7b: {  	_ =	shalt  }
0x7c: {  	_ =	shalt  }
0x7d: {  	_ =	shalt  }
0x7e: {  	_ =	shalt  }
0x7f: {  	_ =	shalt  }
0x80: {  	_ =	shalt  }
0x81: {  	_ =	shalt  }
0x82: {  	_ =	shalt  }
0x83: {  	_ =	shalt  }
0x84: {  	_ =	shalt  }
0x85: {  	_ =	shalt  }
0x86: {  	_ =	shalt  }
0x87: {  	_ =	shalt  }
.Lfunc_end0:
.L_simem_size_0:
called_computation_lowered:
.L_overlay_start_0:
0x88: {  	s2 =	sld [smem:$0x3FD9]  }
0x89: {  	s3 =	sld [smem:$0x3FFE];
	_ =	sdelay $0x1  }
0x8a: {  	s1 =	srdreg.scid  }
0x8b: {  	s0 =	sand.u32 $0x1, s1  }
0x8c: {  	s17 =	sshll.u32 s0, $0xA;
	s2 =	sadd.s32 s3, s2  }
0x8d: {  	s2 =	sadd.s32 s2, s17  }
0x8e: {  	[smem:$0x3FC4] =	sst s2  }
0x8f: {  	_ = 	snop  }
0x90: {  	s2 =	sld [smem:$0x3FD0];
	(tm) =	ssettm $0x1  }
0x91: {  	s18 =	sld [smem:$0x3FFB];
	_ =	sdelay $0x3  }
0x92: {  	_ =	strace s18  }
0x93: {  	s3 =	sld [smem:$0x3FFC];
	_ =	sdelay $0x3  }
0x94: {  	_ =	strace s3  }
0x95: {  	s3 =	sld [smem:$0x3FFD];
	_ =	sdelay $0x3  }
0x96: {  	_ =	strace s3  }
0x97: {  	_ =	strace $0x8FFFFFFF  }
0x98: {  	s19 =	sld [smem:$0x3FDB];
	_ =	sdelay $0x1  }
0x99: {  	s4 =	simm.s32 $_scs_section_size  }
0x9a: {  	s5 =	simm.s32 $_size__tile_overlayer_lowered;
	s6 =	simm.s32 $_tile_overlayer_lowered  }
0x9b: {  	s22 =	simm.s32 $0x1BFF;
	s21 =	sshll.u32 s6, $0x1;
	s3 =	sadd.s32 s4, s19  }
0x9c: {  	s7 =	simm.s32 $0x0;
	s20 =	sshll.u32 s5, $0x1;
	s5 =	sadd.s32 s21, s3  }
0x9d: {  	[timem:s7], [sflag:s22] =	dma.local [hbm:s5], s20  }
0x9e: {  	_ =	swait.ge [sflag:s22], s20  }
0x9f: {  	s4 =	ssub.s32 $0x0, s20;
	[sflag:s22] =	ssyncset.done $0x0  }
0xa0: {  	[sflag:s22] =	ssyncadd.s32 s4;
	_ =	sdelay $0x1  }
0xa1: {  	s23 =	simm.s32 $0x1B8B  }
0xa2: {  	_ =	swait.ge [sflag:s23], $0x1  }
0xa3: {  	[sflag:s23] =	ssyncset.done $0x0  }
0xa4: {  	s25 =	simm.s32 $0x1B8E;
	s24 =	sld [smem:$0x3FFE];
	[sflag:s23] =	ssyncadd.s32 $0xFFFFFFFF  }
0xa5: {  	s26 =	simm.s32 $execute0_lowered;
	[smem:$0x3FD2] =	sst s25  }
0xa6: {  	s5 =	sshll.u32 s26, $0x1;
	_ =	strace $0x80000046;
	[dreg:$0x1] =	wrdreg $0xFFFFFFFF  }
0xa7: {  	s28 =	simm.s32 $_size_execute0_lowered;
	s3 =	sadd.s32 s3, s5;
	[dreg:$0x0] =	wrdreg $0x0  }
0xa8: {  	s5 =	sshll.u32 s28, $0x1;
	[dreg:$0x2] =	wrdreg s3  }
0xa9: {  	[dreg:$0x3] =	wrdreg s5  }
0xaa: {  	[dreg:$0x4] =	wrdreg $0xC0  }
0xab: {  	_ =	task [dreg:s7], $0x5FFFF  }
0xac: {  	[dreg:$0x1] =	wrdreg $0xFFFFFFFF  }
0xad: {  	[dreg:$0x0] =	wrdreg $0x60  }
0xae: {  	[dreg:$0x2] =	wrdreg s2  }
0xaf: {  	[dreg:$0x3] =	wrdreg s24  }
0xb0: {  	[dreg:$0x4] =	wrdreg $0x1F000  }
0xb1: {  	[dreg:$0x5] =	wrdreg $0x9  }
0xb2: {  	_ =	task.clear_ibuf [dreg:s7], $0x6FFFF;
	_ =	strace $0x90000046  }
0xb3: {  	s29 =	simm.s32 $0x9;
	_ =	strace $0x80000048  }
0xb4: {  	_ =	swait.ge [sflag:s29], $0x1  }
0xb5: {  	[sflag:s29] =	ssyncadd.s32 $0xFFFFFFFF  }
0xb6: {  	_ =	strace $0x90000048  }
0xb7: {  	_ =	sfence  }
0xb8: {  	s30 =	sld [smem:$0x0];
	_ =	sdelay $0x2  }
0xb9: {  	s31 =	sshll.u32 s1, $0xD;
	s1 =	sshrl.u32 s1, $0x2  }
0xba: {  	s3 =	sand.u32 $0x4000, s31;
	s1 =	sadd.s32 s1, s30  }
0xbb: {  	s0 =	sor.u32 s3, s0;
	s1 =	sshll.u32 s1, $0x11  }
0xbc: {  	s0 =	sor.u32 s1, s0  }
0xbd: {  	s0 =	sadd.s32 $0x8F2B, s0  }
0xbe: {  	[sflag:s0] =	ssyncadd.remote.s32 $0x1  }
0xbf: {  	_ =	sfence.sel $0xFFFF  }
0xc0: {  	[dreg:$0x0] =	wrdreg $0xFFFFFFFF;
	(pc) =	sbr.abs _section_cstart, $3  }
0xc1: {  	[dreg:$0x1] =	wrdreg $0xFFFFFFFF  }
0xc2: {  	_ =	task.clear_ibuf [dreg:s7], $0x2FFFF;
	_ =	strace $0x9FFFFFFF  }
0xc3: {  	(tm) =	ssettm $0x7FFFFFFF  }
tec
execute0_lowered:
.L_overlay_start_1:
0x0: {  	(tag) =	ssettag $0x1  }
0x1: {  	s5 =	rddreg [dreg:$0x0]  }
0x2: {  	s4 =	rddreg [dreg:$0x1]  }
0x3: {  	s1 =	rddreg [dreg:$0x2]  }
0x4: {  	s2 =	srdreg.scid;
	s0 =	rddreg [dreg:$0x3];
	s3 =	simm.s32 $0x0  }
0x5: {  	s10 =	simm.s32 $0x280;
	s11 =	simm.s32 $0x1;
	s15 =	simm.s32 $0x20  }
0x6: {  	s16 =	simm.s32 $0x10;
	s17 =	simm.s32 $0x0;
	s6 =	sand.u32 $0x1, s2  }
0x7: {  	s2 =	stileid.u32;
	[smem:$0x7FF] =	sst s3;
	s7 =	sshll.u32 s6, $0x4  }
0x8: {  	s8 =	smul.u32 $0xA00, s2;
	_ =	strace $0x80000047;
	s6 =	ssub.s32 $0x2, s6  }
0x9: {  	s13 =	smul.u32 $0xA0, s2;
	s14 =	sshll.u32 s2, $0x6;
	s9 =	sor.u32 s2, s7  }
0xa: {  	s7 =	sadd.s32 s7, s4;
	s31 =	sshrl.u32 s6, $0x1;
	s9 =	smul.u32 $0x380, s9  }
0xb: {  	s8 =	sshrl.u32 s8, $0x2;
	s6 =	ssub.s32 s6, s31;
	s12 =	sadd.s32 $0xC00, s7  }
0xc: {  	s7 =	simm.s32 $0x2;
	s4 =	sadd.s32 s8, s1;
	s6 =	smax.u32 s6, $0x1  }
0xd: {  	s8 =	simm.s32 $0x300;
	s12 =	sadd.s32 s13, s12;
	s13 =	sor.u32 $0x1C02, s14  }
0xe: {  	v0 =	vimm.f32 $0.0e+00;
	v1 =	vimm.f32 $1.000000000e+00;
	s5 =	sadd.s32 s5, s9;
	s9 =	simm.s32 $0x64;
	s14 =	sshrl.u32 s4, $0x3  }
.LBB2_1:
0xf: {  	[tilespmem:$0x0] =	vst v0  }
0x10: {  	[tilespmem:$0x10] =	vst v0  }
0x11: {  	[tilespmem:$0x20] =	vst v0  }
0x12: {  	[tilespmem:$0x30] =	vst v0  }
0x13: {  	[tilespmem:$0x40] =	vst v0  }
0x14: {  	[tilespmem:$0x50] =	vst v0  }
0x15: {  	[tilespmem:$0x60] =	vst v0  }
0x16: {  	[tilespmem:$0x70] =	vst v0  }
0x17: {  	[tilespmem:$0x80] =	vst v0  }
0x18: {  	[tilespmem:$0x90] =	vst v0  }
0x19: {  	[tilespmem:$0xA0] =	vst v0  }
0x1a: {  	[tilespmem:$0xB0] =	vst v0  }
0x1b: {  	[tilespmem:$0xC0] =	vst v0  }
0x1c: {  	[tilespmem:$0xD0] =	vst v0  }
0x1d: {  	[tilespmem:$0xE0] =	vst v0  }
0x1e: {  	[tilespmem:$0xF0] =	vst v0  }
0x1f: {  	[tilespmem:$0x100] =	vst v0  }
0x20: {  	[tilespmem:$0x110] =	vst v0  }
0x21: {  	[tilespmem:$0x120] =	vst v0  }
0x22: {  	[tilespmem:$0x130] =	vst v0  }
0x23: {  	[tilespmem:$0x140] =	vst v0  }
0x24: {  	[tilespmem:$0x150] =	vst v0  }
0x25: {  	[tilespmem:$0x160] =	vst v0  }
0x26: {  	[tilespmem:$0x170] =	vst v0  }
0x27: {  	[tilespmem:$0x180] =	vst v0  }
0x28: {  	[tilespmem:$0x190] =	vst v0  }
0x29: {  	[tilespmem:$0x1A0] =	vst v0  }
0x2a: {  	[tilespmem:$0x1B0] =	vst v0  }
0x2b: {  	[tilespmem:$0x1C0] =	vst v0  }
0x2c: {  	[tilespmem:$0x1D0] =	vst v0  }
0x2d: {  	[tilespmem:$0x1E0] =	vst v0  }
0x2e: {  	[tilespmem:$0x1F0] =	vst v0  }
0x2f: {  	[tilespmem:$0x200] =	vst v0  }
0x30: {  	[tilespmem:$0x210] =	vst v0  }
0x31: {  	[tilespmem:$0x220] =	vst v0  }
0x32: {  	[tilespmem:$0x230] =	vst v0  }
0x33: {  	[tilespmem:$0x240] =	vst v0  }
0x34: {  	[tilespmem:$0x250] =	vst v0  }
0x35: {  	[tilespmem:$0x260] =	vst v0  }
0x36: {  	[tilespmem:$0x270] =	vst v0  }
0x37: {  	[tilespmem:$0x280] =	vst v1  }
0x38: {  	[tilespmem:$0x290] =	vst v1  }
0x39: {  	[tilespmem:$0x2A0] =	vst v1  }
0x3a: {  	[tilespmem:$0x2B0] =	vst v1  }
0x3b: {  	[tilespmem:$0x2C0] =	vst v1  }
0x3c: {  	[tilespmem:$0x2D0] =	vst v1  }
0x3d: {  	[tilespmem:$0x2E0] =	vst v1  }
0x3e: {  	[spmem:s4] =	stream.linear.scatter [tilespmem:s3], [sflag:$0x2], $0x280, $0x38;
	[tilespmem:$0x2180] =	vst v63  }
0x3f: {  	_ =	swait.ge [sflag:s7], $0x280  }
0x40: {  	[sflag:s7] =	ssyncset.done $0x0  }
0x41: {  	[sflag:s7] =	ssyncadd.s32 $0xFFFFFD80  }
0x42: {  	[tilespmem:s8], [sflag:$0x2] =	stream.linear.gather [hbm4b:s5+s3], $0x1900, $0x38;
	[tilespmem:$0x2180] =	vst v63  }
0x43: {  	_ =	swait.ge [sflag:s7], $0x1900  }
0x44: {  	[sflag:s7] =	ssyncset.done $0x0  }
0x45: {  	[sflag:s7] =	ssyncadd.s32 $0xFFFFE700  }
0x46: {  	s18 =	simm.s32 $0x0;
	[bflag:$0x0] =	sbarrier.arrive $0xFFFF  }
.LBB2_2:
0x47: {  	p0 =	sne.s32 s18, $0x6200  }
.Ltmp0:
0x48: {  	_ = 	snop;
	(pc) =	sbr.rel @p0 .LBB2_2-.Ltmp0, $4  }
0x49: {  	_ = 	snop  }
0x4a: {  	s19 =	sshra.s32 s18, $0x2  }
0x4b: {  	s18 =	sadd.s32 $0x200, s18;
	s19 =	sadd.s32 $0x300, s19  }
0x4c: {  	[spmem:s1] =	stream.indirect.scatter.add.f32 [tilespmem:s10], [sflag:$0x1], $0x1, s19, s9, $0xb8;
	[tilespmem:$0x2180] =	vst v63  }
0x4d: {  	_ =	swait.ge [sflag:s11], $0x64  }
0x4e: {  	s18 =	simm.s32 $0x31;
	[sflag:s11] =	ssyncset.done $0x0  }
.LBB2_4:
0x4f: {  	p0 =	sne.s32 s18, $0x1;
	s18 =	sadd.s32 $0xFFFFFFFF, s18;
	[sflag:s11] =	ssyncadd.s32 $0xFFFFFF9C  }
.Ltmp1:
0x50: {  	(pc) =	sbr.rel @p0 .LBB2_4-.Ltmp1, $3  }
0x51: {  	_ =	sdelay $0x1  }
0x52: {  	_ =	swait.ge [sflag:s11], $0x64  }
0x53: {  	[sflag:s11] =	ssyncset.done $0x0  }
0x54: {  	s17 =	sadd.s32 $0x1, s17  }
0x55: {  	[sflag:s11] =	ssyncadd.s32 $0xFFFFFF9C;
	p0 =	sne.s32 s17, s6  }
.Ltmp2:
0x56: {  	[bflag:$0x0] =	sbarrier.arrive $0xFFFF;
	(pc) =	sbr.rel @p0 .LBB2_1-.Ltmp2, $4  }
0x57: {  	[hbm:s12@s15], [sflag:s13] =	dma.strided [spmem:s14@s16], $0x50, s11, $0x10   }
0x58: {  	_ =	swait.ge [sflag:s7], $0x50  }
0x59: {  	[sflag:s7] =	ssyncset.done $0x0  }
0x5a: {  	[sflag:s7] =	ssyncadd.s32 $0xFFFFFFB0  }
0x5b: {  	_ =	sfence.sel $0x180000  }
0x5c: {  	[bflag:$0x0] =	sbarrier.arrive $0xFFFF  }
0x5d: {  	p0 =	sne.s32 s2, $0x0;
	_ =	strace $0x90000047  }
0x5e: {  	s0 =	sadd.s32 @!p0 $0x100000, s0;
	[bflag:$0x2] =	sbarrier.arrive $0xFFFF  }
0x5f: {  	[sflag:s0] =	ssyncadd.tile.s32 @!p0 $0x1;
	_ =	shalt  }
.Lfunc_end2:
_tile_overlayer_lowered:
.L_overlay_start_2:
0x60: {  	(tag) =	ssettag $0x2  }
0x61: {  	s0 =	rddreg [dreg:$0x0];
	s2 =	stileid.u32  }
0x62: {  	s1 =	rddreg [dreg:$0x1];
	p0 =	sne.s32 s2, $0x0  }
0x63: {  	s3 =	rddreg [dreg:$0x2];
	[bflag:$0x3] =	sbarrier.arrive $0xFFFF;
	s2 =	simm.s32 @!p0 $0x1C02  }
0x64: {  	[timem:s3], [sflag:s2] =	dma.local @!p0 [hbm:s0], s1  }
0x65: {  	s0 =	simm.s32 @!p0 $0x2  }
0x66: {  	_ =	swait.ge @!p0 [sflag:s0], s1  }
0x67: {  	s1 =	ssub.s32 @!p0 $0x0, s1;
	[sflag:s0] =	ssyncset.done @!p0 $0x0  }
0x68: {  	[sflag:s0] =	ssyncadd.s32 @!p0 s1  }
0x69: {  	[bflag:$0x3] =	sbarrier.arrive $0xFFFF  }
0x6a: {  	_ =	shalt  }

// kernel: kernel.9.cloned.1.call-start
scs
__scs_entry_jumppad:
0x0: {  	(pc) =	sbr.rel $0x88, $3  }
0x1: {  	(tag) =	ssettag $0x0;
	lr =	simm.s32 $0x1  }
0x2: {  	[smem:$0x3F9D] =	sst lr;
	_ =	strace $0xD0000000  }
0x3: {  	_ = 	snop  }
0x4: {  	_ = 	snop  }
0x5: {  	_ = 	snop  }
0x6: {  	_ = 	snop  }
0x7: {  	_ = 	snop  }
__scs_overlays_trampoline_lowered:
0x8: {  	[smem:$0x3FAC] =	sst s0  }
0x9: {  	[smem:$0x3FAD] =	sst s1  }
0xa: {  	[smem:$0x3FAE] =	sst s2  }
0xb: {  	[smem:$0x3FAF] =	sst s3  }
0xc: {  	[smem:$0x3FB0] =	sst s4  }
0xd: {  	[smem:$0x3FB1] =	sst s5  }
0xe: {  	[smem:$0x3FB2] =	sst s6  }
0xf: {  	[smem:$0x3FB3] =	sst s7  }
0x10: {  	[smem:$0x3FB4] =	sst s8  }
0x11: {  	[smem:$0x3FB5] =	sst s9;
	s0 =	simm.s32 @!p0 $0x0  }
0x12: {  	s1 =	sld [smem:$0x3F9B];
	s0 =	simm.s32 @p0 $0x1  }
0x13: {  	[smem:$0x3FB6] =	sst s0;
	s0 =	simm.s32 @!p1 $0x0  }
0x14: {  	s2 =	sld [smem:$0x3F9A];
	s0 =	simm.s32 @p1 $0x1  }
0x15: {  	[smem:$0x3FB7] =	sst s0;
	s0 =	simm.s32 @!p2 $0x0  }
0x16: {  	s3 =	sld [smem:$0x3FDB];
	s0 =	simm.s32 @p2 $0x1  }
0x17: {  	s4 =	simm.s32 $0x1BF5;
	[smem:$0x3FB9] =	sst s0  }
0x18: {  	s0 =	sld [smem:$0x3F9C];
	_ =	swait.ge [sflag:s4], $0x0  }
0x19: {  	s7 =	sld [smem:$0x3F9D]  }
0x1a: {  	s8 =	sadd.s32 $0xFFFFE003, lr  }
0x1b: {  	s9 =	sadd.s32 $0xFFFFFEF7, lr;
	s5 =	simm.s32 $0xFFFFFFFF;
	p2 =	slt.u32 s8, $0xFFFFF086  }
0x1c: {  	p1 =	slt.u32 s9, $0xF7A;
	s5 =	simm.s32 @!p2 $0x0  }
0x1d: {  	s5 =	simm.s32 @p1 $0x1;
	p0 =	seq.s32 s7, s2  }
0x1e: {  	s7 =	smul.u32 @!p0 $0xF7A, s2;
	p2 =	seq.s32 @!p0 s5, $0x0  }
0x1f: {  	s9 =	smul.u32 $0xF7A, s1;
	s8 =	simm.s32 @!p0 $0x1BF5;
	p2 =	por !p2, p0  }
0x20: {  	[sflag:s8] =	ssyncset.s32 @!p0 $0xFFFFF086;
	s6 =	sadd.s32 @!p0 s3, s7;
	s7 =	simm.s32 @!p0 $0x108  }
0x21: {  	s3 =	sadd.s32 s3, s9;
	s6 =	sadd.s32 @!p0 $0x88, s6;
	s7 =	simm.s32 @p2 $0x1082  }
0x22: {  	[simem:s7], [sflag:s8] =	dma.local @!p0 [hbm:s6], $0xF7A  }
0x23: {  	s9 =	sor.u32 $0xD0000000, s2;
	s6 =	simm.s32 $0x108;
	_ =	swait.ge @!p0 [sflag:s8], $0x0  }
0x24: {  	s3 =	sadd.s32 $0x88, s3;
	s6 =	simm.s32 @!p1 $0x1082;
	[sflag:s4] =	ssyncset.s32 $0xFFFFF086  }
0x25: {  	[simem:s6], [sflag:s4] =	dma.local [hbm:s3], $0xF7A  }
0x26: {  	[smem:$0x3F9D] =	sst s1;
	(tag) =	ssettag s2;
	_ =	strace s9  }
0x27: {  	s1 =	sld [smem:$0x3FAD]  }
0x28: {  	s2 =	sld [smem:$0x3FAE]  }
0x29: {  	s4 =	sld [smem:$0x3FB0]  }
0x2a: {  	p0 =	seq.s32 s5, $0x0;
	s5 =	sld [smem:$0x3FB1]  }
0x2b: {  	s6 =	sld [smem:$0x3FB2]  }
0x2c: {  	s7 =	sld [smem:$0x3FB3]  }
0x2d: {  	s3 =	simm.s32 $0x108;
	s8 =	sld [smem:$0x3FB4]  }
0x2e: {  	s3 =	simm.s32 @!p0 $0x1082;
	s9 =	sld [smem:$0x3FB5]  }
0x2f: {  	lr =	sadd.s32 s0, s3;
	s0 =	sld [smem:$0x3FAC]  }
0x30: {  	s3 =	sld [smem:$0x3FAF]  }
0x31: {  	[smem:$0x3FB8] =	sst s10  }
0x32: {  	s10 =	sld [smem:$0x3FB6];
	_ =	sdelay $0x3  }
0x33: {  	p0 =	seq.s32 s10, $0x1;
	s10 =	sld [smem:$0x3FB8];
	_ =	sdelay $0x3  }
0x34: {  	[smem:$0x3FB8] =	sst s10  }
0x35: {  	s10 =	sld [smem:$0x3FB7];
	_ =	sdelay $0x3  }
0x36: {  	p1 =	seq.s32 s10, $0x1;
	s10 =	sld [smem:$0x3FB8];
	_ =	sdelay $0x3  }
0x37: {  	[smem:$0x3FB8] =	sst s10  }
0x38: {  	s10 =	sld [smem:$0x3FB9]  }
0x39: {  	_ = 	snop;
	(pc) =	sbr.ind lr, $3  }
0x3a: {  	_ = 	snop  }
0x3b: {  	_ = 	snop  }
0x3c: {  	p2 =	seq.s32 s10, $0x1;
	s10 =	sld [smem:$0x3FB8]  }
0x3d: {  	_ =	shalt  }
0x3e: {  	_ =	shalt  }
0x3f: {  	_ =	shalt  }
0x40: {  	_ =	shalt  }
0x41: {  	_ =	shalt  }
0x42: {  	_ =	shalt  }
0x43: {  	_ =	shalt  }
0x44: {  	_ =	shalt  }
0x45: {  	_ =	shalt  }
0x46: {  	_ =	shalt  }
0x47: {  	_ =	shalt  }
0x48: {  	_ =	shalt  }
0x49: {  	_ =	shalt  }
0x4a: {  	_ =	shalt  }
0x4b: {  	_ =	shalt  }
0x4c: {  	_ =	shalt  }
0x4d: {  	_ =	shalt  }
0x4e: {  	_ =	shalt  }
0x4f: {  	_ =	shalt  }
0x50: {  	_ =	shalt  }
0x51: {  	_ =	shalt  }
0x52: {  	_ =	shalt  }
0x53: {  	_ =	shalt  }
0x54: {  	_ =	shalt  }
0x55: {  	_ =	shalt  }
0x56: {  	_ =	shalt  }
0x57: {  	_ =	shalt  }
0x58: {  	_ =	shalt  }
0x59: {  	_ =	shalt  }
0x5a: {  	_ =	shalt  }
0x5b: {  	_ =	shalt  }
0x5c: {  	_ =	shalt  }
0x5d: {  	_ =	shalt  }
0x5e: {  	_ =	shalt  }
0x5f: {  	_ =	shalt  }
0x60: {  	_ =	shalt  }
0x61: {  	_ =	shalt  }
0x62: {  	_ =	shalt  }
0x63: {  	_ =	shalt  }
0x64: {  	_ =	shalt  }
0x65: {  	_ =	shalt  }
0x66: {  	_ =	shalt  }
0x67: {  	_ =	shalt  }
0x68: {  	_ =	shalt  }
0x69: {  	_ =	shalt  }
0x6a: {  	_ =	shalt  }
0x6b: {  	_ =	shalt  }
0x6c: {  	_ =	shalt  }
0x6d: {  	_ =	shalt  }
0x6e: {  	_ =	shalt  }
0x6f: {  	_ =	shalt  }
0x70: {  	_ =	shalt  }
0x71: {  	_ =	shalt  }
0x72: {  	_ =	shalt  }
0x73: {  	_ =	shalt  }
0x74: {  	_ =	shalt  }
0x75: {  	_ =	shalt  }
0x76: {  	_ =	shalt  }
0x77: {  	_ =	shalt  }
0x78: {  	_ =	shalt  }
0x79: {  	_ =	shalt  }
0x7a: {  	_ =	shalt  }
0x7b: {  	_ =	shalt  }
0x7c: {  	_ =	shalt  }
0x7d: {  	_ =	shalt  }
0x7e: {  	_ =	shalt  }
0x7f: {  	_ =	shalt  }
0x80: {  	_ =	shalt  }
0x81: {  	_ =	shalt  }
0x82: {  	_ =	shalt  }
0x83: {  	_ =	shalt  }
0x84: {  	_ =	shalt  }
0x85: {  	_ =	shalt  }
0x86: {  	_ =	shalt  }
0x87: {  	_ =	shalt  }
.Lfunc_end0:
.L_simem_size_0:
called_computation.1_lowered:
.L_overlay_start_0:
0x88: {  	s2 =	sld [smem:$0x3FD9]  }
0x89: {  	s3 =	sld [smem:$0x3FFE];
	_ =	sdelay $0x1  }
0x8a: {  	s1 =	srdreg.scid  }
0x8b: {  	s0 =	sand.u32 $0x1, s1  }
0x8c: {  	s16 =	sshll.u32 s0, $0xA;
	s2 =	sadd.s32 s3, s2  }
0x8d: {  	s2 =	sadd.s32 s2, s16  }
0x8e: {  	[smem:$0x3FC4] =	sst s2  }
0x8f: {  	_ = 	snop  }
0x90: {  	(tm) =	ssettm $0x1  }
0x91: {  	s17 =	sld [smem:$0x3FFB];
	_ =	sdelay $0x3  }
0x92: {  	_ =	strace s17  }
0x93: {  	s2 =	sld [smem:$0x3FFC];
	_ =	sdelay $0x3  }
0x94: {  	_ =	strace s2  }
0x95: {  	s2 =	sld [smem:$0x3FFD];
	_ =	sdelay $0x3  }
0x96: {  	_ =	strace s2  }
0x97: {  	_ =	strace $0x8FFFFFFF  }
0x98: {  	s18 =	sld [smem:$0x3FDB];
	_ =	sdelay $0x1  }
0x99: {  	s19 =	simm.s32 $_scs_section_size  }
0x9a: {  	s4 =	simm.s32 $_size__tile_overlayer_lowered;
	s5 =	simm.s32 $_tile_overlayer_lowered  }
0x9b: {  	s22 =	simm.s32 $0x1BFF;
	s21 =	sshll.u32 s5, $0x1;
	s2 =	sadd.s32 s19, s18  }
0x9c: {  	s6 =	simm.s32 $0x0;
	s20 =	sshll.u32 s4, $0x1;
	s4 =	sadd.s32 s21, s2  }
0x9d: {  	[timem:s6], [sflag:s22] =	dma.local [hbm:s4], s20  }
0x9e: {  	_ =	swait.ge [sflag:s22], s20  }
0x9f: {  	s3 =	ssub.s32 $0x0, s20;
	[sflag:s22] =	ssyncset.done $0x0  }
0xa0: {  	[sflag:s22] =	ssyncadd.s32 s3;
	_ =	sdelay $0x1  }
0xa1: {  	s23 =	simm.s32 $0x1B8B  }
0xa2: {  	_ =	swait.ge [sflag:s23], $0x1  }
0xa3: {  	[sflag:s23] =	ssyncset.done $0x0  }
0xa4: {  	s25 =	simm.s32 $0x1B8E;
	s24 =	sld [smem:$0x3FFE];
	[sflag:s23] =	ssyncadd.s32 $0xFFFFFFFF  }
0xa5: {  	s26 =	simm.s32 $execute0_lowered;
	[smem:$0x3FD2] =	sst s25  }
0xa6: {  	s4 =	sshll.u32 s26, $0x1;
	_ =	strace $0x80000049;
	[dreg:$0x1] =	wrdreg $0xFFFFFFFF  }
0xa7: {  	s28 =	simm.s32 $_size_execute0_lowered;
	s2 =	sadd.s32 s2, s4;
	[dreg:$0x0] =	wrdreg $0x0  }
0xa8: {  	s4 =	sshll.u32 s28, $0x1;
	[dreg:$0x2] =	wrdreg s2  }
0xa9: {  	[dreg:$0x3] =	wrdreg s4  }
0xaa: {  	[dreg:$0x4] =	wrdreg $0xC0  }
0xab: {  	_ =	task [dreg:s6], $0x5FFFF  }
0xac: {  	[dreg:$0x1] =	wrdreg $0xFFFFFFFF  }
0xad: {  	[dreg:$0x0] =	wrdreg $0x60  }
0xae: {  	[dreg:$0x2] =	wrdreg s24  }
0xaf: {  	[dreg:$0x3] =	wrdreg $0xA0000  }
0xb0: {  	[dreg:$0x4] =	wrdreg $0x9  }
0xb1: {  	_ =	task.clear_ibuf [dreg:s6], $0x5FFFF;
	_ =	strace $0x90000049  }
0xb2: {  	s29 =	simm.s32 $0x9;
	_ =	strace $0x8000004B  }
0xb3: {  	_ =	swait.ge [sflag:s29], $0x1  }
0xb4: {  	[sflag:s29] =	ssyncadd.s32 $0xFFFFFFFF  }
0xb5: {  	_ =	strace $0x9000004B  }
0xb6: {  	_ =	sfence  }
0xb7: {  	s30 =	sld [smem:$0x0];
	_ =	sdelay $0x2  }
0xb8: {  	s31 =	sshll.u32 s1, $0xD;
	s1 =	sshrl.u32 s1, $0x2  }
0xb9: {  	s3 =	sand.u32 $0x4000, s31;
	s1 =	sadd.s32 s1, s30  }
0xba: {  	s0 =	sor.u32 s3, s0;
	s1 =	sshll.u32 s1, $0x11  }
0xbb: {  	s0 =	sor.u32 s1, s0  }
0xbc: {  	s0 =	sadd.s32 $0x8F2B, s0  }
0xbd: {  	[sflag:s0] =	ssyncadd.remote.s32 $0x1  }
0xbe: {  	_ =	sfence.sel $0xFFFF  }
0xbf: {  	[dreg:$0x0] =	wrdreg $0xFFFFFFFF;
	(pc) =	sbr.abs _section_cstart, $3  }
0xc0: {  	[dreg:$0x1] =	wrdreg $0xFFFFFFFF  }
0xc1: {  	_ =	task.clear_ibuf [dreg:s6], $0x2FFFF;
	_ =	strace $0x9FFFFFFF  }
0xc2: {  	(tm) =	ssettm $0x7FFFFFFF  }
0xc3: {  	_ =	shalt  }
tec
execute0_lowered:
.L_overlay_start_1:
0x0: {  	(tag) =	ssettag $0x1  }
0x1: {  	s0 =	rddreg [dreg:$0x0]  }
0x2: {  	s2 =	rddreg [dreg:$0x1];
	s7 =	stileid.u32  }
0x3: {  	s1 =	srdreg.scid;
	s3 =	simm.s32 $0x0;
	s13 =	simm.s32 $0x5  }
0x4: {  	s14 =	simm.s32 $0x80;
	s15 =	simm.s32 $0x2000;
	s16 =	simm.s32 $0x7  }
0x5: {  	s17 =	simm.s32 $0x6000;
	s18 =	simm.s32 $0x1;
	s4 =	smul.u32 $0x500, s7  }
0x6: {  	s19 =	simm.s32 $0x3;
	s20 =	simm.s32 $0x2;
	s6 =	smul.u32 $0x50000, s7  }
0x7: {  	s21 =	simm.s32 $0x4;
	s1 =	sand.u32 $0x1, s1;
	s12 =	smul.u32 $0x2800, s7  }
0x8: {  	s23 =	simm.s32 $0x8;
	[smem:$0x7FF] =	sst s3;
	s5 =	smul.u32 $0x28000, s1  }
0x9: {  	_ =	strace $0x8000004A;
	s1 =	ssub.s32 $0x2, s1;
	s9 =	sadd.s32 s4, s0  }
0xa: {  	s25 =	sshrl.u32 s1, $0x1;
	s0 =	sadd.s32 s5, s0;
	s5 =	sshll.u32 s7, $0x6  }
0xb: {  	s1 =	ssub.s32 s1, s25;
	s8 =	sadd.s32 $0x1600, s9;
	s29 =	sor.u32 $0x1C07, s5  }
0xc: {  	s9 =	sadd.s32 $0x6600, s9;
	s1 =	smax.u32 s1, $0x1;
	[dreg:$0x6] =	wrdreg s29  }
0xd: {  	s26 =	sshrl.u32 s6, $0x2;
	s30 =	sadd.s32 $0x100, s9;
	[dreg:$0x7] =	wrdreg s1  }
0xe: {  	s4 =	sadd.s32 $0xB600, s0;
	s31 =	sadd.s32 $0x100, s8;
	[dreg:$0x4] =	wrdreg s30  }
0xf: {  	s0 =	sadd.s32 $0x5B600, s0;
	s28 =	sadd.s32 s12, s4;
	[dreg:$0x3] =	wrdreg s31  }
0x10: {  	s11 =	sadd.s32 s26, s2;
	s0 =	sadd.s32 s12, s0;
	[dreg:$0x5] =	wrdreg s28  }
0x11: {  	s24 =	simm.s32 $0x0;
	s11 =	sshrl.u32 s11, $0x3;
	[dreg:$0x8] =	wrdreg s0  }
.LBB2_1:
0x12: {  	s0 =	rddreg [dreg:$0x5]  }
0x13: {  	s1 =	rddreg [dreg:$0x6]  }
0x14: {  	[spmem:s11], [sflag:s1] =	dma.local [hbm:s0], $0x2800  }
0x15: {  	[tilespmem:s3], [sflag:$0x5] =	stream.linear.gather [hbm4b:s8+s3], $0x800, $0x38;
	[tilespmem:$0x1E000] =	vst v63  }
0x16: {  	s7 =	simm.s32 $0x1000  }
0x17: {  	[tilespmem:s7], [sflag:$0x5] =	stream.linear.gather [hbm4b:s9+s3], $0x800, $0x38;
	[tilespmem:$0x1E000] =	vst v63  }
0x18: {  	_ =	swait.ge [sflag:s13], $0x800  }
0x19: {  	[sflag:s13] =	ssyncset.done $0x0  }
0x1a: {  	[sflag:s13] =	ssyncadd.s32 $0xFFFFF800  }
0x1b: {  	_ =	swait.ge [sflag:s13], $0x800  }
0x1c: {  	[sflag:s13] =	ssyncset.done $0x0  }
0x1d: {  	[sflag:s13] =	ssyncadd.s32 $0xFFFFF800  }
0x1e: {  	[tilespmem:s15], [sflag:$0x1] =	stream.indirect.gather [hbm4b:s4+s14], $0x80, s3, s14, $0xb8;
	[tilespmem:$0x1E000] =	vst v63  }
0x1f: {  	_ =	swait.ge [sflag:s16], $0x2800  }
0x20: {  	[sflag:s16] =	ssyncset.done $0x0  }
0x21: {  	p0 =	por $0x1, $0x1;
	[sflag:s16] =	ssyncadd.s32 $0xFFFFD800  }
0x22: {  	s1 =	simm.s32 @!p0 $0x4;
	[bflag:$0x0] =	sbarrier.arrive $0xFFFF  }
0x23: {  	_ =	swait.ge @!p0 [sflag:s1], $0x4000  }
0x24: {  	s0 =	sand.u32 $0x800, s3;
	[sflag:s1] =	ssyncset.done @!p0 $0x0  }
0x25: {  	s12 =	sor.u32 $0x80, s0;
	[sflag:s1] =	ssyncadd.s32 @!p0 $0xFFFFC000  }
0x26: {  	[tilespmem:s17], [sflag:$0x2] =	stream.indirect.gather [hbm4b:s4+s14], $0x80, s12, s14, $0xb8;
	[tilespmem:$0x1E000] =	vst v63  }
0x27: {  	_ =	swait.ge [sflag:s18], $0x4000  }
0x28: {  	[sflag:s18] =	ssyncset.done $0x0  }
0x29: {  	s10 =	sor.u32 $0x1000, s0;
	[sflag:s18] =	ssyncadd.s32 $0xFFFFC000  }
0x2a: {  	[spmem:s2] =	stream.indirect.scatter.add.f32 [tilespmem:s15], [sflag:$0x3], $0x80, s10, s14, $0xb8;
	[tilespmem:$0x1E000] =	vst v63  }
0x2b: {  	_ =	swait.ge [sflag:s19], $0x4000  }
0x2c: {  	[sflag:s19] =	ssyncset.done $0x0  }
0x2d: {  	s12 =	sor.u32 $0x100, s0;
	[sflag:s19] =	ssyncadd.s32 $0xFFFFC000  }
0x2e: {  	[tilespmem:s15], [sflag:$0x1] =	stream.indirect.gather [hbm4b:s4+s14], $0x80, s12, s14, $0xb8;
	[tilespmem:$0x1E000] =	vst v63  }
0x2f: {  	_ =	swait.ge [sflag:s20], $0x4000  }
0x30: {  	s25 =	sand.u32 $0x1, s18;
	[sflag:s20] =	ssyncset.done $0x0  }
0x31: {  	s22 =	sor.u32 $0x1080, s0;
	p0 =	por $0x0, $0x0;
	[sflag:s20] =	ssyncadd.s32 $0xFFFFC000  }
0x32: {  	[spmem:s2] =	stream.indirect.scatter.add.f32 [tilespmem:s17], [sflag:$0x4], $0x80, s22, s14, $0xb8;
	[tilespmem:$0x1E000] =	vst v63  }
0x33: {  	s1 =	sshll.u32 @!p0 s25, $0xB;
	s29 =	simm.s32 @!p0 $0x0;
	_ =	swait.ge [sflag:s21], $0x4000  }
0x34: {  	s26 =	sadd.s32 @!p0 $0x5, s25;
	s12 =	rddreg [dreg:$0x3];
	[sflag:s21] =	ssyncset.done $0x0  }
0x35: {  	s28 =	rddreg [dreg:$0x4];
	[sflag:s21] =	ssyncadd.s32 $0xFFFFC000;
	s12 =	sadd.s32 @!p0 $0x0, s12  }
0x36: {  	[tilespmem:s1], [sflag:s26] =	stream.linear.gather @!p0 [hbm4b:s12+s29], $0x800, $0x38;
	[tilespmem:$0x1E000] =	vst v63  }
0x37: {  	s25 =	sadd.s32 @!p0 $0x0, s28;
	s12 =	sor.u32 @!p0 $0x1000, s1  }
0x38: {  	[tilespmem:s12], [sflag:s26] =	stream.linear.gather @!p0 [hbm4b:s25+s29], $0x800, $0x38;
	[tilespmem:$0x1E000] =	vst v63  }
0x39: {  	s25 =	sadd.s32 $0x180, s0  }
0x3a: {  	[tilespmem:s17], [sflag:$0x2] =	stream.indirect.gather [hbm4b:s4+s14], $0x80, s25, s14, $0xb8;
	[tilespmem:$0x1E000] =	vst v63  }
0x3b: {  	_ =	swait.ge [sflag:s18], $0x4000  }
0x3c: {  	[sflag:s18] =	ssyncset.done $0x0  }
0x3d: {  	s31 =	sadd.s32 $0x1100, s0;
	[sflag:s18] =	ssyncadd.s32 $0xFFFFC000  }
0x3e: {  	[spmem:s2] =	stream.indirect.scatter.add.f32 [tilespmem:s15], [sflag:$0x3], $0x80, s31, s14, $0xb8;
	[tilespmem:$0x1E000] =	vst v63  }
0x3f: {  	_ =	swait.ge [sflag:s19], $0x4000  }
0x40: {  	[sflag:s19] =	ssyncset.done $0x0  }
0x41: {  	s6 =	sadd.s32 $0x200, s0;
	[sflag:s19] =	ssyncadd.s32 $0xFFFFC000  }
0x42: {  	[tilespmem:s15], [sflag:$0x1] =	stream.indirect.gather [hbm4b:s4+s14], $0x80, s6, s14, $0xb8;
	[tilespmem:$0x1E000] =	vst v63  }
0x43: {  	_ =	swait.ge [sflag:s20], $0x4000  }
0x44: {  	[sflag:s20] =	ssyncset.done $0x0  }
0x45: {  	s7 =	sadd.s32 $0x1180, s0;
	[sflag:s20] =	ssyncadd.s32 $0xFFFFC000  }
0x46: {  	[spmem:s2] =	stream.indirect.scatter.add.f32 [tilespmem:s17], [sflag:$0x4], $0x80, s7, s14, $0xb8;
	[tilespmem:$0x1E000] =	vst v63  }
0x47: {  	_ =	swait.ge [sflag:s21], $0x4000  }
0x48: {  	[sflag:s21] =	ssyncset.done $0x0  }
0x49: {  	s10 =	sadd.s32 $0x280, s0;
	[sflag:s21] =	ssyncadd.s32 $0xFFFFC000  }
0x4a: {  	[tilespmem:s17], [sflag:$0x2] =	stream.indirect.gather [hbm4b:s4+s14], $0x80, s10, s14, $0xb8;
	[tilespmem:$0x1E000] =	vst v63  }
0x4b: {  	_ =	swait.ge [sflag:s18], $0x4000  }
0x4c: {  	[sflag:s18] =	ssyncset.done $0x0  }
0x4d: {  	s22 =	sadd.s32 $0x1200, s0;
	[sflag:s18] =	ssyncadd.s32 $0xFFFFC000  }
0x4e: {  	[spmem:s2] =	stream.indirect.scatter.add.f32 [tilespmem:s15], [sflag:$0x3], $0x80, s22, s14, $0xb8;
	[tilespmem:$0x1E000] =	vst v63  }
0x4f: {  	_ =	swait.ge [sflag:s19], $0x4000  }
0x50: {  	[sflag:s19] =	ssyncset.done $0x0  }
0x51: {  	s25 =	sadd.s32 $0x300, s0;
	[sflag:s19] =	ssyncadd.s32 $0xFFFFC000  }
0x52: {  	[tilespmem:s15], [sflag:$0x1] =	stream.indirect.gather [hbm4b:s4+s14], $0x80, s25, s14, $0xb8;
	[tilespmem:$0x1E000] =	vst v63  }
0x53: {  	_ =	swait.ge [sflag:s20], $0x4000  }
0x54: {  	[sflag:s20] =	ssyncset.done $0x0  }
0x55: {  	s31 =	sadd.s32 $0x1280, s0;
	[sflag:s20] =	ssyncadd.s32 $0xFFFFC000  }
0x56: {  	[spmem:s2] =	stream.indirect.scatter.add.f32 [tilespmem:s17], [sflag:$0x4], $0x80, s31, s14, $0xb8;
	[tilespmem:$0x1E000] =	vst v63  }
0x57: {  	_ =	swait.ge [sflag:s21], $0x4000  }
0x58: {  	[sflag:s21] =	ssyncset.done $0x0  }
0x59: {  	s6 =	sadd.s32 $0x380, s0;
	[sflag:s21] =	ssyncadd.s32 $0xFFFFC000  }
0x5a: {  	[tilespmem:s17], [sflag:$0x2] =	stream.indirect.gather [hbm4b:s4+s14], $0x80, s6, s14, $0xb8;
	[tilespmem:$0x1E000] =	vst v63  }
0x5b: {  	_ =	swait.ge [sflag:s18], $0x4000  }
0x5c: {  	[sflag:s18] =	ssyncset.done $0x0  }
0x5d: {  	s7 =	sadd.s32 $0x1300, s0;
	[sflag:s18] =	ssyncadd.s32 $0xFFFFC000  }
0x5e: {  	[spmem:s2] =	stream.indirect.scatter.add.f32 [tilespmem:s15], [sflag:$0x3], $0x80, s7, s14, $0xb8;
	[tilespmem:$0x1E000] =	vst v63  }
0x5f: {  	_ =	swait.ge [sflag:s19], $0x4000  }
0x60: {  	[sflag:s19] =	ssyncset.done $0x0  }
0x61: {  	s10 =	sadd.s32 $0x400, s0;
	[sflag:s19] =	ssyncadd.s32 $0xFFFFC000  }
0x62: {  	[tilespmem:s15], [sflag:$0x1] =	stream.indirect.gather [hbm4b:s4+s14], $0x80, s10, s14, $0xb8;
	[tilespmem:$0x1E000] =	vst v63  }
0x63: {  	_ =	swait.ge [sflag:s20], $0x4000  }
0x64: {  	[sflag:s20] =	ssyncset.done $0x0  }
0x65: {  	s22 =	sadd.s32 $0x1380, s0;
	[sflag:s20] =	ssyncadd.s32 $0xFFFFC000  }
0x66: {  	[spmem:s2] =	stream.indirect.scatter.add.f32 [tilespmem:s17], [sflag:$0x4], $0x80, s22, s14, $0xb8;
	[tilespmem:$0x1E000] =	vst v63  }
0x67: {  	_ =	swait.ge [sflag:s21], $0x4000  }
0x68: {  	[sflag:s21] =	ssyncset.done $0x0  }
0x69: {  	s25 =	sadd.s32 $0x480, s0;
	[sflag:s21] =	ssyncadd.s32 $0xFFFFC000  }
0x6a: {  	[tilespmem:s17], [sflag:$0x2] =	stream.indirect.gather [hbm4b:s4+s14], $0x80, s25, s14, $0xb8;
	[tilespmem:$0x1E000] =	vst v63  }
0x6b: {  	_ =	swait.ge [sflag:s18], $0x4000  }
0x6c: {  	[sflag:s18] =	ssyncset.done $0x0  }
0x6d: {  	s31 =	sadd.s32 $0x1400, s0;
	[sflag:s18] =	ssyncadd.s32 $0xFFFFC000  }
0x6e: {  	[spmem:s2] =	stream.indirect.scatter.add.f32 [tilespmem:s15], [sflag:$0x3], $0x80, s31, s14, $0xb8;
	[tilespmem:$0x1E000] =	vst v63  }
0x6f: {  	_ =	swait.ge [sflag:s19], $0x4000  }
0x70: {  	[sflag:s19] =	ssyncset.done $0x0  }
0x71: {  	s6 =	sadd.s32 $0x500, s0;
	[sflag:s19] =	ssyncadd.s32 $0xFFFFC000  }
0x72: {  	[tilespmem:s15], [sflag:$0x1] =	stream.indirect.gather [hbm4b:s4+s14], $0x80, s6, s14, $0xb8;
	[tilespmem:$0x1E000] =	vst v63  }
0x73: {  	_ =	swait.ge [sflag:s20], $0x4000  }
0x74: {  	[sflag:s20] =	ssyncset.done $0x0  }
0x75: {  	s7 =	sadd.s32 $0x1480, s0;
	[sflag:s20] =	ssyncadd.s32 $0xFFFFC000  }
0x76: {  	[spmem:s2] =	stream.indirect.scatter.add.f32 [tilespmem:s17], [sflag:$0x4], $0x80, s7, s14, $0xb8;
	[tilespmem:$0x1E000] =	vst v63  }
0x77: {  	_ =	swait.ge [sflag:s21], $0x4000  }
0x78: {  	[sflag:s21] =	ssyncset.done $0x0  }
0x79: {  	s10 =	sadd.s32 $0x580, s0;
	[sflag:s21] =	ssyncadd.s32 $0xFFFFC000  }
0x7a: {  	[tilespmem:s17], [sflag:$0x2] =	stream.indirect.gather [hbm4b:s4+s14], $0x80, s10, s14, $0xb8;
	[tilespmem:$0x1E000] =	vst v63  }
0x7b: {  	_ =	swait.ge [sflag:s18], $0x4000  }
0x7c: {  	[sflag:s18] =	ssyncset.done $0x0  }
0x7d: {  	s22 =	sadd.s32 $0x1500, s0;
	[sflag:s18] =	ssyncadd.s32 $0xFFFFC000  }
0x7e: {  	[spmem:s2] =	stream.indirect.scatter.add.f32 [tilespmem:s15], [sflag:$0x3], $0x80, s22, s14, $0xb8;
	[tilespmem:$0x1E000] =	vst v63  }
0x7f: {  	_ =	swait.ge [sflag:s19], $0x4000  }
0x80: {  	[sflag:s19] =	ssyncset.done $0x0  }
0x81: {  	s25 =	sadd.s32 $0x600, s0;
	[sflag:s19] =	ssyncadd.s32 $0xFFFFC000  }
0x82: {  	[tilespmem:s15], [sflag:$0x1] =	stream.indirect.gather [hbm4b:s4+s14], $0x80, s25, s14, $0xb8;
	[tilespmem:$0x1E000] =	vst v63  }
0x83: {  	_ =	swait.ge [sflag:s20], $0x4000  }
0x84: {  	[sflag:s20] =	ssyncset.done $0x0  }
0x85: {  	s31 =	sadd.s32 $0x1580, s0;
	[sflag:s20] =	ssyncadd.s32 $0xFFFFC000  }
0x86: {  	[spmem:s2] =	stream.indirect.scatter.add.f32 [tilespmem:s17], [sflag:$0x4], $0x80, s31, s14, $0xb8;
	[tilespmem:$0x1E000] =	vst v63  }
0x87: {  	_ =	swait.ge [sflag:s21], $0x4000  }
0x88: {  	[sflag:s21] =	ssyncset.done $0x0  }
0x89: {  	s6 =	sadd.s32 $0x680, s0;
	[sflag:s21] =	ssyncadd.s32 $0xFFFFC000  }
0x8a: {  	[tilespmem:s17], [sflag:$0x2] =	stream.indirect.gather [hbm4b:s4+s14], $0x80, s6, s14, $0xb8;
	[tilespmem:$0x1E000] =	vst v63  }
0x8b: {  	_ =	swait.ge [sflag:s18], $0x4000  }
0x8c: {  	[sflag:s18] =	ssyncset.done $0x0  }
0x8d: {  	s7 =	sadd.s32 $0x1600, s0;
	[sflag:s18] =	ssyncadd.s32 $0xFFFFC000  }
0x8e: {  	[spmem:s2] =	stream.indirect.scatter.add.f32 [tilespmem:s15], [sflag:$0x3], $0x80, s7, s14, $0xb8;
	[tilespmem:$0x1E000] =	vst v63  }
0x8f: {  	_ =	swait.ge [sflag:s19], $0x4000  }
0x90: {  	[sflag:s19] =	ssyncset.done $0x0  }
0x91: {  	s10 =	sadd.s32 $0x700, s0;
	[sflag:s19] =	ssyncadd.s32 $0xFFFFC000  }
0x92: {  	[tilespmem:s15], [sflag:$0x1] =	stream.indirect.gather [hbm4b:s4+s14], $0x80, s10, s14, $0xb8;
	[tilespmem:$0x1E000] =	vst v63  }
0x93: {  	_ =	swait.ge [sflag:s20], $0x4000  }
0x94: {  	[sflag:s20] =	ssyncset.done $0x0  }
0x95: {  	s22 =	sadd.s32 $0x1680, s0;
	[sflag:s20] =	ssyncadd.s32 $0xFFFFC000  }
0x96: {  	[spmem:s2] =	stream.indirect.scatter.add.f32 [tilespmem:s17], [sflag:$0x4], $0x80, s22, s14, $0xb8;
	[tilespmem:$0x1E000] =	vst v63  }
0x97: {  	_ =	swait.ge [sflag:s21], $0x4000  }
0x98: {  	[sflag:s21] =	ssyncset.done $0x0  }
0x99: {  	s25 =	sadd.s32 $0x780, s0;
	[sflag:s21] =	ssyncadd.s32 $0xFFFFC000  }
0x9a: {  	[tilespmem:s17], [sflag:$0x2] =	stream.indirect.gather [hbm4b:s4+s14], $0x80, s25, s14, $0xb8;
	[tilespmem:$0x1E000] =	vst v63  }
0x9b: {  	_ =	swait.ge [sflag:s18], $0x4000  }
0x9c: {  	[sflag:s18] =	ssyncset.done $0x0  }
0x9d: {  	s31 =	sadd.s32 $0x1700, s0;
	[sflag:s18] =	ssyncadd.s32 $0xFFFFC000  }
0x9e: {  	[spmem:s2] =	stream.indirect.scatter.add.f32 [tilespmem:s15], [sflag:$0x3], $0x80, s31, s14, $0xb8;
	[tilespmem:$0x1E000] =	vst v63  }
0x9f: {  	_ =	swait.ge [sflag:s19], $0x4000  }
0xa0: {  	[sflag:s19] =	ssyncset.done $0x0  }
0xa1: {  	[sflag:s19] =	ssyncadd.s32 $0xFFFFC000  }
0xa2: {  	_ =	swait.ge @!p0 [sflag:s26], $0x800  }
0xa3: {  	[sflag:s26] =	ssyncset.done @!p0 $0x0  }
0xa4: {  	[sflag:s26] =	ssyncadd.s32 @!p0 $0xFFFFF800  }
0xa5: {  	p1 =	por $0x0, $0x0;
	s30 =	sadd.s32 $0x1780, s0;
	_ =	swait.ge @!p0 [sflag:s26], $0x800  }
0xa6: {  	s28 =	simm.s32 $0x800;
	s12 =	simm.s32 @!p0 $0x80;
	[sflag:s26] =	ssyncset.done @!p0 $0x0  }
0xa7: {  	s29 =	simm.s32 $0x200;
	[sflag:s26] =	ssyncadd.s32 @!p0 $0xFFFFF800;
	s26 =	simm.s32 @!p0 $0x2000  }
0xa8: {  	[tilespmem:s26], [sflag:$0x1] =	stream.indirect.gather @!p0 [hbm4b:s4+s12], $0x80, s1, s12, $0xb8;
	[tilespmem:$0x1E000] =	vst v63  }
0xa9: {  	s25 =	simm.s32 $0x100;
	s26 =	simm.s32 $0x2;
	_ =	swait.ge [sflag:s20], $0x4000  }
.LBB2_2:
0xaa: {  	[sflag:s20] =	ssyncset.done $0x0  }
0xab: {  	s0 =	simm.s32 @!p1 $0x4;
	[sflag:s20] =	ssyncadd.s32 $0xFFFFC000  }
0xac: {  	[spmem:s2] =	stream.indirect.scatter.add.f32 [tilespmem:s17], [sflag:$0x4], $0x80, s30, s14, $0xb8;
	[tilespmem:$0x1E000] =	vst v63  }
0xad: {  	_ =	swait.ge @!p1 [sflag:s0], $0x4000  }
0xae: {  	s31 =	sand.u32 $0x800, s28;
	[sflag:s0] =	ssyncset.done @!p1 $0x0  }
0xaf: {  	s1 =	sor.u32 $0x80, s31;
	[sflag:s0] =	ssyncadd.s32 @!p1 $0xFFFFC000  }
0xb0: {  	[tilespmem:s17], [sflag:$0x2] =	stream.indirect.gather [hbm4b:s4+s14], $0x80, s1, s14, $0xb8;
	[tilespmem:$0x1E000] =	vst v63  }
0xb1: {  	_ =	swait.ge [sflag:s18], $0x4000  }
0xb2: {  	[sflag:s18] =	ssyncset.done $0x0  }
0xb3: {  	s6 =	sor.u32 $0x1000, s31;
	[sflag:s18] =	ssyncadd.s32 $0xFFFFC000  }
0xb4: {  	[spmem:s2] =	stream.indirect.scatter.add.f32 [tilespmem:s15], [sflag:$0x3], $0x80, s6, s14, $0xb8;
	[tilespmem:$0x1E000] =	vst v63  }
0xb5: {  	_ =	swait.ge [sflag:s19], $0x4000  }
0xb6: {  	[sflag:s19] =	ssyncset.done $0x0  }
0xb7: {  	s7 =	sor.u32 $0x100, s31;
	[sflag:s19] =	ssyncadd.s32 $0xFFFFC000  }
0xb8: {  	[tilespmem:s15], [sflag:$0x1] =	stream.indirect.gather [hbm4b:s4+s14], $0x80, s7, s14, $0xb8;
	[tilespmem:$0x1E000] =	vst v63  }
0xb9: {  	_ =	swait.ge [sflag:s20], $0x4000  }
0xba: {  	s10 =	sor.u32 $0x1080, s31;
	[sflag:s20] =	ssyncset.done $0x0  }
0xbb: {  	p1 =	seq.s32 s25, $0x400;
	s1 =	sand.u32 $0x1, s26;
	[sflag:s20] =	ssyncadd.s32 $0xFFFFC000  }
0xbc: {  	[spmem:s2] =	stream.indirect.scatter.add.f32 [tilespmem:s17], [sflag:$0x4], $0x80, s10, s14, $0xb8;
	[tilespmem:$0x1E000] =	vst v63  }
0xbd: {  	s0 =	sshll.u32 @!p1 s1, $0xB;
	s1 =	sadd.s32 @!p1 $0x5, s1;
	_ =	swait.ge [sflag:s21], $0x4000  }
0xbe: {  	s10 =	simm.s32 @!p1 $0x0;
	s6 =	rddreg [dreg:$0x3];
	[sflag:s21] =	ssyncset.done $0x0  }
0xbf: {  	s7 =	rddreg [dreg:$0x4];
	[sflag:s21] =	ssyncadd.s32 $0xFFFFC000;
	s6 =	sadd.s32 @!p1 s25, s6  }
0xc0: {  	[tilespmem:s0], [sflag:s1] =	stream.linear.gather @!p1 [hbm4b:s6+s10], $0x800, $0x38;
	[tilespmem:$0x1E000] =	vst v63  }
0xc1: {  	s22 =	sor.u32 @!p1 $0x1000, s0;
	s6 =	sadd.s32 @!p1 s25, s7  }
0xc2: {  	[tilespmem:s22], [sflag:s1] =	stream.linear.gather @!p1 [hbm4b:s6+s10], $0x800, $0x38;
	[tilespmem:$0x1E000] =	vst v63  }
0xc3: {  	s22 =	sadd.s32 $0x180, s31  }
0xc4: {  	[tilespmem:s17], [sflag:$0x2] =	stream.indirect.gather [hbm4b:s4+s14], $0x80, s22, s14, $0xb8;
	[tilespmem:$0x1E000] =	vst v63  }
0xc5: {  	_ =	swait.ge [sflag:s18], $0x4000  }
0xc6: {  	[sflag:s18] =	ssyncset.done $0x0  }
0xc7: {  	s7 =	sadd.s32 $0x1100, s31;
	[sflag:s18] =	ssyncadd.s32 $0xFFFFC000  }
0xc8: {  	[spmem:s2] =	stream.indirect.scatter.add.f32 [tilespmem:s15], [sflag:$0x3], $0x80, s7, s14, $0xb8;
	[tilespmem:$0x1E000] =	vst v63  }
0xc9: {  	_ =	swait.ge [sflag:s19], $0x4000  }
0xca: {  	[sflag:s19] =	ssyncset.done $0x0  }
0xcb: {  	s10 =	sadd.s32 $0x200, s31;
	[sflag:s19] =	ssyncadd.s32 $0xFFFFC000  }
0xcc: {  	[tilespmem:s15], [sflag:$0x1] =	stream.indirect.gather [hbm4b:s4+s14], $0x80, s10, s14, $0xb8;
	[tilespmem:$0x1E000] =	vst v63  }
0xcd: {  	_ =	swait.ge [sflag:s20], $0x4000  }
0xce: {  	s12 =	smov.u32 s29;
	[sflag:s20] =	ssyncset.done $0x0  }
0xcf: {  	s25 =	smov.u32 s12;
	s12 =	sadd.s32 $0x1180, s31;
	[sflag:s20] =	ssyncadd.s32 $0xFFFFC000  }
0xd0: {  	[spmem:s2] =	stream.indirect.scatter.add.f32 [tilespmem:s17], [sflag:$0x4], $0x80, s12, s14, $0xb8;
	[tilespmem:$0x1E000] =	vst v63  }
0xd1: {  	_ =	swait.ge [sflag:s21], $0x4000  }
0xd2: {  	[sflag:s21] =	ssyncset.done $0x0  }
0xd3: {  	s22 =	sadd.s32 $0x280, s31;
	[sflag:s21] =	ssyncadd.s32 $0xFFFFC000  }
0xd4: {  	[tilespmem:s17], [sflag:$0x2] =	stream.indirect.gather [hbm4b:s4+s14], $0x80, s22, s14, $0xb8;
	[tilespmem:$0x1E000] =	vst v63  }
0xd5: {  	_ =	swait.ge [sflag:s18], $0x4000  }
0xd6: {  	[sflag:s18] =	ssyncset.done $0x0  }
0xd7: {  	s7 =	sadd.s32 $0x1200, s31;
	[sflag:s18] =	ssyncadd.s32 $0xFFFFC000  }
0xd8: {  	[spmem:s2] =	stream.indirect.scatter.add.f32 [tilespmem:s15], [sflag:$0x3], $0x80, s7, s14, $0xb8;
	[tilespmem:$0x1E000] =	vst v63  }
0xd9: {  	_ =	swait.ge [sflag:s19], $0x4000  }
0xda: {  	[sflag:s19] =	ssyncset.done $0x0  }
0xdb: {  	s10 =	sadd.s32 $0x300, s31;
	[sflag:s19] =	ssyncadd.s32 $0xFFFFC000  }
0xdc: {  	[tilespmem:s15], [sflag:$0x1] =	stream.indirect.gather [hbm4b:s4+s14], $0x80, s10, s14, $0xb8;
	[tilespmem:$0x1E000] =	vst v63  }
0xdd: {  	_ =	swait.ge [sflag:s20], $0x4000  }
0xde: {  	[sflag:s20] =	ssyncset.done $0x0  }
0xdf: {  	s12 =	sadd.s32 $0x1280, s31;
	[sflag:s20] =	ssyncadd.s32 $0xFFFFC000  }
0xe0: {  	[spmem:s2] =	stream.indirect.scatter.add.f32 [tilespmem:s17], [sflag:$0x4], $0x80, s12, s14, $0xb8;
	[tilespmem:$0x1E000] =	vst v63  }
0xe1: {  	_ =	swait.ge [sflag:s21], $0x4000  }
0xe2: {  	[sflag:s21] =	ssyncset.done $0x0  }
0xe3: {  	s22 =	sadd.s32 $0x380, s31;
	[sflag:s21] =	ssyncadd.s32 $0xFFFFC000  }
0xe4: {  	[tilespmem:s17], [sflag:$0x2] =	stream.indirect.gather [hbm4b:s4+s14], $0x80, s22, s14, $0xb8;
	[tilespmem:$0x1E000] =	vst v63  }
0xe5: {  	_ =	swait.ge [sflag:s18], $0x4000  }
0xe6: {  	[sflag:s18] =	ssyncset.done $0x0  }
0xe7: {  	s7 =	sadd.s32 $0x1300, s31;
	[sflag:s18] =	ssyncadd.s32 $0xFFFFC000  }
0xe8: {  	[spmem:s2] =	stream.indirect.scatter.add.f32 [tilespmem:s15], [sflag:$0x3], $0x80, s7, s14, $0xb8;
	[tilespmem:$0x1E000] =	vst v63  }
0xe9: {  	_ =	swait.ge [sflag:s19], $0x4000  }
0xea: {  	[sflag:s19] =	ssyncset.done $0x0  }
0xeb: {  	s10 =	sadd.s32 $0x400, s31;
	[sflag:s19] =	ssyncadd.s32 $0xFFFFC000  }
0xec: {  	[tilespmem:s15], [sflag:$0x1] =	stream.indirect.gather [hbm4b:s4+s14], $0x80, s10, s14, $0xb8;
	[tilespmem:$0x1E000] =	vst v63  }
0xed: {  	_ =	swait.ge [sflag:s20], $0x4000  }
0xee: {  	[sflag:s20] =	ssyncset.done $0x0  }
0xef: {  	s12 =	sadd.s32 $0x1380, s31;
	[sflag:s20] =	ssyncadd.s32 $0xFFFFC000  }
0xf0: {  	[spmem:s2] =	stream.indirect.scatter.add.f32 [tilespmem:s17], [sflag:$0x4], $0x80, s12, s14, $0xb8;
	[tilespmem:$0x1E000] =	vst v63  }
0xf1: {  	_ =	swait.ge [sflag:s21], $0x4000  }
0xf2: {  	[sflag:s21] =	ssyncset.done $0x0  }
0xf3: {  	s22 =	sadd.s32 $0x480, s31;
	[sflag:s21] =	ssyncadd.s32 $0xFFFFC000  }
0xf4: {  	[tilespmem:s17], [sflag:$0x2] =	stream.indirect.gather [hbm4b:s4+s14], $0x80, s22, s14, $0xb8;
	[tilespmem:$0x1E000] =	vst v63  }
0xf5: {  	_ =	swait.ge [sflag:s18], $0x4000  }
0xf6: {  	[sflag:s18] =	ssyncset.done $0x0  }
0xf7: {  	s7 =	sadd.s32 $0x1400, s31;
	[sflag:s18] =	ssyncadd.s32 $0xFFFFC000  }
0xf8: {  	[spmem:s2] =	stream.indirect.scatter.add.f32 [tilespmem:s15], [sflag:$0x3], $0x80, s7, s14, $0xb8;
	[tilespmem:$0x1E000] =	vst v63  }
0xf9: {  	_ =	swait.ge [sflag:s19], $0x4000  }
0xfa: {  	[sflag:s19] =	ssyncset.done $0x0  }
0xfb: {  	s10 =	sadd.s32 $0x500, s31;
	[sflag:s19] =	ssyncadd.s32 $0xFFFFC000  }
0xfc: {  	[tilespmem:s15], [sflag:$0x1] =	stream.indirect.gather [hbm4b:s4+s14], $0x80, s10, s14, $0xb8;
	[tilespmem:$0x1E000] =	vst v63  }
0xfd: {  	_ =	swait.ge [sflag:s20], $0x4000  }
0xfe: {  	[sflag:s20] =	ssyncset.done $0x0  }
0xff: {  	s12 =	sadd.s32 $0x1480, s31;
	[sflag:s20] =	ssyncadd.s32 $0xFFFFC000  }
0x100: {  	[spmem:s2] =	stream.indirect.scatter.add.f32 [tilespmem:s17], [sflag:$0x4], $0x80, s12, s14, $0xb8;
	[tilespmem:$0x1E000] =	vst v63  }
0x101: {  	_ =	swait.ge [sflag:s21], $0x4000  }
0x102: {  	[sflag:s21] =	ssyncset.done $0x0  }
0x103: {  	s22 =	sadd.s32 $0x580, s31;
	[sflag:s21] =	ssyncadd.s32 $0xFFFFC000  }
0x104: {  	[tilespmem:s17], [sflag:$0x2] =	stream.indirect.gather [hbm4b:s4+s14], $0x80, s22, s14, $0xb8;
	[tilespmem:$0x1E000] =	vst v63  }
0x105: {  	_ =	swait.ge [sflag:s18], $0x4000  }
0x106: {  	[sflag:s18] =	ssyncset.done $0x0  }
0x107: {  	s7 =	sadd.s32 $0x1500, s31;
	[sflag:s18] =	ssyncadd.s32 $0xFFFFC000  }
0x108: {  	[spmem:s2] =	stream.indirect.scatter.add.f32 [tilespmem:s15], [sflag:$0x3], $0x80, s7, s14, $0xb8;
	[tilespmem:$0x1E000] =	vst v63  }
0x109: {  	_ =	swait.ge [sflag:s19], $0x4000  }
0x10a: {  	[sflag:s19] =	ssyncset.done $0x0  }
0x10b: {  	s10 =	sadd.s32 $0x600, s31;
	[sflag:s19] =	ssyncadd.s32 $0xFFFFC000  }
0x10c: {  	[tilespmem:s15], [sflag:$0x1] =	stream.indirect.gather [hbm4b:s4+s14], $0x80, s10, s14, $0xb8;
	[tilespmem:$0x1E000] =	vst v63  }
0x10d: {  	_ =	swait.ge [sflag:s20], $0x4000  }
0x10e: {  	[sflag:s20] =	ssyncset.done $0x0  }
0x10f: {  	s12 =	sadd.s32 $0x1580, s31;
	[sflag:s20] =	ssyncadd.s32 $0xFFFFC000  }
0x110: {  	[spmem:s2] =	stream.indirect.scatter.add.f32 [tilespmem:s17], [sflag:$0x4], $0x80, s12, s14, $0xb8;
	[tilespmem:$0x1E000] =	vst v63  }
0x111: {  	_ =	swait.ge [sflag:s21], $0x4000  }
0x112: {  	[sflag:s21] =	ssyncset.done $0x0  }
0x113: {  	s22 =	sadd.s32 $0x680, s31;
	[sflag:s21] =	ssyncadd.s32 $0xFFFFC000  }
0x114: {  	[tilespmem:s17], [sflag:$0x2] =	stream.indirect.gather [hbm4b:s4+s14], $0x80, s22, s14, $0xb8;
	[tilespmem:$0x1E000] =	vst v63  }
0x115: {  	_ =	swait.ge [sflag:s18], $0x4000  }
0x116: {  	[sflag:s18] =	ssyncset.done $0x0  }
0x117: {  	s7 =	sadd.s32 $0x1600, s31;
	[sflag:s18] =	ssyncadd.s32 $0xFFFFC000  }
0x118: {  	[spmem:s2] =	stream.indirect.scatter.add.f32 [tilespmem:s15], [sflag:$0x3], $0x80, s7, s14, $0xb8;
	[tilespmem:$0x1E000] =	vst v63  }
0x119: {  	_ =	swait.ge [sflag:s19], $0x4000  }
0x11a: {  	[sflag:s19] =	ssyncset.done $0x0  }
0x11b: {  	s10 =	sadd.s32 $0x700, s31;
	[sflag:s19] =	ssyncadd.s32 $0xFFFFC000  }
0x11c: {  	[tilespmem:s15], [sflag:$0x1] =	stream.indirect.gather [hbm4b:s4+s14], $0x80, s10, s14, $0xb8;
	[tilespmem:$0x1E000] =	vst v63  }
0x11d: {  	_ =	swait.ge [sflag:s20], $0x4000  }
0x11e: {  	[sflag:s20] =	ssyncset.done $0x0  }
0x11f: {  	s12 =	sadd.s32 $0x1680, s31;
	[sflag:s20] =	ssyncadd.s32 $0xFFFFC000  }
0x120: {  	[spmem:s2] =	stream.indirect.scatter.add.f32 [tilespmem:s17], [sflag:$0x4], $0x80, s12, s14, $0xb8;
	[tilespmem:$0x1E000] =	vst v63  }
0x121: {  	_ =	swait.ge [sflag:s21], $0x4000  }
0x122: {  	[sflag:s21] =	ssyncset.done $0x0  }
0x123: {  	s22 =	sadd.s32 $0x780, s31;
	[sflag:s21] =	ssyncadd.s32 $0xFFFFC000  }
0x124: {  	[tilespmem:s17], [sflag:$0x2] =	stream.indirect.gather [hbm4b:s4+s14], $0x80, s22, s14, $0xb8;
	[tilespmem:$0x1E000] =	vst v63  }
0x125: {  	_ =	swait.ge [sflag:s18], $0x4000  }
0x126: {  	[sflag:s18] =	ssyncset.done $0x0  }
0x127: {  	s30 =	sadd.s32 $0x1780, s31;
	s31 =	sadd.s32 $0x1700, s31;
	[sflag:s18] =	ssyncadd.s32 $0xFFFFC000  }
0x128: {  	[spmem:s2] =	stream.indirect.scatter.add.f32 [tilespmem:s15], [sflag:$0x3], $0x80, s31, s14, $0xb8;
	[tilespmem:$0x1E000] =	vst v63  }
0x129: {  	_ =	swait.ge [sflag:s19], $0x4000  }
0x12a: {  	[sflag:s19] =	ssyncset.done $0x0  }
0x12b: {  	[sflag:s19] =	ssyncadd.s32 $0xFFFFC000  }
0x12c: {  	_ =	swait.ge @!p1 [sflag:s1], $0x800  }
0x12d: {  	s29 =	sadd.s32 $0x100, s29;
	[sflag:s1] =	ssyncset.done @!p1 $0x0  }
0x12e: {  	p0 =	sne.s32 s29, $0x500;
	[sflag:s1] =	ssyncadd.s32 @!p1 $0xFFFFF800  }
.Ltmp0:
0x12f: {  	_ =	swait.ge @!p1 [sflag:s1], $0x800;
	(pc) =	sbr.rel @p0 .LBB2_2-.Ltmp0, $4  }
0x130: {  	s28 =	sadd.s32 $0x800, s28;
	[sflag:s1] =	ssyncset.done @!p1 $0x0  }
0x131: {  	s6 =	simm.s32 @!p1 $0x80;
	s7 =	simm.s32 @!p1 $0x2000;
	[sflag:s1] =	ssyncadd.s32 @!p1 $0xFFFFF800  }
0x132: {  	[tilespmem:s7], [sflag:$0x1] =	stream.indirect.gather @!p1 [hbm4b:s4+s6], $0x80, s0, s6, $0xb8;
	[tilespmem:$0x1E000] =	vst v63  }
0x133: {  	s26 =	sadd.s32 $0x1, s26;
	p1 =	seq.s32 s25, $0x0;
	_ =	swait.ge [sflag:s20], $0x4000  }
0x134: {  	[sflag:s20] =	ssyncset.done $0x0  }
0x135: {  	s1 =	simm.s32 @!p1 $0x4;
	[sflag:s20] =	ssyncadd.s32 $0xFFFFC000  }
0x136: {  	[spmem:s2] =	stream.indirect.scatter.add.f32 [tilespmem:s17], [sflag:$0x4], $0x80, s30, s14, $0xb8;
	[tilespmem:$0x1E000] =	vst v63  }
0x137: {  	_ =	swait.ge @!p1 [sflag:s1], $0x4000  }
0x138: {  	s0 =	sand.u32 $0x800, s28;
	[sflag:s1] =	ssyncset.done @!p1 $0x0  }
0x139: {  	s6 =	sor.u32 $0x80, s0;
	[sflag:s1] =	ssyncadd.s32 @!p1 $0xFFFFC000  }
0x13a: {  	[tilespmem:s17], [sflag:$0x2] =	stream.indirect.gather [hbm4b:s4+s14], $0x80, s6, s14, $0xb8;
	[tilespmem:$0x1E000] =	vst v63  }
0x13b: {  	_ =	swait.ge [sflag:s18], $0x4000  }
0x13c: {  	[sflag:s18] =	ssyncset.done $0x0  }
0x13d: {  	s22 =	sor.u32 $0x1000, s0;
	[sflag:s18] =	ssyncadd.s32 $0xFFFFC000  }
0x13e: {  	[spmem:s2] =	stream.indirect.scatter.add.f32 [tilespmem:s15], [sflag:$0x3], $0x80, s22, s14, $0xb8;
	[tilespmem:$0x1E000] =	vst v63  }
0x13f: {  	_ =	swait.ge [sflag:s19], $0x4000  }
0x140: {  	[sflag:s19] =	ssyncset.done $0x0  }
0x141: {  	s28 =	sor.u32 $0x100, s0;
	[sflag:s19] =	ssyncadd.s32 $0xFFFFC000  }
0x142: {  	[tilespmem:s15], [sflag:$0x1] =	stream.indirect.gather [hbm4b:s4+s14], $0x80, s28, s14, $0xb8;
	[tilespmem:$0x1E000] =	vst v63  }
0x143: {  	_ =	swait.ge [sflag:s20], $0x4000  }
0x144: {  	s7 =	sand.u32 $0x1, s26;
	[sflag:s20] =	ssyncset.done $0x0  }
0x145: {  	p0 =	seq.s32 s25, $0x400;
	s29 =	sor.u32 $0x1080, s0;
	[sflag:s20] =	ssyncadd.s32 $0xFFFFC000  }
0x146: {  	[spmem:s2] =	stream.indirect.scatter.add.f32 [tilespmem:s17], [sflag:$0x4], $0x80, s29, s14, $0xb8;
	[tilespmem:$0x1E000] =	vst v63  }
0x147: {  	s12 =	simm.s32 @!p0 $0x0;
	s26 =	sadd.s32 @!p0 $0x5, s7;
	_ =	swait.ge [sflag:s21], $0x4000  }
0x148: {  	s1 =	sshll.u32 @!p0 s7, $0xB;
	s6 =	rddreg [dreg:$0x3];
	[sflag:s21] =	ssyncset.done $0x0  }
0x149: {  	s10 =	rddreg [dreg:$0x4];
	[sflag:s21] =	ssyncadd.s32 $0xFFFFC000;
	s6 =	sadd.s32 @!p0 s25, s6  }
0x14a: {  	[tilespmem:s1], [sflag:s26] =	stream.linear.gather @!p0 [hbm4b:s6+s12], $0x800, $0x38;
	[tilespmem:$0x1E000] =	vst v63  }
0x14b: {  	s7 =	sadd.s32 @!p0 s25, s10;
	s6 =	sor.u32 @!p0 $0x1000, s1  }
0x14c: {  	[tilespmem:s6], [sflag:s26] =	stream.linear.gather @!p0 [hbm4b:s7+s12], $0x800, $0x38;
	[tilespmem:$0x1E000] =	vst v63  }
0x14d: {  	s30 =	sadd.s32 $0x180, s0  }
0x14e: {  	[tilespmem:s17], [sflag:$0x2] =	stream.indirect.gather [hbm4b:s4+s14], $0x80, s30, s14, $0xb8;
	[tilespmem:$0x1E000] =	vst v63  }
0x14f: {  	_ =	swait.ge [sflag:s18], $0x4000  }
0x150: {  	[sflag:s18] =	ssyncset.done $0x0  }
0x151: {  	s31 =	sadd.s32 $0x1100, s0;
	[sflag:s18] =	ssyncadd.s32 $0xFFFFC000  }
0x152: {  	[spmem:s2] =	stream.indirect.scatter.add.f32 [tilespmem:s15], [sflag:$0x3], $0x80, s31, s14, $0xb8;
	[tilespmem:$0x1E000] =	vst v63  }
0x153: {  	_ =	swait.ge [sflag:s19], $0x4000  }
0x154: {  	[sflag:s19] =	ssyncset.done $0x0  }
0x155: {  	s7 =	sadd.s32 $0x200, s0;
	[sflag:s19] =	ssyncadd.s32 $0xFFFFC000  }
0x156: {  	[tilespmem:s15], [sflag:$0x1] =	stream.indirect.gather [hbm4b:s4+s14], $0x80, s7, s14, $0xb8;
	[tilespmem:$0x1E000] =	vst v63  }
0x157: {  	_ =	swait.ge [sflag:s20], $0x4000  }
0x158: {  	[sflag:s20] =	ssyncset.done $0x0  }
0x159: {  	s10 =	sadd.s32 $0x1180, s0;
	[sflag:s20] =	ssyncadd.s32 $0xFFFFC000  }
0x15a: {  	[spmem:s2] =	stream.indirect.scatter.add.f32 [tilespmem:s17], [sflag:$0x4], $0x80, s10, s14, $0xb8;
	[tilespmem:$0x1E000] =	vst v63  }
0x15b: {  	_ =	swait.ge [sflag:s21], $0x4000  }
0x15c: {  	[sflag:s21] =	ssyncset.done $0x0  }
0x15d: {  	s12 =	sadd.s32 $0x280, s0;
	[sflag:s21] =	ssyncadd.s32 $0xFFFFC000  }
0x15e: {  	[tilespmem:s17], [sflag:$0x2] =	stream.indirect.gather [hbm4b:s4+s14], $0x80, s12, s14, $0xb8;
	[tilespmem:$0x1E000] =	vst v63  }
0x15f: {  	_ =	swait.ge [sflag:s18], $0x4000  }
0x160: {  	[sflag:s18] =	ssyncset.done $0x0  }
0x161: {  	s22 =	sadd.s32 $0x1200, s0;
	[sflag:s18] =	ssyncadd.s32 $0xFFFFC000  }
0x162: {  	[spmem:s2] =	stream.indirect.scatter.add.f32 [tilespmem:s15], [sflag:$0x3], $0x80, s22, s14, $0xb8;
	[tilespmem:$0x1E000] =	vst v63  }
0x163: {  	_ =	swait.ge [sflag:s19], $0x4000  }
0x164: {  	[sflag:s19] =	ssyncset.done $0x0  }
0x165: {  	s25 =	sadd.s32 $0x300, s0;
	[sflag:s19] =	ssyncadd.s32 $0xFFFFC000  }
0x166: {  	[tilespmem:s15], [sflag:$0x1] =	stream.indirect.gather [hbm4b:s4+s14], $0x80, s25, s14, $0xb8;
	[tilespmem:$0x1E000] =	vst v63  }
0x167: {  	_ =	swait.ge [sflag:s20], $0x4000  }
0x168: {  	[sflag:s20] =	ssyncset.done $0x0  }
0x169: {  	s28 =	sadd.s32 $0x1280, s0;
	[sflag:s20] =	ssyncadd.s32 $0xFFFFC000  }
0x16a: {  	[spmem:s2] =	stream.indirect.scatter.add.f32 [tilespmem:s17], [sflag:$0x4], $0x80, s28, s14, $0xb8;
	[tilespmem:$0x1E000] =	vst v63  }
0x16b: {  	_ =	swait.ge [sflag:s21], $0x4000  }
0x16c: {  	[sflag:s21] =	ssyncset.done $0x0  }
0x16d: {  	s29 =	sadd.s32 $0x380, s0;
	[sflag:s21] =	ssyncadd.s32 $0xFFFFC000  }
0x16e: {  	[tilespmem:s17], [sflag:$0x2] =	stream.indirect.gather [hbm4b:s4+s14], $0x80, s29, s14, $0xb8;
	[tilespmem:$0x1E000] =	vst v63  }
0x16f: {  	_ =	swait.ge [sflag:s18], $0x4000  }
0x170: {  	[sflag:s18] =	ssyncset.done $0x0  }
0x171: {  	s30 =	sadd.s32 $0x1300, s0;
	[sflag:s18] =	ssyncadd.s32 $0xFFFFC000  }
0x172: {  	[spmem:s2] =	stream.indirect.scatter.add.f32 [tilespmem:s15], [sflag:$0x3], $0x80, s30, s14, $0xb8;
	[tilespmem:$0x1E000] =	vst v63  }
0x173: {  	_ =	swait.ge [sflag:s19], $0x4000  }
0x174: {  	[sflag:s19] =	ssyncset.done $0x0  }
0x175: {  	s31 =	sadd.s32 $0x400, s0;
	[sflag:s19] =	ssyncadd.s32 $0xFFFFC000  }
0x176: {  	[tilespmem:s15], [sflag:$0x1] =	stream.indirect.gather [hbm4b:s4+s14], $0x80, s31, s14, $0xb8;
	[tilespmem:$0x1E000] =	vst v63  }
0x177: {  	_ =	swait.ge [sflag:s20], $0x4000  }
0x178: {  	[sflag:s20] =	ssyncset.done $0x0  }
0x179: {  	s7 =	sadd.s32 $0x1380, s0;
	[sflag:s20] =	ssyncadd.s32 $0xFFFFC000  }
0x17a: {  	[spmem:s2] =	stream.indirect.scatter.add.f32 [tilespmem:s17], [sflag:$0x4], $0x80, s7, s14, $0xb8;
	[tilespmem:$0x1E000] =	vst v63  }
0x17b: {  	_ =	swait.ge [sflag:s21], $0x4000  }
0x17c: {  	[sflag:s21] =	ssyncset.done $0x0  }
0x17d: {  	s10 =	sadd.s32 $0x480, s0;
	[sflag:s21] =	ssyncadd.s32 $0xFFFFC000  }
0x17e: {  	[tilespmem:s17], [sflag:$0x2] =	stream.indirect.gather [hbm4b:s4+s14], $0x80, s10, s14, $0xb8;
	[tilespmem:$0x1E000] =	vst v63  }
0x17f: {  	_ =	swait.ge [sflag:s18], $0x4000  }
0x180: {  	[sflag:s18] =	ssyncset.done $0x0  }
0x181: {  	s12 =	sadd.s32 $0x1400, s0;
	[sflag:s18] =	ssyncadd.s32 $0xFFFFC000  }
0x182: {  	[spmem:s2] =	stream.indirect.scatter.add.f32 [tilespmem:s15], [sflag:$0x3], $0x80, s12, s14, $0xb8;
	[tilespmem:$0x1E000] =	vst v63  }
0x183: {  	_ =	swait.ge [sflag:s19], $0x4000  }
0x184: {  	[sflag:s19] =	ssyncset.done $0x0  }
0x185: {  	s22 =	sadd.s32 $0x500, s0;
	[sflag:s19] =	ssyncadd.s32 $0xFFFFC000  }
0x186: {  	[tilespmem:s15], [sflag:$0x1] =	stream.indirect.gather [hbm4b:s4+s14], $0x80, s22, s14, $0xb8;
	[tilespmem:$0x1E000] =	vst v63  }
0x187: {  	_ =	swait.ge [sflag:s20], $0x4000  }
0x188: {  	[sflag:s20] =	ssyncset.done $0x0  }
0x189: {  	s25 =	sadd.s32 $0x1480, s0;
	[sflag:s20] =	ssyncadd.s32 $0xFFFFC000  }
0x18a: {  	[spmem:s2] =	stream.indirect.scatter.add.f32 [tilespmem:s17], [sflag:$0x4], $0x80, s25, s14, $0xb8;
	[tilespmem:$0x1E000] =	vst v63  }
0x18b: {  	_ =	swait.ge [sflag:s21], $0x4000  }
0x18c: {  	[sflag:s21] =	ssyncset.done $0x0  }
0x18d: {  	s28 =	sadd.s32 $0x580, s0;
	[sflag:s21] =	ssyncadd.s32 $0xFFFFC000  }
0x18e: {  	[tilespmem:s17], [sflag:$0x2] =	stream.indirect.gather [hbm4b:s4+s14], $0x80, s28, s14, $0xb8;
	[tilespmem:$0x1E000] =	vst v63  }
0x18f: {  	_ =	swait.ge [sflag:s18], $0x4000  }
0x190: {  	[sflag:s18] =	ssyncset.done $0x0  }
0x191: {  	s29 =	sadd.s32 $0x1500, s0;
	[sflag:s18] =	ssyncadd.s32 $0xFFFFC000  }
0x192: {  	[spmem:s2] =	stream.indirect.scatter.add.f32 [tilespmem:s15], [sflag:$0x3], $0x80, s29, s14, $0xb8;
	[tilespmem:$0x1E000] =	vst v63  }
0x193: {  	_ =	swait.ge [sflag:s19], $0x4000  }
0x194: {  	[sflag:s19] =	ssyncset.done $0x0  }
0x195: {  	s30 =	sadd.s32 $0x600, s0;
	[sflag:s19] =	ssyncadd.s32 $0xFFFFC000  }
0x196: {  	[tilespmem:s15], [sflag:$0x1] =	stream.indirect.gather [hbm4b:s4+s14], $0x80, s30, s14, $0xb8;
	[tilespmem:$0x1E000] =	vst v63  }
0x197: {  	_ =	swait.ge [sflag:s20], $0x4000  }
0x198: {  	[sflag:s20] =	ssyncset.done $0x0  }
0x199: {  	s31 =	sadd.s32 $0x1580, s0;
	[sflag:s20] =	ssyncadd.s32 $0xFFFFC000  }
0x19a: {  	[spmem:s2] =	stream.indirect.scatter.add.f32 [tilespmem:s17], [sflag:$0x4], $0x80, s31, s14, $0xb8;
	[tilespmem:$0x1E000] =	vst v63  }
0x19b: {  	_ =	swait.ge [sflag:s21], $0x4000  }
0x19c: {  	[sflag:s21] =	ssyncset.done $0x0  }
0x19d: {  	s7 =	sadd.s32 $0x680, s0;
	[sflag:s21] =	ssyncadd.s32 $0xFFFFC000  }
0x19e: {  	[tilespmem:s17], [sflag:$0x2] =	stream.indirect.gather [hbm4b:s4+s14], $0x80, s7, s14, $0xb8;
	[tilespmem:$0x1E000] =	vst v63  }
0x19f: {  	_ =	swait.ge [sflag:s18], $0x4000  }
0x1a0: {  	[sflag:s18] =	ssyncset.done $0x0  }
0x1a1: {  	s10 =	sadd.s32 $0x1600, s0;
	[sflag:s18] =	ssyncadd.s32 $0xFFFFC000  }
0x1a2: {  	[spmem:s2] =	stream.indirect.scatter.add.f32 [tilespmem:s15], [sflag:$0x3], $0x80, s10, s14, $0xb8;
	[tilespmem:$0x1E000] =	vst v63  }
0x1a3: {  	_ =	swait.ge [sflag:s19], $0x4000  }
0x1a4: {  	[sflag:s19] =	ssyncset.done $0x0  }
0x1a5: {  	s12 =	sadd.s32 $0x700, s0;
	[sflag:s19] =	ssyncadd.s32 $0xFFFFC000  }
0x1a6: {  	[tilespmem:s15], [sflag:$0x1] =	stream.indirect.gather [hbm4b:s4+s14], $0x80, s12, s14, $0xb8;
	[tilespmem:$0x1E000] =	vst v63  }
0x1a7: {  	_ =	swait.ge [sflag:s20], $0x4000  }
0x1a8: {  	[sflag:s20] =	ssyncset.done $0x0  }
0x1a9: {  	s22 =	sadd.s32 $0x1680, s0;
	[sflag:s20] =	ssyncadd.s32 $0xFFFFC000  }
0x1aa: {  	[spmem:s2] =	stream.indirect.scatter.add.f32 [tilespmem:s17], [sflag:$0x4], $0x80, s22, s14, $0xb8;
	[tilespmem:$0x1E000] =	vst v63  }
0x1ab: {  	_ =	swait.ge [sflag:s21], $0x4000  }
0x1ac: {  	[sflag:s21] =	ssyncset.done $0x0  }
0x1ad: {  	s25 =	sadd.s32 $0x780, s0;
	[sflag:s21] =	ssyncadd.s32 $0xFFFFC000  }
0x1ae: {  	[tilespmem:s17], [sflag:$0x2] =	stream.indirect.gather [hbm4b:s4+s14], $0x80, s25, s14, $0xb8;
	[tilespmem:$0x1E000] =	vst v63  }
0x1af: {  	_ =	swait.ge [sflag:s18], $0x4000  }
0x1b0: {  	[sflag:s18] =	ssyncset.done $0x0  }
0x1b1: {  	s28 =	sadd.s32 $0x1700, s0;
	[sflag:s18] =	ssyncadd.s32 $0xFFFFC000  }
0x1b2: {  	[spmem:s2] =	stream.indirect.scatter.add.f32 [tilespmem:s15], [sflag:$0x3], $0x80, s28, s14, $0xb8;
	[tilespmem:$0x1E000] =	vst v63  }
0x1b3: {  	_ =	swait.ge [sflag:s19], $0x4000  }
0x1b4: {  	[sflag:s19] =	ssyncset.done $0x0  }
0x1b5: {  	[sflag:s19] =	ssyncadd.s32 $0xFFFFC000  }
0x1b6: {  	_ =	swait.ge @!p0 [sflag:s26], $0x800  }
0x1b7: {  	[sflag:s26] =	ssyncset.done @!p0 $0x0  }
0x1b8: {  	[sflag:s26] =	ssyncadd.s32 @!p0 $0xFFFFF800  }
0x1b9: {  	_ =	swait.ge @!p0 [sflag:s26], $0x800  }
0x1ba: {  	[sflag:s26] =	ssyncset.done @!p0 $0x0  }
0x1bb: {  	s6 =	simm.s32 @!p0 $0x80;
	s7 =	simm.s32 @!p0 $0x2000;
	[sflag:s26] =	ssyncadd.s32 @!p0 $0xFFFFF800  }
0x1bc: {  	[tilespmem:s7], [sflag:$0x1] =	stream.indirect.gather @!p0 [hbm4b:s4+s6], $0x80, s1, s6, $0xb8;
	[tilespmem:$0x1E000] =	vst v63  }
0x1bd: {  	_ =	swait.ge [sflag:s20], $0x4000  }
0x1be: {  	[sflag:s20] =	ssyncset.done $0x0  }
0x1bf: {  	s0 =	sadd.s32 $0x1780, s0;
	[sflag:s20] =	ssyncadd.s32 $0xFFFFC000  }
0x1c0: {  	[spmem:s2] =	stream.indirect.scatter.add.f32 [tilespmem:s17], [sflag:$0x4], $0x80, s0, s14, $0xb8;
	[tilespmem:$0x1E000] =	vst v63  }
0x1c1: {  	_ =	swait.ge [sflag:s21], $0x4000  }
0x1c2: {  	[sflag:s21] =	ssyncset.done $0x0  }
0x1c3: {  	[sflag:s21] =	ssyncadd.s32 $0xFFFFC000  }
0x1c4: {  	[bflag:$0x0] =	sbarrier.arrive $0xFFFF  }
0x1c5: {  	s29 =	sor.u32 $0x1C08, s5;
	s30 =	rddreg [dreg:$0x8]  }
0x1c6: {  	[hbm:s30], [sflag:s29] =	dma.local [spmem:s11], $0x2800  }
0x1c7: {  	_ =	swait.ge [sflag:s23], $0x2800  }
0x1c8: {  	s24 =	sadd.s32 $0x1, s24;
	s31 =	rddreg [dreg:$0x7]  }
0x1c9: {  	p0 =	sne.s32 s24, s31  }
.Ltmp1:
0x1ca: {  	_ = 	snop;
	(pc) =	sbr.rel @p0 .LBB2_1-.Ltmp1, $3  }
0x1cb: {  	_ =	sdelay $0x1  }
0x1cc: {  	[sflag:s23] =	ssyncset.done $0x0  }
0x1cd: {  	[sflag:s23] =	ssyncadd.s32 $0xFFFFD800  }
0x1ce: {  	_ =	sfence.sel $0x180000  }
0x1cf: {  	[bflag:$0x0] =	sbarrier.arrive $0xFFFF  }
0x1d0: {  	_ =	strace $0x9000004A  }
0x1d1: {  	s0 =	stileid.u32;
	[bflag:$0x2] =	sbarrier.arrive $0xFFFF  }
0x1d2: {  	p0 =	sne.s32 s0, $0x0;
	s0 =	rddreg [dreg:$0x2]  }
0x1d3: {  	s0 =	sadd.s32 @!p0 $0x100000, s0  }
0x1d4: {  	[sflag:s0] =	ssyncadd.tile.s32 @!p0 $0x1;
	_ =	shalt  }
.Lfunc_end2:
_tile_overlayer_lowered:
.L_overlay_start_2:
0x1d5: {  	(tag) =	ssettag $0x2  }
0x1d6: {  	s0 =	rddreg [dreg:$0x0];
	s2 =	stileid.u32  }
0x1d7: {  	s1 =	rddreg [dreg:$0x1];
	p0 =	sne.s32 s2, $0x0  }
0x1d8: {  	s3 =	rddreg [dreg:$0x2];
	[bflag:$0x3] =	sbarrier.arrive $0xFFFF;
	s2 =	simm.s32 @!p0 $0x1C08  }
0x1d9: {  	[timem:s3], [sflag:s2] =	dma.local @!p0 [hbm:s0], s1  }
0x1da: {  	s0 =	simm.s32 @!p0 $0x8  }
0x1db: {  	_ =	swait.ge @!p0 [sflag:s0], s1  }
0x1dc: {  	s1 =	ssub.s32 @!p0 $0x0, s1;
	[sflag:s0] =	ssyncset.done @!p0 $0x0  }
0x1dd: {  	[sflag:s0] =	ssyncadd.s32 @!p0 s1  }
0x1de: {  	[bflag:$0x3] =	sbarrier.arrive $0xFFFF  }
0x1df: {  	_ =	shalt  }

</sc_bundles>
